<compile_context>
chip_gen: v7x
topology: tpu7x:2x2x1
jax: 0.10.2.dev20260603
libtpu: 0.0.44.dev20260713+nightly
codegen_flags: <defaults>
</compile_context>

<pallas_src>
import functools

import jax
import jax.numpy as jnp
from jax import lax
from jax.experimental import pallas as pl
from jax.experimental.pallas import tpu as pltpu
from jax.experimental.pallas import tpu_sc as plsc

N = 10000
E = 160000
C = 128
K = 128
NCHUNK = E // K
NSUB = 16
NCORE = 2
RPT = 632
RPT_LAST = N - 15 * RPT
NPRE = 40

f32 = jnp.float32
i32 = jnp.int32


def _per_tile_rows(sub, fn):
    r0 = sub * RPT

    @pl.when(sub < NSUB - 1)
    def _():
        fn(r0, RPT)

    @pl.when(sub == NSUB - 1)
    def _():
        fn(r0, RPT_LAST)




def _agg_pipeline(h_hbm, e_hbm, c0, n, np_pairs, npre, acc,
                  idx_all, rowsA, rowsB,
                  sgA, sgB, ssA, ssB,
                  cnt=None, ones_v=None, scA=None, scB=None):
    pltpu.sync_copy(e_hbm.at[pl.ds(c0, npre)], idx_all.at[pl.ds(0, npre)])

    def _when(pred, fn):
        if isinstance(pred, bool):
            if pred:
                fn()
        else:
            pl.when(pred)(fn)

    def gather_start(c, rows, sem):
        pltpu.async_copy(h_hbm.at[idx_all.at[c, 0]], rows, sem)

    def gather_wait(c, rows, sem):
        pltpu.make_async_copy(h_hbm.at[idx_all.at[c, 0]], rows, sem).wait()

    def scatter_start(c, rows, sem_s, sem_c):
        pltpu.async_copy(rows, acc.at[idx_all.at[c, 1]], sem_s, add=True)
        if cnt is not None:
            pltpu.async_copy(ones_v, cnt.at[idx_all.at[c, 1]], sem_c, add=True)

    def scatter_wait(c, rows, sem_s, sem_c):
        pltpu.make_async_copy(rows, acc.at[idx_all.at[c, 1]], sem_s).wait()
        if cnt is not None:
            pltpu.make_async_copy(ones_v, cnt.at[idx_all.at[c, 1]], sem_c).wait()

    gather_start(0, rowsA, sgA)

    def body(j, carry):
        @pl.when(j > 0)
        def _():
            scatter_wait(2 * j - 1, rowsB, ssB, scB)

        gather_start(2 * j + 1, rowsB, sgB)
        gather_wait(2 * j, rowsA, sgA)
        scatter_start(2 * j, rowsA, ssA, scA)
        scatter_wait(2 * j, rowsA, ssA, scA)

        @pl.when(2 * j + 2 < n)
        def _():
            gather_start(2 * j + 2, rowsA, sgA)

        gather_wait(2 * j + 1, rowsB, sgB)
        scatter_start(2 * j + 1, rowsB, ssB, scB)
        return carry

    lax.fori_loop(0, np_pairs, body, 0)

    scatter_wait(2 * np_pairs - 1, rowsB, ssB, scB)

    def _tailA():
        gather_wait(2 * np_pairs, rowsA, sgA)
        scatter_start(2 * np_pairs, rowsA, ssA, scA)
        scatter_wait(2 * np_pairs, rowsA, ssA, scA)

    def _tailB():
        gather_start(2 * np_pairs + 1, rowsB, sgB)
        gather_wait(2 * np_pairs + 1, rowsB, sgB)
        scatter_start(2 * np_pairs + 1, rowsB, ssB, scB)
        scatter_wait(2 * np_pairs + 1, rowsB, ssB, scB)

    _when(2 * np_pairs < n, _tailA)
    _when(2 * np_pairs + 1 < n, _tailB)




def _sc_layer1(h_a, h_b, e_ab, e_ba, z128):
    mesh = plsc.VectorSubcoreMesh(core_axis_name="c", subcore_axis_name="s")

    @functools.partial(
        pl.kernel,
        out_type=[
            jax.ShapeDtypeStruct((N, C), f32),
            jax.ShapeDtypeStruct((N,), f32),
            jax.ShapeDtypeStruct((N, C), f32),
            jax.ShapeDtypeStruct((N,), f32),
        ],
        mesh=mesh,
        scratch_types=[
            pltpu.VMEM_SHARED((N, C), f32),
            pltpu.VMEM_SHARED((N,), f32),
            pltpu.VMEM((NPRE, 2, K), i32),
            pltpu.VMEM((K, C), f32),
            pltpu.VMEM((K, C), f32),
            pltpu.VMEM((K,), f32),
            pltpu.VMEM((640,), f32),
            pltpu.SemaphoreType.DMA,
            pltpu.SemaphoreType.DMA,
            pltpu.SemaphoreType.DMA,
            pltpu.SemaphoreType.DMA,
            pltpu.SemaphoreType.DMA,
            pltpu.SemaphoreType.DMA,
        ],
    )
    def k(h_a_hbm, h_b_hbm, eab_hbm, eba_hbm, z128_hbm,
          sum_b_out, cnt_b_out, sum_a_out, cnt_a_out,
          acc, cnt, idx_all, rowsA, rowsB, ones_v, stage,
          sgA, sgB, ssA, ssB, scA, scB):
        core = lax.axis_index("c")
        sub = lax.axis_index("s")
        _per_tile_rows(sub, lambda r0, nr: pltpu.sync_copy(
            z128_hbm.at[pl.ds(r0, nr)], acc.at[pl.ds(r0, nr)]))
        zv = jnp.zeros((16,), f32)
        for g in range(0, 640, 16):
            stage[pl.ds(g, 16)] = zv
        for g in range(0, K, 16):
            ones_v[pl.ds(g, 16)] = jnp.ones((16,), f32)
        _per_tile_rows(sub, lambda r0, nr: pltpu.sync_copy(
            stage.at[pl.ds(0, nr)], cnt.at[pl.ds(r0, nr)]))
        plsc.subcore_barrier()

        c0 = (sub * NCHUNK) // NSUB
        n = ((sub + 1) * NCHUNK) // NSUB - c0

        def run(h_hbm, e_hbm):
            _agg_pipeline(h_hbm, e_hbm, c0, NPRE, NPRE // 2, NPRE, acc,
                          idx_all, rowsA, rowsB, sgA, sgB, ssA, ssB,
                          cnt=cnt, ones_v=ones_v, scA=scA, scB=scB)
            _agg_pipeline(h_hbm, e_hbm, c0 + NPRE, n - NPRE, 19, NPRE - 1,
                          acc, idx_all, rowsA, rowsB, sgA, sgB, ssA, ssB,
                          cnt=cnt, ones_v=ones_v, scA=scA, scB=scB)

        @pl.when(core == 0)
        def _():
            run(h_a_hbm, eab_hbm)

        @pl.when(core == 1)
        def _():
            run(h_b_hbm, eba_hbm)

        plsc.subcore_barrier()

        def wb(sum_out, cnt_out):
            _per_tile_rows(sub, lambda r0, nr: pltpu.sync_copy(
                acc.at[pl.ds(r0, nr)], sum_out.at[pl.ds(r0, nr)]))

            def cnt_wb(r0, nr):
                pltpu.sync_copy(cnt.at[pl.ds(r0, nr)], stage.at[pl.ds(0, nr)])
                pltpu.sync_copy(stage.at[pl.ds(0, nr)], cnt_out.at[pl.ds(r0, nr)])

            _per_tile_rows(sub, cnt_wb)

        @pl.when(core == 0)
        def _():
            wb(sum_b_out, cnt_b_out)

        @pl.when(core == 1)
        def _():
            wb(sum_a_out, cnt_a_out)

    return k(h_a, h_b, e_ab, e_ba, z128)




def _sc_layer2(h_b1, e_ba, z128):
    mesh = plsc.VectorSubcoreMesh(core_axis_name="c", subcore_axis_name="s")

    @functools.partial(
        pl.kernel,
        out_type=jax.ShapeDtypeStruct((NCORE, N, C), f32),
        mesh=mesh,
        scratch_types=[
            pltpu.VMEM_SHARED((N, C), f32),
            pltpu.VMEM((NPRE, 2, K), i32),
            pltpu.VMEM((K, C), f32),
            pltpu.VMEM((K, C), f32),
            pltpu.SemaphoreType.DMA,
            pltpu.SemaphoreType.DMA,
            pltpu.SemaphoreType.DMA,
            pltpu.SemaphoreType.DMA,
        ],
    )
    def k(h_hbm, eba_hbm, z128_hbm, part_out,
          acc, idx_all, rowsA, rowsB, sgA, sgB, ssA, ssB):
        core = lax.axis_index("c")
        sub = lax.axis_index("s")
        _per_tile_rows(sub, lambda r0, nr: pltpu.sync_copy(
            z128_hbm.at[pl.ds(r0, nr)], acc.at[pl.ds(r0, nr)]))
        plsc.subcore_barrier()

        w = core * NSUB + sub
        c0 = (w * NCHUNK) // (NCORE * NSUB)
        n = ((w + 1) * NCHUNK) // (NCORE * NSUB) - c0
        np_pairs = (NCHUNK // (NCORE * NSUB)) // 2

        _agg_pipeline(h_hbm, eba_hbm, c0, n, np_pairs, NPRE, acc,
                      idx_all, rowsA, rowsB, sgA, sgB, ssA, ssB)

        plsc.subcore_barrier()
        _per_tile_rows(sub, lambda r0, nr: pltpu.sync_copy(
            acc.at[pl.ds(r0, nr)], part_out.at[core, pl.ds(r0, nr)]))

    return k(h_b1, e_ba, z128)



RB = 1000


def _enc_body(xa, xb, wa, ba, wb, bb, ha, hb):
    ha[...] = jnp.maximum(
        jnp.dot(xa[...], wa[...], preferred_element_type=f32) + ba[...], 0.0)
    hb[...] = jnp.maximum(
        jnp.dot(xb[...], wb[...], preferred_element_type=f32) + bb[...], 0.0)


def _encoder(x_a, x_b, W_a, b_a, W_b, b_b):
    row = pl.BlockSpec((RB, C), lambda i: (i, 0))
    w = pl.BlockSpec((C, C), lambda i: (0, 0))
    b = pl.BlockSpec((1, C), lambda i: (0, 0))
    return pl.pallas_call(
        _enc_body,
        grid=(N // RB,),
        in_specs=[row, row, w, b, w, b],
        out_specs=[row, row],
        out_shape=[jax.ShapeDtypeStruct((N, C), f32)] * 2,
    )(x_a, x_b, W_a, b_a, W_b, b_b)


def _l1_body(ha, hb, sa, ca, sb, cb, wsa, wna, wsb, wnb, ha1, hb1):
    ma = sa[...] / jnp.maximum(ca[...], 1.0)
    mb = sb[...] / jnp.maximum(cb[...], 1.0)
    ha1[...] = jnp.maximum(
        jnp.dot(ha[...], wsa[...], preferred_element_type=f32)
        + jnp.dot(ma, wna[...], preferred_element_type=f32), 0.0)
    hb1[...] = jnp.maximum(
        jnp.dot(hb[...], wsb[...], preferred_element_type=f32)
        + jnp.dot(mb, wnb[...], preferred_element_type=f32), 0.0)


def _combine1(h_a, h_b, s_a, c_a, s_b, c_b, wsa, wna, wsb, wnb):
    row = pl.BlockSpec((RB, C), lambda i: (i, 0))
    cnt = pl.BlockSpec((RB, 1), lambda i: (i, 0))
    w = pl.BlockSpec((C, C), lambda i: (0, 0))
    return pl.pallas_call(
        _l1_body,
        grid=(N // RB,),
        in_specs=[row, row, row, cnt, row, cnt, w, w, w, w],
        out_specs=[row, row],
        out_shape=[jax.ShapeDtypeStruct((N, C), f32)] * 2,
    )(h_a, h_b, s_a, c_a, s_b, c_b, wsa, wna, wsb, wnb)


def _l2_body(ha1, p0, p1, ca, ws, wn, wh, bh, out):
    m = (p0[0] + p1[0]) / jnp.maximum(ca[...], 1.0)
    h2 = jnp.maximum(
        jnp.dot(ha1[...], ws[...], preferred_element_type=f32)
        + jnp.dot(m, wn[...], preferred_element_type=f32), 0.0)
    out[...] = jnp.dot(h2, wh[...], preferred_element_type=f32) + bh[...]


def _final(h_a1, parts, c_a, ws, wn, wh, bh):
    row = pl.BlockSpec((RB, C), lambda i: (i, 0))
    p0 = pl.BlockSpec((1, RB, C), lambda i: (0, i, 0))
    p1 = pl.BlockSpec((1, RB, C), lambda i: (1, i, 0))
    cnt = pl.BlockSpec((RB, 1), lambda i: (i, 0))
    w = pl.BlockSpec((C, C), lambda i: (0, 0))
    whs = pl.BlockSpec((C, 1), lambda i: (0, 0))
    bhs = pl.BlockSpec((1, 1), lambda i: (0, 0))
    return pl.pallas_call(
        _l2_body,
        grid=(N // RB,),
        in_specs=[row, p0, p1, cnt, w, w, whs, bhs],
        out_specs=pl.BlockSpec((RB, 1), lambda i: (i, 0)),
        out_shape=jax.ShapeDtypeStruct((N, 1), f32),
    )(h_a1, parts, parts, c_a, ws, wn, wh, bh)




def kernel(x_a, x_b, edge_index_ab, edge_index_ba,
           W_enc_a, b_enc_a, W_enc_b, b_enc_b,
           W_self_a1, W_nbr_a1, W_self_b1, W_nbr_b1,
           W_self_a2, W_nbr_a2, W_self_b2, W_nbr_b2,
           W_head, b_head):
    z128 = jnp.zeros((N, C), f32)
    e_ab = edge_index_ab.reshape(2, NCHUNK, K).transpose(1, 0, 2)
    e_ba = edge_index_ba.reshape(2, NCHUNK, K).transpose(1, 0, 2)

    h_a, h_b = _encoder(x_a, x_b, W_enc_a, b_enc_a.reshape(1, C),
                        W_enc_b, b_enc_b.reshape(1, C))
    sum_b, cnt_b, sum_a, cnt_a = _sc_layer1(h_a, h_b, e_ab, e_ba, z128)
    h_a1, h_b1 = _combine1(h_a, h_b, sum_a, cnt_a[:, None], sum_b,
                           cnt_b[:, None],
                           W_self_a1, W_nbr_a1, W_self_b1, W_nbr_b1)
    parts = _sc_layer2(h_b1, e_ba, z128)
    return _final(h_a1, parts, cnt_a[:, None], W_self_a2, W_nbr_a2,
                  W_head, b_head.reshape(1, 1))

# --- scband reference (transcript-rebuilt; emitter-appended) ---
"""Pipeline reference for scband-model-82806969467334 (READ-ONLY COPY).

The authoritative reference and input builder live on the scoring server;
editing this copy changes nothing except your own understanding.
"""

import jax, jax.numpy as jnp
import numpy as np

N = 10000
E = 160000
D = 128
C = 128
OUT = 1


def _w(key, shape, fan_in):
    return jax.random.normal(key, shape, jnp.float32) * (1.0 / np.sqrt(fan_in))


def setup_inputs(seed: int = 0) -> dict:
    key = jax.random.key(seed)
    ks = jax.random.split(key, 24)
    inp = {
        "x_a": jax.random.normal(ks[0], (N, D), jnp.float32),
        "x_b": jax.random.normal(ks[1], (N, D), jnp.float32),
        "edge_index_ab": jax.random.randint(ks[2], (2, E), 0, N, jnp.int32),
        "edge_index_ba": jax.random.randint(ks[3], (2, E), 0, N, jnp.int32),
        # HeteroEncoder: per-node-type linear encoder
        "W_enc_a": _w(ks[4], (D, C), D), "b_enc_a": jnp.zeros((C,), jnp.float32),
        "W_enc_b": _w(ks[5], (D, C), D), "b_enc_b": jnp.zeros((C,), jnp.float32),
        # HeteroGraphSAGE layer 1: per-dst-node-type self + neighbor weights
        "W_self_a1": _w(ks[6], (C, C), C), "W_nbr_a1": _w(ks[7], (C, C), C),
        "W_self_b1": _w(ks[8], (C, C), C), "W_nbr_b1": _w(ks[9], (C, C), C),
        # layer 2
        "W_self_a2": _w(ks[10], (C, C), C), "W_nbr_a2": _w(ks[11], (C, C), C),
        "W_self_b2": _w(ks[12], (C, C), C), "W_nbr_b2": _w(ks[13], (C, C), C),
        # head MLP (num_layers=1)
        "W_head": _w(ks[14], (C, OUT), C), "b_head": jnp.zeros((OUT,), jnp.float32),
    }
    return inp


def _mean_agg(h_src, src, dst, n):
    msg = jnp.take(h_src, src, axis=0)
    s = jax.ops.segment_sum(msg, dst, num_segments=n)
    cnt = jax.ops.segment_sum(jnp.ones((src.shape[0], 1), jnp.float32), dst, num_segments=n)
    return s / jnp.clip(cnt, 1.0)


def reference(x_a, x_b, edge_index_ab, edge_index_ba,
              W_enc_a, b_enc_a, W_enc_b, b_enc_b,
              W_self_a1, W_nbr_a1, W_self_b1, W_nbr_b1,
              W_self_a2, W_nbr_a2, W_self_b2, W_nbr_b2,
              W_head, b_head):
    # HeteroEncoder
    h_a = jax.nn.relu(x_a @ W_enc_a + b_enc_a)
    h_b = jax.nn.relu(x_b @ W_enc_b + b_enc_b)
    # HeteroGraphSAGE layer 1 (mean aggregation per edge type)
    m_a = _mean_agg(h_b, edge_index_ba[0], edge_index_ba[1], N)
    m_b = _mean_agg(h_a, edge_index_ab[0], edge_index_ab[1], N)
    h_a1 = jax.nn.relu(h_a @ W_self_a1 + m_a @ W_nbr_a1)
    h_b1 = jax.nn.relu(h_b @ W_self_b1 + m_b @ W_nbr_b1)
    # layer 2
    m_a2 = _mean_agg(h_b1, edge_index_ba[0], edge_index_ba[1], N)
    m_b2 = _mean_agg(h_a1, edge_index_ab[0], edge_index_ab[1], N)
    h_a2 = jax.nn.relu(h_a1 @ W_self_a2 + m_a2 @ W_nbr_a2)
    h_b2 = jax.nn.relu(h_b1 @ W_self_b2 + m_b2 @ W_nbr_b2)
    # head on entity_table (node type a)
    out = h_a2 @ W_head + b_head
    return out

if __name__ == "__main__":
    import jax
    _d = setup_inputs()
    print(jax.jit(kernel)(*tuple(_d.values())))

</pallas_src>

<mosaic_0001>
#map = affine_map<(d0, d1) -> (0, 0)>
#map1 = affine_map<(d0, d1) -> (0, 0, 0)>
module attributes {stable_mosaic.version = 14 : i64} {
  func.func @k(%arg0: i32, %arg1: i32, %arg2: memref<10000x128xf32, #tpu.memory_space<hbm>>, %arg3: memref<1250x2x128xi32, #tpu.memory_space<hbm>>, %arg4: memref<10000x128xf32, #tpu.memory_space<hbm>>, %arg5: memref<2x10000x128xf32, #tpu.memory_space<hbm>>, %arg6: memref<10000x128xf32, #tpu.memory_space<vmem_shared>>, %arg7: memref<40x2x128xi32, #tpu.memory_space<vmem>>, %arg8: memref<128x128xf32, #tpu.memory_space<vmem>>, %arg9: memref<128x128xf32, #tpu.memory_space<vmem>>, %arg10: memref<!tpu.dma_semaphore, #tpu.memory_space<semaphore_mem>>, %arg11: memref<!tpu.dma_semaphore, #tpu.memory_space<semaphore_mem>>, %arg12: memref<!tpu.dma_semaphore, #tpu.memory_space<semaphore_mem>>, %arg13: memref<!tpu.dma_semaphore, #tpu.memory_space<semaphore_mem>>) attributes {dimension_semantics = [#tpu.dimension_semantics<core_parallel>, #tpu.dimension_semantics<subcore_parallel>], iteration_bounds = array<i64: 2, 16>, scalar_prefetch = 0 : i64, scratch_operands = 8 : i64, tpu.core_type = #tpu.core_type<sc_vector_subcore>, window_params = [{transform_indices = #map}, {transform_indices = #map1}, {transform_indices = #map}, {transform_indices = #map1}]} {
    %mul3A = arith.constant 632 : i32
    %mul3A_0 = arith.muli %arg1, %mul3A : i32
    %lt3A = arith.constant 15 : i32
    %lt3A_1 = arith.cmpi slt, %arg1, %lt3A : i32
    %convert_element_type3A = arith.extui %lt3A_1 : i1 to i32
    %cond3A = arith.constant 0 : i32
    %cond3A_2 = arith.cmpi ne, %convert_element_type3A, %cond3A : i32
    scf.if %cond3A_2 {
      "tpu.region"() ({
        %run_scoped3A = tpu.sem_alloc : memref<!tpu.dma_semaphore, #tpu.memory_space<semaphore_mem>>
        %dma_start3A_97 = arith.constant 0 : i32
        %dma_start3A_98 = tpu.memref_slice %arg6[%mul3A_0, %dma_start3A_97] : memref<10000x128xf32, #tpu.memory_space<vmem_shared>> -> memref<632x128xf32, #tpu.memory_space<vmem_shared>>
        %dma_start3A_99 = arith.constant 0 : i32
        %dma_start3A_100 = tpu.memref_slice %arg4[%mul3A_0, %dma_start3A_99] : memref<10000x128xf32, #tpu.memory_space<hbm>> -> memref<632x128xf32, #tpu.memory_space<hbm>>
        tpu.enqueue_dma source(%dma_start3A_100 : memref<632x128xf32, #tpu.memory_space<hbm>>) target(%dma_start3A_98 : memref<632x128xf32, #tpu.memory_space<vmem_shared>>) target_semaphore(%run_scoped3A : memref<!tpu.dma_semaphore, #tpu.memory_space<semaphore_mem>>)
        %dma_wait3A_101 = arith.constant 0 : i32
        %dma_wait3A_102 = tpu.memref_slice %arg6[%mul3A_0, %dma_wait3A_101] : memref<10000x128xf32, #tpu.memory_space<vmem_shared>> -> memref<632x128xf32, #tpu.memory_space<vmem_shared>>
        %dma_wait3A_103 = arith.constant 0 : i32
        %dma_wait3A_104 = tpu.memref_slice %arg4[%mul3A_0, %dma_wait3A_103] : memref<10000x128xf32, #tpu.memory_space<hbm>> -> memref<632x128xf32, #tpu.memory_space<hbm>>
        tpu.wait_dma2 semaphore(%run_scoped3A : memref<!tpu.dma_semaphore, #tpu.memory_space<semaphore_mem>>) src(%dma_wait3A_104 : memref<632x128xf32, #tpu.memory_space<hbm>>) dst(%dma_wait3A_102 : memref<632x128xf32, #tpu.memory_space<vmem_shared>>)
        tpu.yield
      }) : () -> ()
    } else {
    }
    %eq3A = arith.constant 15 : i32
    %eq3A_3 = arith.cmpi eq, %arg1, %eq3A : i32
    %convert_element_type3A_4 = arith.extui %eq3A_3 : i1 to i32
    %cond3A_5 = arith.constant 0 : i32
    %cond3A_6 = arith.cmpi ne, %convert_element_type3A_4, %cond3A_5 : i32
    scf.if %cond3A_6 {
      "tpu.region"() ({
        %run_scoped3A = tpu.sem_alloc : memref<!tpu.dma_semaphore, #tpu.memory_space<semaphore_mem>>
        %dma_start3A_97 = arith.constant 0 : i32
        %dma_start3A_98 = tpu.memref_slice %arg6[%mul3A_0, %dma_start3A_97] : memref<10000x128xf32, #tpu.memory_space<vmem_shared>> -> memref<520x128xf32, #tpu.memory_space<vmem_shared>>
        %dma_start3A_99 = arith.constant 0 : i32
        %dma_start3A_100 = tpu.memref_slice %arg4[%mul3A_0, %dma_start3A_99] : memref<10000x128xf32, #tpu.memory_space<hbm>> -> memref<520x128xf32, #tpu.memory_space<hbm>>
        tpu.enqueue_dma source(%dma_start3A_100 : memref<520x128xf32, #tpu.memory_space<hbm>>) target(%dma_start3A_98 : memref<520x128xf32, #tpu.memory_space<vmem_shared>>) target_semaphore(%run_scoped3A : memref<!tpu.dma_semaphore, #tpu.memory_space<semaphore_mem>>)
        %dma_wait3A_101 = arith.constant 0 : i32
        %dma_wait3A_102 = tpu.memref_slice %arg6[%mul3A_0, %dma_wait3A_101] : memref<10000x128xf32, #tpu.memory_space<vmem_shared>> -> memref<520x128xf32, #tpu.memory_space<vmem_shared>>
        %dma_wait3A_103 = arith.constant 0 : i32
        %dma_wait3A_104 = tpu.memref_slice %arg4[%mul3A_0, %dma_wait3A_103] : memref<10000x128xf32, #tpu.memory_space<hbm>> -> memref<520x128xf32, #tpu.memory_space<hbm>>
        tpu.wait_dma2 semaphore(%run_scoped3A : memref<!tpu.dma_semaphore, #tpu.memory_space<semaphore_mem>>) src(%dma_wait3A_104 : memref<520x128xf32, #tpu.memory_space<hbm>>) dst(%dma_wait3A_102 : memref<520x128xf32, #tpu.memory_space<vmem_shared>>)
        tpu.yield
      }) : () -> ()
    } else {
    }
    %barrier3A = arith.constant 0 : index
    tpu.barrier barrier_id(%barrier3A)
    %mul3A_7 = arith.constant 16 : i32
    %mul3A_8 = arith.muli %arg0, %mul3A_7 : i32
    %add3A = arith.addi %mul3A_8, %arg1 : i32
    %mul3A_9 = arith.constant 1250 : i32
    %mul3A_10 = arith.muli %add3A, %mul3A_9 : i32
    %jit3A = arith.constant 32 : i32
    %div3A = arith.divsi %mul3A_10, %jit3A : i32
    %sign3A = arith.constant 0 : i32
    %sign3A_11 = arith.cmpi sgt, %mul3A_10, %sign3A : i32
    %sign3A_12 = arith.extui %sign3A_11 : i1 to i32
    %sign3A_13 = arith.constant 0 : i32
    %sign3A_14 = arith.cmpi slt, %mul3A_10, %sign3A_13 : i32
    %sign3A_15 = arith.extui %sign3A_14 : i1 to i32
    %sign3A_16 = arith.subi %sign3A_12, %sign3A_15 : i32
    %sign3A_17 = arith.constant 0 : i32
    %sign3A_18 = arith.cmpi sgt, %jit3A, %sign3A_17 : i32
    %sign3A_19 = arith.extui %sign3A_18 : i1 to i32
    %sign3A_20 = arith.constant 0 : i32
    %sign3A_21 = arith.cmpi slt, %jit3A, %sign3A_20 : i32
    %sign3A_22 = arith.extui %sign3A_21 : i1 to i32
    %sign3A_23 = arith.subi %sign3A_19, %sign3A_22 : i32
    %ne3A = arith.cmpi ne, %sign3A_16, %sign3A_23 : i32
    %rem3A = arith.remsi %mul3A_10, %jit3A : i32
    %ne3A_24 = arith.constant 0 : i32
    %ne3A_25 = arith.cmpi ne, %rem3A, %ne3A_24 : i32
    %and3A = arith.andi %ne3A, %ne3A_25 : i1
    %sub3A = arith.constant 1 : i32
    %sub3A_26 = arith.subi %div3A, %sub3A : i32
    %select_n3A = arith.select %and3A, %sub3A_26, %div3A : i32
    %add3A_27 = arith.constant 1 : i32
    %add3A_28 = arith.addi %add3A, %add3A_27 : i32
    %mul3A_29 = arith.constant 1250 : i32
    %mul3A_30 = arith.muli %add3A_28, %mul3A_29 : i32
    %jit3A_31 = arith.constant 32 : i32
    %div3A_32 = arith.divsi %mul3A_30, %jit3A_31 : i32
    %sign3A_33 = arith.constant 0 : i32
    %sign3A_34 = arith.cmpi sgt, %mul3A_30, %sign3A_33 : i32
    %sign3A_35 = arith.extui %sign3A_34 : i1 to i32
    %sign3A_36 = arith.constant 0 : i32
    %sign3A_37 = arith.cmpi slt, %mul3A_30, %sign3A_36 : i32
    %sign3A_38 = arith.extui %sign3A_37 : i1 to i32
    %sign3A_39 = arith.subi %sign3A_35, %sign3A_38 : i32
    %sign3A_40 = arith.constant 0 : i32
    %sign3A_41 = arith.cmpi sgt, %jit3A_31, %sign3A_40 : i32
    %sign3A_42 = arith.extui %sign3A_41 : i1 to i32
    %sign3A_43 = arith.constant 0 : i32
    %sign3A_44 = arith.cmpi slt, %jit3A_31, %sign3A_43 : i32
    %sign3A_45 = arith.extui %sign3A_44 : i1 to i32
    %sign3A_46 = arith.subi %sign3A_42, %sign3A_45 : i32
    %ne3A_47 = arith.cmpi ne, %sign3A_39, %sign3A_46 : i32
    %rem3A_48 = arith.remsi %mul3A_30, %jit3A_31 : i32
    %ne3A_49 = arith.constant 0 : i32
    %ne3A_50 = arith.cmpi ne, %rem3A_48, %ne3A_49 : i32
    %and3A_51 = arith.andi %ne3A_47, %ne3A_50 : i1
    %sub3A_52 = arith.constant 1 : i32
    %sub3A_53 = arith.subi %div3A_32, %sub3A_52 : i32
    %select_n3A_54 = arith.select %and3A_51, %sub3A_53, %div3A_32 : i32
    %sub3A_55 = arith.subi %select_n3A_54, %select_n3A : i32
    "tpu.region"() ({
      %run_scoped3A = tpu.sem_alloc : memref<!tpu.dma_semaphore, #tpu.memory_space<semaphore_mem>>
      %dma_start3A_97 = arith.constant 0 : i32
      %dma_start3A_98 = arith.constant 0 : i32
      %dma_start3A_99 = arith.constant 0 : i32
      %dma_start3A_100 = tpu.memref_slice %arg7[%dma_start3A_97, %dma_start3A_98, %dma_start3A_99] : memref<40x2x128xi32, #tpu.memory_space<vmem>> -> memref<40x2x128xi32, #tpu.memory_space<vmem>>
      %dma_start3A_101 = arith.constant 0 : i32
      %dma_start3A_102 = arith.constant 0 : i32
      %dma_start3A_103 = tpu.memref_slice %arg3[%select_n3A, %dma_start3A_101, %dma_start3A_102] : memref<1250x2x128xi32, #tpu.memory_space<hbm>> -> memref<40x2x128xi32, #tpu.memory_space<hbm>>
      %dma_start3A_104 = arith.constant 0 : i32
      %dma_start3A_105 = arith.constant 0 : i32
      %dma_start3A_106 = arith.constant 0 : i32
      %dma_start3A_107 = tpu.memref_slice %arg7[%dma_start3A_104, %dma_start3A_105, %dma_start3A_106] : memref<40x2x128xi32, #tpu.memory_space<vmem>> -> memref<40x2x128xi32, #tpu.memory_space<vmem>>
      %dma_start3A_108 = arith.constant 0 : i32
      %dma_start3A_109 = arith.constant 0 : i32
      %dma_start3A_110 = tpu.memref_slice %arg3[%select_n3A, %dma_start3A_108, %dma_start3A_109] : memref<1250x2x128xi32, #tpu.memory_space<hbm>> -> memref<40x2x128xi32, #tpu.memory_space<hbm>>
      tpu.enqueue_dma source(%dma_start3A_110 : memref<40x2x128xi32, #tpu.memory_space<hbm>>) target(%dma_start3A_107 : memref<40x2x128xi32, #tpu.memory_space<vmem>>) target_semaphore(%run_scoped3A : memref<!tpu.dma_semaphore, #tpu.memory_space<semaphore_mem>>)
      %dma_wait3A_111 = arith.constant 0 : i32
      %dma_wait3A_112 = arith.constant 0 : i32
      %dma_wait3A_113 = arith.constant 0 : i32
      %dma_wait3A_114 = tpu.memref_slice %arg7[%dma_wait3A_111, %dma_wait3A_112, %dma_wait3A_113] : memref<40x2x128xi32, #tpu.memory_space<vmem>> -> memref<40x2x128xi32, #tpu.memory_space<vmem>>
      %dma_wait3A_115 = arith.constant 0 : i32
      %dma_wait3A_116 = arith.constant 0 : i32
      %dma_wait3A_117 = tpu.memref_slice %arg3[%select_n3A, %dma_wait3A_115, %dma_wait3A_116] : memref<1250x2x128xi32, #tpu.memory_space<hbm>> -> memref<40x2x128xi32, #tpu.memory_space<hbm>>
      %dma_wait3A_118 = arith.constant 0 : i32
      %dma_wait3A_119 = arith.constant 0 : i32
      %dma_wait3A_120 = arith.constant 0 : i32
      %dma_wait3A_121 = tpu.memref_slice %arg7[%dma_wait3A_118, %dma_wait3A_119, %dma_wait3A_120] : memref<40x2x128xi32, #tpu.memory_space<vmem>> -> memref<40x2x128xi32, #tpu.memory_space<vmem>>
      %dma_wait3A_122 = arith.constant 0 : i32
      %dma_wait3A_123 = arith.constant 0 : i32
      %dma_wait3A_124 = tpu.memref_slice %arg3[%select_n3A, %dma_wait3A_122, %dma_wait3A_123] : memref<1250x2x128xi32, #tpu.memory_space<hbm>> -> memref<40x2x128xi32, #tpu.memory_space<hbm>>
      tpu.wait_dma2 semaphore(%run_scoped3A : memref<!tpu.dma_semaphore, #tpu.memory_space<semaphore_mem>>) src(%dma_wait3A_124 : memref<40x2x128xi32, #tpu.memory_space<hbm>>) dst(%dma_wait3A_121 : memref<40x2x128xi32, #tpu.memory_space<vmem>>)
      tpu.yield
    }) : () -> ()
    %dma_start3A = arith.constant 0 : i32
    %dma_start3A_56 = arith.constant 0 : i32
    %dma_start3A_57 = arith.constant 0 : i32
    %dma_start3A_58 = tpu.memref_slice %arg7[%dma_start3A, %dma_start3A_56, %dma_start3A_57] : memref<40x2x128xi32, #tpu.memory_space<vmem>> -> memref<1x1x128xi32, #tpu.memory_space<vmem>>
    %dma_start3A_59 = tpu.memref_squeeze %dma_start3A_58 : memref<1x1x128xi32, #tpu.memory_space<vmem>> -> memref<128xi32, #tpu.memory_space<vmem>>
    %dma_start3A_60 = arith.constant 0 : i32
    %dma_start3A_61 = arith.constant 0 : i32
    %dma_start3A_62 = tpu.memref_slice %arg2[%dma_start3A_60, %dma_start3A_61] : memref<10000x128xf32, #tpu.memory_space<hbm>> -> memref<10000x128xf32, #tpu.memory_space<hbm>>
    tpu.enqueue_indirect_dma source(%dma_start3A_62 : memref<10000x128xf32, #tpu.memory_space<hbm>>) target(%arg8 : memref<128x128xf32, #tpu.memory_space<vmem>>) offsets(%dma_start3A_59 : memref<128xi32, #tpu.memory_space<vmem>>) semaphore(%arg10 : memref<!tpu.dma_semaphore, #tpu.memory_space<semaphore_mem>>)
    %scan3A = arith.constant 0 : i32
    %scan3A_63 = arith.constant 0 : i32
    %scan3A_64 = arith.constant 19 : i32
    %scan3A_65 = arith.addi %scan3A_63, %scan3A_64 : i32
    %scan3A_66 = arith.constant 1 : i32
    scf.for %scan3A_97 = %scan3A_63 to %scan3A_65 step %scan3A_66  : i32 {
      %gt3A_98 = arith.constant 0 : i32
      %gt3A_99 = arith.cmpi sgt, %scan3A_97, %gt3A_98 : i32
      %convert_element_type3A_100 = arith.extui %gt3A_99 : i1 to i32
      %cond3A_101 = arith.constant 0 : i32
      %cond3A_102 = arith.cmpi ne, %convert_element_type3A_100, %cond3A_101 : i32
      scf.if %cond3A_102 {
        %mul3A_171 = arith.constant 2 : i32
        %mul3A_172 = arith.muli %mul3A_171, %scan3A_97 : i32
        %sub3A_173 = arith.constant 1 : i32
        %sub3A_174 = arith.subi %mul3A_172, %sub3A_173 : i32
        %dma_wait3A_175 = arith.constant 1 : i32
        %dma_wait3A_176 = arith.constant 0 : i32
        %dma_wait3A_177 = tpu.memref_slice %arg7[%sub3A_174, %dma_wait3A_175, %dma_wait3A_176] : memref<40x2x128xi32, #tpu.memory_space<vmem>> -> memref<1x1x128xi32, #tpu.memory_space<vmem>>
        %dma_wait3A_178 = tpu.memref_squeeze %dma_wait3A_177 : memref<1x1x128xi32, #tpu.memory_space<vmem>> -> memref<128xi32, #tpu.memory_space<vmem>>
        %dma_wait3A_179 = arith.constant 0 : i32
        %dma_wait3A_180 = arith.constant 0 : i32
        %dma_wait3A_181 = tpu.memref_slice %arg6[%dma_wait3A_179, %dma_wait3A_180] : memref<10000x128xf32, #tpu.memory_space<vmem_shared>> -> memref<10000x128xf32, #tpu.memory_space<vmem_shared>>
        tpu.wait_indirect_dma semaphore(%arg13 : memref<!tpu.dma_semaphore, #tpu.memory_space<semaphore_mem>>) src(%arg9 : memref<128x128xf32, #tpu.memory_space<vmem>>) dst(%dma_wait3A_181 : memref<10000x128xf32, #tpu.memory_space<vmem_shared>>)
      } else {
      }
      %mul3A_103 = arith.constant 2 : i32
      %mul3A_104 = arith.muli %mul3A_103, %scan3A_97 : i32
      %add3A_105 = arith.constant 1 : i32
      %add3A_106 = arith.addi %mul3A_104, %add3A_105 : i32
      %dma_start3A_107 = arith.constant 0 : i32
      %dma_start3A_108 = arith.constant 0 : i32
      %dma_start3A_109 = tpu.memref_slice %arg7[%add3A_106, %dma_start3A_107, %dma_start3A_108] : memref<40x2x128xi32, #tpu.memory_space<vmem>> -> memref<1x1x128xi32, #tpu.memory_space<vmem>>
      %dma_start3A_110 = tpu.memref_squeeze %dma_start3A_109 : memref<1x1x128xi32, #tpu.memory_space<vmem>> -> memref<128xi32, #tpu.memory_space<vmem>>
      %dma_start3A_111 = arith.constant 0 : i32
      %dma_start3A_112 = arith.constant 0 : i32
      %dma_start3A_113 = tpu.memref_slice %arg2[%dma_start3A_111, %dma_start3A_112] : memref<10000x128xf32, #tpu.memory_space<hbm>> -> memref<10000x128xf32, #tpu.memory_space<hbm>>
      tpu.enqueue_indirect_dma source(%dma_start3A_113 : memref<10000x128xf32, #tpu.memory_space<hbm>>) target(%arg9 : memref<128x128xf32, #tpu.memory_space<vmem>>) offsets(%dma_start3A_110 : memref<128xi32, #tpu.memory_space<vmem>>) semaphore(%arg11 : memref<!tpu.dma_semaphore, #tpu.memory_space<semaphore_mem>>)
      %mul3A_114 = arith.constant 2 : i32
      %mul3A_115 = arith.muli %mul3A_114, %scan3A_97 : i32
      %dma_wait3A_116 = arith.constant 0 : i32
      %dma_wait3A_117 = arith.constant 0 : i32
      %dma_wait3A_118 = tpu.memref_slice %arg7[%mul3A_115, %dma_wait3A_116, %dma_wait3A_117] : memref<40x2x128xi32, #tpu.memory_space<vmem>> -> memref<1x1x128xi32, #tpu.memory_space<vmem>>
      %dma_wait3A_119 = tpu.memref_squeeze %dma_wait3A_118 : memref<1x1x128xi32, #tpu.memory_space<vmem>> -> memref<128xi32, #tpu.memory_space<vmem>>
      %dma_wait3A_120 = arith.constant 0 : i32
      %dma_wait3A_121 = arith.constant 0 : i32
      %dma_wait3A_122 = tpu.memref_slice %arg2[%dma_wait3A_120, %dma_wait3A_121] : memref<10000x128xf32, #tpu.memory_space<hbm>> -> memref<10000x128xf32, #tpu.memory_space<hbm>>
      tpu.wait_indirect_dma semaphore(%arg10 : memref<!tpu.dma_semaphore, #tpu.memory_space<semaphore_mem>>) src(%dma_wait3A_122 : memref<10000x128xf32, #tpu.memory_space<hbm>>) dst(%arg8 : memref<128x128xf32, #tpu.memory_space<vmem>>)
      %mul3A_123 = arith.constant 2 : i32
      %mul3A_124 = arith.muli %mul3A_123, %scan3A_97 : i32
      %dma_start3A_125 = arith.constant 1 : i32
      %dma_start3A_126 = arith.constant 0 : i32
      %dma_start3A_127 = tpu.memref_slice %arg7[%mul3A_124, %dma_start3A_125, %dma_start3A_126] : memref<40x2x128xi32, #tpu.memory_space<vmem>> -> memref<1x1x128xi32, #tpu.memory_space<vmem>>
      %dma_start3A_128 = tpu.memref_squeeze %dma_start3A_127 : memref<1x1x128xi32, #tpu.memory_space<vmem>> -> memref<128xi32, #tpu.memory_space<vmem>>
      %dma_start3A_129 = arith.constant 0 : i32
      %dma_start3A_130 = arith.constant 0 : i32
      %dma_start3A_131 = tpu.memref_slice %arg6[%dma_start3A_129, %dma_start3A_130] : memref<10000x128xf32, #tpu.memory_space<vmem_shared>> -> memref<10000x128xf32, #tpu.memory_space<vmem_shared>>
      tpu.enqueue_indirect_dma source(%arg8 : memref<128x128xf32, #tpu.memory_space<vmem>>) target(%dma_start3A_131 : memref<10000x128xf32, #tpu.memory_space<vmem_shared>>) offsets(%dma_start3A_128 : memref<128xi32, #tpu.memory_space<vmem>>) semaphore(%arg12 : memref<!tpu.dma_semaphore, #tpu.memory_space<semaphore_mem>>) {add = true}
      %mul3A_132 = arith.constant 2 : i32
      %mul3A_133 = arith.muli %mul3A_132, %scan3A_97 : i32
      %dma_wait3A_134 = arith.constant 1 : i32
      %dma_wait3A_135 = arith.constant 0 : i32
      %dma_wait3A_136 = tpu.memref_slice %arg7[%mul3A_133, %dma_wait3A_134, %dma_wait3A_135] : memref<40x2x128xi32, #tpu.memory_space<vmem>> -> memref<1x1x128xi32, #tpu.memory_space<vmem>>
      %dma_wait3A_137 = tpu.memref_squeeze %dma_wait3A_136 : memref<1x1x128xi32, #tpu.memory_space<vmem>> -> memref<128xi32, #tpu.memory_space<vmem>>
      %dma_wait3A_138 = arith.constant 0 : i32
      %dma_wait3A_139 = arith.constant 0 : i32
      %dma_wait3A_140 = tpu.memref_slice %arg6[%dma_wait3A_138, %dma_wait3A_139] : memref<10000x128xf32, #tpu.memory_space<vmem_shared>> -> memref<10000x128xf32, #tpu.memory_space<vmem_shared>>
      tpu.wait_indirect_dma semaphore(%arg12 : memref<!tpu.dma_semaphore, #tpu.memory_space<semaphore_mem>>) src(%arg8 : memref<128x128xf32, #tpu.memory_space<vmem>>) dst(%dma_wait3A_140 : memref<10000x128xf32, #tpu.memory_space<vmem_shared>>)
      %mul3A_141 = arith.constant 2 : i32
      %mul3A_142 = arith.muli %mul3A_141, %scan3A_97 : i32
      %add3A_143 = arith.constant 2 : i32
      %add3A_144 = arith.addi %mul3A_142, %add3A_143 : i32
      %lt3A_145 = arith.cmpi slt, %add3A_144, %sub3A_55 : i32
      %convert_element_type3A_146 = arith.extui %lt3A_145 : i1 to i32
      %cond3A_147 = arith.constant 0 : i32
      %cond3A_148 = arith.cmpi ne, %convert_element_type3A_146, %cond3A_147 : i32
      scf.if %cond3A_148 {
        %mul3A_171 = arith.constant 2 : i32
        %mul3A_172 = arith.muli %mul3A_171, %scan3A_97 : i32
        %add3A_173 = arith.constant 2 : i32
        %add3A_174 = arith.addi %mul3A_172, %add3A_173 : i32
        %dma_start3A_175 = arith.constant 0 : i32
        %dma_start3A_176 = arith.constant 0 : i32
        %dma_start3A_177 = tpu.memref_slice %arg7[%add3A_174, %dma_start3A_175, %dma_start3A_176] : memref<40x2x128xi32, #tpu.memory_space<vmem>> -> memref<1x1x128xi32, #tpu.memory_space<vmem>>
        %dma_start3A_178 = tpu.memref_squeeze %dma_start3A_177 : memref<1x1x128xi32, #tpu.memory_space<vmem>> -> memref<128xi32, #tpu.memory_space<vmem>>
        %dma_start3A_179 = arith.constant 0 : i32
        %dma_start3A_180 = arith.constant 0 : i32
        %dma_start3A_181 = tpu.memref_slice %arg2[%dma_start3A_179, %dma_start3A_180] : memref<10000x128xf32, #tpu.memory_space<hbm>> -> memref<10000x128xf32, #tpu.memory_space<hbm>>
        tpu.enqueue_indirect_dma source(%dma_start3A_181 : memref<10000x128xf32, #tpu.memory_space<hbm>>) target(%arg8 : memref<128x128xf32, #tpu.memory_space<vmem>>) offsets(%dma_start3A_178 : memref<128xi32, #tpu.memory_space<vmem>>) semaphore(%arg10 : memref<!tpu.dma_semaphore, #tpu.memory_space<semaphore_mem>>)
      } else {
      }
      %mul3A_149 = arith.constant 2 : i32
      %mul3A_150 = arith.muli %mul3A_149, %scan3A_97 : i32
      %add3A_151 = arith.constant 1 : i32
      %add3A_152 = arith.addi %mul3A_150, %add3A_151 : i32
      %dma_wait3A_153 = arith.constant 0 : i32
      %dma_wait3A_154 = arith.constant 0 : i32
      %dma_wait3A_155 = tpu.memref_slice %arg7[%add3A_152, %dma_wait3A_153, %dma_wait3A_154] : memref<40x2x128xi32, #tpu.memory_space<vmem>> -> memref<1x1x128xi32, #tpu.memory_space<vmem>>
      %dma_wait3A_156 = tpu.memref_squeeze %dma_wait3A_155 : memref<1x1x128xi32, #tpu.memory_space<vmem>> -> memref<128xi32, #tpu.memory_space<vmem>>
      %dma_wait3A_157 = arith.constant 0 : i32
      %dma_wait3A_158 = arith.constant 0 : i32
      %dma_wait3A_159 = tpu.memref_slice %arg2[%dma_wait3A_157, %dma_wait3A_158] : memref<10000x128xf32, #tpu.memory_space<hbm>> -> memref<10000x128xf32, #tpu.memory_space<hbm>>
      tpu.wait_indirect_dma semaphore(%arg11 : memref<!tpu.dma_semaphore, #tpu.memory_space<semaphore_mem>>) src(%dma_wait3A_159 : memref<10000x128xf32, #tpu.memory_space<hbm>>) dst(%arg9 : memref<128x128xf32, #tpu.memory_space<vmem>>)
      %mul3A_160 = arith.constant 2 : i32
      %mul3A_161 = arith.muli %mul3A_160, %scan3A_97 : i32
      %add3A_162 = arith.constant 1 : i32
      %add3A_163 = arith.addi %mul3A_161, %add3A_162 : i32
      %dma_start3A_164 = arith.constant 1 : i32
      %dma_start3A_165 = arith.constant 0 : i32
      %dma_start3A_166 = tpu.memref_slice %arg7[%add3A_163, %dma_start3A_164, %dma_start3A_165] : memref<40x2x128xi32, #tpu.memory_space<vmem>> -> memref<1x1x128xi32, #tpu.memory_space<vmem>>
      %dma_start3A_167 = tpu.memref_squeeze %dma_start3A_166 : memref<1x1x128xi32, #tpu.memory_space<vmem>> -> memref<128xi32, #tpu.memory_space<vmem>>
      %dma_start3A_168 = arith.constant 0 : i32
      %dma_start3A_169 = arith.constant 0 : i32
      %dma_start3A_170 = tpu.memref_slice %arg6[%dma_start3A_168, %dma_start3A_169] : memref<10000x128xf32, #tpu.memory_space<vmem_shared>> -> memref<10000x128xf32, #tpu.memory_space<vmem_shared>>
      tpu.enqueue_indirect_dma source(%arg9 : memref<128x128xf32, #tpu.memory_space<vmem>>) target(%dma_start3A_170 : memref<10000x128xf32, #tpu.memory_space<vmem_shared>>) offsets(%dma_start3A_167 : memref<128xi32, #tpu.memory_space<vmem>>) semaphore(%arg13 : memref<!tpu.dma_semaphore, #tpu.memory_space<semaphore_mem>>) {add = true}
    }
    %scan3A_67 = arith.constant 19 : i32
    %dma_wait3A = arith.constant 37 : i32
    %dma_wait3A_68 = arith.constant 1 : i32
    %dma_wait3A_69 = arith.constant 0 : i32
    %dma_wait3A_70 = tpu.memref_slice %arg7[%dma_wait3A, %dma_wait3A_68, %dma_wait3A_69] : memref<40x2x128xi32, #tpu.memory_space<vmem>> -> memref<1x1x128xi32, #tpu.memory_space<vmem>>
    %dma_wait3A_71 = tpu.memref_squeeze %dma_wait3A_70 : memref<1x1x128xi32, #tpu.memory_space<vmem>> -> memref<128xi32, #tpu.memory_space<vmem>>
    %dma_wait3A_72 = arith.constant 0 : i32
    %dma_wait3A_73 = arith.constant 0 : i32
    %dma_wait3A_74 = tpu.memref_slice %arg6[%dma_wait3A_72, %dma_wait3A_73] : memref<10000x128xf32, #tpu.memory_space<vmem_shared>> -> memref<10000x128xf32, #tpu.memory_space<vmem_shared>>
    tpu.wait_indirect_dma semaphore(%arg13 : memref<!tpu.dma_semaphore, #tpu.memory_space<semaphore_mem>>) src(%arg9 : memref<128x128xf32, #tpu.memory_space<vmem>>) dst(%dma_wait3A_74 : memref<10000x128xf32, #tpu.memory_space<vmem_shared>>)
    %gt3A = arith.constant 38 : i32
    %gt3A_75 = arith.cmpi sgt, %sub3A_55, %gt3A : i32
    %convert_element_type3A_76 = arith.extui %gt3A_75 : i1 to i32
    %cond3A_77 = arith.constant 0 : i32
    %cond3A_78 = arith.cmpi ne, %convert_element_type3A_76, %cond3A_77 : i32
    scf.if %cond3A_78 {
      %dma_wait3A_97 = arith.constant 38 : i32
      %dma_wait3A_98 = arith.constant 0 : i32
      %dma_wait3A_99 = arith.constant 0 : i32
      %dma_wait3A_100 = tpu.memref_slice %arg7[%dma_wait3A_97, %dma_wait3A_98, %dma_wait3A_99] : memref<40x2x128xi32, #tpu.memory_space<vmem>> -> memref<1x1x128xi32, #tpu.memory_space<vmem>>
      %dma_wait3A_101 = tpu.memref_squeeze %dma_wait3A_100 : memref<1x1x128xi32, #tpu.memory_space<vmem>> -> memref<128xi32, #tpu.memory_space<vmem>>
      %dma_wait3A_102 = arith.constant 0 : i32
      %dma_wait3A_103 = arith.constant 0 : i32
      %dma_wait3A_104 = tpu.memref_slice %arg2[%dma_wait3A_102, %dma_wait3A_103] : memref<10000x128xf32, #tpu.memory_space<hbm>> -> memref<10000x128xf32, #tpu.memory_space<hbm>>
      tpu.wait_indirect_dma semaphore(%arg10 : memref<!tpu.dma_semaphore, #tpu.memory_space<semaphore_mem>>) src(%dma_wait3A_104 : memref<10000x128xf32, #tpu.memory_space<hbm>>) dst(%arg8 : memref<128x128xf32, #tpu.memory_space<vmem>>)
      %dma_start3A_105 = arith.constant 38 : i32
      %dma_start3A_106 = arith.constant 1 : i32
      %dma_start3A_107 = arith.constant 0 : i32
      %dma_start3A_108 = tpu.memref_slice %arg7[%dma_start3A_105, %dma_start3A_106, %dma_start3A_107] : memref<40x2x128xi32, #tpu.memory_space<vmem>> -> memref<1x1x128xi32, #tpu.memory_space<vmem>>
      %dma_start3A_109 = tpu.memref_squeeze %dma_start3A_108 : memref<1x1x128xi32, #tpu.memory_space<vmem>> -> memref<128xi32, #tpu.memory_space<vmem>>
      %dma_start3A_110 = arith.constant 0 : i32
      %dma_start3A_111 = arith.constant 0 : i32
      %dma_start3A_112 = tpu.memref_slice %arg6[%dma_start3A_110, %dma_start3A_111] : memref<10000x128xf32, #tpu.memory_space<vmem_shared>> -> memref<10000x128xf32, #tpu.memory_space<vmem_shared>>
      tpu.enqueue_indirect_dma source(%arg8 : memref<128x128xf32, #tpu.memory_space<vmem>>) target(%dma_start3A_112 : memref<10000x128xf32, #tpu.memory_space<vmem_shared>>) offsets(%dma_start3A_109 : memref<128xi32, #tpu.memory_space<vmem>>) semaphore(%arg12 : memref<!tpu.dma_semaphore, #tpu.memory_space<semaphore_mem>>) {add = true}
      %dma_wait3A_113 = arith.constant 38 : i32
      %dma_wait3A_114 = arith.constant 1 : i32
      %dma_wait3A_115 = arith.constant 0 : i32
      %dma_wait3A_116 = tpu.memref_slice %arg7[%dma_wait3A_113, %dma_wait3A_114, %dma_wait3A_115] : memref<40x2x128xi32, #tpu.memory_space<vmem>> -> memref<1x1x128xi32, #tpu.memory_space<vmem>>
      %dma_wait3A_117 = tpu.memref_squeeze %dma_wait3A_116 : memref<1x1x128xi32, #tpu.memory_space<vmem>> -> memref<128xi32, #tpu.memory_space<vmem>>
      %dma_wait3A_118 = arith.constant 0 : i32
      %dma_wait3A_119 = arith.constant 0 : i32
      %dma_wait3A_120 = tpu.memref_slice %arg6[%dma_wait3A_118, %dma_wait3A_119] : memref<10000x128xf32, #tpu.memory_space<vmem_shared>> -> memref<10000x128xf32, #tpu.memory_space<vmem_shared>>
      tpu.wait_indirect_dma semaphore(%arg12 : memref<!tpu.dma_semaphore, #tpu.memory_space<semaphore_mem>>) src(%arg8 : memref<128x128xf32, #tpu.memory_space<vmem>>) dst(%dma_wait3A_120 : memref<10000x128xf32, #tpu.memory_space<vmem_shared>>)
    } else {
    }
    %gt3A_79 = arith.constant 39 : i32
    %gt3A_80 = arith.cmpi sgt, %sub3A_55, %gt3A_79 : i32
    %convert_element_type3A_81 = arith.extui %gt3A_80 : i1 to i32
    %cond3A_82 = arith.constant 0 : i32
    %cond3A_83 = arith.cmpi ne, %convert_element_type3A_81, %cond3A_82 : i32
    scf.if %cond3A_83 {
      %dma_start3A_97 = arith.constant 39 : i32
      %dma_start3A_98 = arith.constant 0 : i32
      %dma_start3A_99 = arith.constant 0 : i32
      %dma_start3A_100 = tpu.memref_slice %arg7[%dma_start3A_97, %dma_start3A_98, %dma_start3A_99] : memref<40x2x128xi32, #tpu.memory_space<vmem>> -> memref<1x1x128xi32, #tpu.memory_space<vmem>>
      %dma_start3A_101 = tpu.memref_squeeze %dma_start3A_100 : memref<1x1x128xi32, #tpu.memory_space<vmem>> -> memref<128xi32, #tpu.memory_space<vmem>>
      %dma_start3A_102 = arith.constant 0 : i32
      %dma_start3A_103 = arith.constant 0 : i32
      %dma_start3A_104 = tpu.memref_slice %arg2[%dma_start3A_102, %dma_start3A_103] : memref<10000x128xf32, #tpu.memory_space<hbm>> -> memref<10000x128xf32, #tpu.memory_space<hbm>>
      tpu.enqueue_indirect_dma source(%dma_start3A_104 : memref<10000x128xf32, #tpu.memory_space<hbm>>) target(%arg9 : memref<128x128xf32, #tpu.memory_space<vmem>>) offsets(%dma_start3A_101 : memref<128xi32, #tpu.memory_space<vmem>>) semaphore(%arg11 : memref<!tpu.dma_semaphore, #tpu.memory_space<semaphore_mem>>)
      %dma_wait3A_105 = arith.constant 39 : i32
      %dma_wait3A_106 = arith.constant 0 : i32
      %dma_wait3A_107 = arith.constant 0 : i32
      %dma_wait3A_108 = tpu.memref_slice %arg7[%dma_wait3A_105, %dma_wait3A_106, %dma_wait3A_107] : memref<40x2x128xi32, #tpu.memory_space<vmem>> -> memref<1x1x128xi32, #tpu.memory_space<vmem>>
      %dma_wait3A_109 = tpu.memref_squeeze %dma_wait3A_108 : memref<1x1x128xi32, #tpu.memory_space<vmem>> -> memref<128xi32, #tpu.memory_space<vmem>>
      %dma_wait3A_110 = arith.constant 0 : i32
      %dma_wait3A_111 = arith.constant 0 : i32
      %dma_wait3A_112 = tpu.memref_slice %arg2[%dma_wait3A_110, %dma_wait3A_111] : memref<10000x128xf32, #tpu.memory_space<hbm>> -> memref<10000x128xf32, #tpu.memory_space<hbm>>
      tpu.wait_indirect_dma semaphore(%arg11 : memref<!tpu.dma_semaphore, #tpu.memory_space<semaphore_mem>>) src(%dma_wait3A_112 : memref<10000x128xf32, #tpu.memory_space<hbm>>) dst(%arg9 : memref<128x128xf32, #tpu.memory_space<vmem>>)
      %dma_start3A_113 = arith.constant 39 : i32
      %dma_start3A_114 = arith.constant 1 : i32
      %dma_start3A_115 = arith.constant 0 : i32
      %dma_start3A_116 = tpu.memref_slice %arg7[%dma_start3A_113, %dma_start3A_114, %dma_start3A_115] : memref<40x2x128xi32, #tpu.memory_space<vmem>> -> memref<1x1x128xi32, #tpu.memory_space<vmem>>
      %dma_start3A_117 = tpu.memref_squeeze %dma_start3A_116 : memref<1x1x128xi32, #tpu.memory_space<vmem>> -> memref<128xi32, #tpu.memory_space<vmem>>
      %dma_start3A_118 = arith.constant 0 : i32
      %dma_start3A_119 = arith.constant 0 : i32
      %dma_start3A_120 = tpu.memref_slice %arg6[%dma_start3A_118, %dma_start3A_119] : memref<10000x128xf32, #tpu.memory_space<vmem_shared>> -> memref<10000x128xf32, #tpu.memory_space<vmem_shared>>
      tpu.enqueue_indirect_dma source(%arg9 : memref<128x128xf32, #tpu.memory_space<vmem>>) target(%dma_start3A_120 : memref<10000x128xf32, #tpu.memory_space<vmem_shared>>) offsets(%dma_start3A_117 : memref<128xi32, #tpu.memory_space<vmem>>) semaphore(%arg13 : memref<!tpu.dma_semaphore, #tpu.memory_space<semaphore_mem>>) {add = true}
      %dma_wait3A_121 = arith.constant 39 : i32
      %dma_wait3A_122 = arith.constant 1 : i32
      %dma_wait3A_123 = arith.constant 0 : i32
      %dma_wait3A_124 = tpu.memref_slice %arg7[%dma_wait3A_121, %dma_wait3A_122, %dma_wait3A_123] : memref<40x2x128xi32, #tpu.memory_space<vmem>> -> memref<1x1x128xi32, #tpu.memory_space<vmem>>
      %dma_wait3A_125 = tpu.memref_squeeze %dma_wait3A_124 : memref<1x1x128xi32, #tpu.memory_space<vmem>> -> memref<128xi32, #tpu.memory_space<vmem>>
      %dma_wait3A_126 = arith.constant 0 : i32
      %dma_wait3A_127 = arith.constant 0 : i32
      %dma_wait3A_128 = tpu.memref_slice %arg6[%dma_wait3A_126, %dma_wait3A_127] : memref<10000x128xf32, #tpu.memory_space<vmem_shared>> -> memref<10000x128xf32, #tpu.memory_space<vmem_shared>>
      tpu.wait_indirect_dma semaphore(%arg13 : memref<!tpu.dma_semaphore, #tpu.memory_space<semaphore_mem>>) src(%arg9 : memref<128x128xf32, #tpu.memory_space<vmem>>) dst(%dma_wait3A_128 : memref<10000x128xf32, #tpu.memory_space<vmem_shared>>)
    } else {
    }
    %barrier3A_84 = arith.constant 0 : index
    tpu.barrier barrier_id(%barrier3A_84)
    %mul3A_85 = arith.constant 632 : i32
    %mul3A_86 = arith.muli %arg1, %mul3A_85 : i32
    %lt3A_87 = arith.constant 15 : i32
    %lt3A_88 = arith.cmpi slt, %arg1, %lt3A_87 : i32
    %convert_element_type3A_89 = arith.extui %lt3A_88 : i1 to i32
    %cond3A_90 = arith.constant 0 : i32
    %cond3A_91 = arith.cmpi ne, %convert_element_type3A_89, %cond3A_90 : i32
    scf.if %cond3A_91 {
      "tpu.region"() ({
        %run_scoped3A = tpu.sem_alloc : memref<!tpu.dma_semaphore, #tpu.memory_space<semaphore_mem>>
        %dma_start3A_97 = arith.constant 0 : i32
        %dma_start3A_98 = tpu.memref_slice %arg5[%arg0, %mul3A_86, %dma_start3A_97] : memref<2x10000x128xf32, #tpu.memory_space<hbm>> -> memref<1x632x128xf32, #tpu.memory_space<hbm>>
        %dma_start3A_99 = tpu.memref_squeeze %dma_start3A_98 : memref<1x632x128xf32, #tpu.memory_space<hbm>> -> memref<632x128xf32, #tpu.memory_space<hbm>>
        %dma_start3A_100 = arith.constant 0 : i32
        %dma_start3A_101 = tpu.memref_slice %arg6[%mul3A_86, %dma_start3A_100] : memref<10000x128xf32, #tpu.memory_space<vmem_shared>> -> memref<632x128xf32, #tpu.memory_space<vmem_shared>>
        tpu.enqueue_dma source(%dma_start3A_101 : memref<632x128xf32, #tpu.memory_space<vmem_shared>>) target(%dma_start3A_99 : memref<632x128xf32, #tpu.memory_space<hbm>>) target_semaphore(%run_scoped3A : memref<!tpu.dma_semaphore, #tpu.memory_space<semaphore_mem>>)
        %dma_wait3A_102 = arith.constant 0 : i32
        %dma_wait3A_103 = tpu.memref_slice %arg5[%arg0, %mul3A_86, %dma_wait3A_102] : memref<2x10000x128xf32, #tpu.memory_space<hbm>> -> memref<1x632x128xf32, #tpu.memory_space<hbm>>
        %dma_wait3A_104 = tpu.memref_squeeze %dma_wait3A_103 : memref<1x632x128xf32, #tpu.memory_space<hbm>> -> memref<632x128xf32, #tpu.memory_space<hbm>>
        %dma_wait3A_105 = arith.constant 0 : i32
        %dma_wait3A_106 = tpu.memref_slice %arg6[%mul3A_86, %dma_wait3A_105] : memref<10000x128xf32, #tpu.memory_space<vmem_shared>> -> memref<632x128xf32, #tpu.memory_space<vmem_shared>>
        tpu.wait_dma2 semaphore(%run_scoped3A : memref<!tpu.dma_semaphore, #tpu.memory_space<semaphore_mem>>) src(%dma_wait3A_106 : memref<632x128xf32, #tpu.memory_space<vmem_shared>>) dst(%dma_wait3A_104 : memref<632x128xf32, #tpu.memory_space<hbm>>)
        tpu.yield
      }) : () -> ()
    } else {
    }
    %eq3A_92 = arith.constant 15 : i32
    %eq3A_93 = arith.cmpi eq, %arg1, %eq3A_92 : i32
    %convert_element_type3A_94 = arith.extui %eq3A_93 : i1 to i32
    %cond3A_95 = arith.constant 0 : i32
    %cond3A_96 = arith.cmpi ne, %convert_element_type3A_94, %cond3A_95 : i32
    scf.if %cond3A_96 {
      "tpu.region"() ({
        %run_scoped3A = tpu.sem_alloc : memref<!tpu.dma_semaphore, #tpu.memory_space<semaphore_mem>>
        %dma_start3A_97 = arith.constant 0 : i32
        %dma_start3A_98 = tpu.memref_slice %arg5[%arg0, %mul3A_86, %dma_start3A_97] : memref<2x10000x128xf32, #tpu.memory_space<hbm>> -> memref<1x520x128xf32, #tpu.memory_space<hbm>>
        %dma_start3A_99 = tpu.memref_squeeze %dma_start3A_98 : memref<1x520x128xf32, #tpu.memory_space<hbm>> -> memref<520x128xf32, #tpu.memory_space<hbm>>
        %dma_start3A_100 = arith.constant 0 : i32
        %dma_start3A_101 = tpu.memref_slice %arg6[%mul3A_86, %dma_start3A_100] : memref<10000x128xf32, #tpu.memory_space<vmem_shared>> -> memref<520x128xf32, #tpu.memory_space<vmem_shared>>
        tpu.enqueue_dma source(%dma_start3A_101 : memref<520x128xf32, #tpu.memory_space<vmem_shared>>) target(%dma_start3A_99 : memref<520x128xf32, #tpu.memory_space<hbm>>) target_semaphore(%run_scoped3A : memref<!tpu.dma_semaphore, #tpu.memory_space<semaphore_mem>>)
        %dma_wait3A_102 = arith.constant 0 : i32
        %dma_wait3A_103 = tpu.memref_slice %arg5[%arg0, %mul3A_86, %dma_wait3A_102] : memref<2x10000x128xf32, #tpu.memory_space<hbm>> -> memref<1x520x128xf32, #tpu.memory_space<hbm>>
        %dma_wait3A_104 = tpu.memref_squeeze %dma_wait3A_103 : memref<1x520x128xf32, #tpu.memory_space<hbm>> -> memref<520x128xf32, #tpu.memory_space<hbm>>
        %dma_wait3A_105 = arith.constant 0 : i32
        %dma_wait3A_106 = tpu.memref_slice %arg6[%mul3A_86, %dma_wait3A_105] : memref<10000x128xf32, #tpu.memory_space<vmem_shared>> -> memref<520x128xf32, #tpu.memory_space<vmem_shared>>
        tpu.wait_dma2 semaphore(%run_scoped3A : memref<!tpu.dma_semaphore, #tpu.memory_space<semaphore_mem>>) src(%dma_wait3A_106 : memref<520x128xf32, #tpu.memory_space<vmem_shared>>) dst(%dma_wait3A_104 : memref<520x128xf32, #tpu.memory_space<hbm>>)
        tpu.yield
      }) : () -> ()
    } else {
    }
    return
  }
}

#map = affine_map<(d0, d1) -> (0, 0)>
#map1 = affine_map<(d0, d1) -> (0, 0, 0)>
#map2 = affine_map<(d0, d1) -> (0)>
module attributes {stable_mosaic.version = 14 : i64} {
  func.func @k(%arg0: i32, %arg1: i32, %arg2: memref<10000x128xf32, #tpu.memory_space<hbm>>, %arg3: memref<10000x128xf32, #tpu.memory_space<hbm>>, %arg4: memref<1250x2x128xi32, #tpu.memory_space<hbm>>, %arg5: memref<1250x2x128xi32, #tpu.memory_space<hbm>>, %arg6: memref<10000x128xf32, #tpu.memory_space<hbm>>, %arg7: memref<10000x128xf32, #tpu.memory_space<hbm>>, %arg8: memref<10000xf32, #tpu.memory_space<hbm>>, %arg9: memref<10000x128xf32, #tpu.memory_space<hbm>>, %arg10: memref<10000xf32, #tpu.memory_space<hbm>>, %arg11: memref<10000x128xf32, #tpu.memory_space<vmem_shared>>, %arg12: memref<10000xf32, #tpu.memory_space<vmem_shared>>, %arg13: memref<40x2x128xi32, #tpu.memory_space<vmem>>, %arg14: memref<128x128xf32, #tpu.memory_space<vmem>>, %arg15: memref<128x128xf32, #tpu.memory_space<vmem>>, %arg16: memref<128xf32, #tpu.memory_space<vmem>>, %arg17: memref<640xf32, #tpu.memory_space<vmem>>, %arg18: memref<!tpu.dma_semaphore, #tpu.memory_space<semaphore_mem>>, %arg19: memref<!tpu.dma_semaphore, #tpu.memory_space<semaphore_mem>>, %arg20: memref<!tpu.dma_semaphore, #tpu.memory_space<semaphore_mem>>, %arg21: memref<!tpu.dma_semaphore, #tpu.memory_space<semaphore_mem>>, %arg22: memref<!tpu.dma_semaphore, #tpu.memory_space<semaphore_mem>>, %arg23: memref<!tpu.dma_semaphore, #tpu.memory_space<semaphore_mem>>) attributes {dimension_semantics = [#tpu.dimension_semantics<core_parallel>, #tpu.dimension_semantics<subcore_parallel>], iteration_bounds = array<i64: 2, 16>, scalar_prefetch = 0 : i64, scratch_operands = 13 : i64, tpu.core_type = #tpu.core_type<sc_vector_subcore>, window_params = [{transform_indices = #map}, {transform_indices = #map}, {transform_indices = #map1}, {transform_indices = #map1}, {transform_indices = #map}, {transform_indices = #map}, {transform_indices = #map2}, {transform_indices = #map}, {transform_indices = #map2}]} {
    %mul3A = arith.constant 632 : i32
    %mul3A_0 = arith.muli %arg1, %mul3A : i32
    %lt3A = arith.constant 15 : i32
    %lt3A_1 = arith.cmpi slt, %arg1, %lt3A : i32
    %convert_element_type3A = arith.extui %lt3A_1 : i1 to i32
    %cond3A = arith.constant 0 : i32
    %cond3A_2 = arith.cmpi ne, %convert_element_type3A, %cond3A : i32
    scf.if %cond3A_2 {
      "tpu.region"() ({
        %run_scoped3A = tpu.sem_alloc : memref<!tpu.dma_semaphore, #tpu.memory_space<semaphore_mem>>
        %dma_start3A = arith.constant 0 : i32
        %dma_start3A_294 = tpu.memref_slice %arg11[%mul3A_0, %dma_start3A] : memref<10000x128xf32, #tpu.memory_space<vmem_shared>> -> memref<632x128xf32, #tpu.memory_space<vmem_shared>>
        %dma_start3A_295 = arith.constant 0 : i32
        %dma_start3A_296 = tpu.memref_slice %arg6[%mul3A_0, %dma_start3A_295] : memref<10000x128xf32, #tpu.memory_space<hbm>> -> memref<632x128xf32, #tpu.memory_space<hbm>>
        tpu.enqueue_dma source(%dma_start3A_296 : memref<632x128xf32, #tpu.memory_space<hbm>>) target(%dma_start3A_294 : memref<632x128xf32, #tpu.memory_space<vmem_shared>>) target_semaphore(%run_scoped3A : memref<!tpu.dma_semaphore, #tpu.memory_space<semaphore_mem>>)
        %dma_wait3A = arith.constant 0 : i32
        %dma_wait3A_297 = tpu.memref_slice %arg11[%mul3A_0, %dma_wait3A] : memref<10000x128xf32, #tpu.memory_space<vmem_shared>> -> memref<632x128xf32, #tpu.memory_space<vmem_shared>>
        %dma_wait3A_298 = arith.constant 0 : i32
        %dma_wait3A_299 = tpu.memref_slice %arg6[%mul3A_0, %dma_wait3A_298] : memref<10000x128xf32, #tpu.memory_space<hbm>> -> memref<632x128xf32, #tpu.memory_space<hbm>>
        tpu.wait_dma2 semaphore(%run_scoped3A : memref<!tpu.dma_semaphore, #tpu.memory_space<semaphore_mem>>) src(%dma_wait3A_299 : memref<632x128xf32, #tpu.memory_space<hbm>>) dst(%dma_wait3A_297 : memref<632x128xf32, #tpu.memory_space<vmem_shared>>)
        tpu.yield
      }) : () -> ()
    } else {
    }
    %eq3A = arith.constant 15 : i32
    %eq3A_3 = arith.cmpi eq, %arg1, %eq3A : i32
    %convert_element_type3A_4 = arith.extui %eq3A_3 : i1 to i32
    %cond3A_5 = arith.constant 0 : i32
    %cond3A_6 = arith.cmpi ne, %convert_element_type3A_4, %cond3A_5 : i32
    scf.if %cond3A_6 {
      "tpu.region"() ({
        %run_scoped3A = tpu.sem_alloc : memref<!tpu.dma_semaphore, #tpu.memory_space<semaphore_mem>>
        %dma_start3A = arith.constant 0 : i32
        %dma_start3A_294 = tpu.memref_slice %arg11[%mul3A_0, %dma_start3A] : memref<10000x128xf32, #tpu.memory_space<vmem_shared>> -> memref<520x128xf32, #tpu.memory_space<vmem_shared>>
        %dma_start3A_295 = arith.constant 0 : i32
        %dma_start3A_296 = tpu.memref_slice %arg6[%mul3A_0, %dma_start3A_295] : memref<10000x128xf32, #tpu.memory_space<hbm>> -> memref<520x128xf32, #tpu.memory_space<hbm>>
        tpu.enqueue_dma source(%dma_start3A_296 : memref<520x128xf32, #tpu.memory_space<hbm>>) target(%dma_start3A_294 : memref<520x128xf32, #tpu.memory_space<vmem_shared>>) target_semaphore(%run_scoped3A : memref<!tpu.dma_semaphore, #tpu.memory_space<semaphore_mem>>)
        %dma_wait3A = arith.constant 0 : i32
        %dma_wait3A_297 = tpu.memref_slice %arg11[%mul3A_0, %dma_wait3A] : memref<10000x128xf32, #tpu.memory_space<vmem_shared>> -> memref<520x128xf32, #tpu.memory_space<vmem_shared>>
        %dma_wait3A_298 = arith.constant 0 : i32
        %dma_wait3A_299 = tpu.memref_slice %arg6[%mul3A_0, %dma_wait3A_298] : memref<10000x128xf32, #tpu.memory_space<hbm>> -> memref<520x128xf32, #tpu.memory_space<hbm>>
        tpu.wait_dma2 semaphore(%run_scoped3A : memref<!tpu.dma_semaphore, #tpu.memory_space<semaphore_mem>>) src(%dma_wait3A_299 : memref<520x128xf32, #tpu.memory_space<hbm>>) dst(%dma_wait3A_297 : memref<520x128xf32, #tpu.memory_space<vmem_shared>>)
        tpu.yield
      }) : () -> ()
    } else {
    }
    %broadcast_in_dim3A = arith.constant 0.000000e+00 : f32
    %broadcast_in_dim3A_7 = vector.broadcast %broadcast_in_dim3A : f32 to vector<16xf32>
    %swap3A = arith.constant 0 : index
    %swap3A_8 = tpu.vector_load %arg17[%swap3A] {strides = array<i32>} : memref<640xf32, #tpu.memory_space<vmem>>, vector<16xf32>,
    %swap3A_9 = vector.shape_cast %swap3A_8 : vector<16xf32> to vector<16xf32>
    %swap3A_10 = vector.shape_cast %broadcast_in_dim3A_7 : vector<16xf32> to vector<16xf32>
    tpu.vector_store %arg17[%swap3A], %swap3A_10 {strides = array<i32>} : memref<640xf32, #tpu.memory_space<vmem>>, vector<16xf32>,
    %swap3A_11 = arith.constant 16 : index
    %swap3A_12 = tpu.vector_load %arg17[%swap3A_11] {strides = array<i32>} : memref<640xf32, #tpu.memory_space<vmem>>, vector<16xf32>,
    %swap3A_13 = vector.shape_cast %swap3A_12 : vector<16xf32> to vector<16xf32>
    %swap3A_14 = vector.shape_cast %broadcast_in_dim3A_7 : vector<16xf32> to vector<16xf32>
    tpu.vector_store %arg17[%swap3A_11], %swap3A_14 {strides = array<i32>} : memref<640xf32, #tpu.memory_space<vmem>>, vector<16xf32>,
    %swap3A_15 = arith.constant 32 : index
    %swap3A_16 = tpu.vector_load %arg17[%swap3A_15] {strides = array<i32>} : memref<640xf32, #tpu.memory_space<vmem>>, vector<16xf32>,
    %swap3A_17 = vector.shape_cast %swap3A_16 : vector<16xf32> to vector<16xf32>
    %swap3A_18 = vector.shape_cast %broadcast_in_dim3A_7 : vector<16xf32> to vector<16xf32>
    tpu.vector_store %arg17[%swap3A_15], %swap3A_18 {strides = array<i32>} : memref<640xf32, #tpu.memory_space<vmem>>, vector<16xf32>,
    %swap3A_19 = arith.constant 48 : index
    %swap3A_20 = tpu.vector_load %arg17[%swap3A_19] {strides = array<i32>} : memref<640xf32, #tpu.memory_space<vmem>>, vector<16xf32>,
    %swap3A_21 = vector.shape_cast %swap3A_20 : vector<16xf32> to vector<16xf32>
    %swap3A_22 = vector.shape_cast %broadcast_in_dim3A_7 : vector<16xf32> to vector<16xf32>
    tpu.vector_store %arg17[%swap3A_19], %swap3A_22 {strides = array<i32>} : memref<640xf32, #tpu.memory_space<vmem>>, vector<16xf32>,
    %swap3A_23 = arith.constant 64 : index
    %swap3A_24 = tpu.vector_load %arg17[%swap3A_23] {strides = array<i32>} : memref<640xf32, #tpu.memory_space<vmem>>, vector<16xf32>,
    %swap3A_25 = vector.shape_cast %swap3A_24 : vector<16xf32> to vector<16xf32>
    %swap3A_26 = vector.shape_cast %broadcast_in_dim3A_7 : vector<16xf32> to vector<16xf32>
    tpu.vector_store %arg17[%swap3A_23], %swap3A_26 {strides = array<i32>} : memref<640xf32, #tpu.memory_space<vmem>>, vector<16xf32>,
    %swap3A_27 = arith.constant 80 : index
    %swap3A_28 = tpu.vector_load %arg17[%swap3A_27] {strides = array<i32>} : memref<640xf32, #tpu.memory_space<vmem>>, vector<16xf32>,
    %swap3A_29 = vector.shape_cast %swap3A_28 : vector<16xf32> to vector<16xf32>
    %swap3A_30 = vector.shape_cast %broadcast_in_dim3A_7 : vector<16xf32> to vector<16xf32>
    tpu.vector_store %arg17[%swap3A_27], %swap3A_30 {strides = array<i32>} : memref<640xf32, #tpu.memory_space<vmem>>, vector<16xf32>,
    %swap3A_31 = arith.constant 96 : index
    %swap3A_32 = tpu.vector_load %arg17[%swap3A_31] {strides = array<i32>} : memref<640xf32, #tpu.memory_space<vmem>>, vector<16xf32>,
    %swap3A_33 = vector.shape_cast %swap3A_32 : vector<16xf32> to vector<16xf32>
    %swap3A_34 = vector.shape_cast %broadcast_in_dim3A_7 : vector<16xf32> to vector<16xf32>
    tpu.vector_store %arg17[%swap3A_31], %swap3A_34 {strides = array<i32>} : memref<640xf32, #tpu.memory_space<vmem>>, vector<16xf32>,
    %swap3A_35 = arith.constant 112 : index
    %swap3A_36 = tpu.vector_load %arg17[%swap3A_35] {strides = array<i32>} : memref<640xf32, #tpu.memory_space<vmem>>, vector<16xf32>,
    %swap3A_37 = vector.shape_cast %swap3A_36 : vector<16xf32> to vector<16xf32>
    %swap3A_38 = vector.shape_cast %broadcast_in_dim3A_7 : vector<16xf32> to vector<16xf32>
    tpu.vector_store %arg17[%swap3A_35], %swap3A_38 {strides = array<i32>} : memref<640xf32, #tpu.memory_space<vmem>>, vector<16xf32>,
    %swap3A_39 = arith.constant 128 : index
    %swap3A_40 = tpu.vector_load %arg17[%swap3A_39] {strides = array<i32>} : memref<640xf32, #tpu.memory_space<vmem>>, vector<16xf32>,
    %swap3A_41 = vector.shape_cast %swap3A_40 : vector<16xf32> to vector<16xf32>
    %swap3A_42 = vector.shape_cast %broadcast_in_dim3A_7 : vector<16xf32> to vector<16xf32>
    tpu.vector_store %arg17[%swap3A_39], %swap3A_42 {strides = array<i32>} : memref<640xf32, #tpu.memory_space<vmem>>, vector<16xf32>,
    %swap3A_43 = arith.constant 144 : index
    %swap3A_44 = tpu.vector_load %arg17[%swap3A_43] {strides = array<i32>} : memref<640xf32, #tpu.memory_space<vmem>>, vector<16xf32>,
    %swap3A_45 = vector.shape_cast %swap3A_44 : vector<16xf32> to vector<16xf32>
    %swap3A_46 = vector.shape_cast %broadcast_in_dim3A_7 : vector<16xf32> to vector<16xf32>
    tpu.vector_store %arg17[%swap3A_43], %swap3A_46 {strides = array<i32>} : memref<640xf32, #tpu.memory_space<vmem>>, vector<16xf32>,
    %swap3A_47 = arith.constant 160 : index
    %swap3A_48 = tpu.vector_load %arg17[%swap3A_47] {strides = array<i32>} : memref<640xf32, #tpu.memory_space<vmem>>, vector<16xf32>,
    %swap3A_49 = vector.shape_cast %swap3A_48 : vector<16xf32> to vector<16xf32>
    %swap3A_50 = vector.shape_cast %broadcast_in_dim3A_7 : vector<16xf32> to vector<16xf32>
    tpu.vector_store %arg17[%swap3A_47], %swap3A_50 {strides = array<i32>} : memref<640xf32, #tpu.memory_space<vmem>>, vector<16xf32>,
    %swap3A_51 = arith.constant 176 : index
    %swap3A_52 = tpu.vector_load %arg17[%swap3A_51] {strides = array<i32>} : memref<640xf32, #tpu.memory_space<vmem>>, vector<16xf32>,
    %swap3A_53 = vector.shape_cast %swap3A_52 : vector<16xf32> to vector<16xf32>
    %swap3A_54 = vector.shape_cast %broadcast_in_dim3A_7 : vector<16xf32> to vector<16xf32>
    tpu.vector_store %arg17[%swap3A_51], %swap3A_54 {strides = array<i32>} : memref<640xf32, #tpu.memory_space<vmem>>, vector<16xf32>,
    %swap3A_55 = arith.constant 192 : index
    %swap3A_56 = tpu.vector_load %arg17[%swap3A_55] {strides = array<i32>} : memref<640xf32, #tpu.memory_space<vmem>>, vector<16xf32>,
    %swap3A_57 = vector.shape_cast %swap3A_56 : vector<16xf32> to vector<16xf32>
    %swap3A_58 = vector.shape_cast %broadcast_in_dim3A_7 : vector<16xf32> to vector<16xf32>
    tpu.vector_store %arg17[%swap3A_55], %swap3A_58 {strides = array<i32>} : memref<640xf32, #tpu.memory_space<vmem>>, vector<16xf32>,
    %swap3A_59 = arith.constant 208 : index
    %swap3A_60 = tpu.vector_load %arg17[%swap3A_59] {strides = array<i32>} : memref<640xf32, #tpu.memory_space<vmem>>, vector<16xf32>,
    %swap3A_61 = vector.shape_cast %swap3A_60 : vector<16xf32> to vector<16xf32>
    %swap3A_62 = vector.shape_cast %broadcast_in_dim3A_7 : vector<16xf32> to vector<16xf32>
    tpu.vector_store %arg17[%swap3A_59], %swap3A_62 {strides = array<i32>} : memref<640xf32, #tpu.memory_space<vmem>>, vector<16xf32>,
    %swap3A_63 = arith.constant 224 : index
    %swap3A_64 = tpu.vector_load %arg17[%swap3A_63] {strides = array<i32>} : memref<640xf32, #tpu.memory_space<vmem>>, vector<16xf32>,
    %swap3A_65 = vector.shape_cast %swap3A_64 : vector<16xf32> to vector<16xf32>
    %swap3A_66 = vector.shape_cast %broadcast_in_dim3A_7 : vector<16xf32> to vector<16xf32>
    tpu.vector_store %arg17[%swap3A_63], %swap3A_66 {strides = array<i32>} : memref<640xf32, #tpu.memory_space<vmem>>, vector<16xf32>,
    %swap3A_67 = arith.constant 240 : index
    %swap3A_68 = tpu.vector_load %arg17[%swap3A_67] {strides = array<i32>} : memref<640xf32, #tpu.memory_space<vmem>>, vector<16xf32>,
    %swap3A_69 = vector.shape_cast %swap3A_68 : vector<16xf32> to vector<16xf32>
    %swap3A_70 = vector.shape_cast %broadcast_in_dim3A_7 : vector<16xf32> to vector<16xf32>
    tpu.vector_store %arg17[%swap3A_67], %swap3A_70 {strides = array<i32>} : memref<640xf32, #tpu.memory_space<vmem>>, vector<16xf32>,
    %swap3A_71 = arith.constant 256 : index
    %swap3A_72 = tpu.vector_load %arg17[%swap3A_71] {strides = array<i32>} : memref<640xf32, #tpu.memory_space<vmem>>, vector<16xf32>,
    %swap3A_73 = vector.shape_cast %swap3A_72 : vector<16xf32> to vector<16xf32>
    %swap3A_74 = vector.shape_cast %broadcast_in_dim3A_7 : vector<16xf32> to vector<16xf32>
    tpu.vector_store %arg17[%swap3A_71], %swap3A_74 {strides = array<i32>} : memref<640xf32, #tpu.memory_space<vmem>>, vector<16xf32>,
    %swap3A_75 = arith.constant 272 : index
    %swap3A_76 = tpu.vector_load %arg17[%swap3A_75] {strides = array<i32>} : memref<640xf32, #tpu.memory_space<vmem>>, vector<16xf32>,
    %swap3A_77 = vector.shape_cast %swap3A_76 : vector<16xf32> to vector<16xf32>
    %swap3A_78 = vector.shape_cast %broadcast_in_dim3A_7 : vector<16xf32> to vector<16xf32>
    tpu.vector_store %arg17[%swap3A_75], %swap3A_78 {strides = array<i32>} : memref<640xf32, #tpu.memory_space<vmem>>, vector<16xf32>,
    %swap3A_79 = arith.constant 288 : index
    %swap3A_80 = tpu.vector_load %arg17[%swap3A_79] {strides = array<i32>} : memref<640xf32, #tpu.memory_space<vmem>>, vector<16xf32>,
    %swap3A_81 = vector.shape_cast %swap3A_80 : vector<16xf32> to vector<16xf32>
    %swap3A_82 = vector.shape_cast %broadcast_in_dim3A_7 : vector<16xf32> to vector<16xf32>
    tpu.vector_store %arg17[%swap3A_79], %swap3A_82 {strides = array<i32>} : memref<640xf32, #tpu.memory_space<vmem>>, vector<16xf32>,
    %swap3A_83 = arith.constant 304 : index
    %swap3A_84 = tpu.vector_load %arg17[%swap3A_83] {strides = array<i32>} : memref<640xf32, #tpu.memory_space<vmem>>, vector<16xf32>,
    %swap3A_85 = vector.shape_cast %swap3A_84 : vector<16xf32> to vector<16xf32>
    %swap3A_86 = vector.shape_cast %broadcast_in_dim3A_7 : vector<16xf32> to vector<16xf32>
    tpu.vector_store %arg17[%swap3A_83], %swap3A_86 {strides = array<i32>} : memref<640xf32, #tpu.memory_space<vmem>>, vector<16xf32>,
    %swap3A_87 = arith.constant 320 : index
    %swap3A_88 = tpu.vector_load %arg17[%swap3A_87] {strides = array<i32>} : memref<640xf32, #tpu.memory_space<vmem>>, vector<16xf32>,
    %swap3A_89 = vector.shape_cast %swap3A_88 : vector<16xf32> to vector<16xf32>
    %swap3A_90 = vector.shape_cast %broadcast_in_dim3A_7 : vector<16xf32> to vector<16xf32>
    tpu.vector_store %arg17[%swap3A_87], %swap3A_90 {strides = array<i32>} : memref<640xf32, #tpu.memory_space<vmem>>, vector<16xf32>,
    %swap3A_91 = arith.constant 336 : index
    %swap3A_92 = tpu.vector_load %arg17[%swap3A_91] {strides = array<i32>} : memref<640xf32, #tpu.memory_space<vmem>>, vector<16xf32>,
    %swap3A_93 = vector.shape_cast %swap3A_92 : vector<16xf32> to vector<16xf32>
    %swap3A_94 = vector.shape_cast %broadcast_in_dim3A_7 : vector<16xf32> to vector<16xf32>
    tpu.vector_store %arg17[%swap3A_91], %swap3A_94 {strides = array<i32>} : memref<640xf32, #tpu.memory_space<vmem>>, vector<16xf32>,
    %swap3A_95 = arith.constant 352 : index
    %swap3A_96 = tpu.vector_load %arg17[%swap3A_95] {strides = array<i32>} : memref<640xf32, #tpu.memory_space<vmem>>, vector<16xf32>,
    %swap3A_97 = vector.shape_cast %swap3A_96 : vector<16xf32> to vector<16xf32>
    %swap3A_98 = vector.shape_cast %broadcast_in_dim3A_7 : vector<16xf32> to vector<16xf32>
    tpu.vector_store %arg17[%swap3A_95], %swap3A_98 {strides = array<i32>} : memref<640xf32, #tpu.memory_space<vmem>>, vector<16xf32>,
    %swap3A_99 = arith.constant 368 : index
    %swap3A_100 = tpu.vector_load %arg17[%swap3A_99] {strides = array<i32>} : memref<640xf32, #tpu.memory_space<vmem>>, vector<16xf32>,
    %swap3A_101 = vector.shape_cast %swap3A_100 : vector<16xf32> to vector<16xf32>
    %swap3A_102 = vector.shape_cast %broadcast_in_dim3A_7 : vector<16xf32> to vector<16xf32>
    tpu.vector_store %arg17[%swap3A_99], %swap3A_102 {strides = array<i32>} : memref<640xf32, #tpu.memory_space<vmem>>, vector<16xf32>,
    %swap3A_103 = arith.constant 384 : index
    %swap3A_104 = tpu.vector_load %arg17[%swap3A_103] {strides = array<i32>} : memref<640xf32, #tpu.memory_space<vmem>>, vector<16xf32>,
    %swap3A_105 = vector.shape_cast %swap3A_104 : vector<16xf32> to vector<16xf32>
    %swap3A_106 = vector.shape_cast %broadcast_in_dim3A_7 : vector<16xf32> to vector<16xf32>
    tpu.vector_store %arg17[%swap3A_103], %swap3A_106 {strides = array<i32>} : memref<640xf32, #tpu.memory_space<vmem>>, vector<16xf32>,
    %swap3A_107 = arith.constant 400 : index
    %swap3A_108 = tpu.vector_load %arg17[%swap3A_107] {strides = array<i32>} : memref<640xf32, #tpu.memory_space<vmem>>, vector<16xf32>,
    %swap3A_109 = vector.shape_cast %swap3A_108 : vector<16xf32> to vector<16xf32>
    %swap3A_110 = vector.shape_cast %broadcast_in_dim3A_7 : vector<16xf32> to vector<16xf32>
    tpu.vector_store %arg17[%swap3A_107], %swap3A_110 {strides = array<i32>} : memref<640xf32, #tpu.memory_space<vmem>>, vector<16xf32>,
    %swap3A_111 = arith.constant 416 : index
    %swap3A_112 = tpu.vector_load %arg17[%swap3A_111] {strides = array<i32>} : memref<640xf32, #tpu.memory_space<vmem>>, vector<16xf32>,
    %swap3A_113 = vector.shape_cast %swap3A_112 : vector<16xf32> to vector<16xf32>
    %swap3A_114 = vector.shape_cast %broadcast_in_dim3A_7 : vector<16xf32> to vector<16xf32>
    tpu.vector_store %arg17[%swap3A_111], %swap3A_114 {strides = array<i32>} : memref<640xf32, #tpu.memory_space<vmem>>, vector<16xf32>,
    %swap3A_115 = arith.constant 432 : index
    %swap3A_116 = tpu.vector_load %arg17[%swap3A_115] {strides = array<i32>} : memref<640xf32, #tpu.memory_space<vmem>>, vector<16xf32>,
    %swap3A_117 = vector.shape_cast %swap3A_116 : vector<16xf32> to vector<16xf32>
    %swap3A_118 = vector.shape_cast %broadcast_in_dim3A_7 : vector<16xf32> to vector<16xf32>
    tpu.vector_store %arg17[%swap3A_115], %swap3A_118 {strides = array<i32>} : memref<640xf32, #tpu.memory_space<vmem>>, vector<16xf32>,
    %swap3A_119 = arith.constant 448 : index
    %swap3A_120 = tpu.vector_load %arg17[%swap3A_119] {strides = array<i32>} : memref<640xf32, #tpu.memory_space<vmem>>, vector<16xf32>,
    %swap3A_121 = vector.shape_cast %swap3A_120 : vector<16xf32> to vector<16xf32>
    %swap3A_122 = vector.shape_cast %broadcast_in_dim3A_7 : vector<16xf32> to vector<16xf32>
    tpu.vector_store %arg17[%swap3A_119], %swap3A_122 {strides = array<i32>} : memref<640xf32, #tpu.memory_space<vmem>>, vector<16xf32>,
    %swap3A_123 = arith.constant 464 : index
    %swap3A_124 = tpu.vector_load %arg17[%swap3A_123] {strides = array<i32>} : memref<640xf32, #tpu.memory_space<vmem>>, vector<16xf32>,
    %swap3A_125 = vector.shape_cast %swap3A_124 : vector<16xf32> to vector<16xf32>
    %swap3A_126 = vector.shape_cast %broadcast_in_dim3A_7 : vector<16xf32> to vector<16xf32>
    tpu.vector_store %arg17[%swap3A_123], %swap3A_126 {strides = array<i32>} : memref<640xf32, #tpu.memory_space<vmem>>, vector<16xf32>,
    %swap3A_127 = arith.constant 480 : index
    %swap3A_128 = tpu.vector_load %arg17[%swap3A_127] {strides = array<i32>} : memref<640xf32, #tpu.memory_space<vmem>>, vector<16xf32>,
    %swap3A_129 = vector.shape_cast %swap3A_128 : vector<16xf32> to vector<16xf32>
    %swap3A_130 = vector.shape_cast %broadcast_in_dim3A_7 : vector<16xf32> to vector<16xf32>
    tpu.vector_store %arg17[%swap3A_127], %swap3A_130 {strides = array<i32>} : memref<640xf32, #tpu.memory_space<vmem>>, vector<16xf32>,
    %swap3A_131 = arith.constant 496 : index
    %swap3A_132 = tpu.vector_load %arg17[%swap3A_131] {strides = array<i32>} : memref<640xf32, #tpu.memory_space<vmem>>, vector<16xf32>,
    %swap3A_133 = vector.shape_cast %swap3A_132 : vector<16xf32> to vector<16xf32>
    %swap3A_134 = vector.shape_cast %broadcast_in_dim3A_7 : vector<16xf32> to vector<16xf32>
    tpu.vector_store %arg17[%swap3A_131], %swap3A_134 {strides = array<i32>} : memref<640xf32, #tpu.memory_space<vmem>>, vector<16xf32>,
    %swap3A_135 = arith.constant 512 : index
    %swap3A_136 = tpu.vector_load %arg17[%swap3A_135] {strides = array<i32>} : memref<640xf32, #tpu.memory_space<vmem>>, vector<16xf32>,
    %swap3A_137 = vector.shape_cast %swap3A_136 : vector<16xf32> to vector<16xf32>
    %swap3A_138 = vector.shape_cast %broadcast_in_dim3A_7 : vector<16xf32> to vector<16xf32>
    tpu.vector_store %arg17[%swap3A_135], %swap3A_138 {strides = array<i32>} : memref<640xf32, #tpu.memory_space<vmem>>, vector<16xf32>,
    %swap3A_139 = arith.constant 528 : index
    %swap3A_140 = tpu.vector_load %arg17[%swap3A_139] {strides = array<i32>} : memref<640xf32, #tpu.memory_space<vmem>>, vector<16xf32>,
    %swap3A_141 = vector.shape_cast %swap3A_140 : vector<16xf32> to vector<16xf32>
    %swap3A_142 = vector.shape_cast %broadcast_in_dim3A_7 : vector<16xf32> to vector<16xf32>
    tpu.vector_store %arg17[%swap3A_139], %swap3A_142 {strides = array<i32>} : memref<640xf32, #tpu.memory_space<vmem>>, vector<16xf32>,
    %swap3A_143 = arith.constant 544 : index
    %swap3A_144 = tpu.vector_load %arg17[%swap3A_143] {strides = array<i32>} : memref<640xf32, #tpu.memory_space<vmem>>, vector<16xf32>,
    %swap3A_145 = vector.shape_cast %swap3A_144 : vector<16xf32> to vector<16xf32>
    %swap3A_146 = vector.shape_cast %broadcast_in_dim3A_7 : vector<16xf32> to vector<16xf32>
    tpu.vector_store %arg17[%swap3A_143], %swap3A_146 {strides = array<i32>} : memref<640xf32, #tpu.memory_space<vmem>>, vector<16xf32>,
    %swap3A_147 = arith.constant 560 : index
    %swap3A_148 = tpu.vector_load %arg17[%swap3A_147] {strides = array<i32>} : memref<640xf32, #tpu.memory_space<vmem>>, vector<16xf32>,
    %swap3A_149 = vector.shape_cast %swap3A_148 : vector<16xf32> to vector<16xf32>
    %swap3A_150 = vector.shape_cast %broadcast_in_dim3A_7 : vector<16xf32> to vector<16xf32>
    tpu.vector_store %arg17[%swap3A_147], %swap3A_150 {strides = array<i32>} : memref<640xf32, #tpu.memory_space<vmem>>, vector<16xf32>,
    %swap3A_151 = arith.constant 576 : index
    %swap3A_152 = tpu.vector_load %arg17[%swap3A_151] {strides = array<i32>} : memref<640xf32, #tpu.memory_space<vmem>>, vector<16xf32>,
    %swap3A_153 = vector.shape_cast %swap3A_152 : vector<16xf32> to vector<16xf32>
    %swap3A_154 = vector.shape_cast %broadcast_in_dim3A_7 : vector<16xf32> to vector<16xf32>
    tpu.vector_store %arg17[%swap3A_151], %swap3A_154 {strides = array<i32>} : memref<640xf32, #tpu.memory_space<vmem>>, vector<16xf32>,
    %swap3A_155 = arith.constant 592 : index
    %swap3A_156 = tpu.vector_load %arg17[%swap3A_155] {strides = array<i32>} : memref<640xf32, #tpu.memory_space<vmem>>, vector<16xf32>,
    %swap3A_157 = vector.shape_cast %swap3A_156 : vector<16xf32> to vector<16xf32>
    %swap3A_158 = vector.shape_cast %broadcast_in_dim3A_7 : vector<16xf32> to vector<16xf32>
    tpu.vector_store %arg17[%swap3A_155], %swap3A_158 {strides = array<i32>} : memref<640xf32, #tpu.memory_space<vmem>>, vector<16xf32>,
    %swap3A_159 = arith.constant 608 : index
    %swap3A_160 = tpu.vector_load %arg17[%swap3A_159] {strides = array<i32>} : memref<640xf32, #tpu.memory_space<vmem>>, vector<16xf32>,
    %swap3A_161 = vector.shape_cast %swap3A_160 : vector<16xf32> to vector<16xf32>
    %swap3A_162 = vector.shape_cast %broadcast_in_dim3A_7 : vector<16xf32> to vector<16xf32>
    tpu.vector_store %arg17[%swap3A_159], %swap3A_162 {strides = array<i32>} : memref<640xf32, #tpu.memory_space<vmem>>, vector<16xf32>,
    %swap3A_163 = arith.constant 624 : index
    %swap3A_164 = tpu.vector_load %arg17[%swap3A_163] {strides = array<i32>} : memref<640xf32, #tpu.memory_space<vmem>>, vector<16xf32>,
    %swap3A_165 = vector.shape_cast %swap3A_164 : vector<16xf32> to vector<16xf32>
    %swap3A_166 = vector.shape_cast %broadcast_in_dim3A_7 : vector<16xf32> to vector<16xf32>
    tpu.vector_store %arg17[%swap3A_163], %swap3A_166 {strides = array<i32>} : memref<640xf32, #tpu.memory_space<vmem>>, vector<16xf32>,
    %broadcast_in_dim3A_167 = arith.constant 1.000000e+00 : f32
    %broadcast_in_dim3A_168 = vector.broadcast %broadcast_in_dim3A_167 : f32 to vector<16xf32>
    %swap3A_169 = arith.constant 0 : index
    %swap3A_170 = tpu.vector_load %arg16[%swap3A_169] {strides = array<i32>} : memref<128xf32, #tpu.memory_space<vmem>>, vector<16xf32>,
    %swap3A_171 = vector.shape_cast %swap3A_170 : vector<16xf32> to vector<16xf32>
    %swap3A_172 = vector.shape_cast %broadcast_in_dim3A_168 : vector<16xf32> to vector<16xf32>
    tpu.vector_store %arg16[%swap3A_169], %swap3A_172 {strides = array<i32>} : memref<128xf32, #tpu.memory_space<vmem>>, vector<16xf32>,
    %broadcast_in_dim3A_173 = arith.constant 1.000000e+00 : f32
    %broadcast_in_dim3A_174 = vector.broadcast %broadcast_in_dim3A_173 : f32 to vector<16xf32>
    %swap3A_175 = arith.constant 16 : index
    %swap3A_176 = tpu.vector_load %arg16[%swap3A_175] {strides = array<i32>} : memref<128xf32, #tpu.memory_space<vmem>>, vector<16xf32>,
    %swap3A_177 = vector.shape_cast %swap3A_176 : vector<16xf32> to vector<16xf32>
    %swap3A_178 = vector.shape_cast %broadcast_in_dim3A_174 : vector<16xf32> to vector<16xf32>
    tpu.vector_store %arg16[%swap3A_175], %swap3A_178 {strides = array<i32>} : memref<128xf32, #tpu.memory_space<vmem>>, vector<16xf32>,
    %broadcast_in_dim3A_179 = arith.constant 1.000000e+00 : f32
    %broadcast_in_dim3A_180 = vector.broadcast %broadcast_in_dim3A_179 : f32 to vector<16xf32>
    %swap3A_181 = arith.constant 32 : index
    %swap3A_182 = tpu.vector_load %arg16[%swap3A_181] {strides = array<i32>} : memref<128xf32, #tpu.memory_space<vmem>>, vector<16xf32>,
    %swap3A_183 = vector.shape_cast %swap3A_182 : vector<16xf32> to vector<16xf32>
    %swap3A_184 = vector.shape_cast %broadcast_in_dim3A_180 : vector<16xf32> to vector<16xf32>
    tpu.vector_store %arg16[%swap3A_181], %swap3A_184 {strides = array<i32>} : memref<128xf32, #tpu.memory_space<vmem>>, vector<16xf32>,
    %broadcast_in_dim3A_185 = arith.constant 1.000000e+00 : f32
    %broadcast_in_dim3A_186 = vector.broadcast %broadcast_in_dim3A_185 : f32 to vector<16xf32>
    %swap3A_187 = arith.constant 48 : index
    %swap3A_188 = tpu.vector_load %arg16[%swap3A_187] {strides = array<i32>} : memref<128xf32, #tpu.memory_space<vmem>>, vector<16xf32>,
    %swap3A_189 = vector.shape_cast %swap3A_188 : vector<16xf32> to vector<16xf32>
    %swap3A_190 = vector.shape_cast %broadcast_in_dim3A_186 : vector<16xf32> to vector<16xf32>
    tpu.vector_store %arg16[%swap3A_187], %swap3A_190 {strides = array<i32>} : memref<128xf32, #tpu.memory_space<vmem>>, vector<16xf32>,
    %broadcast_in_dim3A_191 = arith.constant 1.000000e+00 : f32
    %broadcast_in_dim3A_192 = vector.broadcast %broadcast_in_dim3A_191 : f32 to vector<16xf32>
    %swap3A_193 = arith.constant 64 : index
    %swap3A_194 = tpu.vector_load %arg16[%swap3A_193] {strides = array<i32>} : memref<128xf32, #tpu.memory_space<vmem>>, vector<16xf32>,
    %swap3A_195 = vector.shape_cast %swap3A_194 : vector<16xf32> to vector<16xf32>
    %swap3A_196 = vector.shape_cast %broadcast_in_dim3A_192 : vector<16xf32> to vector<16xf32>
    tpu.vector_store %arg16[%swap3A_193], %swap3A_196 {strides = array<i32>} : memref<128xf32, #tpu.memory_space<vmem>>, vector<16xf32>,
    %broadcast_in_dim3A_197 = arith.constant 1.000000e+00 : f32
    %broadcast_in_dim3A_198 = vector.broadcast %broadcast_in_dim3A_197 : f32 to vector<16xf32>
    %swap3A_199 = arith.constant 80 : index
    %swap3A_200 = tpu.vector_load %arg16[%swap3A_199] {strides = array<i32>} : memref<128xf32, #tpu.memory_space<vmem>>, vector<16xf32>,
    %swap3A_201 = vector.shape_cast %swap3A_200 : vector<16xf32> to vector<16xf32>
    %swap3A_202 = vector.shape_cast %broadcast_in_dim3A_198 : vector<16xf32> to vector<16xf32>
    tpu.vector_store %arg16[%swap3A_199], %swap3A_202 {strides = array<i32>} : memref<128xf32, #tpu.memory_space<vmem>>, vector<16xf32>,
    %broadcast_in_dim3A_203 = arith.constant 1.000000e+00 : f32
    %broadcast_in_dim3A_204 = vector.broadcast %broadcast_in_dim3A_203 : f32 to vector<16xf32>
    %swap3A_205 = arith.constant 96 : index
    %swap3A_206 = tpu.vector_load %arg16[%swap3A_205] {strides = array<i32>} : memref<128xf32, #tpu.memory_space<vmem>>, vector<16xf32>,
    %swap3A_207 = vector.shape_cast %swap3A_206 : vector<16xf32> to vector<16xf32>
    %swap3A_208 = vector.shape_cast %broadcast_in_dim3A_204 : vector<16xf32> to vector<16xf32>
    tpu.vector_store %arg16[%swap3A_205], %swap3A_208 {strides = array<i32>} : memref<128xf32, #tpu.memory_space<vmem>>, vector<16xf32>,
    %broadcast_in_dim3A_209 = arith.constant 1.000000e+00 : f32
    %broadcast_in_dim3A_210 = vector.broadcast %broadcast_in_dim3A_209 : f32 to vector<16xf32>
    %swap3A_211 = arith.constant 112 : index
    %swap3A_212 = tpu.vector_load %arg16[%swap3A_211] {strides = array<i32>} : memref<128xf32, #tpu.memory_space<vmem>>, vector<16xf32>,
    %swap3A_213 = vector.shape_cast %swap3A_212 : vector<16xf32> to vector<16xf32>
    %swap3A_214 = vector.shape_cast %broadcast_in_dim3A_210 : vector<16xf32> to vector<16xf32>
    tpu.vector_store %arg16[%swap3A_211], %swap3A_214 {strides = array<i32>} : memref<128xf32, #tpu.memory_space<vmem>>, vector<16xf32>,
    %mul3A_215 = arith.constant 632 : i32
    %mul3A_216 = arith.muli %arg1, %mul3A_215 : i32
    %lt3A_217 = arith.constant 15 : i32
    %lt3A_218 = arith.cmpi slt, %arg1, %lt3A_217 : i32
    %convert_element_type3A_219 = arith.extui %lt3A_218 : i1 to i32
    %cond3A_220 = arith.constant 0 : i32
    %cond3A_221 = arith.cmpi ne, %convert_element_type3A_219, %cond3A_220 : i32
    scf.if %cond3A_221 {
      "tpu.region"() ({
        %run_scoped3A = tpu.sem_alloc : memref<!tpu.dma_semaphore, #tpu.memory_space<semaphore_mem>>
        %dma_start3A = arith.constant 0 : i32
        %dma_start3A_294 = tpu.memref_slice %arg17[%dma_start3A] : memref<640xf32, #tpu.memory_space<vmem>> -> memref<632xf32, #tpu.memory_space<vmem>>
        %dma_start3A_295 = tpu.memref_slice %arg12[%mul3A_216] : memref<10000xf32, #tpu.memory_space<vmem_shared>> -> memref<632xf32, #tpu.memory_space<vmem_shared>>
        %dma_start3A_296 = tpu.memref_slice %arg12[%mul3A_216] : memref<10000xf32, #tpu.memory_space<vmem_shared>> -> memref<632xf32, #tpu.memory_space<vmem_shared>>
        %dma_start3A_297 = arith.constant 0 : i32
        %dma_start3A_298 = tpu.memref_slice %arg17[%dma_start3A_297] : memref<640xf32, #tpu.memory_space<vmem>> -> memref<632xf32, #tpu.memory_space<vmem>>
        tpu.enqueue_dma source(%dma_start3A_298 : memref<632xf32, #tpu.memory_space<vmem>>) target(%dma_start3A_296 : memref<632xf32, #tpu.memory_space<vmem_shared>>) target_semaphore(%run_scoped3A : memref<!tpu.dma_semaphore, #tpu.memory_space<semaphore_mem>>)
        %dma_wait3A = arith.constant 0 : i32
        %dma_wait3A_299 = tpu.memref_slice %arg17[%dma_wait3A] : memref<640xf32, #tpu.memory_space<vmem>> -> memref<632xf32, #tpu.memory_space<vmem>>
        %dma_wait3A_300 = tpu.memref_slice %arg12[%mul3A_216] : memref<10000xf32, #tpu.memory_space<vmem_shared>> -> memref<632xf32, #tpu.memory_space<vmem_shared>>
        %dma_wait3A_301 = tpu.memref_slice %arg12[%mul3A_216] : memref<10000xf32, #tpu.memory_space<vmem_shared>> -> memref<632xf32, #tpu.memory_space<vmem_shared>>
        %dma_wait3A_302 = arith.constant 0 : i32
        %dma_wait3A_303 = tpu.memref_slice %arg17[%dma_wait3A_302] : memref<640xf32, #tpu.memory_space<vmem>> -> memref<632xf32, #tpu.memory_space<vmem>>
        tpu.wait_dma2 semaphore(%run_scoped3A : memref<!tpu.dma_semaphore, #tpu.memory_space<semaphore_mem>>) src(%dma_wait3A_303 : memref<632xf32, #tpu.memory_space<vmem>>) dst(%dma_wait3A_301 : memref<632xf32, #tpu.memory_space<vmem_shared>>)
        tpu.yield
      }) : () -> ()
    } else {
    }
    %eq3A_222 = arith.constant 15 : i32
    %eq3A_223 = arith.cmpi eq, %arg1, %eq3A_222 : i32
    %convert_element_type3A_224 = arith.extui %eq3A_223 : i1 to i32
    %cond3A_225 = arith.constant 0 : i32
    %cond3A_226 = arith.cmpi ne, %convert_element_type3A_224, %cond3A_225 : i32
    scf.if %cond3A_226 {
      "tpu.region"() ({
        %run_scoped3A = tpu.sem_alloc : memref<!tpu.dma_semaphore, #tpu.memory_space<semaphore_mem>>
        %dma_start3A = arith.constant 0 : i32
        %dma_start3A_294 = tpu.memref_slice %arg17[%dma_start3A] : memref<640xf32, #tpu.memory_space<vmem>> -> memref<520xf32, #tpu.memory_space<vmem>>
        %dma_start3A_295 = tpu.memref_slice %arg12[%mul3A_216] : memref<10000xf32, #tpu.memory_space<vmem_shared>> -> memref<520xf32, #tpu.memory_space<vmem_shared>>
        %dma_start3A_296 = tpu.memref_slice %arg12[%mul3A_216] : memref<10000xf32, #tpu.memory_space<vmem_shared>> -> memref<520xf32, #tpu.memory_space<vmem_shared>>
        %dma_start3A_297 = arith.constant 0 : i32
        %dma_start3A_298 = tpu.memref_slice %arg17[%dma_start3A_297] : memref<640xf32, #tpu.memory_space<vmem>> -> memref<520xf32, #tpu.memory_space<vmem>>
        tpu.enqueue_dma source(%dma_start3A_298 : memref<520xf32, #tpu.memory_space<vmem>>) target(%dma_start3A_296 : memref<520xf32, #tpu.memory_space<vmem_shared>>) target_semaphore(%run_scoped3A : memref<!tpu.dma_semaphore, #tpu.memory_space<semaphore_mem>>)
        %dma_wait3A = arith.constant 0 : i32
        %dma_wait3A_299 = tpu.memref_slice %arg17[%dma_wait3A] : memref<640xf32, #tpu.memory_space<vmem>> -> memref<520xf32, #tpu.memory_space<vmem>>
        %dma_wait3A_300 = tpu.memref_slice %arg12[%mul3A_216] : memref<10000xf32, #tpu.memory_space<vmem_shared>> -> memref<520xf32, #tpu.memory_space<vmem_shared>>
        %dma_wait3A_301 = tpu.memref_slice %arg12[%mul3A_216] : memref<10000xf32, #tpu.memory_space<vmem_shared>> -> memref<520xf32, #tpu.memory_space<vmem_shared>>
        %dma_wait3A_302 = arith.constant 0 : i32
        %dma_wait3A_303 = tpu.memref_slice %arg17[%dma_wait3A_302] : memref<640xf32, #tpu.memory_space<vmem>> -> memref<520xf32, #tpu.memory_space<vmem>>
        tpu.wait_dma2 semaphore(%run_scoped3A : memref<!tpu.dma_semaphore, #tpu.memory_space<semaphore_mem>>) src(%dma_wait3A_303 : memref<520xf32, #tpu.memory_space<vmem>>) dst(%dma_wait3A_301 : memref<520xf32, #tpu.memory_space<vmem_shared>>)
        tpu.yield
      }) : () -> ()
    } else {
    }
    %barrier3A = arith.constant 0 : index
    tpu.barrier barrier_id(%barrier3A)
    %mul3A_227 = arith.constant 1250 : i32
    %mul3A_228 = arith.muli %arg1, %mul3A_227 : i32
    %jit3A = arith.constant 16 : i32
    %div3A = arith.divsi %mul3A_228, %jit3A : i32
    %sign3A = arith.constant 0 : i32
    %sign3A_229 = arith.cmpi sgt, %mul3A_228, %sign3A : i32
    %sign3A_230 = arith.extui %sign3A_229 : i1 to i32
    %sign3A_231 = arith.constant 0 : i32
    %sign3A_232 = arith.cmpi slt, %mul3A_228, %sign3A_231 : i32
    %sign3A_233 = arith.extui %sign3A_232 : i1 to i32
    %sign3A_234 = arith.subi %sign3A_230, %sign3A_233 : i32
    %sign3A_235 = arith.constant 0 : i32
    %sign3A_236 = arith.cmpi sgt, %jit3A, %sign3A_235 : i32
    %sign3A_237 = arith.extui %sign3A_236 : i1 to i32
    %sign3A_238 = arith.constant 0 : i32
    %sign3A_239 = arith.cmpi slt, %jit3A, %sign3A_238 : i32
    %sign3A_240 = arith.extui %sign3A_239 : i1 to i32
    %sign3A_241 = arith.subi %sign3A_237, %sign3A_240 : i32
    %ne3A = arith.cmpi ne, %sign3A_234, %sign3A_241 : i32
    %rem3A = arith.remsi %mul3A_228, %jit3A : i32
    %ne3A_242 = arith.constant 0 : i32
    %ne3A_243 = arith.cmpi ne, %rem3A, %ne3A_242 : i32
    %and3A = arith.andi %ne3A, %ne3A_243 : i1
    %sub3A = arith.constant 1 : i32
    %sub3A_244 = arith.subi %div3A, %sub3A : i32
    %select_n3A = arith.select %and3A, %sub3A_244, %div3A : i32
    %add3A = arith.constant 1 : i32
    %add3A_245 = arith.addi %arg1, %add3A : i32
    %mul3A_246 = arith.constant 1250 : i32
    %mul3A_247 = arith.muli %add3A_245, %mul3A_246 : i32
    %jit3A_248 = arith.constant 16 : i32
    %div3A_249 = arith.divsi %mul3A_247, %jit3A_248 : i32
    %sign3A_250 = arith.constant 0 : i32
    %sign3A_251 = arith.cmpi sgt, %mul3A_247, %sign3A_250 : i32
    %sign3A_252 = arith.extui %sign3A_251 : i1 to i32
    %sign3A_253 = arith.constant 0 : i32
    %sign3A_254 = arith.cmpi slt, %mul3A_247, %sign3A_253 : i32
    %sign3A_255 = arith.extui %sign3A_254 : i1 to i32
    %sign3A_256 = arith.subi %sign3A_252, %sign3A_255 : i32
    %sign3A_257 = arith.constant 0 : i32
    %sign3A_258 = arith.cmpi sgt, %jit3A_248, %sign3A_257 : i32
    %sign3A_259 = arith.extui %sign3A_258 : i1 to i32
    %sign3A_260 = arith.constant 0 : i32
    %sign3A_261 = arith.cmpi slt, %jit3A_248, %sign3A_260 : i32
    %sign3A_262 = arith.extui %sign3A_261 : i1 to i32
    %sign3A_263 = arith.subi %sign3A_259, %sign3A_262 : i32
    %ne3A_264 = arith.cmpi ne, %sign3A_256, %sign3A_263 : i32
    %rem3A_265 = arith.remsi %mul3A_247, %jit3A_248 : i32
    %ne3A_266 = arith.constant 0 : i32
    %ne3A_267 = arith.cmpi ne, %rem3A_265, %ne3A_266 : i32
    %and3A_268 = arith.andi %ne3A_264, %ne3A_267 : i1
    %sub3A_269 = arith.constant 1 : i32
    %sub3A_270 = arith.subi %div3A_249, %sub3A_269 : i32
    %select_n3A_271 = arith.select %and3A_268, %sub3A_270, %div3A_249 : i32
    %sub3A_272 = arith.subi %select_n3A_271, %select_n3A : i32
    %eq3A_273 = arith.constant 0 : i32
    %eq3A_274 = arith.cmpi eq, %arg0, %eq3A_273 : i32
    %convert_element_type3A_275 = arith.extui %eq3A_274 : i1 to i32
    %cond3A_276 = arith.constant 0 : i32
    %cond3A_277 = arith.cmpi ne, %convert_element_type3A_275, %cond3A_276 : i32
    scf.if %cond3A_277 {
      "tpu.region"() ({
        %run_scoped3A = tpu.sem_alloc : memref<!tpu.dma_semaphore, #tpu.memory_space<semaphore_mem>>
        %dma_start3A_362 = arith.constant 0 : i32
        %dma_start3A_363 = arith.constant 0 : i32
        %dma_start3A_364 = arith.constant 0 : i32
        %dma_start3A_365 = tpu.memref_slice %arg13[%dma_start3A_362, %dma_start3A_363, %dma_start3A_364] : memref<40x2x128xi32, #tpu.memory_space<vmem>> -> memref<40x2x128xi32, #tpu.memory_space<vmem>>
        %dma_start3A_366 = arith.constant 0 : i32
        %dma_start3A_367 = arith.constant 0 : i32
        %dma_start3A_368 = tpu.memref_slice %arg4[%select_n3A, %dma_start3A_366, %dma_start3A_367] : memref<1250x2x128xi32, #tpu.memory_space<hbm>> -> memref<40x2x128xi32, #tpu.memory_space<hbm>>
        %dma_start3A_369 = arith.constant 0 : i32
        %dma_start3A_370 = arith.constant 0 : i32
        %dma_start3A_371 = arith.constant 0 : i32
        %dma_start3A_372 = tpu.memref_slice %arg13[%dma_start3A_369, %dma_start3A_370, %dma_start3A_371] : memref<40x2x128xi32, #tpu.memory_space<vmem>> -> memref<40x2x128xi32, #tpu.memory_space<vmem>>
        %dma_start3A_373 = arith.constant 0 : i32
        %dma_start3A_374 = arith.constant 0 : i32
        %dma_start3A_375 = tpu.memref_slice %arg4[%select_n3A, %dma_start3A_373, %dma_start3A_374] : memref<1250x2x128xi32, #tpu.memory_space<hbm>> -> memref<40x2x128xi32, #tpu.memory_space<hbm>>
        tpu.enqueue_dma source(%dma_start3A_375 : memref<40x2x128xi32, #tpu.memory_space<hbm>>) target(%dma_start3A_372 : memref<40x2x128xi32, #tpu.memory_space<vmem>>) target_semaphore(%run_scoped3A : memref<!tpu.dma_semaphore, #tpu.memory_space<semaphore_mem>>)
        %dma_wait3A_376 = arith.constant 0 : i32
        %dma_wait3A_377 = arith.constant 0 : i32
        %dma_wait3A_378 = arith.constant 0 : i32
        %dma_wait3A_379 = tpu.memref_slice %arg13[%dma_wait3A_376, %dma_wait3A_377, %dma_wait3A_378] : memref<40x2x128xi32, #tpu.memory_space<vmem>> -> memref<40x2x128xi32, #tpu.memory_space<vmem>>
        %dma_wait3A_380 = arith.constant 0 : i32
        %dma_wait3A_381 = arith.constant 0 : i32
        %dma_wait3A_382 = tpu.memref_slice %arg4[%select_n3A, %dma_wait3A_380, %dma_wait3A_381] : memref<1250x2x128xi32, #tpu.memory_space<hbm>> -> memref<40x2x128xi32, #tpu.memory_space<hbm>>
        %dma_wait3A_383 = arith.constant 0 : i32
        %dma_wait3A_384 = arith.constant 0 : i32
        %dma_wait3A_385 = arith.constant 0 : i32
        %dma_wait3A_386 = tpu.memref_slice %arg13[%dma_wait3A_383, %dma_wait3A_384, %dma_wait3A_385] : memref<40x2x128xi32, #tpu.memory_space<vmem>> -> memref<40x2x128xi32, #tpu.memory_space<vmem>>
        %dma_wait3A_387 = arith.constant 0 : i32
        %dma_wait3A_388 = arith.constant 0 : i32
        %dma_wait3A_389 = tpu.memref_slice %arg4[%select_n3A, %dma_wait3A_387, %dma_wait3A_388] : memref<1250x2x128xi32, #tpu.memory_space<hbm>> -> memref<40x2x128xi32, #tpu.memory_space<hbm>>
        tpu.wait_dma2 semaphore(%run_scoped3A : memref<!tpu.dma_semaphore, #tpu.memory_space<semaphore_mem>>) src(%dma_wait3A_389 : memref<40x2x128xi32, #tpu.memory_space<hbm>>) dst(%dma_wait3A_386 : memref<40x2x128xi32, #tpu.memory_space<vmem>>)
        tpu.yield
      }) : () -> ()
      %dma_start3A = arith.constant 0 : i32
      %dma_start3A_294 = arith.constant 0 : i32
      %dma_start3A_295 = arith.constant 0 : i32
      %dma_start3A_296 = tpu.memref_slice %arg13[%dma_start3A, %dma_start3A_294, %dma_start3A_295] : memref<40x2x128xi32, #tpu.memory_space<vmem>> -> memref<1x1x128xi32, #tpu.memory_space<vmem>>
      %dma_start3A_297 = tpu.memref_squeeze %dma_start3A_296 : memref<1x1x128xi32, #tpu.memory_space<vmem>> -> memref<128xi32, #tpu.memory_space<vmem>>
      %dma_start3A_298 = arith.constant 0 : i32
      %dma_start3A_299 = arith.constant 0 : i32
      %dma_start3A_300 = tpu.memref_slice %arg2[%dma_start3A_298, %dma_start3A_299] : memref<10000x128xf32, #tpu.memory_space<hbm>> -> memref<10000x128xf32, #tpu.memory_space<hbm>>
      tpu.enqueue_indirect_dma source(%dma_start3A_300 : memref<10000x128xf32, #tpu.memory_space<hbm>>) target(%arg14 : memref<128x128xf32, #tpu.memory_space<vmem>>) offsets(%dma_start3A_297 : memref<128xi32, #tpu.memory_space<vmem>>) semaphore(%arg18 : memref<!tpu.dma_semaphore, #tpu.memory_space<semaphore_mem>>)
      %scan3A = arith.constant 0 : i32
      %scan3A_301 = arith.constant 0 : i32
      %scan3A_302 = arith.constant 20 : i32
      %scan3A_303 = arith.addi %scan3A_301, %scan3A_302 : i32
      %scan3A_304 = arith.constant 1 : i32
      scf.for %scan3A_362 = %scan3A_301 to %scan3A_303 step %scan3A_304  : i32 {
        %gt3A_363 = arith.constant 0 : i32
        %gt3A_364 = arith.cmpi sgt, %scan3A_362, %gt3A_363 : i32
        %convert_element_type3A_365 = arith.extui %gt3A_364 : i1 to i32
        %cond3A_366 = arith.constant 0 : i32
        %cond3A_367 = arith.cmpi ne, %convert_element_type3A_365, %cond3A_366 : i32
        scf.if %cond3A_367 {
          %mul3A_455 = arith.constant 2 : i32
          %mul3A_456 = arith.muli %mul3A_455, %scan3A_362 : i32
          %sub3A_457 = arith.constant 1 : i32
          %sub3A_458 = arith.subi %mul3A_456, %sub3A_457 : i32
          %dma_wait3A_459 = arith.constant 1 : i32
          %dma_wait3A_460 = arith.constant 0 : i32
          %dma_wait3A_461 = tpu.memref_slice %arg13[%sub3A_458, %dma_wait3A_459, %dma_wait3A_460] : memref<40x2x128xi32, #tpu.memory_space<vmem>> -> memref<1x1x128xi32, #tpu.memory_space<vmem>>
          %dma_wait3A_462 = tpu.memref_squeeze %dma_wait3A_461 : memref<1x1x128xi32, #tpu.memory_space<vmem>> -> memref<128xi32, #tpu.memory_space<vmem>>
          %dma_wait3A_463 = arith.constant 0 : i32
          %dma_wait3A_464 = arith.constant 0 : i32
          %dma_wait3A_465 = tpu.memref_slice %arg11[%dma_wait3A_463, %dma_wait3A_464] : memref<10000x128xf32, #tpu.memory_space<vmem_shared>> -> memref<10000x128xf32, #tpu.memory_space<vmem_shared>>
          tpu.wait_indirect_dma semaphore(%arg21 : memref<!tpu.dma_semaphore, #tpu.memory_space<semaphore_mem>>) src(%arg15 : memref<128x128xf32, #tpu.memory_space<vmem>>) dst(%dma_wait3A_465 : memref<10000x128xf32, #tpu.memory_space<vmem_shared>>)
          %dma_wait3A_466 = arith.constant 1 : i32
          %dma_wait3A_467 = arith.constant 0 : i32
          %dma_wait3A_468 = tpu.memref_slice %arg13[%sub3A_458, %dma_wait3A_466, %dma_wait3A_467] : memref<40x2x128xi32, #tpu.memory_space<vmem>> -> memref<1x1x128xi32, #tpu.memory_space<vmem>>
          %dma_wait3A_469 = tpu.memref_squeeze %dma_wait3A_468 : memref<1x1x128xi32, #tpu.memory_space<vmem>> -> memref<128xi32, #tpu.memory_space<vmem>>
          %dma_wait3A_470 = arith.constant 0 : i32
          %dma_wait3A_471 = tpu.memref_slice %arg12[%dma_wait3A_470] : memref<10000xf32, #tpu.memory_space<vmem_shared>> -> memref<10000xf32, #tpu.memory_space<vmem_shared>>
          tpu.wait_indirect_dma semaphore(%arg23 : memref<!tpu.dma_semaphore, #tpu.memory_space<semaphore_mem>>) src(%arg16 : memref<128xf32, #tpu.memory_space<vmem>>) dst(%dma_wait3A_471 : memref<10000xf32, #tpu.memory_space<vmem_shared>>)
        } else {
        }
        %mul3A_368 = arith.constant 2 : i32
        %mul3A_369 = arith.muli %mul3A_368, %scan3A_362 : i32
        %add3A_370 = arith.constant 1 : i32
        %add3A_371 = arith.addi %mul3A_369, %add3A_370 : i32
        %dma_start3A_372 = arith.constant 0 : i32
        %dma_start3A_373 = arith.constant 0 : i32
        %dma_start3A_374 = tpu.memref_slice %arg13[%add3A_371, %dma_start3A_372, %dma_start3A_373] : memref<40x2x128xi32, #tpu.memory_space<vmem>> -> memref<1x1x128xi32, #tpu.memory_space<vmem>>
        %dma_start3A_375 = tpu.memref_squeeze %dma_start3A_374 : memref<1x1x128xi32, #tpu.memory_space<vmem>> -> memref<128xi32, #tpu.memory_space<vmem>>
        %dma_start3A_376 = arith.constant 0 : i32
        %dma_start3A_377 = arith.constant 0 : i32
        %dma_start3A_378 = tpu.memref_slice %arg2[%dma_start3A_376, %dma_start3A_377] : memref<10000x128xf32, #tpu.memory_space<hbm>> -> memref<10000x128xf32, #tpu.memory_space<hbm>>
        tpu.enqueue_indirect_dma source(%dma_start3A_378 : memref<10000x128xf32, #tpu.memory_space<hbm>>) target(%arg15 : memref<128x128xf32, #tpu.memory_space<vmem>>) offsets(%dma_start3A_375 : memref<128xi32, #tpu.memory_space<vmem>>) semaphore(%arg19 : memref<!tpu.dma_semaphore, #tpu.memory_space<semaphore_mem>>)
        %mul3A_379 = arith.constant 2 : i32
        %mul3A_380 = arith.muli %mul3A_379, %scan3A_362 : i32
        %dma_wait3A_381 = arith.constant 0 : i32
        %dma_wait3A_382 = arith.constant 0 : i32
        %dma_wait3A_383 = tpu.memref_slice %arg13[%mul3A_380, %dma_wait3A_381, %dma_wait3A_382] : memref<40x2x128xi32, #tpu.memory_space<vmem>> -> memref<1x1x128xi32, #tpu.memory_space<vmem>>
        %dma_wait3A_384 = tpu.memref_squeeze %dma_wait3A_383 : memref<1x1x128xi32, #tpu.memory_space<vmem>> -> memref<128xi32, #tpu.memory_space<vmem>>
        %dma_wait3A_385 = arith.constant 0 : i32
        %dma_wait3A_386 = arith.constant 0 : i32
        %dma_wait3A_387 = tpu.memref_slice %arg2[%dma_wait3A_385, %dma_wait3A_386] : memref<10000x128xf32, #tpu.memory_space<hbm>> -> memref<10000x128xf32, #tpu.memory_space<hbm>>
        tpu.wait_indirect_dma semaphore(%arg18 : memref<!tpu.dma_semaphore, #tpu.memory_space<semaphore_mem>>) src(%dma_wait3A_387 : memref<10000x128xf32, #tpu.memory_space<hbm>>) dst(%arg14 : memref<128x128xf32, #tpu.memory_space<vmem>>)
        %mul3A_388 = arith.constant 2 : i32
        %mul3A_389 = arith.muli %mul3A_388, %scan3A_362 : i32
        %dma_start3A_390 = arith.constant 1 : i32
        %dma_start3A_391 = arith.constant 0 : i32
        %dma_start3A_392 = tpu.memref_slice %arg13[%mul3A_389, %dma_start3A_390, %dma_start3A_391] : memref<40x2x128xi32, #tpu.memory_space<vmem>> -> memref<1x1x128xi32, #tpu.memory_space<vmem>>
        %dma_start3A_393 = tpu.memref_squeeze %dma_start3A_392 : memref<1x1x128xi32, #tpu.memory_space<vmem>> -> memref<128xi32, #tpu.memory_space<vmem>>
        %dma_start3A_394 = arith.constant 0 : i32
        %dma_start3A_395 = arith.constant 0 : i32
        %dma_start3A_396 = tpu.memref_slice %arg11[%dma_start3A_394, %dma_start3A_395] : memref<10000x128xf32, #tpu.memory_space<vmem_shared>> -> memref<10000x128xf32, #tpu.memory_space<vmem_shared>>
        tpu.enqueue_indirect_dma source(%arg14 : memref<128x128xf32, #tpu.memory_space<vmem>>) target(%dma_start3A_396 : memref<10000x128xf32, #tpu.memory_space<vmem_shared>>) offsets(%dma_start3A_393 : memref<128xi32, #tpu.memory_space<vmem>>) semaphore(%arg20 : memref<!tpu.dma_semaphore, #tpu.memory_space<semaphore_mem>>) {add = true}
        %dma_start3A_397 = arith.constant 1 : i32
        %dma_start3A_398 = arith.constant 0 : i32
        %dma_start3A_399 = tpu.memref_slice %arg13[%mul3A_389, %dma_start3A_397, %dma_start3A_398] : memref<40x2x128xi32, #tpu.memory_space<vmem>> -> memref<1x1x128xi32, #tpu.memory_space<vmem>>
        %dma_start3A_400 = tpu.memref_squeeze %dma_start3A_399 : memref<1x1x128xi32, #tpu.memory_space<vmem>> -> memref<128xi32, #tpu.memory_space<vmem>>
        %dma_start3A_401 = arith.constant 0 : i32
        %dma_start3A_402 = tpu.memref_slice %arg12[%dma_start3A_401] : memref<10000xf32, #tpu.memory_space<vmem_shared>> -> memref<10000xf32, #tpu.memory_space<vmem_shared>>
        tpu.enqueue_indirect_dma source(%arg16 : memref<128xf32, #tpu.memory_space<vmem>>) target(%dma_start3A_402 : memref<10000xf32, #tpu.memory_space<vmem_shared>>) offsets(%dma_start3A_400 : memref<128xi32, #tpu.memory_space<vmem>>) semaphore(%arg22 : memref<!tpu.dma_semaphore, #tpu.memory_space<semaphore_mem>>) {add = true}
        %mul3A_403 = arith.constant 2 : i32
        %mul3A_404 = arith.muli %mul3A_403, %scan3A_362 : i32
        %dma_wait3A_405 = arith.constant 1 : i32
        %dma_wait3A_406 = arith.constant 0 : i32
        %dma_wait3A_407 = tpu.memref_slice %arg13[%mul3A_404, %dma_wait3A_405, %dma_wait3A_406] : memref<40x2x128xi32, #tpu.memory_space<vmem>> -> memref<1x1x128xi32, #tpu.memory_space<vmem>>
        %dma_wait3A_408 = tpu.memref_squeeze %dma_wait3A_407 : memref<1x1x128xi32, #tpu.memory_space<vmem>> -> memref<128xi32, #tpu.memory_space<vmem>>
        %dma_wait3A_409 = arith.constant 0 : i32
        %dma_wait3A_410 = arith.constant 0 : i32
        %dma_wait3A_411 = tpu.memref_slice %arg11[%dma_wait3A_409, %dma_wait3A_410] : memref<10000x128xf32, #tpu.memory_space<vmem_shared>> -> memref<10000x128xf32, #tpu.memory_space<vmem_shared>>
        tpu.wait_indirect_dma semaphore(%arg20 : memref<!tpu.dma_semaphore, #tpu.memory_space<semaphore_mem>>) src(%arg14 : memref<128x128xf32, #tpu.memory_space<vmem>>) dst(%dma_wait3A_411 : memref<10000x128xf32, #tpu.memory_space<vmem_shared>>)
        %dma_wait3A_412 = arith.constant 1 : i32
        %dma_wait3A_413 = arith.constant 0 : i32
        %dma_wait3A_414 = tpu.memref_slice %arg13[%mul3A_404, %dma_wait3A_412, %dma_wait3A_413] : memref<40x2x128xi32, #tpu.memory_space<vmem>> -> memref<1x1x128xi32, #tpu.memory_space<vmem>>
        %dma_wait3A_415 = tpu.memref_squeeze %dma_wait3A_414 : memref<1x1x128xi32, #tpu.memory_space<vmem>> -> memref<128xi32, #tpu.memory_space<vmem>>
        %dma_wait3A_416 = arith.constant 0 : i32
        %dma_wait3A_417 = tpu.memref_slice %arg12[%dma_wait3A_416] : memref<10000xf32, #tpu.memory_space<vmem_shared>> -> memref<10000xf32, #tpu.memory_space<vmem_shared>>
        tpu.wait_indirect_dma semaphore(%arg22 : memref<!tpu.dma_semaphore, #tpu.memory_space<semaphore_mem>>) src(%arg16 : memref<128xf32, #tpu.memory_space<vmem>>) dst(%dma_wait3A_417 : memref<10000xf32, #tpu.memory_space<vmem_shared>>)
        %mul3A_418 = arith.constant 2 : i32
        %mul3A_419 = arith.muli %mul3A_418, %scan3A_362 : i32
        %add3A_420 = arith.constant 2 : i32
        %add3A_421 = arith.addi %mul3A_419, %add3A_420 : i32
        %lt3A_422 = arith.constant 40 : i32
        %lt3A_423 = arith.cmpi slt, %add3A_421, %lt3A_422 : i32
        %convert_element_type3A_424 = arith.extui %lt3A_423 : i1 to i32
        %cond3A_425 = arith.constant 0 : i32
        %cond3A_426 = arith.cmpi ne, %convert_element_type3A_424, %cond3A_425 : i32
        scf.if %cond3A_426 {
          %mul3A_455 = arith.constant 2 : i32
          %mul3A_456 = arith.muli %mul3A_455, %scan3A_362 : i32
          %add3A_457 = arith.constant 2 : i32
          %add3A_458 = arith.addi %mul3A_456, %add3A_457 : i32
          %dma_start3A_459 = arith.constant 0 : i32
          %dma_start3A_460 = arith.constant 0 : i32
          %dma_start3A_461 = tpu.memref_slice %arg13[%add3A_458, %dma_start3A_459, %dma_start3A_460] : memref<40x2x128xi32, #tpu.memory_space<vmem>> -> memref<1x1x128xi32, #tpu.memory_space<vmem>>
          %dma_start3A_462 = tpu.memref_squeeze %dma_start3A_461 : memref<1x1x128xi32, #tpu.memory_space<vmem>> -> memref<128xi32, #tpu.memory_space<vmem>>
          %dma_start3A_463 = arith.constant 0 : i32
          %dma_start3A_464 = arith.constant 0 : i32
          %dma_start3A_465 = tpu.memref_slice %arg2[%dma_start3A_463, %dma_start3A_464] : memref<10000x128xf32, #tpu.memory_space<hbm>> -> memref<10000x128xf32, #tpu.memory_space<hbm>>
          tpu.enqueue_indirect_dma source(%dma_start3A_465 : memref<10000x128xf32, #tpu.memory_space<hbm>>) target(%arg14 : memref<128x128xf32, #tpu.memory_space<vmem>>) offsets(%dma_start3A_462 : memref<128xi32, #tpu.memory_space<vmem>>) semaphore(%arg18 : memref<!tpu.dma_semaphore, #tpu.memory_space<semaphore_mem>>)
        } else {
        }
        %mul3A_427 = arith.constant 2 : i32
        %mul3A_428 = arith.muli %mul3A_427, %scan3A_362 : i32
        %add3A_429 = arith.constant 1 : i32
        %add3A_430 = arith.addi %mul3A_428, %add3A_429 : i32
        %dma_wait3A_431 = arith.constant 0 : i32
        %dma_wait3A_432 = arith.constant 0 : i32
        %dma_wait3A_433 = tpu.memref_slice %arg13[%add3A_430, %dma_wait3A_431, %dma_wait3A_432] : memref<40x2x128xi32, #tpu.memory_space<vmem>> -> memref<1x1x128xi32, #tpu.memory_space<vmem>>
        %dma_wait3A_434 = tpu.memref_squeeze %dma_wait3A_433 : memref<1x1x128xi32, #tpu.memory_space<vmem>> -> memref<128xi32, #tpu.memory_space<vmem>>
        %dma_wait3A_435 = arith.constant 0 : i32
        %dma_wait3A_436 = arith.constant 0 : i32
        %dma_wait3A_437 = tpu.memref_slice %arg2[%dma_wait3A_435, %dma_wait3A_436] : memref<10000x128xf32, #tpu.memory_space<hbm>> -> memref<10000x128xf32, #tpu.memory_space<hbm>>
        tpu.wait_indirect_dma semaphore(%arg19 : memref<!tpu.dma_semaphore, #tpu.memory_space<semaphore_mem>>) src(%dma_wait3A_437 : memref<10000x128xf32, #tpu.memory_space<hbm>>) dst(%arg15 : memref<128x128xf32, #tpu.memory_space<vmem>>)
        %mul3A_438 = arith.constant 2 : i32
        %mul3A_439 = arith.muli %mul3A_438, %scan3A_362 : i32
        %add3A_440 = arith.constant 1 : i32
        %add3A_441 = arith.addi %mul3A_439, %add3A_440 : i32
        %dma_start3A_442 = arith.constant 1 : i32
        %dma_start3A_443 = arith.constant 0 : i32
        %dma_start3A_444 = tpu.memref_slice %arg13[%add3A_441, %dma_start3A_442, %dma_start3A_443] : memref<40x2x128xi32, #tpu.memory_space<vmem>> -> memref<1x1x128xi32, #tpu.memory_space<vmem>>
        %dma_start3A_445 = tpu.memref_squeeze %dma_start3A_444 : memref<1x1x128xi32, #tpu.memory_space<vmem>> -> memref<128xi32, #tpu.memory_space<vmem>>
        %dma_start3A_446 = arith.constant 0 : i32
        %dma_start3A_447 = arith.constant 0 : i32
        %dma_start3A_448 = tpu.memref_slice %arg11[%dma_start3A_446, %dma_start3A_447] : memref<10000x128xf32, #tpu.memory_space<vmem_shared>> -> memref<10000x128xf32, #tpu.memory_space<vmem_shared>>
        tpu.enqueue_indirect_dma source(%arg15 : memref<128x128xf32, #tpu.memory_space<vmem>>) target(%dma_start3A_448 : memref<10000x128xf32, #tpu.memory_space<vmem_shared>>) offsets(%dma_start3A_445 : memref<128xi32, #tpu.memory_space<vmem>>) semaphore(%arg21 : memref<!tpu.dma_semaphore, #tpu.memory_space<semaphore_mem>>) {add = true}
        %dma_start3A_449 = arith.constant 1 : i32
        %dma_start3A_450 = arith.constant 0 : i32
        %dma_start3A_451 = tpu.memref_slice %arg13[%add3A_441, %dma_start3A_449, %dma_start3A_450] : memref<40x2x128xi32, #tpu.memory_space<vmem>> -> memref<1x1x128xi32, #tpu.memory_space<vmem>>
        %dma_start3A_452 = tpu.memref_squeeze %dma_start3A_451 : memref<1x1x128xi32, #tpu.memory_space<vmem>> -> memref<128xi32, #tpu.memory_space<vmem>>
        %dma_start3A_453 = arith.constant 0 : i32
        %dma_start3A_454 = tpu.memref_slice %arg12[%dma_start3A_453] : memref<10000xf32, #tpu.memory_space<vmem_shared>> -> memref<10000xf32, #tpu.memory_space<vmem_shared>>
        tpu.enqueue_indirect_dma source(%arg16 : memref<128xf32, #tpu.memory_space<vmem>>) target(%dma_start3A_454 : memref<10000xf32, #tpu.memory_space<vmem_shared>>) offsets(%dma_start3A_452 : memref<128xi32, #tpu.memory_space<vmem>>) semaphore(%arg23 : memref<!tpu.dma_semaphore, #tpu.memory_space<semaphore_mem>>) {add = true}
      }
      %scan3A_305 = arith.constant 20 : i32
      %dma_wait3A = arith.constant 39 : i32
      %dma_wait3A_306 = arith.constant 1 : i32
      %dma_wait3A_307 = arith.constant 0 : i32
      %dma_wait3A_308 = tpu.memref_slice %arg13[%dma_wait3A, %dma_wait3A_306, %dma_wait3A_307] : memref<40x2x128xi32, #tpu.memory_space<vmem>> -> memref<1x1x128xi32, #tpu.memory_space<vmem>>
      %dma_wait3A_309 = tpu.memref_squeeze %dma_wait3A_308 : memref<1x1x128xi32, #tpu.memory_space<vmem>> -> memref<128xi32, #tpu.memory_space<vmem>>
      %dma_wait3A_310 = arith.constant 0 : i32
      %dma_wait3A_311 = arith.constant 0 : i32
      %dma_wait3A_312 = tpu.memref_slice %arg11[%dma_wait3A_310, %dma_wait3A_311] : memref<10000x128xf32, #tpu.memory_space<vmem_shared>> -> memref<10000x128xf32, #tpu.memory_space<vmem_shared>>
      tpu.wait_indirect_dma semaphore(%arg21 : memref<!tpu.dma_semaphore, #tpu.memory_space<semaphore_mem>>) src(%arg15 : memref<128x128xf32, #tpu.memory_space<vmem>>) dst(%dma_wait3A_312 : memref<10000x128xf32, #tpu.memory_space<vmem_shared>>)
      %dma_wait3A_313 = arith.constant 39 : i32
      %dma_wait3A_314 = arith.constant 1 : i32
      %dma_wait3A_315 = arith.constant 0 : i32
      %dma_wait3A_316 = tpu.memref_slice %arg13[%dma_wait3A_313, %dma_wait3A_314, %dma_wait3A_315] : memref<40x2x128xi32, #tpu.memory_space<vmem>> -> memref<1x1x128xi32, #tpu.memory_space<vmem>>
      %dma_wait3A_317 = tpu.memref_squeeze %dma_wait3A_316 : memref<1x1x128xi32, #tpu.memory_space<vmem>> -> memref<128xi32, #tpu.memory_space<vmem>>
      %dma_wait3A_318 = arith.constant 0 : i32
      %dma_wait3A_319 = tpu.memref_slice %arg12[%dma_wait3A_318] : memref<10000xf32, #tpu.memory_space<vmem_shared>> -> memref<10000xf32, #tpu.memory_space<vmem_shared>>
      tpu.wait_indirect_dma semaphore(%arg23 : memref<!tpu.dma_semaphore, #tpu.memory_space<semaphore_mem>>) src(%arg16 : memref<128xf32, #tpu.memory_space<vmem>>) dst(%dma_wait3A_319 : memref<10000xf32, #tpu.memory_space<vmem_shared>>)
      %add3A_320 = arith.constant 40 : i32
      %add3A_321 = arith.addi %select_n3A, %add3A_320 : i32
      %sub3A_322 = arith.constant 40 : i32
      %sub3A_323 = arith.subi %sub3A_272, %sub3A_322 : i32
      "tpu.region"() ({
        %run_scoped3A = tpu.sem_alloc : memref<!tpu.dma_semaphore, #tpu.memory_space<semaphore_mem>>
        %dma_start3A_362 = arith.constant 0 : i32
        %dma_start3A_363 = arith.constant 0 : i32
        %dma_start3A_364 = arith.constant 0 : i32
        %dma_start3A_365 = tpu.memref_slice %arg13[%dma_start3A_362, %dma_start3A_363, %dma_start3A_364] : memref<40x2x128xi32, #tpu.memory_space<vmem>> -> memref<39x2x128xi32, #tpu.memory_space<vmem>>
        %dma_start3A_366 = arith.constant 0 : i32
        %dma_start3A_367 = arith.constant 0 : i32
        %dma_start3A_368 = tpu.memref_slice %arg4[%add3A_321, %dma_start3A_366, %dma_start3A_367] : memref<1250x2x128xi32, #tpu.memory_space<hbm>> -> memref<39x2x128xi32, #tpu.memory_space<hbm>>
        %dma_start3A_369 = arith.constant 0 : i32
        %dma_start3A_370 = arith.constant 0 : i32
        %dma_start3A_371 = arith.constant 0 : i32
        %dma_start3A_372 = tpu.memref_slice %arg13[%dma_start3A_369, %dma_start3A_370, %dma_start3A_371] : memref<40x2x128xi32, #tpu.memory_space<vmem>> -> memref<39x2x128xi32, #tpu.memory_space<vmem>>
        %dma_start3A_373 = arith.constant 0 : i32
        %dma_start3A_374 = arith.constant 0 : i32
        %dma_start3A_375 = tpu.memref_slice %arg4[%add3A_321, %dma_start3A_373, %dma_start3A_374] : memref<1250x2x128xi32, #tpu.memory_space<hbm>> -> memref<39x2x128xi32, #tpu.memory_space<hbm>>
        tpu.enqueue_dma source(%dma_start3A_375 : memref<39x2x128xi32, #tpu.memory_space<hbm>>) target(%dma_start3A_372 : memref<39x2x128xi32, #tpu.memory_space<vmem>>) target_semaphore(%run_scoped3A : memref<!tpu.dma_semaphore, #tpu.memory_space<semaphore_mem>>)
        %dma_wait3A_376 = arith.constant 0 : i32
        %dma_wait3A_377 = arith.constant 0 : i32
        %dma_wait3A_378 = arith.constant 0 : i32
        %dma_wait3A_379 = tpu.memref_slice %arg13[%dma_wait3A_376, %dma_wait3A_377, %dma_wait3A_378] : memref<40x2x128xi32, #tpu.memory_space<vmem>> -> memref<39x2x128xi32, #tpu.memory_space<vmem>>
        %dma_wait3A_380 = arith.constant 0 : i32
        %dma_wait3A_381 = arith.constant 0 : i32
        %dma_wait3A_382 = tpu.memref_slice %arg4[%add3A_321, %dma_wait3A_380, %dma_wait3A_381] : memref<1250x2x128xi32, #tpu.memory_space<hbm>> -> memref<39x2x128xi32, #tpu.memory_space<hbm>>
        %dma_wait3A_383 = arith.constant 0 : i32
        %dma_wait3A_384 = arith.constant 0 : i32
        %dma_wait3A_385 = arith.constant 0 : i32
        %dma_wait3A_386 = tpu.memref_slice %arg13[%dma_wait3A_383, %dma_wait3A_384, %dma_wait3A_385] : memref<40x2x128xi32, #tpu.memory_space<vmem>> -> memref<39x2x128xi32, #tpu.memory_space<vmem>>
        %dma_wait3A_387 = arith.constant 0 : i32
        %dma_wait3A_388 = arith.constant 0 : i32
        %dma_wait3A_389 = tpu.memref_slice %arg4[%add3A_321, %dma_wait3A_387, %dma_wait3A_388] : memref<1250x2x128xi32, #tpu.memory_space<hbm>> -> memref<39x2x128xi32, #tpu.memory_space<hbm>>
        tpu.wait_dma2 semaphore(%run_scoped3A : memref<!tpu.dma_semaphore, #tpu.memory_space<semaphore_mem>>) src(%dma_wait3A_389 : memref<39x2x128xi32, #tpu.memory_space<hbm>>) dst(%dma_wait3A_386 : memref<39x2x128xi32, #tpu.memory_space<vmem>>)
        tpu.yield
      }) : () -> ()
      %dma_start3A_324 = arith.constant 0 : i32
      %dma_start3A_325 = arith.constant 0 : i32
      %dma_start3A_326 = arith.constant 0 : i32
      %dma_start3A_327 = tpu.memref_slice %arg13[%dma_start3A_324, %dma_start3A_325, %dma_start3A_326] : memref<40x2x128xi32, #tpu.memory_space<vmem>> -> memref<1x1x128xi32, #tpu.memory_space<vmem>>
      %dma_start3A_328 = tpu.memref_squeeze %dma_start3A_327 : memref<1x1x128xi32, #tpu.memory_space<vmem>> -> memref<128xi32, #tpu.memory_space<vmem>>
      %dma_start3A_329 = arith.constant 0 : i32
      %dma_start3A_330 = arith.constant 0 : i32
      %dma_start3A_331 = tpu.memref_slice %arg2[%dma_start3A_329, %dma_start3A_330] : memref<10000x128xf32, #tpu.memory_space<hbm>> -> memref<10000x128xf32, #tpu.memory_space<hbm>>
      tpu.enqueue_indirect_dma source(%dma_start3A_331 : memref<10000x128xf32, #tpu.memory_space<hbm>>) target(%arg14 : memref<128x128xf32, #tpu.memory_space<vmem>>) offsets(%dma_start3A_328 : memref<128xi32, #tpu.memory_space<vmem>>) semaphore(%arg18 : memref<!tpu.dma_semaphore, #tpu.memory_space<semaphore_mem>>)
      %scan3A_332 = arith.constant 0 : i32
      %scan3A_333 = arith.constant 0 : i32
      %scan3A_334 = arith.constant 19 : i32
      %scan3A_335 = arith.addi %scan3A_333, %scan3A_334 : i32
      %scan3A_336 = arith.constant 1 : i32
      scf.for %scan3A_362 = %scan3A_333 to %scan3A_335 step %scan3A_336  : i32 {
        %gt3A_363 = arith.constant 0 : i32
        %gt3A_364 = arith.cmpi sgt, %scan3A_362, %gt3A_363 : i32
        %convert_element_type3A_365 = arith.extui %gt3A_364 : i1 to i32
        %cond3A_366 = arith.constant 0 : i32
        %cond3A_367 = arith.cmpi ne, %convert_element_type3A_365, %cond3A_366 : i32
        scf.if %cond3A_367 {
          %mul3A_454 = arith.constant 2 : i32
          %mul3A_455 = arith.muli %mul3A_454, %scan3A_362 : i32
          %sub3A_456 = arith.constant 1 : i32
          %sub3A_457 = arith.subi %mul3A_455, %sub3A_456 : i32
          %dma_wait3A_458 = arith.constant 1 : i32
          %dma_wait3A_459 = arith.constant 0 : i32
          %dma_wait3A_460 = tpu.memref_slice %arg13[%sub3A_457, %dma_wait3A_458, %dma_wait3A_459] : memref<40x2x128xi32, #tpu.memory_space<vmem>> -> memref<1x1x128xi32, #tpu.memory_space<vmem>>
          %dma_wait3A_461 = tpu.memref_squeeze %dma_wait3A_460 : memref<1x1x128xi32, #tpu.memory_space<vmem>> -> memref<128xi32, #tpu.memory_space<vmem>>
          %dma_wait3A_462 = arith.constant 0 : i32
          %dma_wait3A_463 = arith.constant 0 : i32
          %dma_wait3A_464 = tpu.memref_slice %arg11[%dma_wait3A_462, %dma_wait3A_463] : memref<10000x128xf32, #tpu.memory_space<vmem_shared>> -> memref<10000x128xf32, #tpu.memory_space<vmem_shared>>
          tpu.wait_indirect_dma semaphore(%arg21 : memref<!tpu.dma_semaphore, #tpu.memory_space<semaphore_mem>>) src(%arg15 : memref<128x128xf32, #tpu.memory_space<vmem>>) dst(%dma_wait3A_464 : memref<10000x128xf32, #tpu.memory_space<vmem_shared>>)
          %dma_wait3A_465 = arith.constant 1 : i32
          %dma_wait3A_466 = arith.constant 0 : i32
          %dma_wait3A_467 = tpu.memref_slice %arg13[%sub3A_457, %dma_wait3A_465, %dma_wait3A_466] : memref<40x2x128xi32, #tpu.memory_space<vmem>> -> memref<1x1x128xi32, #tpu.memory_space<vmem>>
          %dma_wait3A_468 = tpu.memref_squeeze %dma_wait3A_467 : memref<1x1x128xi32, #tpu.memory_space<vmem>> -> memref<128xi32, #tpu.memory_space<vmem>>
          %dma_wait3A_469 = arith.constant 0 : i32
          %dma_wait3A_470 = tpu.memref_slice %arg12[%dma_wait3A_469] : memref<10000xf32, #tpu.memory_space<vmem_shared>> -> memref<10000xf32, #tpu.memory_space<vmem_shared>>
          tpu.wait_indirect_dma semaphore(%arg23 : memref<!tpu.dma_semaphore, #tpu.memory_space<semaphore_mem>>) src(%arg16 : memref<128xf32, #tpu.memory_space<vmem>>) dst(%dma_wait3A_470 : memref<10000xf32, #tpu.memory_space<vmem_shared>>)
        } else {
        }
        %mul3A_368 = arith.constant 2 : i32
        %mul3A_369 = arith.muli %mul3A_368, %scan3A_362 : i32
        %add3A_370 = arith.constant 1 : i32
        %add3A_371 = arith.addi %mul3A_369, %add3A_370 : i32
        %dma_start3A_372 = arith.constant 0 : i32
        %dma_start3A_373 = arith.constant 0 : i32
        %dma_start3A_374 = tpu.memref_slice %arg13[%add3A_371, %dma_start3A_372, %dma_start3A_373] : memref<40x2x128xi32, #tpu.memory_space<vmem>> -> memref<1x1x128xi32, #tpu.memory_space<vmem>>
        %dma_start3A_375 = tpu.memref_squeeze %dma_start3A_374 : memref<1x1x128xi32, #tpu.memory_space<vmem>> -> memref<128xi32, #tpu.memory_space<vmem>>
        %dma_start3A_376 = arith.constant 0 : i32
        %dma_start3A_377 = arith.constant 0 : i32
        %dma_start3A_378 = tpu.memref_slice %arg2[%dma_start3A_376, %dma_start3A_377] : memref<10000x128xf32, #tpu.memory_space<hbm>> -> memref<10000x128xf32, #tpu.memory_space<hbm>>
        tpu.enqueue_indirect_dma source(%dma_start3A_378 : memref<10000x128xf32, #tpu.memory_space<hbm>>) target(%arg15 : memref<128x128xf32, #tpu.memory_space<vmem>>) offsets(%dma_start3A_375 : memref<128xi32, #tpu.memory_space<vmem>>) semaphore(%arg19 : memref<!tpu.dma_semaphore, #tpu.memory_space<semaphore_mem>>)
        %mul3A_379 = arith.constant 2 : i32
        %mul3A_380 = arith.muli %mul3A_379, %scan3A_362 : i32
        %dma_wait3A_381 = arith.constant 0 : i32
        %dma_wait3A_382 = arith.constant 0 : i32
        %dma_wait3A_383 = tpu.memref_slice %arg13[%mul3A_380, %dma_wait3A_381, %dma_wait3A_382] : memref<40x2x128xi32, #tpu.memory_space<vmem>> -> memref<1x1x128xi32, #tpu.memory_space<vmem>>
        %dma_wait3A_384 = tpu.memref_squeeze %dma_wait3A_383 : memref<1x1x128xi32, #tpu.memory_space<vmem>> -> memref<128xi32, #tpu.memory_space<vmem>>
        %dma_wait3A_385 = arith.constant 0 : i32
        %dma_wait3A_386 = arith.constant 0 : i32
        %dma_wait3A_387 = tpu.memref_slice %arg2[%dma_wait3A_385, %dma_wait3A_386] : memref<10000x128xf32, #tpu.memory_space<hbm>> -> memref<10000x128xf32, #tpu.memory_space<hbm>>
        tpu.wait_indirect_dma semaphore(%arg18 : memref<!tpu.dma_semaphore, #tpu.memory_space<semaphore_mem>>) src(%dma_wait3A_387 : memref<10000x128xf32, #tpu.memory_space<hbm>>) dst(%arg14 : memref<128x128xf32, #tpu.memory_space<vmem>>)
        %mul3A_388 = arith.constant 2 : i32
        %mul3A_389 = arith.muli %mul3A_388, %scan3A_362 : i32
        %dma_start3A_390 = arith.constant 1 : i32
        %dma_start3A_391 = arith.constant 0 : i32
        %dma_start3A_392 = tpu.memref_slice %arg13[%mul3A_389, %dma_start3A_390, %dma_start3A_391] : memref<40x2x128xi32, #tpu.memory_space<vmem>> -> memref<1x1x128xi32, #tpu.memory_space<vmem>>
        %dma_start3A_393 = tpu.memref_squeeze %dma_start3A_392 : memref<1x1x128xi32, #tpu.memory_space<vmem>> -> memref<128xi32, #tpu.memory_space<vmem>>
        %dma_start3A_394 = arith.constant 0 : i32
        %dma_start3A_395 = arith.constant 0 : i32
        %dma_start3A_396 = tpu.memref_slice %arg11[%dma_start3A_394, %dma_start3A_395] : memref<10000x128xf32, #tpu.memory_space<vmem_shared>> -> memref<10000x128xf32, #tpu.memory_space<vmem_shared>>
        tpu.enqueue_indirect_dma source(%arg14 : memref<128x128xf32, #tpu.memory_space<vmem>>) target(%dma_start3A_396 : memref<10000x128xf32, #tpu.memory_space<vmem_shared>>) offsets(%dma_start3A_393 : memref<128xi32, #tpu.memory_space<vmem>>) semaphore(%arg20 : memref<!tpu.dma_semaphore, #tpu.memory_space<semaphore_mem>>) {add = true}
        %dma_start3A_397 = arith.constant 1 : i32
        %dma_start3A_398 = arith.constant 0 : i32
        %dma_start3A_399 = tpu.memref_slice %arg13[%mul3A_389, %dma_start3A_397, %dma_start3A_398] : memref<40x2x128xi32, #tpu.memory_space<vmem>> -> memref<1x1x128xi32, #tpu.memory_space<vmem>>
        %dma_start3A_400 = tpu.memref_squeeze %dma_start3A_399 : memref<1x1x128xi32, #tpu.memory_space<vmem>> -> memref<128xi32, #tpu.memory_space<vmem>>
        %dma_start3A_401 = arith.constant 0 : i32
        %dma_start3A_402 = tpu.memref_slice %arg12[%dma_start3A_401] : memref<10000xf32, #tpu.memory_space<vmem_shared>> -> memref<10000xf32, #tpu.memory_space<vmem_shared>>
        tpu.enqueue_indirect_dma source(%arg16 : memref<128xf32, #tpu.memory_space<vmem>>) target(%dma_start3A_402 : memref<10000xf32, #tpu.memory_space<vmem_shared>>) offsets(%dma_start3A_400 : memref<128xi32, #tpu.memory_space<vmem>>) semaphore(%arg22 : memref<!tpu.dma_semaphore, #tpu.memory_space<semaphore_mem>>) {add = true}
        %mul3A_403 = arith.constant 2 : i32
        %mul3A_404 = arith.muli %mul3A_403, %scan3A_362 : i32
        %dma_wait3A_405 = arith.constant 1 : i32
        %dma_wait3A_406 = arith.constant 0 : i32
        %dma_wait3A_407 = tpu.memref_slice %arg13[%mul3A_404, %dma_wait3A_405, %dma_wait3A_406] : memref<40x2x128xi32, #tpu.memory_space<vmem>> -> memref<1x1x128xi32, #tpu.memory_space<vmem>>
        %dma_wait3A_408 = tpu.memref_squeeze %dma_wait3A_407 : memref<1x1x128xi32, #tpu.memory_space<vmem>> -> memref<128xi32, #tpu.memory_space<vmem>>
        %dma_wait3A_409 = arith.constant 0 : i32
        %dma_wait3A_410 = arith.constant 0 : i32
        %dma_wait3A_411 = tpu.memref_slice %arg11[%dma_wait3A_409, %dma_wait3A_410] : memref<10000x128xf32, #tpu.memory_space<vmem_shared>> -> memref<10000x128xf32, #tpu.memory_space<vmem_shared>>
        tpu.wait_indirect_dma semaphore(%arg20 : memref<!tpu.dma_semaphore, #tpu.memory_space<semaphore_mem>>) src(%arg14 : memref<128x128xf32, #tpu.memory_space<vmem>>) dst(%dma_wait3A_411 : memref<10000x128xf32, #tpu.memory_space<vmem_shared>>)
        %dma_wait3A_412 = arith.constant 1 : i32
        %dma_wait3A_413 = arith.constant 0 : i32
        %dma_wait3A_414 = tpu.memref_slice %arg13[%mul3A_404, %dma_wait3A_412, %dma_wait3A_413] : memref<40x2x128xi32, #tpu.memory_space<vmem>> -> memref<1x1x128xi32, #tpu.memory_space<vmem>>
        %dma_wait3A_415 = tpu.memref_squeeze %dma_wait3A_414 : memref<1x1x128xi32, #tpu.memory_space<vmem>> -> memref<128xi32, #tpu.memory_space<vmem>>
        %dma_wait3A_416 = arith.constant 0 : i32
        %dma_wait3A_417 = tpu.memref_slice %arg12[%dma_wait3A_416] : memref<10000xf32, #tpu.memory_space<vmem_shared>> -> memref<10000xf32, #tpu.memory_space<vmem_shared>>
        tpu.wait_indirect_dma semaphore(%arg22 : memref<!tpu.dma_semaphore, #tpu.memory_space<semaphore_mem>>) src(%arg16 : memref<128xf32, #tpu.memory_space<vmem>>) dst(%dma_wait3A_417 : memref<10000xf32, #tpu.memory_space<vmem_shared>>)
        %mul3A_418 = arith.constant 2 : i32
        %mul3A_419 = arith.muli %mul3A_418, %scan3A_362 : i32
        %add3A_420 = arith.constant 2 : i32
        %add3A_421 = arith.addi %mul3A_419, %add3A_420 : i32
        %lt3A_422 = arith.cmpi slt, %add3A_421, %sub3A_323 : i32
        %convert_element_type3A_423 = arith.extui %lt3A_422 : i1 to i32
        %cond3A_424 = arith.constant 0 : i32
        %cond3A_425 = arith.cmpi ne, %convert_element_type3A_423, %cond3A_424 : i32
        scf.if %cond3A_425 {
          %mul3A_454 = arith.constant 2 : i32
          %mul3A_455 = arith.muli %mul3A_454, %scan3A_362 : i32
          %add3A_456 = arith.constant 2 : i32
          %add3A_457 = arith.addi %mul3A_455, %add3A_456 : i32
          %dma_start3A_458 = arith.constant 0 : i32
          %dma_start3A_459 = arith.constant 0 : i32
          %dma_start3A_460 = tpu.memref_slice %arg13[%add3A_457, %dma_start3A_458, %dma_start3A_459] : memref<40x2x128xi32, #tpu.memory_space<vmem>> -> memref<1x1x128xi32, #tpu.memory_space<vmem>>
          %dma_start3A_461 = tpu.memref_squeeze %dma_start3A_460 : memref<1x1x128xi32, #tpu.memory_space<vmem>> -> memref<128xi32, #tpu.memory_space<vmem>>
          %dma_start3A_462 = arith.constant 0 : i32
          %dma_start3A_463 = arith.constant 0 : i32
          %dma_start3A_464 = tpu.memref_slice %arg2[%dma_start3A_462, %dma_start3A_463] : memref<10000x128xf32, #tpu.memory_space<hbm>> -> memref<10000x128xf32, #tpu.memory_space<hbm>>
          tpu.enqueue_indirect_dma source(%dma_start3A_464 : memref<10000x128xf32, #tpu.memory_space<hbm>>) target(%arg14 : memref<128x128xf32, #tpu.memory_space<vmem>>) offsets(%dma_start3A_461 : memref<128xi32, #tpu.memory_space<vmem>>) semaphore(%arg18 : memref<!tpu.dma_semaphore, #tpu.memory_space<semaphore_mem>>)
        } else {
        }
        %mul3A_426 = arith.constant 2 : i32
        %mul3A_427 = arith.muli %mul3A_426, %scan3A_362 : i32
        %add3A_428 = arith.constant 1 : i32
        %add3A_429 = arith.addi %mul3A_427, %add3A_428 : i32
        %dma_wait3A_430 = arith.constant 0 : i32
        %dma_wait3A_431 = arith.constant 0 : i32
        %dma_wait3A_432 = tpu.memref_slice %arg13[%add3A_429, %dma_wait3A_430, %dma_wait3A_431] : memref<40x2x128xi32, #tpu.memory_space<vmem>> -> memref<1x1x128xi32, #tpu.memory_space<vmem>>
        %dma_wait3A_433 = tpu.memref_squeeze %dma_wait3A_432 : memref<1x1x128xi32, #tpu.memory_space<vmem>> -> memref<128xi32, #tpu.memory_space<vmem>>
        %dma_wait3A_434 = arith.constant 0 : i32
        %dma_wait3A_435 = arith.constant 0 : i32
        %dma_wait3A_436 = tpu.memref_slice %arg2[%dma_wait3A_434, %dma_wait3A_435] : memref<10000x128xf32, #tpu.memory_space<hbm>> -> memref<10000x128xf32, #tpu.memory_space<hbm>>
        tpu.wait_indirect_dma semaphore(%arg19 : memref<!tpu.dma_semaphore, #tpu.memory_space<semaphore_mem>>) src(%dma_wait3A_436 : memref<10000x128xf32, #tpu.memory_space<hbm>>) dst(%arg15 : memref<128x128xf32, #tpu.memory_space<vmem>>)
        %mul3A_437 = arith.constant 2 : i32
        %mul3A_438 = arith.muli %mul3A_437, %scan3A_362 : i32
        %add3A_439 = arith.constant 1 : i32
        %add3A_440 = arith.addi %mul3A_438, %add3A_439 : i32
        %dma_start3A_441 = arith.constant 1 : i32
        %dma_start3A_442 = arith.constant 0 : i32
        %dma_start3A_443 = tpu.memref_slice %arg13[%add3A_440, %dma_start3A_441, %dma_start3A_442] : memref<40x2x128xi32, #tpu.memory_space<vmem>> -> memref<1x1x128xi32, #tpu.memory_space<vmem>>
        %dma_start3A_444 = tpu.memref_squeeze %dma_start3A_443 : memref<1x1x128xi32, #tpu.memory_space<vmem>> -> memref<128xi32, #tpu.memory_space<vmem>>
        %dma_start3A_445 = arith.constant 0 : i32
        %dma_start3A_446 = arith.constant 0 : i32
        %dma_start3A_447 = tpu.memref_slice %arg11[%dma_start3A_445, %dma_start3A_446] : memref<10000x128xf32, #tpu.memory_space<vmem_shared>> -> memref<10000x128xf32, #tpu.memory_space<vmem_shared>>
        tpu.enqueue_indirect_dma source(%arg15 : memref<128x128xf32, #tpu.memory_space<vmem>>) target(%dma_start3A_447 : memref<10000x128xf32, #tpu.memory_space<vmem_shared>>) offsets(%dma_start3A_444 : memref<128xi32, #tpu.memory_space<vmem>>) semaphore(%arg21 : memref<!tpu.dma_semaphore, #tpu.memory_space<semaphore_mem>>) {add = true}
        %dma_start3A_448 = arith.constant 1 : i32
        %dma_start3A_449 = arith.constant 0 : i32
        %dma_start3A_450 = tpu.memref_slice %arg13[%add3A_440, %dma_start3A_448, %dma_start3A_449] : memref<40x2x128xi32, #tpu.memory_space<vmem>> -> memref<1x1x128xi32, #tpu.memory_space<vmem>>
        %dma_start3A_451 = tpu.memref_squeeze %dma_start3A_450 : memref<1x1x128xi32, #tpu.memory_space<vmem>> -> memref<128xi32, #tpu.memory_space<vmem>>
        %dma_start3A_452 = arith.constant 0 : i32
        %dma_start3A_453 = tpu.memref_slice %arg12[%dma_start3A_452] : memref<10000xf32, #tpu.memory_space<vmem_shared>> -> memref<10000xf32, #tpu.memory_space<vmem_shared>>
        tpu.enqueue_indirect_dma source(%arg16 : memref<128xf32, #tpu.memory_space<vmem>>) target(%dma_start3A_453 : memref<10000xf32, #tpu.memory_space<vmem_shared>>) offsets(%dma_start3A_451 : memref<128xi32, #tpu.memory_space<vmem>>) semaphore(%arg23 : memref<!tpu.dma_semaphore, #tpu.memory_space<semaphore_mem>>) {add = true}
      }
      %scan3A_337 = arith.constant 19 : i32
      %dma_wait3A_338 = arith.constant 37 : i32
      %dma_wait3A_339 = arith.constant 1 : i32
      %dma_wait3A_340 = arith.constant 0 : i32
      %dma_wait3A_341 = tpu.memref_slice %arg13[%dma_wait3A_338, %dma_wait3A_339, %dma_wait3A_340] : memref<40x2x128xi32, #tpu.memory_space<vmem>> -> memref<1x1x128xi32, #tpu.memory_space<vmem>>
      %dma_wait3A_342 = tpu.memref_squeeze %dma_wait3A_341 : memref<1x1x128xi32, #tpu.memory_space<vmem>> -> memref<128xi32, #tpu.memory_space<vmem>>
      %dma_wait3A_343 = arith.constant 0 : i32
      %dma_wait3A_344 = arith.constant 0 : i32
      %dma_wait3A_345 = tpu.memref_slice %arg11[%dma_wait3A_343, %dma_wait3A_344] : memref<10000x128xf32, #tpu.memory_space<vmem_shared>> -> memref<10000x128xf32, #tpu.memory_space<vmem_shared>>
      tpu.wait_indirect_dma semaphore(%arg21 : memref<!tpu.dma_semaphore, #tpu.memory_space<semaphore_mem>>) src(%arg15 : memref<128x128xf32, #tpu.memory_space<vmem>>) dst(%dma_wait3A_345 : memref<10000x128xf32, #tpu.memory_space<vmem_shared>>)
      %dma_wait3A_346 = arith.constant 37 : i32
      %dma_wait3A_347 = arith.constant 1 : i32
      %dma_wait3A_348 = arith.constant 0 : i32
      %dma_wait3A_349 = tpu.memref_slice %arg13[%dma_wait3A_346, %dma_wait3A_347, %dma_wait3A_348] : memref<40x2x128xi32, #tpu.memory_space<vmem>> -> memref<1x1x128xi32, #tpu.memory_space<vmem>>
      %dma_wait3A_350 = tpu.memref_squeeze %dma_wait3A_349 : memref<1x1x128xi32, #tpu.memory_space<vmem>> -> memref<128xi32, #tpu.memory_space<vmem>>
      %dma_wait3A_351 = arith.constant 0 : i32
      %dma_wait3A_352 = tpu.memref_slice %arg12[%dma_wait3A_351] : memref<10000xf32, #tpu.memory_space<vmem_shared>> -> memref<10000xf32, #tpu.memory_space<vmem_shared>>
      tpu.wait_indirect_dma semaphore(%arg23 : memref<!tpu.dma_semaphore, #tpu.memory_space<semaphore_mem>>) src(%arg16 : memref<128xf32, #tpu.memory_space<vmem>>) dst(%dma_wait3A_352 : memref<10000xf32, #tpu.memory_space<vmem_shared>>)
      %gt3A = arith.constant 38 : i32
      %gt3A_353 = arith.cmpi sgt, %sub3A_323, %gt3A : i32
      %convert_element_type3A_354 = arith.extui %gt3A_353 : i1 to i32
      %cond3A_355 = arith.constant 0 : i32
      %cond3A_356 = arith.cmpi ne, %convert_element_type3A_354, %cond3A_355 : i32
      scf.if %cond3A_356 {
        %dma_wait3A_362 = arith.constant 38 : i32
        %dma_wait3A_363 = arith.constant 0 : i32
        %dma_wait3A_364 = arith.constant 0 : i32
        %dma_wait3A_365 = tpu.memref_slice %arg13[%dma_wait3A_362, %dma_wait3A_363, %dma_wait3A_364] : memref<40x2x128xi32, #tpu.memory_space<vmem>> -> memref<1x1x128xi32, #tpu.memory_space<vmem>>
        %dma_wait3A_366 = tpu.memref_squeeze %dma_wait3A_365 : memref<1x1x128xi32, #tpu.memory_space<vmem>> -> memref<128xi32, #tpu.memory_space<vmem>>
        %dma_wait3A_367 = arith.constant 0 : i32
        %dma_wait3A_368 = arith.constant 0 : i32
        %dma_wait3A_369 = tpu.memref_slice %arg2[%dma_wait3A_367, %dma_wait3A_368] : memref<10000x128xf32, #tpu.memory_space<hbm>> -> memref<10000x128xf32, #tpu.memory_space<hbm>>
        tpu.wait_indirect_dma semaphore(%arg18 : memref<!tpu.dma_semaphore, #tpu.memory_space<semaphore_mem>>) src(%dma_wait3A_369 : memref<10000x128xf32, #tpu.memory_space<hbm>>) dst(%arg14 : memref<128x128xf32, #tpu.memory_space<vmem>>)
        %dma_start3A_370 = arith.constant 38 : i32
        %dma_start3A_371 = arith.constant 1 : i32
        %dma_start3A_372 = arith.constant 0 : i32
        %dma_start3A_373 = tpu.memref_slice %arg13[%dma_start3A_370, %dma_start3A_371, %dma_start3A_372] : memref<40x2x128xi32, #tpu.memory_space<vmem>> -> memref<1x1x128xi32, #tpu.memory_space<vmem>>
        %dma_start3A_374 = tpu.memref_squeeze %dma_start3A_373 : memref<1x1x128xi32, #tpu.memory_space<vmem>> -> memref<128xi32, #tpu.memory_space<vmem>>
        %dma_start3A_375 = arith.constant 0 : i32
        %dma_start3A_376 = arith.constant 0 : i32
        %dma_start3A_377 = tpu.memref_slice %arg11[%dma_start3A_375, %dma_start3A_376] : memref<10000x128xf32, #tpu.memory_space<vmem_shared>> -> memref<10000x128xf32, #tpu.memory_space<vmem_shared>>
        tpu.enqueue_indirect_dma source(%arg14 : memref<128x128xf32, #tpu.memory_space<vmem>>) target(%dma_start3A_377 : memref<10000x128xf32, #tpu.memory_space<vmem_shared>>) offsets(%dma_start3A_374 : memref<128xi32, #tpu.memory_space<vmem>>) semaphore(%arg20 : memref<!tpu.dma_semaphore, #tpu.memory_space<semaphore_mem>>) {add = true}
        %dma_start3A_378 = arith.constant 38 : i32
        %dma_start3A_379 = arith.constant 1 : i32
        %dma_start3A_380 = arith.constant 0 : i32
        %dma_start3A_381 = tpu.memref_slice %arg13[%dma_start3A_378, %dma_start3A_379, %dma_start3A_380] : memref<40x2x128xi32, #tpu.memory_space<vmem>> -> memref<1x1x128xi32, #tpu.memory_space<vmem>>
        %dma_start3A_382 = tpu.memref_squeeze %dma_start3A_381 : memref<1x1x128xi32, #tpu.memory_space<vmem>> -> memref<128xi32, #tpu.memory_space<vmem>>
        %dma_start3A_383 = arith.constant 0 : i32
        %dma_start3A_384 = tpu.memref_slice %arg12[%dma_start3A_383] : memref<10000xf32, #tpu.memory_space<vmem_shared>> -> memref<10000xf32, #tpu.memory_space<vmem_shared>>
        tpu.enqueue_indirect_dma source(%arg16 : memref<128xf32, #tpu.memory_space<vmem>>) target(%dma_start3A_384 : memref<10000xf32, #tpu.memory_space<vmem_shared>>) offsets(%dma_start3A_382 : memref<128xi32, #tpu.memory_space<vmem>>) semaphore(%arg22 : memref<!tpu.dma_semaphore, #tpu.memory_space<semaphore_mem>>) {add = true}
        %dma_wait3A_385 = arith.constant 38 : i32
        %dma_wait3A_386 = arith.constant 1 : i32
        %dma_wait3A_387 = arith.constant 0 : i32
        %dma_wait3A_388 = tpu.memref_slice %arg13[%dma_wait3A_385, %dma_wait3A_386, %dma_wait3A_387] : memref<40x2x128xi32, #tpu.memory_space<vmem>> -> memref<1x1x128xi32, #tpu.memory_space<vmem>>
        %dma_wait3A_389 = tpu.memref_squeeze %dma_wait3A_388 : memref<1x1x128xi32, #tpu.memory_space<vmem>> -> memref<128xi32, #tpu.memory_space<vmem>>
        %dma_wait3A_390 = arith.constant 0 : i32
        %dma_wait3A_391 = arith.constant 0 : i32
        %dma_wait3A_392 = tpu.memref_slice %arg11[%dma_wait3A_390, %dma_wait3A_391] : memref<10000x128xf32, #tpu.memory_space<vmem_shared>> -> memref<10000x128xf32, #tpu.memory_space<vmem_shared>>
        tpu.wait_indirect_dma semaphore(%arg20 : memref<!tpu.dma_semaphore, #tpu.memory_space<semaphore_mem>>) src(%arg14 : memref<128x128xf32, #tpu.memory_space<vmem>>) dst(%dma_wait3A_392 : memref<10000x128xf32, #tpu.memory_space<vmem_shared>>)
        %dma_wait3A_393 = arith.constant 38 : i32
        %dma_wait3A_394 = arith.constant 1 : i32
        %dma_wait3A_395 = arith.constant 0 : i32
        %dma_wait3A_396 = tpu.memref_slice %arg13[%dma_wait3A_393, %dma_wait3A_394, %dma_wait3A_395] : memref<40x2x128xi32, #tpu.memory_space<vmem>> -> memref<1x1x128xi32, #tpu.memory_space<vmem>>
        %dma_wait3A_397 = tpu.memref_squeeze %dma_wait3A_396 : memref<1x1x128xi32, #tpu.memory_space<vmem>> -> memref<128xi32, #tpu.memory_space<vmem>>
        %dma_wait3A_398 = arith.constant 0 : i32
        %dma_wait3A_399 = tpu.memref_slice %arg12[%dma_wait3A_398] : memref<10000xf32, #tpu.memory_space<vmem_shared>> -> memref<10000xf32, #tpu.memory_space<vmem_shared>>
        tpu.wait_indirect_dma semaphore(%arg22 : memref<!tpu.dma_semaphore, #tpu.memory_space<semaphore_mem>>) src(%arg16 : memref<128xf32, #tpu.memory_space<vmem>>) dst(%dma_wait3A_399 : memref<10000xf32, #tpu.memory_space<vmem_shared>>)
      } else {
      }
      %gt3A_357 = arith.constant 39 : i32
      %gt3A_358 = arith.cmpi sgt, %sub3A_323, %gt3A_357 : i32
      %convert_element_type3A_359 = arith.extui %gt3A_358 : i1 to i32
      %cond3A_360 = arith.constant 0 : i32
      %cond3A_361 = arith.cmpi ne, %convert_element_type3A_359, %cond3A_360 : i32
      scf.if %cond3A_361 {
        %dma_start3A_362 = arith.constant 39 : i32
        %dma_start3A_363 = arith.constant 0 : i32
        %dma_start3A_364 = arith.constant 0 : i32
        %dma_start3A_365 = tpu.memref_slice %arg13[%dma_start3A_362, %dma_start3A_363, %dma_start3A_364] : memref<40x2x128xi32, #tpu.memory_space<vmem>> -> memref<1x1x128xi32, #tpu.memory_space<vmem>>
        %dma_start3A_366 = tpu.memref_squeeze %dma_start3A_365 : memref<1x1x128xi32, #tpu.memory_space<vmem>> -> memref<128xi32, #tpu.memory_space<vmem>>
        %dma_start3A_367 = arith.constant 0 : i32
        %dma_start3A_368 = arith.constant 0 : i32
        %dma_start3A_369 = tpu.memref_slice %arg2[%dma_start3A_367, %dma_start3A_368] : memref<10000x128xf32, #tpu.memory_space<hbm>> -> memref<10000x128xf32, #tpu.memory_space<hbm>>
        tpu.enqueue_indirect_dma source(%dma_start3A_369 : memref<10000x128xf32, #tpu.memory_space<hbm>>) target(%arg15 : memref<128x128xf32, #tpu.memory_space<vmem>>) offsets(%dma_start3A_366 : memref<128xi32, #tpu.memory_space<vmem>>) semaphore(%arg19 : memref<!tpu.dma_semaphore, #tpu.memory_space<semaphore_mem>>)
        %dma_wait3A_370 = arith.constant 39 : i32
        %dma_wait3A_371 = arith.constant 0 : i32
        %dma_wait3A_372 = arith.constant 0 : i32
        %dma_wait3A_373 = tpu.memref_slice %arg13[%dma_wait3A_370, %dma_wait3A_371, %dma_wait3A_372] : memref<40x2x128xi32, #tpu.memory_space<vmem>> -> memref<1x1x128xi32, #tpu.memory_space<vmem>>
        %dma_wait3A_374 = tpu.memref_squeeze %dma_wait3A_373 : memref<1x1x128xi32, #tpu.memory_space<vmem>> -> memref<128xi32, #tpu.memory_space<vmem>>
        %dma_wait3A_375 = arith.constant 0 : i32
        %dma_wait3A_376 = arith.constant 0 : i32
        %dma_wait3A_377 = tpu.memref_slice %arg2[%dma_wait3A_375, %dma_wait3A_376] : memref<10000x128xf32, #tpu.memory_space<hbm>> -> memref<10000x128xf32, #tpu.memory_space<hbm>>
        tpu.wait_indirect_dma semaphore(%arg19 : memref<!tpu.dma_semaphore, #tpu.memory_space<semaphore_mem>>) src(%dma_wait3A_377 : memref<10000x128xf32, #tpu.memory_space<hbm>>) dst(%arg15 : memref<128x128xf32, #tpu.memory_space<vmem>>)
        %dma_start3A_378 = arith.constant 39 : i32
        %dma_start3A_379 = arith.constant 1 : i32
        %dma_start3A_380 = arith.constant 0 : i32
        %dma_start3A_381 = tpu.memref_slice %arg13[%dma_start3A_378, %dma_start3A_379, %dma_start3A_380] : memref<40x2x128xi32, #tpu.memory_space<vmem>> -> memref<1x1x128xi32, #tpu.memory_space<vmem>>
        %dma_start3A_382 = tpu.memref_squeeze %dma_start3A_381 : memref<1x1x128xi32, #tpu.memory_space<vmem>> -> memref<128xi32, #tpu.memory_space<vmem>>
        %dma_start3A_383 = arith.constant 0 : i32
        %dma_start3A_384 = arith.constant 0 : i32
        %dma_start3A_385 = tpu.memref_slice %arg11[%dma_start3A_383, %dma_start3A_384] : memref<10000x128xf32, #tpu.memory_space<vmem_shared>> -> memref<10000x128xf32, #tpu.memory_space<vmem_shared>>
        tpu.enqueue_indirect_dma source(%arg15 : memref<128x128xf32, #tpu.memory_space<vmem>>) target(%dma_start3A_385 : memref<10000x128xf32, #tpu.memory_space<vmem_shared>>) offsets(%dma_start3A_382 : memref<128xi32, #tpu.memory_space<vmem>>) semaphore(%arg21 : memref<!tpu.dma_semaphore, #tpu.memory_space<semaphore_mem>>) {add = true}
        %dma_start3A_386 = arith.constant 39 : i32
        %dma_start3A_387 = arith.constant 1 : i32
        %dma_start3A_388 = arith.constant 0 : i32
        %dma_start3A_389 = tpu.memref_slice %arg13[%dma_start3A_386, %dma_start3A_387, %dma_start3A_388] : memref<40x2x128xi32, #tpu.memory_space<vmem>> -> memref<1x1x128xi32, #tpu.memory_space<vmem>>
        %dma_start3A_390 = tpu.memref_squeeze %dma_start3A_389 : memref<1x1x128xi32, #tpu.memory_space<vmem>> -> memref<128xi32, #tpu.memory_space<vmem>>
        %dma_start3A_391 = arith.constant 0 : i32
        %dma_start3A_392 = tpu.memref_slice %arg12[%dma_start3A_391] : memref<10000xf32, #tpu.memory_space<vmem_shared>> -> memref<10000xf32, #tpu.memory_space<vmem_shared>>
        tpu.enqueue_indirect_dma source(%arg16 : memref<128xf32, #tpu.memory_space<vmem>>) target(%dma_start3A_392 : memref<10000xf32, #tpu.memory_space<vmem_shared>>) offsets(%dma_start3A_390 : memref<128xi32, #tpu.memory_space<vmem>>) semaphore(%arg23 : memref<!tpu.dma_semaphore, #tpu.memory_space<semaphore_mem>>) {add = true}
        %dma_wait3A_393 = arith.constant 39 : i32
        %dma_wait3A_394 = arith.constant 1 : i32
        %dma_wait3A_395 = arith.constant 0 : i32
        %dma_wait3A_396 = tpu.memref_slice %arg13[%dma_wait3A_393, %dma_wait3A_394, %dma_wait3A_395] : memref<40x2x128xi32, #tpu.memory_space<vmem>> -> memref<1x1x128xi32, #tpu.memory_space<vmem>>
        %dma_wait3A_397 = tpu.memref_squeeze %dma_wait3A_396 : memref<1x1x128xi32, #tpu.memory_space<vmem>> -> memref<128xi32, #tpu.memory_space<vmem>>
        %dma_wait3A_398 = arith.constant 0 : i32
        %dma_wait3A_399 = arith.constant 0 : i32
        %dma_wait3A_400 = tpu.memref_slice %arg11[%dma_wait3A_398, %dma_wait3A_399] : memref<10000x128xf32, #tpu.memory_space<vmem_shared>> -> memref<10000x128xf32, #tpu.memory_space<vmem_shared>>
        tpu.wait_indirect_dma semaphore(%arg21 : memref<!tpu.dma_semaphore, #tpu.memory_space<semaphore_mem>>) src(%arg15 : memref<128x128xf32, #tpu.memory_space<vmem>>) dst(%dma_wait3A_400 : memref<10000x128xf32, #tpu.memory_space<vmem_shared>>)
        %dma_wait3A_401 = arith.constant 39 : i32
        %dma_wait3A_402 = arith.constant 1 : i32
        %dma_wait3A_403 = arith.constant 0 : i32
        %dma_wait3A_404 = tpu.memref_slice %arg13[%dma_wait3A_401, %dma_wait3A_402, %dma_wait3A_403] : memref<40x2x128xi32, #tpu.memory_space<vmem>> -> memref<1x1x128xi32, #tpu.memory_space<vmem>>
        %dma_wait3A_405 = tpu.memref_squeeze %dma_wait3A_404 : memref<1x1x128xi32, #tpu.memory_space<vmem>> -> memref<128xi32, #tpu.memory_space<vmem>>
        %dma_wait3A_406 = arith.constant 0 : i32
        %dma_wait3A_407 = tpu.memref_slice %arg12[%dma_wait3A_406] : memref<10000xf32, #tpu.memory_space<vmem_shared>> -> memref<10000xf32, #tpu.memory_space<vmem_shared>>
        tpu.wait_indirect_dma semaphore(%arg23 : memref<!tpu.dma_semaphore, #tpu.memory_space<semaphore_mem>>) src(%arg16 : memref<128xf32, #tpu.memory_space<vmem>>) dst(%dma_wait3A_407 : memref<10000xf32, #tpu.memory_space<vmem_shared>>)
      } else {
      }
    } else {
    }
    %eq3A_278 = arith.constant 1 : i32
    %eq3A_279 = arith.cmpi eq, %arg0, %eq3A_278 : i32
    %convert_element_type3A_280 = arith.extui %eq3A_279 : i1 to i32
    %cond3A_281 = arith.constant 0 : i32
    %cond3A_282 = arith.cmpi ne, %convert_element_type3A_280, %cond3A_281 : i32
    scf.if %cond3A_282 {
      "tpu.region"() ({
        %run_scoped3A = tpu.sem_alloc : memref<!tpu.dma_semaphore, #tpu.memory_space<semaphore_mem>>
        %dma_start3A_362 = arith.constant 0 : i32
        %dma_start3A_363 = arith.constant 0 : i32
        %dma_start3A_364 = arith.constant 0 : i32
        %dma_start3A_365 = tpu.memref_slice %arg13[%dma_start3A_362, %dma_start3A_363, %dma_start3A_364] : memref<40x2x128xi32, #tpu.memory_space<vmem>> -> memref<40x2x128xi32, #tpu.memory_space<vmem>>
        %dma_start3A_366 = arith.constant 0 : i32
        %dma_start3A_367 = arith.constant 0 : i32
        %dma_start3A_368 = tpu.memref_slice %arg5[%select_n3A, %dma_start3A_366, %dma_start3A_367] : memref<1250x2x128xi32, #tpu.memory_space<hbm>> -> memref<40x2x128xi32, #tpu.memory_space<hbm>>
        %dma_start3A_369 = arith.constant 0 : i32
        %dma_start3A_370 = arith.constant 0 : i32
        %dma_start3A_371 = arith.constant 0 : i32
        %dma_start3A_372 = tpu.memref_slice %arg13[%dma_start3A_369, %dma_start3A_370, %dma_start3A_371] : memref<40x2x128xi32, #tpu.memory_space<vmem>> -> memref<40x2x128xi32, #tpu.memory_space<vmem>>
        %dma_start3A_373 = arith.constant 0 : i32
        %dma_start3A_374 = arith.constant 0 : i32
        %dma_start3A_375 = tpu.memref_slice %arg5[%select_n3A, %dma_start3A_373, %dma_start3A_374] : memref<1250x2x128xi32, #tpu.memory_space<hbm>> -> memref<40x2x128xi32, #tpu.memory_space<hbm>>
        tpu.enqueue_dma source(%dma_start3A_375 : memref<40x2x128xi32, #tpu.memory_space<hbm>>) target(%dma_start3A_372 : memref<40x2x128xi32, #tpu.memory_space<vmem>>) target_semaphore(%run_scoped3A : memref<!tpu.dma_semaphore, #tpu.memory_space<semaphore_mem>>)
        %dma_wait3A_376 = arith.constant 0 : i32
        %dma_wait3A_377 = arith.constant 0 : i32
        %dma_wait3A_378 = arith.constant 0 : i32
        %dma_wait3A_379 = tpu.memref_slice %arg13[%dma_wait3A_376, %dma_wait3A_377, %dma_wait3A_378] : memref<40x2x128xi32, #tpu.memory_space<vmem>> -> memref<40x2x128xi32, #tpu.memory_space<vmem>>
        %dma_wait3A_380 = arith.constant 0 : i32
        %dma_wait3A_381 = arith.constant 0 : i32
        %dma_wait3A_382 = tpu.memref_slice %arg5[%select_n3A, %dma_wait3A_380, %dma_wait3A_381] : memref<1250x2x128xi32, #tpu.memory_space<hbm>> -> memref<40x2x128xi32, #tpu.memory_space<hbm>>
        %dma_wait3A_383 = arith.constant 0 : i32
        %dma_wait3A_384 = arith.constant 0 : i32
        %dma_wait3A_385 = arith.constant 0 : i32
        %dma_wait3A_386 = tpu.memref_slice %arg13[%dma_wait3A_383, %dma_wait3A_384, %dma_wait3A_385] : memref<40x2x128xi32, #tpu.memory_space<vmem>> -> memref<40x2x128xi32, #tpu.memory_space<vmem>>
        %dma_wait3A_387 = arith.constant 0 : i32
        %dma_wait3A_388 = arith.constant 0 : i32
        %dma_wait3A_389 = tpu.memref_slice %arg5[%select_n3A, %dma_wait3A_387, %dma_wait3A_388] : memref<1250x2x128xi32, #tpu.memory_space<hbm>> -> memref<40x2x128xi32, #tpu.memory_space<hbm>>
        tpu.wait_dma2 semaphore(%run_scoped3A : memref<!tpu.dma_semaphore, #tpu.memory_space<semaphore_mem>>) src(%dma_wait3A_389 : memref<40x2x128xi32, #tpu.memory_space<hbm>>) dst(%dma_wait3A_386 : memref<40x2x128xi32, #tpu.memory_space<vmem>>)
        tpu.yield
      }) : () -> ()
      %dma_start3A = arith.constant 0 : i32
      %dma_start3A_294 = arith.constant 0 : i32
      %dma_start3A_295 = arith.constant 0 : i32
      %dma_start3A_296 = tpu.memref_slice %arg13[%dma_start3A, %dma_start3A_294, %dma_start3A_295] : memref<40x2x128xi32, #tpu.memory_space<vmem>> -> memref<1x1x128xi32, #tpu.memory_space<vmem>>
      %dma_start3A_297 = tpu.memref_squeeze %dma_start3A_296 : memref<1x1x128xi32, #tpu.memory_space<vmem>> -> memref<128xi32, #tpu.memory_space<vmem>>
      %dma_start3A_298 = arith.constant 0 : i32
      %dma_start3A_299 = arith.constant 0 : i32
      %dma_start3A_300 = tpu.memref_slice %arg3[%dma_start3A_298, %dma_start3A_299] : memref<10000x128xf32, #tpu.memory_space<hbm>> -> memref<10000x128xf32, #tpu.memory_space<hbm>>
      tpu.enqueue_indirect_dma source(%dma_start3A_300 : memref<10000x128xf32, #tpu.memory_space<hbm>>) target(%arg14 : memref<128x128xf32, #tpu.memory_space<vmem>>) offsets(%dma_start3A_297 : memref<128xi32, #tpu.memory_space<vmem>>) semaphore(%arg18 : memref<!tpu.dma_semaphore, #tpu.memory_space<semaphore_mem>>)
      %scan3A = arith.constant 0 : i32
      %scan3A_301 = arith.constant 0 : i32
      %scan3A_302 = arith.constant 20 : i32
      %scan3A_303 = arith.addi %scan3A_301, %scan3A_302 : i32
      %scan3A_304 = arith.constant 1 : i32
      scf.for %scan3A_362 = %scan3A_301 to %scan3A_303 step %scan3A_304  : i32 {
        %gt3A_363 = arith.constant 0 : i32
        %gt3A_364 = arith.cmpi sgt, %scan3A_362, %gt3A_363 : i32
        %convert_element_type3A_365 = arith.extui %gt3A_364 : i1 to i32
        %cond3A_366 = arith.constant 0 : i32
        %cond3A_367 = arith.cmpi ne, %convert_element_type3A_365, %cond3A_366 : i32
        scf.if %cond3A_367 {
          %mul3A_455 = arith.constant 2 : i32
          %mul3A_456 = arith.muli %mul3A_455, %scan3A_362 : i32
          %sub3A_457 = arith.constant 1 : i32
          %sub3A_458 = arith.subi %mul3A_456, %sub3A_457 : i32
          %dma_wait3A_459 = arith.constant 1 : i32
          %dma_wait3A_460 = arith.constant 0 : i32
          %dma_wait3A_461 = tpu.memref_slice %arg13[%sub3A_458, %dma_wait3A_459, %dma_wait3A_460] : memref<40x2x128xi32, #tpu.memory_space<vmem>> -> memref<1x1x128xi32, #tpu.memory_space<vmem>>
          %dma_wait3A_462 = tpu.memref_squeeze %dma_wait3A_461 : memref<1x1x128xi32, #tpu.memory_space<vmem>> -> memref<128xi32, #tpu.memory_space<vmem>>
          %dma_wait3A_463 = arith.constant 0 : i32
          %dma_wait3A_464 = arith.constant 0 : i32
          %dma_wait3A_465 = tpu.memref_slice %arg11[%dma_wait3A_463, %dma_wait3A_464] : memref<10000x128xf32, #tpu.memory_space<vmem_shared>> -> memref<10000x128xf32, #tpu.memory_space<vmem_shared>>
          tpu.wait_indirect_dma semaphore(%arg21 : memref<!tpu.dma_semaphore, #tpu.memory_space<semaphore_mem>>) src(%arg15 : memref<128x128xf32, #tpu.memory_space<vmem>>) dst(%dma_wait3A_465 : memref<10000x128xf32, #tpu.memory_space<vmem_shared>>)
          %dma_wait3A_466 = arith.constant 1 : i32
          %dma_wait3A_467 = arith.constant 0 : i32
          %dma_wait3A_468 = tpu.memref_slice %arg13[%sub3A_458, %dma_wait3A_466, %dma_wait3A_467] : memref<40x2x128xi32, #tpu.memory_space<vmem>> -> memref<1x1x128xi32, #tpu.memory_space<vmem>>
          %dma_wait3A_469 = tpu.memref_squeeze %dma_wait3A_468 : memref<1x1x128xi32, #tpu.memory_space<vmem>> -> memref<128xi32, #tpu.memory_space<vmem>>
          %dma_wait3A_470 = arith.constant 0 : i32
          %dma_wait3A_471 = tpu.memref_slice %arg12[%dma_wait3A_470] : memref<10000xf32, #tpu.memory_space<vmem_shared>> -> memref<10000xf32, #tpu.memory_space<vmem_shared>>
          tpu.wait_indirect_dma semaphore(%arg23 : memref<!tpu.dma_semaphore, #tpu.memory_space<semaphore_mem>>) src(%arg16 : memref<128xf32, #tpu.memory_space<vmem>>) dst(%dma_wait3A_471 : memref<10000xf32, #tpu.memory_space<vmem_shared>>)
        } else {
        }
        %mul3A_368 = arith.constant 2 : i32
        %mul3A_369 = arith.muli %mul3A_368, %scan3A_362 : i32
        %add3A_370 = arith.constant 1 : i32
        %add3A_371 = arith.addi %mul3A_369, %add3A_370 : i32
        %dma_start3A_372 = arith.constant 0 : i32
        %dma_start3A_373 = arith.constant 0 : i32
        %dma_start3A_374 = tpu.memref_slice %arg13[%add3A_371, %dma_start3A_372, %dma_start3A_373] : memref<40x2x128xi32, #tpu.memory_space<vmem>> -> memref<1x1x128xi32, #tpu.memory_space<vmem>>
        %dma_start3A_375 = tpu.memref_squeeze %dma_start3A_374 : memref<1x1x128xi32, #tpu.memory_space<vmem>> -> memref<128xi32, #tpu.memory_space<vmem>>
        %dma_start3A_376 = arith.constant 0 : i32
        %dma_start3A_377 = arith.constant 0 : i32
        %dma_start3A_378 = tpu.memref_slice %arg3[%dma_start3A_376, %dma_start3A_377] : memref<10000x128xf32, #tpu.memory_space<hbm>> -> memref<10000x128xf32, #tpu.memory_space<hbm>>
        tpu.enqueue_indirect_dma source(%dma_start3A_378 : memref<10000x128xf32, #tpu.memory_space<hbm>>) target(%arg15 : memref<128x128xf32, #tpu.memory_space<vmem>>) offsets(%dma_start3A_375 : memref<128xi32, #tpu.memory_space<vmem>>) semaphore(%arg19 : memref<!tpu.dma_semaphore, #tpu.memory_space<semaphore_mem>>)
        %mul3A_379 = arith.constant 2 : i32
        %mul3A_380 = arith.muli %mul3A_379, %scan3A_362 : i32
        %dma_wait3A_381 = arith.constant 0 : i32
        %dma_wait3A_382 = arith.constant 0 : i32
        %dma_wait3A_383 = tpu.memref_slice %arg13[%mul3A_380, %dma_wait3A_381, %dma_wait3A_382] : memref<40x2x128xi32, #tpu.memory_space<vmem>> -> memref<1x1x128xi32, #tpu.memory_space<vmem>>
        %dma_wait3A_384 = tpu.memref_squeeze %dma_wait3A_383 : memref<1x1x128xi32, #tpu.memory_space<vmem>> -> memref<128xi32, #tpu.memory_space<vmem>>
        %dma_wait3A_385 = arith.constant 0 : i32
        %dma_wait3A_386 = arith.constant 0 : i32
        %dma_wait3A_387 = tpu.memref_slice %arg3[%dma_wait3A_385, %dma_wait3A_386] : memref<10000x128xf32, #tpu.memory_space<hbm>> -> memref<10000x128xf32, #tpu.memory_space<hbm>>
        tpu.wait_indirect_dma semaphore(%arg18 : memref<!tpu.dma_semaphore, #tpu.memory_space<semaphore_mem>>) src(%dma_wait3A_387 : memref<10000x128xf32, #tpu.memory_space<hbm>>) dst(%arg14 : memref<128x128xf32, #tpu.memory_space<vmem>>)
        %mul3A_388 = arith.constant 2 : i32
        %mul3A_389 = arith.muli %mul3A_388, %scan3A_362 : i32
        %dma_start3A_390 = arith.constant 1 : i32
        %dma_start3A_391 = arith.constant 0 : i32
        %dma_start3A_392 = tpu.memref_slice %arg13[%mul3A_389, %dma_start3A_390, %dma_start3A_391] : memref<40x2x128xi32, #tpu.memory_space<vmem>> -> memref<1x1x128xi32, #tpu.memory_space<vmem>>
        %dma_start3A_393 = tpu.memref_squeeze %dma_start3A_392 : memref<1x1x128xi32, #tpu.memory_space<vmem>> -> memref<128xi32, #tpu.memory_space<vmem>>
        %dma_start3A_394 = arith.constant 0 : i32
        %dma_start3A_395 = arith.constant 0 : i32
        %dma_start3A_396 = tpu.memref_slice %arg11[%dma_start3A_394, %dma_start3A_395] : memref<10000x128xf32, #tpu.memory_space<vmem_shared>> -> memref<10000x128xf32, #tpu.memory_space<vmem_shared>>
        tpu.enqueue_indirect_dma source(%arg14 : memref<128x128xf32, #tpu.memory_space<vmem>>) target(%dma_start3A_396 : memref<10000x128xf32, #tpu.memory_space<vmem_shared>>) offsets(%dma_start3A_393 : memref<128xi32, #tpu.memory_space<vmem>>) semaphore(%arg20 : memref<!tpu.dma_semaphore, #tpu.memory_space<semaphore_mem>>) {add = true}
        %dma_start3A_397 = arith.constant 1 : i32
        %dma_start3A_398 = arith.constant 0 : i32
        %dma_start3A_399 = tpu.memref_slice %arg13[%mul3A_389, %dma_start3A_397, %dma_start3A_398] : memref<40x2x128xi32, #tpu.memory_space<vmem>> -> memref<1x1x128xi32, #tpu.memory_space<vmem>>
        %dma_start3A_400 = tpu.memref_squeeze %dma_start3A_399 : memref<1x1x128xi32, #tpu.memory_space<vmem>> -> memref<128xi32, #tpu.memory_space<vmem>>
        %dma_start3A_401 = arith.constant 0 : i32
        %dma_start3A_402 = tpu.memref_slice %arg12[%dma_start3A_401] : memref<10000xf32, #tpu.memory_space<vmem_shared>> -> memref<10000xf32, #tpu.memory_space<vmem_shared>>
        tpu.enqueue_indirect_dma source(%arg16 : memref<128xf32, #tpu.memory_space<vmem>>) target(%dma_start3A_402 : memref<10000xf32, #tpu.memory_space<vmem_shared>>) offsets(%dma_start3A_400 : memref<128xi32, #tpu.memory_space<vmem>>) semaphore(%arg22 : memref<!tpu.dma_semaphore, #tpu.memory_space<semaphore_mem>>) {add = true}
        %mul3A_403 = arith.constant 2 : i32
        %mul3A_404 = arith.muli %mul3A_403, %scan3A_362 : i32
        %dma_wait3A_405 = arith.constant 1 : i32
        %dma_wait3A_406 = arith.constant 0 : i32
        %dma_wait3A_407 = tpu.memref_slice %arg13[%mul3A_404, %dma_wait3A_405, %dma_wait3A_406] : memref<40x2x128xi32, #tpu.memory_space<vmem>> -> memref<1x1x128xi32, #tpu.memory_space<vmem>>
        %dma_wait3A_408 = tpu.memref_squeeze %dma_wait3A_407 : memref<1x1x128xi32, #tpu.memory_space<vmem>> -> memref<128xi32, #tpu.memory_space<vmem>>
        %dma_wait3A_409 = arith.constant 0 : i32
        %dma_wait3A_410 = arith.constant 0 : i32
        %dma_wait3A_411 = tpu.memref_slice %arg11[%dma_wait3A_409, %dma_wait3A_410] : memref<10000x128xf32, #tpu.memory_space<vmem_shared>> -> memref<10000x128xf32, #tpu.memory_space<vmem_shared>>
        tpu.wait_indirect_dma semaphore(%arg20 : memref<!tpu.dma_semaphore, #tpu.memory_space<semaphore_mem>>) src(%arg14 : memref<128x128xf32, #tpu.memory_space<vmem>>) dst(%dma_wait3A_411 : memref<10000x128xf32, #tpu.memory_space<vmem_shared>>)
        %dma_wait3A_412 = arith.constant 1 : i32
        %dma_wait3A_413 = arith.constant 0 : i32
        %dma_wait3A_414 = tpu.memref_slice %arg13[%mul3A_404, %dma_wait3A_412, %dma_wait3A_413] : memref<40x2x128xi32, #tpu.memory_space<vmem>> -> memref<1x1x128xi32, #tpu.memory_space<vmem>>
        %dma_wait3A_415 = tpu.memref_squeeze %dma_wait3A_414 : memref<1x1x128xi32, #tpu.memory_space<vmem>> -> memref<128xi32, #tpu.memory_space<vmem>>
        %dma_wait3A_416 = arith.constant 0 : i32
        %dma_wait3A_417 = tpu.memref_slice %arg12[%dma_wait3A_416] : memref<10000xf32, #tpu.memory_space<vmem_shared>> -> memref<10000xf32, #tpu.memory_space<vmem_shared>>
        tpu.wait_indirect_dma semaphore(%arg22 : memref<!tpu.dma_semaphore, #tpu.memory_space<semaphore_mem>>) src(%arg16 : memref<128xf32, #tpu.memory_space<vmem>>) dst(%dma_wait3A_417 : memref<10000xf32, #tpu.memory_space<vmem_shared>>)
        %mul3A_418 = arith.constant 2 : i32
        %mul3A_419 = arith.muli %mul3A_418, %scan3A_362 : i32
        %add3A_420 = arith.constant 2 : i32
        %add3A_421 = arith.addi %mul3A_419, %add3A_420 : i32
        %lt3A_422 = arith.constant 40 : i32
        %lt3A_423 = arith.cmpi slt, %add3A_421, %lt3A_422 : i32
        %convert_element_type3A_424 = arith.extui %lt3A_423 : i1 to i32
        %cond3A_425 = arith.constant 0 : i32
        %cond3A_426 = arith.cmpi ne, %convert_element_type3A_424, %cond3A_425 : i32
        scf.if %cond3A_426 {
          %mul3A_455 = arith.constant 2 : i32
          %mul3A_456 = arith.muli %mul3A_455, %scan3A_362 : i32
          %add3A_457 = arith.constant 2 : i32
          %add3A_458 = arith.addi %mul3A_456, %add3A_457 : i32
          %dma_start3A_459 = arith.constant 0 : i32
          %dma_start3A_460 = arith.constant 0 : i32
          %dma_start3A_461 = tpu.memref_slice %arg13[%add3A_458, %dma_start3A_459, %dma_start3A_460] : memref<40x2x128xi32, #tpu.memory_space<vmem>> -> memref<1x1x128xi32, #tpu.memory_space<vmem>>
          %dma_start3A_462 = tpu.memref_squeeze %dma_start3A_461 : memref<1x1x128xi32, #tpu.memory_space<vmem>> -> memref<128xi32, #tpu.memory_space<vmem>>
          %dma_start3A_463 = arith.constant 0 : i32
          %dma_start3A_464 = arith.constant 0 : i32
          %dma_start3A_465 = tpu.memref_slice %arg3[%dma_start3A_463, %dma_start3A_464] : memref<10000x128xf32, #tpu.memory_space<hbm>> -> memref<10000x128xf32, #tpu.memory_space<hbm>>
          tpu.enqueue_indirect_dma source(%dma_start3A_465 : memref<10000x128xf32, #tpu.memory_space<hbm>>) target(%arg14 : memref<128x128xf32, #tpu.memory_space<vmem>>) offsets(%dma_start3A_462 : memref<128xi32, #tpu.memory_space<vmem>>) semaphore(%arg18 : memref<!tpu.dma_semaphore, #tpu.memory_space<semaphore_mem>>)
        } else {
        }
        %mul3A_427 = arith.constant 2 : i32
        %mul3A_428 = arith.muli %mul3A_427, %scan3A_362 : i32
        %add3A_429 = arith.constant 1 : i32
        %add3A_430 = arith.addi %mul3A_428, %add3A_429 : i32
        %dma_wait3A_431 = arith.constant 0 : i32
        %dma_wait3A_432 = arith.constant 0 : i32
        %dma_wait3A_433 = tpu.memref_slice %arg13[%add3A_430, %dma_wait3A_431, %dma_wait3A_432] : memref<40x2x128xi32, #tpu.memory_space<vmem>> -> memref<1x1x128xi32, #tpu.memory_space<vmem>>
        %dma_wait3A_434 = tpu.memref_squeeze %dma_wait3A_433 : memref<1x1x128xi32, #tpu.memory_space<vmem>> -> memref<128xi32, #tpu.memory_space<vmem>>
        %dma_wait3A_435 = arith.constant 0 : i32
        %dma_wait3A_436 = arith.constant 0 : i32
        %dma_wait3A_437 = tpu.memref_slice %arg3[%dma_wait3A_435, %dma_wait3A_436] : memref<10000x128xf32, #tpu.memory_space<hbm>> -> memref<10000x128xf32, #tpu.memory_space<hbm>>
        tpu.wait_indirect_dma semaphore(%arg19 : memref<!tpu.dma_semaphore, #tpu.memory_space<semaphore_mem>>) src(%dma_wait3A_437 : memref<10000x128xf32, #tpu.memory_space<hbm>>) dst(%arg15 : memref<128x128xf32, #tpu.memory_space<vmem>>)
        %mul3A_438 = arith.constant 2 : i32
        %mul3A_439 = arith.muli %mul3A_438, %scan3A_362 : i32
        %add3A_440 = arith.constant 1 : i32
        %add3A_441 = arith.addi %mul3A_439, %add3A_440 : i32
        %dma_start3A_442 = arith.constant 1 : i32
        %dma_start3A_443 = arith.constant 0 : i32
        %dma_start3A_444 = tpu.memref_slice %arg13[%add3A_441, %dma_start3A_442, %dma_start3A_443] : memref<40x2x128xi32, #tpu.memory_space<vmem>> -> memref<1x1x128xi32, #tpu.memory_space<vmem>>
        %dma_start3A_445 = tpu.memref_squeeze %dma_start3A_444 : memref<1x1x128xi32, #tpu.memory_space<vmem>> -> memref<128xi32, #tpu.memory_space<vmem>>
        %dma_start3A_446 = arith.constant 0 : i32
        %dma_start3A_447 = arith.constant 0 : i32
        %dma_start3A_448 = tpu.memref_slice %arg11[%dma_start3A_446, %dma_start3A_447] : memref<10000x128xf32, #tpu.memory_space<vmem_shared>> -> memref<10000x128xf32, #tpu.memory_space<vmem_shared>>
        tpu.enqueue_indirect_dma source(%arg15 : memref<128x128xf32, #tpu.memory_space<vmem>>) target(%dma_start3A_448 : memref<10000x128xf32, #tpu.memory_space<vmem_shared>>) offsets(%dma_start3A_445 : memref<128xi32, #tpu.memory_space<vmem>>) semaphore(%arg21 : memref<!tpu.dma_semaphore, #tpu.memory_space<semaphore_mem>>) {add = true}
        %dma_start3A_449 = arith.constant 1 : i32
        %dma_start3A_450 = arith.constant 0 : i32
        %dma_start3A_451 = tpu.memref_slice %arg13[%add3A_441, %dma_start3A_449, %dma_start3A_450] : memref<40x2x128xi32, #tpu.memory_space<vmem>> -> memref<1x1x128xi32, #tpu.memory_space<vmem>>
        %dma_start3A_452 = tpu.memref_squeeze %dma_start3A_451 : memref<1x1x128xi32, #tpu.memory_space<vmem>> -> memref<128xi32, #tpu.memory_space<vmem>>
        %dma_start3A_453 = arith.constant 0 : i32
        %dma_start3A_454 = tpu.memref_slice %arg12[%dma_start3A_453] : memref<10000xf32, #tpu.memory_space<vmem_shared>> -> memref<10000xf32, #tpu.memory_space<vmem_shared>>
        tpu.enqueue_indirect_dma source(%arg16 : memref<128xf32, #tpu.memory_space<vmem>>) target(%dma_start3A_454 : memref<10000xf32, #tpu.memory_space<vmem_shared>>) offsets(%dma_start3A_452 : memref<128xi32, #tpu.memory_space<vmem>>) semaphore(%arg23 : memref<!tpu.dma_semaphore, #tpu.memory_space<semaphore_mem>>) {add = true}
      }
      %scan3A_305 = arith.constant 20 : i32
      %dma_wait3A = arith.constant 39 : i32
      %dma_wait3A_306 = arith.constant 1 : i32
      %dma_wait3A_307 = arith.constant 0 : i32
      %dma_wait3A_308 = tpu.memref_slice %arg13[%dma_wait3A, %dma_wait3A_306, %dma_wait3A_307] : memref<40x2x128xi32, #tpu.memory_space<vmem>> -> memref<1x1x128xi32, #tpu.memory_space<vmem>>
      %dma_wait3A_309 = tpu.memref_squeeze %dma_wait3A_308 : memref<1x1x128xi32, #tpu.memory_space<vmem>> -> memref<128xi32, #tpu.memory_space<vmem>>
      %dma_wait3A_310 = arith.constant 0 : i32
      %dma_wait3A_311 = arith.constant 0 : i32
      %dma_wait3A_312 = tpu.memref_slice %arg11[%dma_wait3A_310, %dma_wait3A_311] : memref<10000x128xf32, #tpu.memory_space<vmem_shared>> -> memref<10000x128xf32, #tpu.memory_space<vmem_shared>>
      tpu.wait_indirect_dma semaphore(%arg21 : memref<!tpu.dma_semaphore, #tpu.memory_space<semaphore_mem>>) src(%arg15 : memref<128x128xf32, #tpu.memory_space<vmem>>) dst(%dma_wait3A_312 : memref<10000x128xf32, #tpu.memory_space<vmem_shared>>)
      %dma_wait3A_313 = arith.constant 39 : i32
      %dma_wait3A_314 = arith.constant 1 : i32
      %dma_wait3A_315 = arith.constant 0 : i32
      %dma_wait3A_316 = tpu.memref_slice %arg13[%dma_wait3A_313, %dma_wait3A_314, %dma_wait3A_315] : memref<40x2x128xi32, #tpu.memory_space<vmem>> -> memref<1x1x128xi32, #tpu.memory_space<vmem>>
      %dma_wait3A_317 = tpu.memref_squeeze %dma_wait3A_316 : memref<1x1x128xi32, #tpu.memory_space<vmem>> -> memref<128xi32, #tpu.memory_space<vmem>>
      %dma_wait3A_318 = arith.constant 0 : i32
      %dma_wait3A_319 = tpu.memref_slice %arg12[%dma_wait3A_318] : memref<10000xf32, #tpu.memory_space<vmem_shared>> -> memref<10000xf32, #tpu.memory_space<vmem_shared>>
      tpu.wait_indirect_dma semaphore(%arg23 : memref<!tpu.dma_semaphore, #tpu.memory_space<semaphore_mem>>) src(%arg16 : memref<128xf32, #tpu.memory_space<vmem>>) dst(%dma_wait3A_319 : memref<10000xf32, #tpu.memory_space<vmem_shared>>)
      %add3A_320 = arith.constant 40 : i32
      %add3A_321 = arith.addi %select_n3A, %add3A_320 : i32
      %sub3A_322 = arith.constant 40 : i32
      %sub3A_323 = arith.subi %sub3A_272, %sub3A_322 : i32
      "tpu.region"() ({
        %run_scoped3A = tpu.sem_alloc : memref<!tpu.dma_semaphore, #tpu.memory_space<semaphore_mem>>
        %dma_start3A_362 = arith.constant 0 : i32
        %dma_start3A_363 = arith.constant 0 : i32
        %dma_start3A_364 = arith.constant 0 : i32
        %dma_start3A_365 = tpu.memref_slice %arg13[%dma_start3A_362, %dma_start3A_363, %dma_start3A_364] : memref<40x2x128xi32, #tpu.memory_space<vmem>> -> memref<39x2x128xi32, #tpu.memory_space<vmem>>
        %dma_start3A_366 = arith.constant 0 : i32
        %dma_start3A_367 = arith.constant 0 : i32
        %dma_start3A_368 = tpu.memref_slice %arg5[%add3A_321, %dma_start3A_366, %dma_start3A_367] : memref<1250x2x128xi32, #tpu.memory_space<hbm>> -> memref<39x2x128xi32, #tpu.memory_space<hbm>>
        %dma_start3A_369 = arith.constant 0 : i32
        %dma_start3A_370 = arith.constant 0 : i32
        %dma_start3A_371 = arith.constant 0 : i32
        %dma_start3A_372 = tpu.memref_slice %arg13[%dma_start3A_369, %dma_start3A_370, %dma_start3A_371] : memref<40x2x128xi32, #tpu.memory_space<vmem>> -> memref<39x2x128xi32, #tpu.memory_space<vmem>>
        %dma_start3A_373 = arith.constant 0 : i32
        %dma_start3A_374 = arith.constant 0 : i32
        %dma_start3A_375 = tpu.memref_slice %arg5[%add3A_321, %dma_start3A_373, %dma_start3A_374] : memref<1250x2x128xi32, #tpu.memory_space<hbm>> -> memref<39x2x128xi32, #tpu.memory_space<hbm>>
        tpu.enqueue_dma source(%dma_start3A_375 : memref<39x2x128xi32, #tpu.memory_space<hbm>>) target(%dma_start3A_372 : memref<39x2x128xi32, #tpu.memory_space<vmem>>) target_semaphore(%run_scoped3A : memref<!tpu.dma_semaphore, #tpu.memory_space<semaphore_mem>>)
        %dma_wait3A_376 = arith.constant 0 : i32
        %dma_wait3A_377 = arith.constant 0 : i32
        %dma_wait3A_378 = arith.constant 0 : i32
        %dma_wait3A_379 = tpu.memref_slice %arg13[%dma_wait3A_376, %dma_wait3A_377, %dma_wait3A_378] : memref<40x2x128xi32, #tpu.memory_space<vmem>> -> memref<39x2x128xi32, #tpu.memory_space<vmem>>
        %dma_wait3A_380 = arith.constant 0 : i32
        %dma_wait3A_381 = arith.constant 0 : i32
        %dma_wait3A_382 = tpu.memref_slice %arg5[%add3A_321, %dma_wait3A_380, %dma_wait3A_381] : memref<1250x2x128xi32, #tpu.memory_space<hbm>> -> memref<39x2x128xi32, #tpu.memory_space<hbm>>
        %dma_wait3A_383 = arith.constant 0 : i32
        %dma_wait3A_384 = arith.constant 0 : i32
        %dma_wait3A_385 = arith.constant 0 : i32
        %dma_wait3A_386 = tpu.memref_slice %arg13[%dma_wait3A_383, %dma_wait3A_384, %dma_wait3A_385] : memref<40x2x128xi32, #tpu.memory_space<vmem>> -> memref<39x2x128xi32, #tpu.memory_space<vmem>>
        %dma_wait3A_387 = arith.constant 0 : i32
        %dma_wait3A_388 = arith.constant 0 : i32
        %dma_wait3A_389 = tpu.memref_slice %arg5[%add3A_321, %dma_wait3A_387, %dma_wait3A_388] : memref<1250x2x128xi32, #tpu.memory_space<hbm>> -> memref<39x2x128xi32, #tpu.memory_space<hbm>>
        tpu.wait_dma2 semaphore(%run_scoped3A : memref<!tpu.dma_semaphore, #tpu.memory_space<semaphore_mem>>) src(%dma_wait3A_389 : memref<39x2x128xi32, #tpu.memory_space<hbm>>) dst(%dma_wait3A_386 : memref<39x2x128xi32, #tpu.memory_space<vmem>>)
        tpu.yield
      }) : () -> ()
      %dma_start3A_324 = arith.constant 0 : i32
      %dma_start3A_325 = arith.constant 0 : i32
      %dma_start3A_326 = arith.constant 0 : i32
      %dma_start3A_327 = tpu.memref_slice %arg13[%dma_start3A_324, %dma_start3A_325, %dma_start3A_326] : memref<40x2x128xi32, #tpu.memory_space<vmem>> -> memref<1x1x128xi32, #tpu.memory_space<vmem>>
      %dma_start3A_328 = tpu.memref_squeeze %dma_start3A_327 : memref<1x1x128xi32, #tpu.memory_space<vmem>> -> memref<128xi32, #tpu.memory_space<vmem>>
      %dma_start3A_329 = arith.constant 0 : i32
      %dma_start3A_330 = arith.constant 0 : i32
      %dma_start3A_331 = tpu.memref_slice %arg3[%dma_start3A_329, %dma_start3A_330] : memref<10000x128xf32, #tpu.memory_space<hbm>> -> memref<10000x128xf32, #tpu.memory_space<hbm>>
      tpu.enqueue_indirect_dma source(%dma_start3A_331 : memref<10000x128xf32, #tpu.memory_space<hbm>>) target(%arg14 : memref<128x128xf32, #tpu.memory_space<vmem>>) offsets(%dma_start3A_328 : memref<128xi32, #tpu.memory_space<vmem>>) semaphore(%arg18 : memref<!tpu.dma_semaphore, #tpu.memory_space<semaphore_mem>>)
      %scan3A_332 = arith.constant 0 : i32
      %scan3A_333 = arith.constant 0 : i32
      %scan3A_334 = arith.constant 19 : i32
      %scan3A_335 = arith.addi %scan3A_333, %scan3A_334 : i32
      %scan3A_336 = arith.constant 1 : i32
      scf.for %scan3A_362 = %scan3A_333 to %scan3A_335 step %scan3A_336  : i32 {
        %gt3A_363 = arith.constant 0 : i32
        %gt3A_364 = arith.cmpi sgt, %scan3A_362, %gt3A_363 : i32
        %convert_element_type3A_365 = arith.extui %gt3A_364 : i1 to i32
        %cond3A_366 = arith.constant 0 : i32
        %cond3A_367 = arith.cmpi ne, %convert_element_type3A_365, %cond3A_366 : i32
        scf.if %cond3A_367 {
          %mul3A_454 = arith.constant 2 : i32
          %mul3A_455 = arith.muli %mul3A_454, %scan3A_362 : i32
          %sub3A_456 = arith.constant 1 : i32
          %sub3A_457 = arith.subi %mul3A_455, %sub3A_456 : i32
          %dma_wait3A_458 = arith.constant 1 : i32
          %dma_wait3A_459 = arith.constant 0 : i32
          %dma_wait3A_460 = tpu.memref_slice %arg13[%sub3A_457, %dma_wait3A_458, %dma_wait3A_459] : memref<40x2x128xi32, #tpu.memory_space<vmem>> -> memref<1x1x128xi32, #tpu.memory_space<vmem>>
          %dma_wait3A_461 = tpu.memref_squeeze %dma_wait3A_460 : memref<1x1x128xi32, #tpu.memory_space<vmem>> -> memref<128xi32, #tpu.memory_space<vmem>>
          %dma_wait3A_462 = arith.constant 0 : i32
          %dma_wait3A_463 = arith.constant 0 : i32
          %dma_wait3A_464 = tpu.memref_slice %arg11[%dma_wait3A_462, %dma_wait3A_463] : memref<10000x128xf32, #tpu.memory_space<vmem_shared>> -> memref<10000x128xf32, #tpu.memory_space<vmem_shared>>
          tpu.wait_indirect_dma semaphore(%arg21 : memref<!tpu.dma_semaphore, #tpu.memory_space<semaphore_mem>>) src(%arg15 : memref<128x128xf32, #tpu.memory_space<vmem>>) dst(%dma_wait3A_464 : memref<10000x128xf32, #tpu.memory_space<vmem_shared>>)
          %dma_wait3A_465 = arith.constant 1 : i32
          %dma_wait3A_466 = arith.constant 0 : i32
          %dma_wait3A_467 = tpu.memref_slice %arg13[%sub3A_457, %dma_wait3A_465, %dma_wait3A_466] : memref<40x2x128xi32, #tpu.memory_space<vmem>> -> memref<1x1x128xi32, #tpu.memory_space<vmem>>
          %dma_wait3A_468 = tpu.memref_squeeze %dma_wait3A_467 : memref<1x1x128xi32, #tpu.memory_space<vmem>> -> memref<128xi32, #tpu.memory_space<vmem>>
          %dma_wait3A_469 = arith.constant 0 : i32
          %dma_wait3A_470 = tpu.memref_slice %arg12[%dma_wait3A_469] : memref<10000xf32, #tpu.memory_space<vmem_shared>> -> memref<10000xf32, #tpu.memory_space<vmem_shared>>
          tpu.wait_indirect_dma semaphore(%arg23 : memref<!tpu.dma_semaphore, #tpu.memory_space<semaphore_mem>>) src(%arg16 : memref<128xf32, #tpu.memory_space<vmem>>) dst(%dma_wait3A_470 : memref<10000xf32, #tpu.memory_space<vmem_shared>>)
        } else {
        }
        %mul3A_368 = arith.constant 2 : i32
        %mul3A_369 = arith.muli %mul3A_368, %scan3A_362 : i32
        %add3A_370 = arith.constant 1 : i32
        %add3A_371 = arith.addi %mul3A_369, %add3A_370 : i32
        %dma_start3A_372 = arith.constant 0 : i32
        %dma_start3A_373 = arith.constant 0 : i32
        %dma_start3A_374 = tpu.memref_slice %arg13[%add3A_371, %dma_start3A_372, %dma_start3A_373] : memref<40x2x128xi32, #tpu.memory_space<vmem>> -> memref<1x1x128xi32, #tpu.memory_space<vmem>>
        %dma_start3A_375 = tpu.memref_squeeze %dma_start3A_374 : memref<1x1x128xi32, #tpu.memory_space<vmem>> -> memref<128xi32, #tpu.memory_space<vmem>>
        %dma_start3A_376 = arith.constant 0 : i32
        %dma_start3A_377 = arith.constant 0 : i32
        %dma_start3A_378 = tpu.memref_slice %arg3[%dma_start3A_376, %dma_start3A_377] : memref<10000x128xf32, #tpu.memory_space<hbm>> -> memref<10000x128xf32, #tpu.memory_space<hbm>>
        tpu.enqueue_indirect_dma source(%dma_start3A_378 : memref<10000x128xf32, #tpu.memory_space<hbm>>) target(%arg15 : memref<128x128xf32, #tpu.memory_space<vmem>>) offsets(%dma_start3A_375 : memref<128xi32, #tpu.memory_space<vmem>>) semaphore(%arg19 : memref<!tpu.dma_semaphore, #tpu.memory_space<semaphore_mem>>)
        %mul3A_379 = arith.constant 2 : i32
        %mul3A_380 = arith.muli %mul3A_379, %scan3A_362 : i32
        %dma_wait3A_381 = arith.constant 0 : i32
        %dma_wait3A_382 = arith.constant 0 : i32
        %dma_wait3A_383 = tpu.memref_slice %arg13[%mul3A_380, %dma_wait3A_381, %dma_wait3A_382] : memref<40x2x128xi32, #tpu.memory_space<vmem>> -> memref<1x1x128xi32, #tpu.memory_space<vmem>>
        %dma_wait3A_384 = tpu.memref_squeeze %dma_wait3A_383 : memref<1x1x128xi32, #tpu.memory_space<vmem>> -> memref<128xi32, #tpu.memory_space<vmem>>
        %dma_wait3A_385 = arith.constant 0 : i32
        %dma_wait3A_386 = arith.constant 0 : i32
        %dma_wait3A_387 = tpu.memref_slice %arg3[%dma_wait3A_385, %dma_wait3A_386] : memref<10000x128xf32, #tpu.memory_space<hbm>> -> memref<10000x128xf32, #tpu.memory_space<hbm>>
        tpu.wait_indirect_dma semaphore(%arg18 : memref<!tpu.dma_semaphore, #tpu.memory_space<semaphore_mem>>) src(%dma_wait3A_387 : memref<10000x128xf32, #tpu.memory_space<hbm>>) dst(%arg14 : memref<128x128xf32, #tpu.memory_space<vmem>>)
        %mul3A_388 = arith.constant 2 : i32
        %mul3A_389 = arith.muli %mul3A_388, %scan3A_362 : i32
        %dma_start3A_390 = arith.constant 1 : i32
        %dma_start3A_391 = arith.constant 0 : i32
        %dma_start3A_392 = tpu.memref_slice %arg13[%mul3A_389, %dma_start3A_390, %dma_start3A_391] : memref<40x2x128xi32, #tpu.memory_space<vmem>> -> memref<1x1x128xi32, #tpu.memory_space<vmem>>
        %dma_start3A_393 = tpu.memref_squeeze %dma_start3A_392 : memref<1x1x128xi32, #tpu.memory_space<vmem>> -> memref<128xi32, #tpu.memory_space<vmem>>
        %dma_start3A_394 = arith.constant 0 : i32
        %dma_start3A_395 = arith.constant 0 : i32
        %dma_start3A_396 = tpu.memref_slice %arg11[%dma_start3A_394, %dma_start3A_395] : memref<10000x128xf32, #tpu.memory_space<vmem_shared>> -> memref<10000x128xf32, #tpu.memory_space<vmem_shared>>
        tpu.enqueue_indirect_dma source(%arg14 : memref<128x128xf32, #tpu.memory_space<vmem>>) target(%dma_start3A_396 : memref<10000x128xf32, #tpu.memory_space<vmem_shared>>) offsets(%dma_start3A_393 : memref<128xi32, #tpu.memory_space<vmem>>) semaphore(%arg20 : memref<!tpu.dma_semaphore, #tpu.memory_space<semaphore_mem>>) {add = true}
        %dma_start3A_397 = arith.constant 1 : i32
        %dma_start3A_398 = arith.constant 0 : i32
        %dma_start3A_399 = tpu.memref_slice %arg13[%mul3A_389, %dma_start3A_397, %dma_start3A_398] : memref<40x2x128xi32, #tpu.memory_space<vmem>> -> memref<1x1x128xi32, #tpu.memory_space<vmem>>
        %dma_start3A_400 = tpu.memref_squeeze %dma_start3A_399 : memref<1x1x128xi32, #tpu.memory_space<vmem>> -> memref<128xi32, #tpu.memory_space<vmem>>
        %dma_start3A_401 = arith.constant 0 : i32
        %dma_start3A_402 = tpu.memref_slice %arg12[%dma_start3A_401] : memref<10000xf32, #tpu.memory_space<vmem_shared>> -> memref<10000xf32, #tpu.memory_space<vmem_shared>>
        tpu.enqueue_indirect_dma source(%arg16 : memref<128xf32, #tpu.memory_space<vmem>>) target(%dma_start3A_402 : memref<10000xf32, #tpu.memory_space<vmem_shared>>) offsets(%dma_start3A_400 : memref<128xi32, #tpu.memory_space<vmem>>) semaphore(%arg22 : memref<!tpu.dma_semaphore, #tpu.memory_space<semaphore_mem>>) {add = true}
        %mul3A_403 = arith.constant 2 : i32
        %mul3A_404 = arith.muli %mul3A_403, %scan3A_362 : i32
        %dma_wait3A_405 = arith.constant 1 : i32
        %dma_wait3A_406 = arith.constant 0 : i32
        %dma_wait3A_407 = tpu.memref_slice %arg13[%mul3A_404, %dma_wait3A_405, %dma_wait3A_406] : memref<40x2x128xi32, #tpu.memory_space<vmem>> -> memref<1x1x128xi32, #tpu.memory_space<vmem>>
        %dma_wait3A_408 = tpu.memref_squeeze %dma_wait3A_407 : memref<1x1x128xi32, #tpu.memory_space<vmem>> -> memref<128xi32, #tpu.memory_space<vmem>>
        %dma_wait3A_409 = arith.constant 0 : i32
        %dma_wait3A_410 = arith.constant 0 : i32
        %dma_wait3A_411 = tpu.memref_slice %arg11[%dma_wait3A_409, %dma_wait3A_410] : memref<10000x128xf32, #tpu.memory_space<vmem_shared>> -> memref<10000x128xf32, #tpu.memory_space<vmem_shared>>
        tpu.wait_indirect_dma semaphore(%arg20 : memref<!tpu.dma_semaphore, #tpu.memory_space<semaphore_mem>>) src(%arg14 : memref<128x128xf32, #tpu.memory_space<vmem>>) dst(%dma_wait3A_411 : memref<10000x128xf32, #tpu.memory_space<vmem_shared>>)
        %dma_wait3A_412 = arith.constant 1 : i32
        %dma_wait3A_413 = arith.constant 0 : i32
        %dma_wait3A_414 = tpu.memref_slice %arg13[%mul3A_404, %dma_wait3A_412, %dma_wait3A_413] : memref<40x2x128xi32, #tpu.memory_space<vmem>> -> memref<1x1x128xi32, #tpu.memory_space<vmem>>
        %dma_wait3A_415 = tpu.memref_squeeze %dma_wait3A_414 : memref<1x1x128xi32, #tpu.memory_space<vmem>> -> memref<128xi32, #tpu.memory_space<vmem>>
        %dma_wait3A_416 = arith.constant 0 : i32
        %dma_wait3A_417 = tpu.memref_slice %arg12[%dma_wait3A_416] : memref<10000xf32, #tpu.memory_space<vmem_shared>> -> memref<10000xf32, #tpu.memory_space<vmem_shared>>
        tpu.wait_indirect_dma semaphore(%arg22 : memref<!tpu.dma_semaphore, #tpu.memory_space<semaphore_mem>>) src(%arg16 : memref<128xf32, #tpu.memory_space<vmem>>) dst(%dma_wait3A_417 : memref<10000xf32, #tpu.memory_space<vmem_shared>>)
        %mul3A_418 = arith.constant 2 : i32
        %mul3A_419 = arith.muli %mul3A_418, %scan3A_362 : i32
        %add3A_420 = arith.constant 2 : i32
        %add3A_421 = arith.addi %mul3A_419, %add3A_420 : i32
        %lt3A_422 = arith.cmpi slt, %add3A_421, %sub3A_323 : i32
        %convert_element_type3A_423 = arith.extui %lt3A_422 : i1 to i32
        %cond3A_424 = arith.constant 0 : i32
        %cond3A_425 = arith.cmpi ne, %convert_element_type3A_423, %cond3A_424 : i32
        scf.if %cond3A_425 {
          %mul3A_454 = arith.constant 2 : i32
          %mul3A_455 = arith.muli %mul3A_454, %scan3A_362 : i32
          %add3A_456 = arith.constant 2 : i32
          %add3A_457 = arith.addi %mul3A_455, %add3A_456 : i32
          %dma_start3A_458 = arith.constant 0 : i32
          %dma_start3A_459 = arith.constant 0 : i32
          %dma_start3A_460 = tpu.memref_slice %arg13[%add3A_457, %dma_start3A_458, %dma_start3A_459] : memref<40x2x128xi32, #tpu.memory_space<vmem>> -> memref<1x1x128xi32, #tpu.memory_space<vmem>>
          %dma_start3A_461 = tpu.memref_squeeze %dma_start3A_460 : memref<1x1x128xi32, #tpu.memory_space<vmem>> -> memref<128xi32, #tpu.memory_space<vmem>>
          %dma_start3A_462 = arith.constant 0 : i32
          %dma_start3A_463 = arith.constant 0 : i32
          %dma_start3A_464 = tpu.memref_slice %arg3[%dma_start3A_462, %dma_start3A_463] : memref<10000x128xf32, #tpu.memory_space<hbm>> -> memref<10000x128xf32, #tpu.memory_space<hbm>>
          tpu.enqueue_indirect_dma source(%dma_start3A_464 : memref<10000x128xf32, #tpu.memory_space<hbm>>) target(%arg14 : memref<128x128xf32, #tpu.memory_space<vmem>>) offsets(%dma_start3A_461 : memref<128xi32, #tpu.memory_space<vmem>>) semaphore(%arg18 : memref<!tpu.dma_semaphore, #tpu.memory_space<semaphore_mem>>)
        } else {
        }
        %mul3A_426 = arith.constant 2 : i32
        %mul3A_427 = arith.muli %mul3A_426, %scan3A_362 : i32
        %add3A_428 = arith.constant 1 : i32
        %add3A_429 = arith.addi %mul3A_427, %add3A_428 : i32
        %dma_wait3A_430 = arith.constant 0 : i32
        %dma_wait3A_431 = arith.constant 0 : i32
        %dma_wait3A_432 = tpu.memref_slice %arg13[%add3A_429, %dma_wait3A_430, %dma_wait3A_431] : memref<40x2x128xi32, #tpu.memory_space<vmem>> -> memref<1x1x128xi32, #tpu.memory_space<vmem>>
        %dma_wait3A_433 = tpu.memref_squeeze %dma_wait3A_432 : memref<1x1x128xi32, #tpu.memory_space<vmem>> -> memref<128xi32, #tpu.memory_space<vmem>>
        %dma_wait3A_434 = arith.constant 0 : i32
        %dma_wait3A_435 = arith.constant 0 : i32
        %dma_wait3A_436 = tpu.memref_slice %arg3[%dma_wait3A_434, %dma_wait3A_435] : memref<10000x128xf32, #tpu.memory_space<hbm>> -> memref<10000x128xf32, #tpu.memory_space<hbm>>
        tpu.wait_indirect_dma semaphore(%arg19 : memref<!tpu.dma_semaphore, #tpu.memory_space<semaphore_mem>>) src(%dma_wait3A_436 : memref<10000x128xf32, #tpu.memory_space<hbm>>) dst(%arg15 : memref<128x128xf32, #tpu.memory_space<vmem>>)
        %mul3A_437 = arith.constant 2 : i32
        %mul3A_438 = arith.muli %mul3A_437, %scan3A_362 : i32
        %add3A_439 = arith.constant 1 : i32
        %add3A_440 = arith.addi %mul3A_438, %add3A_439 : i32
        %dma_start3A_441 = arith.constant 1 : i32
        %dma_start3A_442 = arith.constant 0 : i32
        %dma_start3A_443 = tpu.memref_slice %arg13[%add3A_440, %dma_start3A_441, %dma_start3A_442] : memref<40x2x128xi32, #tpu.memory_space<vmem>> -> memref<1x1x128xi32, #tpu.memory_space<vmem>>
        %dma_start3A_444 = tpu.memref_squeeze %dma_start3A_443 : memref<1x1x128xi32, #tpu.memory_space<vmem>> -> memref<128xi32, #tpu.memory_space<vmem>>
        %dma_start3A_445 = arith.constant 0 : i32
        %dma_start3A_446 = arith.constant 0 : i32
        %dma_start3A_447 = tpu.memref_slice %arg11[%dma_start3A_445, %dma_start3A_446] : memref<10000x128xf32, #tpu.memory_space<vmem_shared>> -> memref<10000x128xf32, #tpu.memory_space<vmem_shared>>
        tpu.enqueue_indirect_dma source(%arg15 : memref<128x128xf32, #tpu.memory_space<vmem>>) target(%dma_start3A_447 : memref<10000x128xf32, #tpu.memory_space<vmem_shared>>) offsets(%dma_start3A_444 : memref<128xi32, #tpu.memory_space<vmem>>) semaphore(%arg21 : memref<!tpu.dma_semaphore, #tpu.memory_space<semaphore_mem>>) {add = true}
        %dma_start3A_448 = arith.constant 1 : i32
        %dma_start3A_449 = arith.constant 0 : i32
        %dma_start3A_450 = tpu.memref_slice %arg13[%add3A_440, %dma_start3A_448, %dma_start3A_449] : memref<40x2x128xi32, #tpu.memory_space<vmem>> -> memref<1x1x128xi32, #tpu.memory_space<vmem>>
        %dma_start3A_451 = tpu.memref_squeeze %dma_start3A_450 : memref<1x1x128xi32, #tpu.memory_space<vmem>> -> memref<128xi32, #tpu.memory_space<vmem>>
        %dma_start3A_452 = arith.constant 0 : i32
        %dma_start3A_453 = tpu.memref_slice %arg12[%dma_start3A_452] : memref<10000xf32, #tpu.memory_space<vmem_shared>> -> memref<10000xf32, #tpu.memory_space<vmem_shared>>
        tpu.enqueue_indirect_dma source(%arg16 : memref<128xf32, #tpu.memory_space<vmem>>) target(%dma_start3A_453 : memref<10000xf32, #tpu.memory_space<vmem_shared>>) offsets(%dma_start3A_451 : memref<128xi32, #tpu.memory_space<vmem>>) semaphore(%arg23 : memref<!tpu.dma_semaphore, #tpu.memory_space<semaphore_mem>>) {add = true}
      }
      %scan3A_337 = arith.constant 19 : i32
      %dma_wait3A_338 = arith.constant 37 : i32
      %dma_wait3A_339 = arith.constant 1 : i32
      %dma_wait3A_340 = arith.constant 0 : i32
      %dma_wait3A_341 = tpu.memref_slice %arg13[%dma_wait3A_338, %dma_wait3A_339, %dma_wait3A_340] : memref<40x2x128xi32, #tpu.memory_space<vmem>> -> memref<1x1x128xi32, #tpu.memory_space<vmem>>
      %dma_wait3A_342 = tpu.memref_squeeze %dma_wait3A_341 : memref<1x1x128xi32, #tpu.memory_space<vmem>> -> memref<128xi32, #tpu.memory_space<vmem>>
      %dma_wait3A_343 = arith.constant 0 : i32
      %dma_wait3A_344 = arith.constant 0 : i32
      %dma_wait3A_345 = tpu.memref_slice %arg11[%dma_wait3A_343, %dma_wait3A_344] : memref<10000x128xf32, #tpu.memory_space<vmem_shared>> -> memref<10000x128xf32, #tpu.memory_space<vmem_shared>>
      tpu.wait_indirect_dma semaphore(%arg21 : memref<!tpu.dma_semaphore, #tpu.memory_space<semaphore_mem>>) src(%arg15 : memref<128x128xf32, #tpu.memory_space<vmem>>) dst(%dma_wait3A_345 : memref<10000x128xf32, #tpu.memory_space<vmem_shared>>)
      %dma_wait3A_346 = arith.constant 37 : i32
      %dma_wait3A_347 = arith.constant 1 : i32
      %dma_wait3A_348 = arith.constant 0 : i32
      %dma_wait3A_349 = tpu.memref_slice %arg13[%dma_wait3A_346, %dma_wait3A_347, %dma_wait3A_348] : memref<40x2x128xi32, #tpu.memory_space<vmem>> -> memref<1x1x128xi32, #tpu.memory_space<vmem>>
      %dma_wait3A_350 = tpu.memref_squeeze %dma_wait3A_349 : memref<1x1x128xi32, #tpu.memory_space<vmem>> -> memref<128xi32, #tpu.memory_space<vmem>>
      %dma_wait3A_351 = arith.constant 0 : i32
      %dma_wait3A_352 = tpu.memref_slice %arg12[%dma_wait3A_351] : memref<10000xf32, #tpu.memory_space<vmem_shared>> -> memref<10000xf32, #tpu.memory_space<vmem_shared>>
      tpu.wait_indirect_dma semaphore(%arg23 : memref<!tpu.dma_semaphore, #tpu.memory_space<semaphore_mem>>) src(%arg16 : memref<128xf32, #tpu.memory_space<vmem>>) dst(%dma_wait3A_352 : memref<10000xf32, #tpu.memory_space<vmem_shared>>)
      %gt3A = arith.constant 38 : i32
      %gt3A_353 = arith.cmpi sgt, %sub3A_323, %gt3A : i32
      %convert_element_type3A_354 = arith.extui %gt3A_353 : i1 to i32
      %cond3A_355 = arith.constant 0 : i32
      %cond3A_356 = arith.cmpi ne, %convert_element_type3A_354, %cond3A_355 : i32
      scf.if %cond3A_356 {
        %dma_wait3A_362 = arith.constant 38 : i32
        %dma_wait3A_363 = arith.constant 0 : i32
        %dma_wait3A_364 = arith.constant 0 : i32
        %dma_wait3A_365 = tpu.memref_slice %arg13[%dma_wait3A_362, %dma_wait3A_363, %dma_wait3A_364] : memref<40x2x128xi32, #tpu.memory_space<vmem>> -> memref<1x1x128xi32, #tpu.memory_space<vmem>>
        %dma_wait3A_366 = tpu.memref_squeeze %dma_wait3A_365 : memref<1x1x128xi32, #tpu.memory_space<vmem>> -> memref<128xi32, #tpu.memory_space<vmem>>
        %dma_wait3A_367 = arith.constant 0 : i32
        %dma_wait3A_368 = arith.constant 0 : i32
        %dma_wait3A_369 = tpu.memref_slice %arg3[%dma_wait3A_367, %dma_wait3A_368] : memref<10000x128xf32, #tpu.memory_space<hbm>> -> memref<10000x128xf32, #tpu.memory_space<hbm>>
        tpu.wait_indirect_dma semaphore(%arg18 : memref<!tpu.dma_semaphore, #tpu.memory_space<semaphore_mem>>) src(%dma_wait3A_369 : memref<10000x128xf32, #tpu.memory_space<hbm>>) dst(%arg14 : memref<128x128xf32, #tpu.memory_space<vmem>>)
        %dma_start3A_370 = arith.constant 38 : i32
        %dma_start3A_371 = arith.constant 1 : i32
        %dma_start3A_372 = arith.constant 0 : i32
        %dma_start3A_373 = tpu.memref_slice %arg13[%dma_start3A_370, %dma_start3A_371, %dma_start3A_372] : memref<40x2x128xi32, #tpu.memory_space<vmem>> -> memref<1x1x128xi32, #tpu.memory_space<vmem>>
        %dma_start3A_374 = tpu.memref_squeeze %dma_start3A_373 : memref<1x1x128xi32, #tpu.memory_space<vmem>> -> memref<128xi32, #tpu.memory_space<vmem>>
        %dma_start3A_375 = arith.constant 0 : i32
        %dma_start3A_376 = arith.constant 0 : i32
        %dma_start3A_377 = tpu.memref_slice %arg11[%dma_start3A_375, %dma_start3A_376] : memref<10000x128xf32, #tpu.memory_space<vmem_shared>> -> memref<10000x128xf32, #tpu.memory_space<vmem_shared>>
        tpu.enqueue_indirect_dma source(%arg14 : memref<128x128xf32, #tpu.memory_space<vmem>>) target(%dma_start3A_377 : memref<10000x128xf32, #tpu.memory_space<vmem_shared>>) offsets(%dma_start3A_374 : memref<128xi32, #tpu.memory_space<vmem>>) semaphore(%arg20 : memref<!tpu.dma_semaphore, #tpu.memory_space<semaphore_mem>>) {add = true}
        %dma_start3A_378 = arith.constant 38 : i32
        %dma_start3A_379 = arith.constant 1 : i32
        %dma_start3A_380 = arith.constant 0 : i32
        %dma_start3A_381 = tpu.memref_slice %arg13[%dma_start3A_378, %dma_start3A_379, %dma_start3A_380] : memref<40x2x128xi32, #tpu.memory_space<vmem>> -> memref<1x1x128xi32, #tpu.memory_space<vmem>>
        %dma_start3A_382 = tpu.memref_squeeze %dma_start3A_381 : memref<1x1x128xi32, #tpu.memory_space<vmem>> -> memref<128xi32, #tpu.memory_space<vmem>>
        %dma_start3A_383 = arith.constant 0 : i32
        %dma_start3A_384 = tpu.memref_slice %arg12[%dma_start3A_383] : memref<10000xf32, #tpu.memory_space<vmem_shared>> -> memref<10000xf32, #tpu.memory_space<vmem_shared>>
        tpu.enqueue_indirect_dma source(%arg16 : memref<128xf32, #tpu.memory_space<vmem>>) target(%dma_start3A_384 : memref<10000xf32, #tpu.memory_space<vmem_shared>>) offsets(%dma_start3A_382 : memref<128xi32, #tpu.memory_space<vmem>>) semaphore(%arg22 : memref<!tpu.dma_semaphore, #tpu.memory_space<semaphore_mem>>) {add = true}
        %dma_wait3A_385 = arith.constant 38 : i32
        %dma_wait3A_386 = arith.constant 1 : i32
        %dma_wait3A_387 = arith.constant 0 : i32
        %dma_wait3A_388 = tpu.memref_slice %arg13[%dma_wait3A_385, %dma_wait3A_386, %dma_wait3A_387] : memref<40x2x128xi32, #tpu.memory_space<vmem>> -> memref<1x1x128xi32, #tpu.memory_space<vmem>>
        %dma_wait3A_389 = tpu.memref_squeeze %dma_wait3A_388 : memref<1x1x128xi32, #tpu.memory_space<vmem>> -> memref<128xi32, #tpu.memory_space<vmem>>
        %dma_wait3A_390 = arith.constant 0 : i32
        %dma_wait3A_391 = arith.constant 0 : i32
        %dma_wait3A_392 = tpu.memref_slice %arg11[%dma_wait3A_390, %dma_wait3A_391] : memref<10000x128xf32, #tpu.memory_space<vmem_shared>> -> memref<10000x128xf32, #tpu.memory_space<vmem_shared>>
        tpu.wait_indirect_dma semaphore(%arg20 : memref<!tpu.dma_semaphore, #tpu.memory_space<semaphore_mem>>) src(%arg14 : memref<128x128xf32, #tpu.memory_space<vmem>>) dst(%dma_wait3A_392 : memref<10000x128xf32, #tpu.memory_space<vmem_shared>>)
        %dma_wait3A_393 = arith.constant 38 : i32
        %dma_wait3A_394 = arith.constant 1 : i32
        %dma_wait3A_395 = arith.constant 0 : i32
        %dma_wait3A_396 = tpu.memref_slice %arg13[%dma_wait3A_393, %dma_wait3A_394, %dma_wait3A_395] : memref<40x2x128xi32, #tpu.memory_space<vmem>> -> memref<1x1x128xi32, #tpu.memory_space<vmem>>
        %dma_wait3A_397 = tpu.memref_squeeze %dma_wait3A_396 : memref<1x1x128xi32, #tpu.memory_space<vmem>> -> memref<128xi32, #tpu.memory_space<vmem>>
        %dma_wait3A_398 = arith.constant 0 : i32
        %dma_wait3A_399 = tpu.memref_slice %arg12[%dma_wait3A_398] : memref<10000xf32, #tpu.memory_space<vmem_shared>> -> memref<10000xf32, #tpu.memory_space<vmem_shared>>
        tpu.wait_indirect_dma semaphore(%arg22 : memref<!tpu.dma_semaphore, #tpu.memory_space<semaphore_mem>>) src(%arg16 : memref<128xf32, #tpu.memory_space<vmem>>) dst(%dma_wait3A_399 : memref<10000xf32, #tpu.memory_space<vmem_shared>>)
      } else {
      }
      %gt3A_357 = arith.constant 39 : i32
      %gt3A_358 = arith.cmpi sgt, %sub3A_323, %gt3A_357 : i32
      %convert_element_type3A_359 = arith.extui %gt3A_358 : i1 to i32
      %cond3A_360 = arith.constant 0 : i32
      %cond3A_361 = arith.cmpi ne, %convert_element_type3A_359, %cond3A_360 : i32
      scf.if %cond3A_361 {
        %dma_start3A_362 = arith.constant 39 : i32
        %dma_start3A_363 = arith.constant 0 : i32
        %dma_start3A_364 = arith.constant 0 : i32
        %dma_start3A_365 = tpu.memref_slice %arg13[%dma_start3A_362, %dma_start3A_363, %dma_start3A_364] : memref<40x2x128xi32, #tpu.memory_space<vmem>> -> memref<1x1x128xi32, #tpu.memory_space<vmem>>
        %dma_start3A_366 = tpu.memref_squeeze %dma_start3A_365 : memref<1x1x128xi32, #tpu.memory_space<vmem>> -> memref<128xi32, #tpu.memory_space<vmem>>
        %dma_start3A_367 = arith.constant 0 : i32
        %dma_start3A_368 = arith.constant 0 : i32
        %dma_start3A_369 = tpu.memref_slice %arg3[%dma_start3A_367, %dma_start3A_368] : memref<10000x128xf32, #tpu.memory_space<hbm>> -> memref<10000x128xf32, #tpu.memory_space<hbm>>
        tpu.enqueue_indirect_dma source(%dma_start3A_369 : memref<10000x128xf32, #tpu.memory_space<hbm>>) target(%arg15 : memref<128x128xf32, #tpu.memory_space<vmem>>) offsets(%dma_start3A_366 : memref<128xi32, #tpu.memory_space<vmem>>) semaphore(%arg19 : memref<!tpu.dma_semaphore, #tpu.memory_space<semaphore_mem>>)
        %dma_wait3A_370 = arith.constant 39 : i32
        %dma_wait3A_371 = arith.constant 0 : i32
        %dma_wait3A_372 = arith.constant 0 : i32
        %dma_wait3A_373 = tpu.memref_slice %arg13[%dma_wait3A_370, %dma_wait3A_371, %dma_wait3A_372] : memref<40x2x128xi32, #tpu.memory_space<vmem>> -> memref<1x1x128xi32, #tpu.memory_space<vmem>>
        %dma_wait3A_374 = tpu.memref_squeeze %dma_wait3A_373 : memref<1x1x128xi32, #tpu.memory_space<vmem>> -> memref<128xi32, #tpu.memory_space<vmem>>
        %dma_wait3A_375 = arith.constant 0 : i32
        %dma_wait3A_376 = arith.constant 0 : i32
        %dma_wait3A_377 = tpu.memref_slice %arg3[%dma_wait3A_375, %dma_wait3A_376] : memref<10000x128xf32, #tpu.memory_space<hbm>> -> memref<10000x128xf32, #tpu.memory_space<hbm>>
        tpu.wait_indirect_dma semaphore(%arg19 : memref<!tpu.dma_semaphore, #tpu.memory_space<semaphore_mem>>) src(%dma_wait3A_377 : memref<10000x128xf32, #tpu.memory_space<hbm>>) dst(%arg15 : memref<128x128xf32, #tpu.memory_space<vmem>>)
        %dma_start3A_378 = arith.constant 39 : i32
        %dma_start3A_379 = arith.constant 1 : i32
        %dma_start3A_380 = arith.constant 0 : i32
        %dma_start3A_381 = tpu.memref_slice %arg13[%dma_start3A_378, %dma_start3A_379, %dma_start3A_380] : memref<40x2x128xi32, #tpu.memory_space<vmem>> -> memref<1x1x128xi32, #tpu.memory_space<vmem>>
        %dma_start3A_382 = tpu.memref_squeeze %dma_start3A_381 : memref<1x1x128xi32, #tpu.memory_space<vmem>> -> memref<128xi32, #tpu.memory_space<vmem>>
        %dma_start3A_383 = arith.constant 0 : i32
        %dma_start3A_384 = arith.constant 0 : i32
        %dma_start3A_385 = tpu.memref_slice %arg11[%dma_start3A_383, %dma_start3A_384] : memref<10000x128xf32, #tpu.memory_space<vmem_shared>> -> memref<10000x128xf32, #tpu.memory_space<vmem_shared>>
        tpu.enqueue_indirect_dma source(%arg15 : memref<128x128xf32, #tpu.memory_space<vmem>>) target(%dma_start3A_385 : memref<10000x128xf32, #tpu.memory_space<vmem_shared>>) offsets(%dma_start3A_382 : memref<128xi32, #tpu.memory_space<vmem>>) semaphore(%arg21 : memref<!tpu.dma_semaphore, #tpu.memory_space<semaphore_mem>>) {add = true}
        %dma_start3A_386 = arith.constant 39 : i32
        %dma_start3A_387 = arith.constant 1 : i32
        %dma_start3A_388 = arith.constant 0 : i32
        %dma_start3A_389 = tpu.memref_slice %arg13[%dma_start3A_386, %dma_start3A_387, %dma_start3A_388] : memref<40x2x128xi32, #tpu.memory_space<vmem>> -> memref<1x1x128xi32, #tpu.memory_space<vmem>>
        %dma_start3A_390 = tpu.memref_squeeze %dma_start3A_389 : memref<1x1x128xi32, #tpu.memory_space<vmem>> -> memref<128xi32, #tpu.memory_space<vmem>>
        %dma_start3A_391 = arith.constant 0 : i32
        %dma_start3A_392 = tpu.memref_slice %arg12[%dma_start3A_391] : memref<10000xf32, #tpu.memory_space<vmem_shared>> -> memref<10000xf32, #tpu.memory_space<vmem_shared>>
        tpu.enqueue_indirect_dma source(%arg16 : memref<128xf32, #tpu.memory_space<vmem>>) target(%dma_start3A_392 : memref<10000xf32, #tpu.memory_space<vmem_shared>>) offsets(%dma_start3A_390 : memref<128xi32, #tpu.memory_space<vmem>>) semaphore(%arg23 : memref<!tpu.dma_semaphore, #tpu.memory_space<semaphore_mem>>) {add = true}
        %dma_wait3A_393 = arith.constant 39 : i32
        %dma_wait3A_394 = arith.constant 1 : i32
        %dma_wait3A_395 = arith.constant 0 : i32
        %dma_wait3A_396 = tpu.memref_slice %arg13[%dma_wait3A_393, %dma_wait3A_394, %dma_wait3A_395] : memref<40x2x128xi32, #tpu.memory_space<vmem>> -> memref<1x1x128xi32, #tpu.memory_space<vmem>>
        %dma_wait3A_397 = tpu.memref_squeeze %dma_wait3A_396 : memref<1x1x128xi32, #tpu.memory_space<vmem>> -> memref<128xi32, #tpu.memory_space<vmem>>
        %dma_wait3A_398 = arith.constant 0 : i32
        %dma_wait3A_399 = arith.constant 0 : i32
        %dma_wait3A_400 = tpu.memref_slice %arg11[%dma_wait3A_398, %dma_wait3A_399] : memref<10000x128xf32, #tpu.memory_space<vmem_shared>> -> memref<10000x128xf32, #tpu.memory_space<vmem_shared>>
        tpu.wait_indirect_dma semaphore(%arg21 : memref<!tpu.dma_semaphore, #tpu.memory_space<semaphore_mem>>) src(%arg15 : memref<128x128xf32, #tpu.memory_space<vmem>>) dst(%dma_wait3A_400 : memref<10000x128xf32, #tpu.memory_space<vmem_shared>>)
        %dma_wait3A_401 = arith.constant 39 : i32
        %dma_wait3A_402 = arith.constant 1 : i32
        %dma_wait3A_403 = arith.constant 0 : i32
        %dma_wait3A_404 = tpu.memref_slice %arg13[%dma_wait3A_401, %dma_wait3A_402, %dma_wait3A_403] : memref<40x2x128xi32, #tpu.memory_space<vmem>> -> memref<1x1x128xi32, #tpu.memory_space<vmem>>
        %dma_wait3A_405 = tpu.memref_squeeze %dma_wait3A_404 : memref<1x1x128xi32, #tpu.memory_space<vmem>> -> memref<128xi32, #tpu.memory_space<vmem>>
        %dma_wait3A_406 = arith.constant 0 : i32
        %dma_wait3A_407 = tpu.memref_slice %arg12[%dma_wait3A_406] : memref<10000xf32, #tpu.memory_space<vmem_shared>> -> memref<10000xf32, #tpu.memory_space<vmem_shared>>
        tpu.wait_indirect_dma semaphore(%arg23 : memref<!tpu.dma_semaphore, #tpu.memory_space<semaphore_mem>>) src(%arg16 : memref<128xf32, #tpu.memory_space<vmem>>) dst(%dma_wait3A_407 : memref<10000xf32, #tpu.memory_space<vmem_shared>>)
      } else {
      }
    } else {
    }
    %barrier3A_283 = arith.constant 0 : index
    tpu.barrier barrier_id(%barrier3A_283)
    %eq3A_284 = arith.constant 0 : i32
    %eq3A_285 = arith.cmpi eq, %arg0, %eq3A_284 : i32
    %convert_element_type3A_286 = arith.extui %eq3A_285 : i1 to i32
    %cond3A_287 = arith.constant 0 : i32
    %cond3A_288 = arith.cmpi ne, %convert_element_type3A_286, %cond3A_287 : i32
    scf.if %cond3A_288 {
      %mul3A_294 = arith.constant 632 : i32
      %mul3A_295 = arith.muli %arg1, %mul3A_294 : i32
      %lt3A_296 = arith.constant 15 : i32
      %lt3A_297 = arith.cmpi slt, %arg1, %lt3A_296 : i32
      %convert_element_type3A_298 = arith.extui %lt3A_297 : i1 to i32
      %cond3A_299 = arith.constant 0 : i32
      %cond3A_300 = arith.cmpi ne, %convert_element_type3A_298, %cond3A_299 : i32
      scf.if %cond3A_300 {
        "tpu.region"() ({
          %run_scoped3A = tpu.sem_alloc : memref<!tpu.dma_semaphore, #tpu.memory_space<semaphore_mem>>
          %dma_start3A = arith.constant 0 : i32
          %dma_start3A_318 = tpu.memref_slice %arg7[%mul3A_295, %dma_start3A] : memref<10000x128xf32, #tpu.memory_space<hbm>> -> memref<632x128xf32, #tpu.memory_space<hbm>>
          %dma_start3A_319 = arith.constant 0 : i32
          %dma_start3A_320 = tpu.memref_slice %arg11[%mul3A_295, %dma_start3A_319] : memref<10000x128xf32, #tpu.memory_space<vmem_shared>> -> memref<632x128xf32, #tpu.memory_space<vmem_shared>>
          tpu.enqueue_dma source(%dma_start3A_320 : memref<632x128xf32, #tpu.memory_space<vmem_shared>>) target(%dma_start3A_318 : memref<632x128xf32, #tpu.memory_space<hbm>>) target_semaphore(%run_scoped3A : memref<!tpu.dma_semaphore, #tpu.memory_space<semaphore_mem>>)
          %dma_wait3A = arith.constant 0 : i32
          %dma_wait3A_321 = tpu.memref_slice %arg7[%mul3A_295, %dma_wait3A] : memref<10000x128xf32, #tpu.memory_space<hbm>> -> memref<632x128xf32, #tpu.memory_space<hbm>>
          %dma_wait3A_322 = arith.constant 0 : i32
          %dma_wait3A_323 = tpu.memref_slice %arg11[%mul3A_295, %dma_wait3A_322] : memref<10000x128xf32, #tpu.memory_space<vmem_shared>> -> memref<632x128xf32, #tpu.memory_space<vmem_shared>>
          tpu.wait_dma2 semaphore(%run_scoped3A : memref<!tpu.dma_semaphore, #tpu.memory_space<semaphore_mem>>) src(%dma_wait3A_323 : memref<632x128xf32, #tpu.memory_space<vmem_shared>>) dst(%dma_wait3A_321 : memref<632x128xf32, #tpu.memory_space<hbm>>)
          tpu.yield
        }) : () -> ()
      } else {
      }
      %eq3A_301 = arith.constant 15 : i32
      %eq3A_302 = arith.cmpi eq, %arg1, %eq3A_301 : i32
      %convert_element_type3A_303 = arith.extui %eq3A_302 : i1 to i32
      %cond3A_304 = arith.constant 0 : i32
      %cond3A_305 = arith.cmpi ne, %convert_element_type3A_303, %cond3A_304 : i32
      scf.if %cond3A_305 {
        "tpu.region"() ({
          %run_scoped3A = tpu.sem_alloc : memref<!tpu.dma_semaphore, #tpu.memory_space<semaphore_mem>>
          %dma_start3A = arith.constant 0 : i32
          %dma_start3A_318 = tpu.memref_slice %arg7[%mul3A_295, %dma_start3A] : memref<10000x128xf32, #tpu.memory_space<hbm>> -> memref<520x128xf32, #tpu.memory_space<hbm>>
          %dma_start3A_319 = arith.constant 0 : i32
          %dma_start3A_320 = tpu.memref_slice %arg11[%mul3A_295, %dma_start3A_319] : memref<10000x128xf32, #tpu.memory_space<vmem_shared>> -> memref<520x128xf32, #tpu.memory_space<vmem_shared>>
          tpu.enqueue_dma source(%dma_start3A_320 : memref<520x128xf32, #tpu.memory_space<vmem_shared>>) target(%dma_start3A_318 : memref<520x128xf32, #tpu.memory_space<hbm>>) target_semaphore(%run_scoped3A : memref<!tpu.dma_semaphore, #tpu.memory_space<semaphore_mem>>)
          %dma_wait3A = arith.constant 0 : i32
          %dma_wait3A_321 = tpu.memref_slice %arg7[%mul3A_295, %dma_wait3A] : memref<10000x128xf32, #tpu.memory_space<hbm>> -> memref<520x128xf32, #tpu.memory_space<hbm>>
          %dma_wait3A_322 = arith.constant 0 : i32
          %dma_wait3A_323 = tpu.memref_slice %arg11[%mul3A_295, %dma_wait3A_322] : memref<10000x128xf32, #tpu.memory_space<vmem_shared>> -> memref<520x128xf32, #tpu.memory_space<vmem_shared>>
          tpu.wait_dma2 semaphore(%run_scoped3A : memref<!tpu.dma_semaphore, #tpu.memory_space<semaphore_mem>>) src(%dma_wait3A_323 : memref<520x128xf32, #tpu.memory_space<vmem_shared>>) dst(%dma_wait3A_321 : memref<520x128xf32, #tpu.memory_space<hbm>>)
          tpu.yield
        }) : () -> ()
      } else {
      }
      %mul3A_306 = arith.constant 632 : i32
      %mul3A_307 = arith.muli %arg1, %mul3A_306 : i32
      %lt3A_308 = arith.constant 15 : i32
      %lt3A_309 = arith.cmpi slt, %arg1, %lt3A_308 : i32
      %convert_element_type3A_310 = arith.extui %lt3A_309 : i1 to i32
      %cond3A_311 = arith.constant 0 : i32
      %cond3A_312 = arith.cmpi ne, %convert_element_type3A_310, %cond3A_311 : i32
      scf.if %cond3A_312 {
        "tpu.region"() ({
          %run_scoped3A = tpu.sem_alloc : memref<!tpu.dma_semaphore, #tpu.memory_space<semaphore_mem>>
          %dma_start3A = arith.constant 0 : i32
          %dma_start3A_318 = tpu.memref_slice %arg17[%dma_start3A] : memref<640xf32, #tpu.memory_space<vmem>> -> memref<632xf32, #tpu.memory_space<vmem>>
          %dma_start3A_319 = tpu.memref_slice %arg12[%mul3A_307] : memref<10000xf32, #tpu.memory_space<vmem_shared>> -> memref<632xf32, #tpu.memory_space<vmem_shared>>
          %dma_start3A_320 = arith.constant 0 : i32
          %dma_start3A_321 = tpu.memref_slice %arg17[%dma_start3A_320] : memref<640xf32, #tpu.memory_space<vmem>> -> memref<632xf32, #tpu.memory_space<vmem>>
          %dma_start3A_322 = tpu.memref_slice %arg12[%mul3A_307] : memref<10000xf32, #tpu.memory_space<vmem_shared>> -> memref<632xf32, #tpu.memory_space<vmem_shared>>
          tpu.enqueue_dma source(%dma_start3A_322 : memref<632xf32, #tpu.memory_space<vmem_shared>>) target(%dma_start3A_321 : memref<632xf32, #tpu.memory_space<vmem>>) target_semaphore(%run_scoped3A : memref<!tpu.dma_semaphore, #tpu.memory_space<semaphore_mem>>)
          %dma_wait3A = arith.constant 0 : i32
          %dma_wait3A_323 = tpu.memref_slice %arg17[%dma_wait3A] : memref<640xf32, #tpu.memory_space<vmem>> -> memref<632xf32, #tpu.memory_space<vmem>>
          %dma_wait3A_324 = tpu.memref_slice %arg12[%mul3A_307] : memref<10000xf32, #tpu.memory_space<vmem_shared>> -> memref<632xf32, #tpu.memory_space<vmem_shared>>
          %dma_wait3A_325 = arith.constant 0 : i32
          %dma_wait3A_326 = tpu.memref_slice %arg17[%dma_wait3A_325] : memref<640xf32, #tpu.memory_space<vmem>> -> memref<632xf32, #tpu.memory_space<vmem>>
          %dma_wait3A_327 = tpu.memref_slice %arg12[%mul3A_307] : memref<10000xf32, #tpu.memory_space<vmem_shared>> -> memref<632xf32, #tpu.memory_space<vmem_shared>>
          tpu.wait_dma2 semaphore(%run_scoped3A : memref<!tpu.dma_semaphore, #tpu.memory_space<semaphore_mem>>) src(%dma_wait3A_327 : memref<632xf32, #tpu.memory_space<vmem_shared>>) dst(%dma_wait3A_326 : memref<632xf32, #tpu.memory_space<vmem>>)
          tpu.yield
        }) : () -> ()
        "tpu.region"() ({
          %run_scoped3A = tpu.sem_alloc : memref<!tpu.dma_semaphore, #tpu.memory_space<semaphore_mem>>
          %dma_start3A = arith.constant 0 : i32
          %dma_start3A_318 = tpu.memref_slice %arg17[%dma_start3A] : memref<640xf32, #tpu.memory_space<vmem>> -> memref<632xf32, #tpu.memory_space<vmem>>
          %dma_start3A_319 = tpu.memref_slice %arg8[%mul3A_307] : memref<10000xf32, #tpu.memory_space<hbm>> -> memref<632xf32, #tpu.memory_space<hbm>>
          %dma_start3A_320 = tpu.memref_slice %arg8[%mul3A_307] : memref<10000xf32, #tpu.memory_space<hbm>> -> memref<632xf32, #tpu.memory_space<hbm>>
          %dma_start3A_321 = arith.constant 0 : i32
          %dma_start3A_322 = tpu.memref_slice %arg17[%dma_start3A_321] : memref<640xf32, #tpu.memory_space<vmem>> -> memref<632xf32, #tpu.memory_space<vmem>>
          tpu.enqueue_dma source(%dma_start3A_322 : memref<632xf32, #tpu.memory_space<vmem>>) target(%dma_start3A_320 : memref<632xf32, #tpu.memory_space<hbm>>) target_semaphore(%run_scoped3A : memref<!tpu.dma_semaphore, #tpu.memory_space<semaphore_mem>>)
          %dma_wait3A = arith.constant 0 : i32
          %dma_wait3A_323 = tpu.memref_slice %arg17[%dma_wait3A] : memref<640xf32, #tpu.memory_space<vmem>> -> memref<632xf32, #tpu.memory_space<vmem>>
          %dma_wait3A_324 = tpu.memref_slice %arg8[%mul3A_307] : memref<10000xf32, #tpu.memory_space<hbm>> -> memref<632xf32, #tpu.memory_space<hbm>>
          %dma_wait3A_325 = tpu.memref_slice %arg8[%mul3A_307] : memref<10000xf32, #tpu.memory_space<hbm>> -> memref<632xf32, #tpu.memory_space<hbm>>
          %dma_wait3A_326 = arith.constant 0 : i32
          %dma_wait3A_327 = tpu.memref_slice %arg17[%dma_wait3A_326] : memref<640xf32, #tpu.memory_space<vmem>> -> memref<632xf32, #tpu.memory_space<vmem>>
          tpu.wait_dma2 semaphore(%run_scoped3A : memref<!tpu.dma_semaphore, #tpu.memory_space<semaphore_mem>>) src(%dma_wait3A_327 : memref<632xf32, #tpu.memory_space<vmem>>) dst(%dma_wait3A_325 : memref<632xf32, #tpu.memory_space<hbm>>)
          tpu.yield
        }) : () -> ()
      } else {
      }
      %eq3A_313 = arith.constant 15 : i32
      %eq3A_314 = arith.cmpi eq, %arg1, %eq3A_313 : i32
      %convert_element_type3A_315 = arith.extui %eq3A_314 : i1 to i32
      %cond3A_316 = arith.constant 0 : i32
      %cond3A_317 = arith.cmpi ne, %convert_element_type3A_315, %cond3A_316 : i32
      scf.if %cond3A_317 {
        "tpu.region"() ({
          %run_scoped3A = tpu.sem_alloc : memref<!tpu.dma_semaphore, #tpu.memory_space<semaphore_mem>>
          %dma_start3A = arith.constant 0 : i32
          %dma_start3A_318 = tpu.memref_slice %arg17[%dma_start3A] : memref<640xf32, #tpu.memory_space<vmem>> -> memref<520xf32, #tpu.memory_space<vmem>>
          %dma_start3A_319 = tpu.memref_slice %arg12[%mul3A_307] : memref<10000xf32, #tpu.memory_space<vmem_shared>> -> memref<520xf32, #tpu.memory_space<vmem_shared>>
          %dma_start3A_320 = arith.constant 0 : i32
          %dma_start3A_321 = tpu.memref_slice %arg17[%dma_start3A_320] : memref<640xf32, #tpu.memory_space<vmem>> -> memref<520xf32, #tpu.memory_space<vmem>>
          %dma_start3A_322 = tpu.memref_slice %arg12[%mul3A_307] : memref<10000xf32, #tpu.memory_space<vmem_shared>> -> memref<520xf32, #tpu.memory_space<vmem_shared>>
          tpu.enqueue_dma source(%dma_start3A_322 : memref<520xf32, #tpu.memory_space<vmem_shared>>) target(%dma_start3A_321 : memref<520xf32, #tpu.memory_space<vmem>>) target_semaphore(%run_scoped3A : memref<!tpu.dma_semaphore, #tpu.memory_space<semaphore_mem>>)
          %dma_wait3A = arith.constant 0 : i32
          %dma_wait3A_323 = tpu.memref_slice %arg17[%dma_wait3A] : memref<640xf32, #tpu.memory_space<vmem>> -> memref<520xf32, #tpu.memory_space<vmem>>
          %dma_wait3A_324 = tpu.memref_slice %arg12[%mul3A_307] : memref<10000xf32, #tpu.memory_space<vmem_shared>> -> memref<520xf32, #tpu.memory_space<vmem_shared>>
          %dma_wait3A_325 = arith.constant 0 : i32
          %dma_wait3A_326 = tpu.memref_slice %arg17[%dma_wait3A_325] : memref<640xf32, #tpu.memory_space<vmem>> -> memref<520xf32, #tpu.memory_space<vmem>>
          %dma_wait3A_327 = tpu.memref_slice %arg12[%mul3A_307] : memref<10000xf32, #tpu.memory_space<vmem_shared>> -> memref<520xf32, #tpu.memory_space<vmem_shared>>
          tpu.wait_dma2 semaphore(%run_scoped3A : memref<!tpu.dma_semaphore, #tpu.memory_space<semaphore_mem>>) src(%dma_wait3A_327 : memref<520xf32, #tpu.memory_space<vmem_shared>>) dst(%dma_wait3A_326 : memref<520xf32, #tpu.memory_space<vmem>>)
          tpu.yield
        }) : () -> ()
        "tpu.region"() ({
          %run_scoped3A = tpu.sem_alloc : memref<!tpu.dma_semaphore, #tpu.memory_space<semaphore_mem>>
          %dma_start3A = arith.constant 0 : i32
          %dma_start3A_318 = tpu.memref_slice %arg17[%dma_start3A] : memref<640xf32, #tpu.memory_space<vmem>> -> memref<520xf32, #tpu.memory_space<vmem>>
          %dma_start3A_319 = tpu.memref_slice %arg8[%mul3A_307] : memref<10000xf32, #tpu.memory_space<hbm>> -> memref<520xf32, #tpu.memory_space<hbm>>
          %dma_start3A_320 = tpu.memref_slice %arg8[%mul3A_307] : memref<10000xf32, #tpu.memory_space<hbm>> -> memref<520xf32, #tpu.memory_space<hbm>>
          %dma_start3A_321 = arith.constant 0 : i32
          %dma_start3A_322 = tpu.memref_slice %arg17[%dma_start3A_321] : memref<640xf32, #tpu.memory_space<vmem>> -> memref<520xf32, #tpu.memory_space<vmem>>
          tpu.enqueue_dma source(%dma_start3A_322 : memref<520xf32, #tpu.memory_space<vmem>>) target(%dma_start3A_320 : memref<520xf32, #tpu.memory_space<hbm>>) target_semaphore(%run_scoped3A : memref<!tpu.dma_semaphore, #tpu.memory_space<semaphore_mem>>)
          %dma_wait3A = arith.constant 0 : i32
          %dma_wait3A_323 = tpu.memref_slice %arg17[%dma_wait3A] : memref<640xf32, #tpu.memory_space<vmem>> -> memref<520xf32, #tpu.memory_space<vmem>>
          %dma_wait3A_324 = tpu.memref_slice %arg8[%mul3A_307] : memref<10000xf32, #tpu.memory_space<hbm>> -> memref<520xf32, #tpu.memory_space<hbm>>
          %dma_wait3A_325 = tpu.memref_slice %arg8[%mul3A_307] : memref<10000xf32, #tpu.memory_space<hbm>> -> memref<520xf32, #tpu.memory_space<hbm>>
          %dma_wait3A_326 = arith.constant 0 : i32
          %dma_wait3A_327 = tpu.memref_slice %arg17[%dma_wait3A_326] : memref<640xf32, #tpu.memory_space<vmem>> -> memref<520xf32, #tpu.memory_space<vmem>>
          tpu.wait_dma2 semaphore(%run_scoped3A : memref<!tpu.dma_semaphore, #tpu.memory_space<semaphore_mem>>) src(%dma_wait3A_327 : memref<520xf32, #tpu.memory_space<vmem>>) dst(%dma_wait3A_325 : memref<520xf32, #tpu.memory_space<hbm>>)
          tpu.yield
        }) : () -> ()
      } else {
      }
    } else {
    }
    %eq3A_289 = arith.constant 1 : i32
    %eq3A_290 = arith.cmpi eq, %arg0, %eq3A_289 : i32
    %convert_element_type3A_291 = arith.extui %eq3A_290 : i1 to i32
    %cond3A_292 = arith.constant 0 : i32
    %cond3A_293 = arith.cmpi ne, %convert_element_type3A_291, %cond3A_292 : i32
    scf.if %cond3A_293 {
      %mul3A_294 = arith.constant 632 : i32
      %mul3A_295 = arith.muli %arg1, %mul3A_294 : i32
      %lt3A_296 = arith.constant 15 : i32
      %lt3A_297 = arith.cmpi slt, %arg1, %lt3A_296 : i32
      %convert_element_type3A_298 = arith.extui %lt3A_297 : i1 to i32
      %cond3A_299 = arith.constant 0 : i32
      %cond3A_300 = arith.cmpi ne, %convert_element_type3A_298, %cond3A_299 : i32
      scf.if %cond3A_300 {
        "tpu.region"() ({
          %run_scoped3A = tpu.sem_alloc : memref<!tpu.dma_semaphore, #tpu.memory_space<semaphore_mem>>
          %dma_start3A = arith.constant 0 : i32
          %dma_start3A_318 = tpu.memref_slice %arg9[%mul3A_295, %dma_start3A] : memref<10000x128xf32, #tpu.memory_space<hbm>> -> memref<632x128xf32, #tpu.memory_space<hbm>>
          %dma_start3A_319 = arith.constant 0 : i32
          %dma_start3A_320 = tpu.memref_slice %arg11[%mul3A_295, %dma_start3A_319] : memref<10000x128xf32, #tpu.memory_space<vmem_shared>> -> memref<632x128xf32, #tpu.memory_space<vmem_shared>>
          tpu.enqueue_dma source(%dma_start3A_320 : memref<632x128xf32, #tpu.memory_space<vmem_shared>>) target(%dma_start3A_318 : memref<632x128xf32, #tpu.memory_space<hbm>>) target_semaphore(%run_scoped3A : memref<!tpu.dma_semaphore, #tpu.memory_space<semaphore_mem>>)
          %dma_wait3A = arith.constant 0 : i32
          %dma_wait3A_321 = tpu.memref_slice %arg9[%mul3A_295, %dma_wait3A] : memref<10000x128xf32, #tpu.memory_space<hbm>> -> memref<632x128xf32, #tpu.memory_space<hbm>>
          %dma_wait3A_322 = arith.constant 0 : i32
          %dma_wait3A_323 = tpu.memref_slice %arg11[%mul3A_295, %dma_wait3A_322] : memref<10000x128xf32, #tpu.memory_space<vmem_shared>> -> memref<632x128xf32, #tpu.memory_space<vmem_shared>>
          tpu.wait_dma2 semaphore(%run_scoped3A : memref<!tpu.dma_semaphore, #tpu.memory_space<semaphore_mem>>) src(%dma_wait3A_323 : memref<632x128xf32, #tpu.memory_space<vmem_shared>>) dst(%dma_wait3A_321 : memref<632x128xf32, #tpu.memory_space<hbm>>)
          tpu.yield
        }) : () -> ()
      } else {
      }
      %eq3A_301 = arith.constant 15 : i32
      %eq3A_302 = arith.cmpi eq, %arg1, %eq3A_301 : i32
      %convert_element_type3A_303 = arith.extui %eq3A_302 : i1 to i32
      %cond3A_304 = arith.constant 0 : i32
      %cond3A_305 = arith.cmpi ne, %convert_element_type3A_303, %cond3A_304 : i32
      scf.if %cond3A_305 {
        "tpu.region"() ({
          %run_scoped3A = tpu.sem_alloc : memref<!tpu.dma_semaphore, #tpu.memory_space<semaphore_mem>>
          %dma_start3A = arith.constant 0 : i32
          %dma_start3A_318 = tpu.memref_slice %arg9[%mul3A_295, %dma_start3A] : memref<10000x128xf32, #tpu.memory_space<hbm>> -> memref<520x128xf32, #tpu.memory_space<hbm>>
          %dma_start3A_319 = arith.constant 0 : i32
          %dma_start3A_320 = tpu.memref_slice %arg11[%mul3A_295, %dma_start3A_319] : memref<10000x128xf32, #tpu.memory_space<vmem_shared>> -> memref<520x128xf32, #tpu.memory_space<vmem_shared>>
          tpu.enqueue_dma source(%dma_start3A_320 : memref<520x128xf32, #tpu.memory_space<vmem_shared>>) target(%dma_start3A_318 : memref<520x128xf32, #tpu.memory_space<hbm>>) target_semaphore(%run_scoped3A : memref<!tpu.dma_semaphore, #tpu.memory_space<semaphore_mem>>)
          %dma_wait3A = arith.constant 0 : i32
          %dma_wait3A_321 = tpu.memref_slice %arg9[%mul3A_295, %dma_wait3A] : memref<10000x128xf32, #tpu.memory_space<hbm>> -> memref<520x128xf32, #tpu.memory_space<hbm>>
          %dma_wait3A_322 = arith.constant 0 : i32
          %dma_wait3A_323 = tpu.memref_slice %arg11[%mul3A_295, %dma_wait3A_322] : memref<10000x128xf32, #tpu.memory_space<vmem_shared>> -> memref<520x128xf32, #tpu.memory_space<vmem_shared>>
          tpu.wait_dma2 semaphore(%run_scoped3A : memref<!tpu.dma_semaphore, #tpu.memory_space<semaphore_mem>>) src(%dma_wait3A_323 : memref<520x128xf32, #tpu.memory_space<vmem_shared>>) dst(%dma_wait3A_321 : memref<520x128xf32, #tpu.memory_space<hbm>>)
          tpu.yield
        }) : () -> ()
      } else {
      }
      %mul3A_306 = arith.constant 632 : i32
      %mul3A_307 = arith.muli %arg1, %mul3A_306 : i32
      %lt3A_308 = arith.constant 15 : i32
      %lt3A_309 = arith.cmpi slt, %arg1, %lt3A_308 : i32
      %convert_element_type3A_310 = arith.extui %lt3A_309 : i1 to i32
      %cond3A_311 = arith.constant 0 : i32
      %cond3A_312 = arith.cmpi ne, %convert_element_type3A_310, %cond3A_311 : i32
      scf.if %cond3A_312 {
        "tpu.region"() ({
          %run_scoped3A = tpu.sem_alloc : memref<!tpu.dma_semaphore, #tpu.memory_space<semaphore_mem>>
          %dma_start3A = arith.constant 0 : i32
          %dma_start3A_318 = tpu.memref_slice %arg17[%dma_start3A] : memref<640xf32, #tpu.memory_space<vmem>> -> memref<632xf32, #tpu.memory_space<vmem>>
          %dma_start3A_319 = tpu.memref_slice %arg12[%mul3A_307] : memref<10000xf32, #tpu.memory_space<vmem_shared>> -> memref<632xf32, #tpu.memory_space<vmem_shared>>
          %dma_start3A_320 = arith.constant 0 : i32
          %dma_start3A_321 = tpu.memref_slice %arg17[%dma_start3A_320] : memref<640xf32, #tpu.memory_space<vmem>> -> memref<632xf32, #tpu.memory_space<vmem>>
          %dma_start3A_322 = tpu.memref_slice %arg12[%mul3A_307] : memref<10000xf32, #tpu.memory_space<vmem_shared>> -> memref<632xf32, #tpu.memory_space<vmem_shared>>
          tpu.enqueue_dma source(%dma_start3A_322 : memref<632xf32, #tpu.memory_space<vmem_shared>>) target(%dma_start3A_321 : memref<632xf32, #tpu.memory_space<vmem>>) target_semaphore(%run_scoped3A : memref<!tpu.dma_semaphore, #tpu.memory_space<semaphore_mem>>)
          %dma_wait3A = arith.constant 0 : i32
          %dma_wait3A_323 = tpu.memref_slice %arg17[%dma_wait3A] : memref<640xf32, #tpu.memory_space<vmem>> -> memref<632xf32, #tpu.memory_space<vmem>>
          %dma_wait3A_324 = tpu.memref_slice %arg12[%mul3A_307] : memref<10000xf32, #tpu.memory_space<vmem_shared>> -> memref<632xf32, #tpu.memory_space<vmem_shared>>
          %dma_wait3A_325 = arith.constant 0 : i32
          %dma_wait3A_326 = tpu.memref_slice %arg17[%dma_wait3A_325] : memref<640xf32, #tpu.memory_space<vmem>> -> memref<632xf32, #tpu.memory_space<vmem>>
          %dma_wait3A_327 = tpu.memref_slice %arg12[%mul3A_307] : memref<10000xf32, #tpu.memory_space<vmem_shared>> -> memref<632xf32, #tpu.memory_space<vmem_shared>>
          tpu.wait_dma2 semaphore(%run_scoped3A : memref<!tpu.dma_semaphore, #tpu.memory_space<semaphore_mem>>) src(%dma_wait3A_327 : memref<632xf32, #tpu.memory_space<vmem_shared>>) dst(%dma_wait3A_326 : memref<632xf32, #tpu.memory_space<vmem>>)
          tpu.yield
        }) : () -> ()
        "tpu.region"() ({
          %run_scoped3A = tpu.sem_alloc : memref<!tpu.dma_semaphore, #tpu.memory_space<semaphore_mem>>
          %dma_start3A = arith.constant 0 : i32
          %dma_start3A_318 = tpu.memref_slice %arg17[%dma_start3A] : memref<640xf32, #tpu.memory_space<vmem>> -> memref<632xf32, #tpu.memory_space<vmem>>
          %dma_start3A_319 = tpu.memref_slice %arg10[%mul3A_307] : memref<10000xf32, #tpu.memory_space<hbm>> -> memref<632xf32, #tpu.memory_space<hbm>>
          %dma_start3A_320 = tpu.memref_slice %arg10[%mul3A_307] : memref<10000xf32, #tpu.memory_space<hbm>> -> memref<632xf32, #tpu.memory_space<hbm>>
          %dma_start3A_321 = arith.constant 0 : i32
          %dma_start3A_322 = tpu.memref_slice %arg17[%dma_start3A_321] : memref<640xf32, #tpu.memory_space<vmem>> -> memref<632xf32, #tpu.memory_space<vmem>>
          tpu.enqueue_dma source(%dma_start3A_322 : memref<632xf32, #tpu.memory_space<vmem>>) target(%dma_start3A_320 : memref<632xf32, #tpu.memory_space<hbm>>) target_semaphore(%run_scoped3A : memref<!tpu.dma_semaphore, #tpu.memory_space<semaphore_mem>>)
          %dma_wait3A = arith.constant 0 : i32
          %dma_wait3A_323 = tpu.memref_slice %arg17[%dma_wait3A] : memref<640xf32, #tpu.memory_space<vmem>> -> memref<632xf32, #tpu.memory_space<vmem>>
          %dma_wait3A_324 = tpu.memref_slice %arg10[%mul3A_307] : memref<10000xf32, #tpu.memory_space<hbm>> -> memref<632xf32, #tpu.memory_space<hbm>>
          %dma_wait3A_325 = tpu.memref_slice %arg10[%mul3A_307] : memref<10000xf32, #tpu.memory_space<hbm>> -> memref<632xf32, #tpu.memory_space<hbm>>
          %dma_wait3A_326 = arith.constant 0 : i32
          %dma_wait3A_327 = tpu.memref_slice %arg17[%dma_wait3A_326] : memref<640xf32, #tpu.memory_space<vmem>> -> memref<632xf32, #tpu.memory_space<vmem>>
          tpu.wait_dma2 semaphore(%run_scoped3A : memref<!tpu.dma_semaphore, #tpu.memory_space<semaphore_mem>>) src(%dma_wait3A_327 : memref<632xf32, #tpu.memory_space<vmem>>) dst(%dma_wait3A_325 : memref<632xf32, #tpu.memory_space<hbm>>)
          tpu.yield
        }) : () -> ()
      } else {
      }
      %eq3A_313 = arith.constant 15 : i32
      %eq3A_314 = arith.cmpi eq, %arg1, %eq3A_313 : i32
      %convert_element_type3A_315 = arith.extui %eq3A_314 : i1 to i32
      %cond3A_316 = arith.constant 0 : i32
      %cond3A_317 = arith.cmpi ne, %convert_element_type3A_315, %cond3A_316 : i32
      scf.if %cond3A_317 {
        "tpu.region"() ({
          %run_scoped3A = tpu.sem_alloc : memref<!tpu.dma_semaphore, #tpu.memory_space<semaphore_mem>>
          %dma_start3A = arith.constant 0 : i32
          %dma_start3A_318 = tpu.memref_slice %arg17[%dma_start3A] : memref<640xf32, #tpu.memory_space<vmem>> -> memref<520xf32, #tpu.memory_space<vmem>>
          %dma_start3A_319 = tpu.memref_slice %arg12[%mul3A_307] : memref<10000xf32, #tpu.memory_space<vmem_shared>> -> memref<520xf32, #tpu.memory_space<vmem_shared>>
          %dma_start3A_320 = arith.constant 0 : i32
          %dma_start3A_321 = tpu.memref_slice %arg17[%dma_start3A_320] : memref<640xf32, #tpu.memory_space<vmem>> -> memref<520xf32, #tpu.memory_space<vmem>>
          %dma_start3A_322 = tpu.memref_slice %arg12[%mul3A_307] : memref<10000xf32, #tpu.memory_space<vmem_shared>> -> memref<520xf32, #tpu.memory_space<vmem_shared>>
          tpu.enqueue_dma source(%dma_start3A_322 : memref<520xf32, #tpu.memory_space<vmem_shared>>) target(%dma_start3A_321 : memref<520xf32, #tpu.memory_space<vmem>>) target_semaphore(%run_scoped3A : memref<!tpu.dma_semaphore, #tpu.memory_space<semaphore_mem>>)
          %dma_wait3A = arith.constant 0 : i32
          %dma_wait3A_323 = tpu.memref_slice %arg17[%dma_wait3A] : memref<640xf32, #tpu.memory_space<vmem>> -> memref<520xf32, #tpu.memory_space<vmem>>
          %dma_wait3A_324 = tpu.memref_slice %arg12[%mul3A_307] : memref<10000xf32, #tpu.memory_space<vmem_shared>> -> memref<520xf32, #tpu.memory_space<vmem_shared>>
          %dma_wait3A_325 = arith.constant 0 : i32
          %dma_wait3A_326 = tpu.memref_slice %arg17[%dma_wait3A_325] : memref<640xf32, #tpu.memory_space<vmem>> -> memref<520xf32, #tpu.memory_space<vmem>>
          %dma_wait3A_327 = tpu.memref_slice %arg12[%mul3A_307] : memref<10000xf32, #tpu.memory_space<vmem_shared>> -> memref<520xf32, #tpu.memory_space<vmem_shared>>
          tpu.wait_dma2 semaphore(%run_scoped3A : memref<!tpu.dma_semaphore, #tpu.memory_space<semaphore_mem>>) src(%dma_wait3A_327 : memref<520xf32, #tpu.memory_space<vmem_shared>>) dst(%dma_wait3A_326 : memref<520xf32, #tpu.memory_space<vmem>>)
          tpu.yield
        }) : () -> ()
        "tpu.region"() ({
          %run_scoped3A = tpu.sem_alloc : memref<!tpu.dma_semaphore, #tpu.memory_space<semaphore_mem>>
          %dma_start3A = arith.constant 0 : i32
          %dma_start3A_318 = tpu.memref_slice %arg17[%dma_start3A] : memref<640xf32, #tpu.memory_space<vmem>> -> memref<520xf32, #tpu.memory_space<vmem>>
          %dma_start3A_319 = tpu.memref_slice %arg10[%mul3A_307] : memref<10000xf32, #tpu.memory_space<hbm>> -> memref<520xf32, #tpu.memory_space<hbm>>
          %dma_start3A_320 = tpu.memref_slice %arg10[%mul3A_307] : memref<10000xf32, #tpu.memory_space<hbm>> -> memref<520xf32, #tpu.memory_space<hbm>>
          %dma_start3A_321 = arith.constant 0 : i32
          %dma_start3A_322 = tpu.memref_slice %arg17[%dma_start3A_321] : memref<640xf32, #tpu.memory_space<vmem>> -> memref<520xf32, #tpu.memory_space<vmem>>
          tpu.enqueue_dma source(%dma_start3A_322 : memref<520xf32, #tpu.memory_space<vmem>>) target(%dma_start3A_320 : memref<520xf32, #tpu.memory_space<hbm>>) target_semaphore(%run_scoped3A : memref<!tpu.dma_semaphore, #tpu.memory_space<semaphore_mem>>)
          %dma_wait3A = arith.constant 0 : i32
          %dma_wait3A_323 = tpu.memref_slice %arg17[%dma_wait3A] : memref<640xf32, #tpu.memory_space<vmem>> -> memref<520xf32, #tpu.memory_space<vmem>>
          %dma_wait3A_324 = tpu.memref_slice %arg10[%mul3A_307] : memref<10000xf32, #tpu.memory_space<hbm>> -> memref<520xf32, #tpu.memory_space<hbm>>
          %dma_wait3A_325 = tpu.memref_slice %arg10[%mul3A_307] : memref<10000xf32, #tpu.memory_space<hbm>> -> memref<520xf32, #tpu.memory_space<hbm>>
          %dma_wait3A_326 = arith.constant 0 : i32
          %dma_wait3A_327 = tpu.memref_slice %arg17[%dma_wait3A_326] : memref<640xf32, #tpu.memory_space<vmem>> -> memref<520xf32, #tpu.memory_space<vmem>>
          tpu.wait_dma2 semaphore(%run_scoped3A : memref<!tpu.dma_semaphore, #tpu.memory_space<semaphore_mem>>) src(%dma_wait3A_327 : memref<520xf32, #tpu.memory_space<vmem>>) dst(%dma_wait3A_325 : memref<520xf32, #tpu.memory_space<hbm>>)
          tpu.yield
        }) : () -> ()
      } else {
      }
    } else {
    }
    return
  }
}

module attributes {stable_mosaic.version = 14 : i64} {
  func.func @_enc_body(%arg0: i32, %arg1: memref<1000x128xf32, #tpu.memory_space<vmem>>, %arg2: memref<1000x128xf32, #tpu.memory_space<vmem>>, %arg3: memref<128x128xf32, #tpu.memory_space<vmem>>, %arg4: memref<1x128xf32, #tpu.memory_space<vmem>>, %arg5: memref<128x128xf32, #tpu.memory_space<vmem>>, %arg6: memref<1x128xf32, #tpu.memory_space<vmem>>, %arg7: memref<1000x128xf32, #tpu.memory_space<vmem>>, %arg8: memref<1000x128xf32, #tpu.memory_space<vmem>>) attributes {dimension_semantics = [#tpu.dimension_semantics<arbitrary>], iteration_bounds = array<i64: 10>, scalar_prefetch = 0 : i64, scratch_operands = 0 : i64, tpu.core_type = #tpu.core_type<tc>, window_params = [{transform_indices = @transform_0, window_bounds = array<i64: 1000, 128>}, {transform_indices = @transform_1, window_bounds = array<i64: 1000, 128>}, {pipeline_mode = #tpu.pipeline_mode<synchronous>, transform_indices = @transform_2, window_bounds = array<i64: 128, 128>}, {pipeline_mode = #tpu.pipeline_mode<synchronous>, transform_indices = @transform_3, window_bounds = array<i64: 1, 128>}, {pipeline_mode = #tpu.pipeline_mode<synchronous>, transform_indices = @transform_4, window_bounds = array<i64: 128, 128>}, {pipeline_mode = #tpu.pipeline_mode<synchronous>, transform_indices = @transform_5, window_bounds = array<i64: 1, 128>}, {transform_indices = @transform_6, window_bounds = array<i64: 1000, 128>}, {transform_indices = @transform_7, window_bounds = array<i64: 1000, 128>}]} {
    %get3A = arith.constant 0 : index
    %get3A_0 = arith.constant 0 : index
    %get3A_1 = vector.load %arg1[%get3A, %get3A_0] : memref<1000x128xf32, #tpu.memory_space<vmem>>, vector<1000x128xf32>
    %get3A_2 = arith.constant 0 : index
    %get3A_3 = arith.constant 0 : index
    %get3A_4 = vector.load %arg3[%get3A_2, %get3A_3] : memref<128x128xf32, #tpu.memory_space<vmem>>, vector<128x128xf32>
    %dot_general3A = arith.constant dense<0.000000e+00> : vector<1000x128xf32>
    %dot_general3A_5 = tpu.matmul %get3A_1, %get3A_4, %dot_general3A {dimension_numbers = #tpu.dot_dimension_numbers<[1], [0], [0], [1], [0, 0, 1, 1], [], []>, transpose_lhs_hint = false} : vector<1000x128xf32>, vector<128x128xf32>, vector<1000x128xf32> -> vector<1000x128xf32>
    %get3A_6 = arith.constant 0 : index
    %get3A_7 = arith.constant 0 : index
    %get3A_8 = vector.load %arg4[%get3A_6, %get3A_7] : memref<1x128xf32, #tpu.memory_space<vmem>>, vector<1x128xf32>
    %add3A = vector.broadcast %get3A_8 : vector<1x128xf32> to vector<1000x128xf32>
    %add3A_9 = arith.addf %dot_general3A_5, %add3A : vector<1000x128xf32>
    %max3A = arith.constant 0.000000e+00 : f32
    %max3A_10 = vector.broadcast %max3A : f32 to vector<1000x128xf32>
    %max3A_11 = arith.maximumf %add3A_9, %max3A_10 : vector<1000x128xf32>
    %swap3A = arith.constant 0 : index
    %swap3A_12 = arith.constant 0 : index
    %swap3A_13 = vector.load %arg7[%swap3A, %swap3A_12] : memref<1000x128xf32, #tpu.memory_space<vmem>>, vector<1000x128xf32>
    tpu.vector_store %arg7[%swap3A, %swap3A_12], %max3A_11 {strides = array<i32>} : memref<1000x128xf32, #tpu.memory_space<vmem>>, vector<1000x128xf32>,
    %get3A_14 = arith.constant 0 : index
    %get3A_15 = arith.constant 0 : index
    %get3A_16 = vector.load %arg2[%get3A_14, %get3A_15] : memref<1000x128xf32, #tpu.memory_space<vmem>>, vector<1000x128xf32>
    %get3A_17 = arith.constant 0 : index
    %get3A_18 = arith.constant 0 : index
    %get3A_19 = vector.load %arg5[%get3A_17, %get3A_18] : memref<128x128xf32, #tpu.memory_space<vmem>>, vector<128x128xf32>
    %dot_general3A_20 = arith.constant dense<0.000000e+00> : vector<1000x128xf32>
    %dot_general3A_21 = tpu.matmul %get3A_16, %get3A_19, %dot_general3A_20 {dimension_numbers = #tpu.dot_dimension_numbers<[1], [0], [0], [1], [0, 0, 1, 1], [], []>, transpose_lhs_hint = false} : vector<1000x128xf32>, vector<128x128xf32>, vector<1000x128xf32> -> vector<1000x128xf32>
    %get3A_22 = arith.constant 0 : index
    %get3A_23 = arith.constant 0 : index
    %get3A_24 = vector.load %arg6[%get3A_22, %get3A_23] : memref<1x128xf32, #tpu.memory_space<vmem>>, vector<1x128xf32>
    %add3A_25 = vector.broadcast %get3A_24 : vector<1x128xf32> to vector<1000x128xf32>
    %add3A_26 = arith.addf %dot_general3A_21, %add3A_25 : vector<1000x128xf32>
    %max3A_27 = arith.constant 0.000000e+00 : f32
    %max3A_28 = vector.broadcast %max3A_27 : f32 to vector<1000x128xf32>
    %max3A_29 = arith.maximumf %add3A_26, %max3A_28 : vector<1000x128xf32>
    %swap3A_30 = arith.constant 0 : index
    %swap3A_31 = arith.constant 0 : index
    %swap3A_32 = vector.load %arg8[%swap3A_30, %swap3A_31] : memref<1000x128xf32, #tpu.memory_space<vmem>>, vector<1000x128xf32>
    tpu.vector_store %arg8[%swap3A_30, %swap3A_31], %max3A_29 {strides = array<i32>} : memref<1000x128xf32, #tpu.memory_space<vmem>>, vector<1000x128xf32>,
    return
  }
  func.func @transform_0(%arg0: i32) -> (i32, i32) {
    %c0_i32 = arith.constant 0 : i32
    %c0_i32_0 = arith.constant 0 : i32
    return %arg0, %c0_i32 : i32, i32
  }
  func.func @transform_1(%arg0: i32) -> (i32, i32) {
    %c0_i32 = arith.constant 0 : i32
    %c0_i32_0 = arith.constant 0 : i32
    return %arg0, %c0_i32 : i32, i32
  }
  func.func @transform_2(%arg0: i32) -> (i32, i32) {
    %c0_i32 = arith.constant 0 : i32
    %c0_i32_0 = arith.constant 0 : i32
    %c0_i32_1 = arith.constant 0 : i32
    return %c0_i32, %c0_i32_0 : i32, i32
  }
  func.func @transform_3(%arg0: i32) -> (i32, i32) {
    %c0_i32 = arith.constant 0 : i32
    %c0_i32_0 = arith.constant 0 : i32
    %c0_i32_1 = arith.constant 0 : i32
    return %c0_i32, %c0_i32_0 : i32, i32
  }
  func.func @transform_4(%arg0: i32) -> (i32, i32) {
    %c0_i32 = arith.constant 0 : i32
    %c0_i32_0 = arith.constant 0 : i32
    %c0_i32_1 = arith.constant 0 : i32
    return %c0_i32, %c0_i32_0 : i32, i32
  }
  func.func @transform_5(%arg0: i32) -> (i32, i32) {
    %c0_i32 = arith.constant 0 : i32
    %c0_i32_0 = arith.constant 0 : i32
    %c0_i32_1 = arith.constant 0 : i32
    return %c0_i32, %c0_i32_0 : i32, i32
  }
  func.func @transform_6(%arg0: i32) -> (i32, i32) {
    %c0_i32 = arith.constant 0 : i32
    %c0_i32_0 = arith.constant 0 : i32
    return %arg0, %c0_i32 : i32, i32
  }
  func.func @transform_7(%arg0: i32) -> (i32, i32) {
    %c0_i32 = arith.constant 0 : i32
    %c0_i32_0 = arith.constant 0 : i32
    return %arg0, %c0_i32 : i32, i32
  }
}

module attributes {stable_mosaic.version = 14 : i64} {
  func.func @_l1_body(%arg0: i32, %arg1: memref<1000x128xf32, #tpu.memory_space<vmem>>, %arg2: memref<1000x128xf32, #tpu.memory_space<vmem>>, %arg3: memref<1000x128xf32, #tpu.memory_space<vmem>>, %arg4: memref<1000x1xf32, #tpu.memory_space<vmem>>, %arg5: memref<1000x128xf32, #tpu.memory_space<vmem>>, %arg6: memref<1000x1xf32, #tpu.memory_space<vmem>>, %arg7: memref<128x128xf32, #tpu.memory_space<vmem>>, %arg8: memref<128x128xf32, #tpu.memory_space<vmem>>, %arg9: memref<128x128xf32, #tpu.memory_space<vmem>>, %arg10: memref<128x128xf32, #tpu.memory_space<vmem>>, %arg11: memref<1000x128xf32, #tpu.memory_space<vmem>>, %arg12: memref<1000x128xf32, #tpu.memory_space<vmem>>) attributes {dimension_semantics = [#tpu.dimension_semantics<arbitrary>], iteration_bounds = array<i64: 10>, scalar_prefetch = 0 : i64, scratch_operands = 0 : i64, tpu.core_type = #tpu.core_type<tc>, window_params = [{transform_indices = @transform_0, window_bounds = array<i64: 1000, 128>}, {transform_indices = @transform_1, window_bounds = array<i64: 1000, 128>}, {transform_indices = @transform_2, window_bounds = array<i64: 1000, 128>}, {transform_indices = @transform_3, window_bounds = array<i64: 1000, 1>}, {transform_indices = @transform_4, window_bounds = array<i64: 1000, 128>}, {transform_indices = @transform_5, window_bounds = array<i64: 1000, 1>}, {pipeline_mode = #tpu.pipeline_mode<synchronous>, transform_indices = @transform_6, window_bounds = array<i64: 128, 128>}, {pipeline_mode = #tpu.pipeline_mode<synchronous>, transform_indices = @transform_7, window_bounds = array<i64: 128, 128>}, {pipeline_mode = #tpu.pipeline_mode<synchronous>, transform_indices = @transform_8, window_bounds = array<i64: 128, 128>}, {pipeline_mode = #tpu.pipeline_mode<synchronous>, transform_indices = @transform_9, window_bounds = array<i64: 128, 128>}, {transform_indices = @transform_10, window_bounds = array<i64: 1000, 128>}, {transform_indices = @transform_11, window_bounds = array<i64: 1000, 128>}]} {
    %get3A = arith.constant 0 : index
    %get3A_0 = arith.constant 0 : index
    %get3A_1 = vector.load %arg3[%get3A, %get3A_0] : memref<1000x128xf32, #tpu.memory_space<vmem>>, vector<1000x128xf32>
    %get3A_2 = arith.constant 0 : index
    %get3A_3 = arith.constant 0 : index
    %get3A_4 = vector.load %arg4[%get3A_2, %get3A_3] : memref<1000x1xf32, #tpu.memory_space<vmem>>, vector<1000x1xf32>
    %max3A = arith.constant 1.000000e+00 : f32
    %max3A_5 = vector.broadcast %max3A : f32 to vector<1000x1xf32>
    %max3A_6 = arith.maximumf %get3A_4, %max3A_5 : vector<1000x1xf32>
    %div3A = vector.broadcast %max3A_6 : vector<1000x1xf32> to vector<1000x128xf32>
    %div3A_7 = arith.divf %get3A_1, %div3A : vector<1000x128xf32>
    %get3A_8 = arith.constant 0 : index
    %get3A_9 = arith.constant 0 : index
    %get3A_10 = vector.load %arg5[%get3A_8, %get3A_9] : memref<1000x128xf32, #tpu.memory_space<vmem>>, vector<1000x128xf32>
    %get3A_11 = arith.constant 0 : index
    %get3A_12 = arith.constant 0 : index
    %get3A_13 = vector.load %arg6[%get3A_11, %get3A_12] : memref<1000x1xf32, #tpu.memory_space<vmem>>, vector<1000x1xf32>
    %max3A_14 = arith.constant 1.000000e+00 : f32
    %max3A_15 = vector.broadcast %max3A_14 : f32 to vector<1000x1xf32>
    %max3A_16 = arith.maximumf %get3A_13, %max3A_15 : vector<1000x1xf32>
    %div3A_17 = vector.broadcast %max3A_16 : vector<1000x1xf32> to vector<1000x128xf32>
    %div3A_18 = arith.divf %get3A_10, %div3A_17 : vector<1000x128xf32>
    %get3A_19 = arith.constant 0 : index
    %get3A_20 = arith.constant 0 : index
    %get3A_21 = vector.load %arg1[%get3A_19, %get3A_20] : memref<1000x128xf32, #tpu.memory_space<vmem>>, vector<1000x128xf32>
    %get3A_22 = arith.constant 0 : index
    %get3A_23 = arith.constant 0 : index
    %get3A_24 = vector.load %arg7[%get3A_22, %get3A_23] : memref<128x128xf32, #tpu.memory_space<vmem>>, vector<128x128xf32>
    %dot_general3A = arith.constant dense<0.000000e+00> : vector<1000x128xf32>
    %dot_general3A_25 = tpu.matmul %get3A_21, %get3A_24, %dot_general3A {dimension_numbers = #tpu.dot_dimension_numbers<[1], [0], [0], [1], [0, 0, 1, 1], [], []>, transpose_lhs_hint = false} : vector<1000x128xf32>, vector<128x128xf32>, vector<1000x128xf32> -> vector<1000x128xf32>
    %get3A_26 = arith.constant 0 : index
    %get3A_27 = arith.constant 0 : index
    %get3A_28 = vector.load %arg8[%get3A_26, %get3A_27] : memref<128x128xf32, #tpu.memory_space<vmem>>, vector<128x128xf32>
    %dot_general3A_29 = arith.constant dense<0.000000e+00> : vector<1000x128xf32>
    %dot_general3A_30 = tpu.matmul %div3A_7, %get3A_28, %dot_general3A_29 {dimension_numbers = #tpu.dot_dimension_numbers<[1], [0], [0], [1], [0, 0, 1, 1], [], []>, transpose_lhs_hint = false} : vector<1000x128xf32>, vector<128x128xf32>, vector<1000x128xf32> -> vector<1000x128xf32>
    %add3A = arith.addf %dot_general3A_25, %dot_general3A_30 : vector<1000x128xf32>
    %max3A_31 = arith.constant 0.000000e+00 : f32
    %max3A_32 = vector.broadcast %max3A_31 : f32 to vector<1000x128xf32>
    %max3A_33 = arith.maximumf %add3A, %max3A_32 : vector<1000x128xf32>
    %swap3A = arith.constant 0 : index
    %swap3A_34 = arith.constant 0 : index
    %swap3A_35 = vector.load %arg11[%swap3A, %swap3A_34] : memref<1000x128xf32, #tpu.memory_space<vmem>>, vector<1000x128xf32>
    tpu.vector_store %arg11[%swap3A, %swap3A_34], %max3A_33 {strides = array<i32>} : memref<1000x128xf32, #tpu.memory_space<vmem>>, vector<1000x128xf32>,
    %get3A_36 = arith.constant 0 : index
    %get3A_37 = arith.constant 0 : index
    %get3A_38 = vector.load %arg2[%get3A_36, %get3A_37] : memref<1000x128xf32, #tpu.memory_space<vmem>>, vector<1000x128xf32>
    %get3A_39 = arith.constant 0 : index
    %get3A_40 = arith.constant 0 : index
    %get3A_41 = vector.load %arg9[%get3A_39, %get3A_40] : memref<128x128xf32, #tpu.memory_space<vmem>>, vector<128x128xf32>
    %dot_general3A_42 = arith.constant dense<0.000000e+00> : vector<1000x128xf32>
    %dot_general3A_43 = tpu.matmul %get3A_38, %get3A_41, %dot_general3A_42 {dimension_numbers = #tpu.dot_dimension_numbers<[1], [0], [0], [1], [0, 0, 1, 1], [], []>, transpose_lhs_hint = false} : vector<1000x128xf32>, vector<128x128xf32>, vector<1000x128xf32> -> vector<1000x128xf32>
    %get3A_44 = arith.constant 0 : index
    %get3A_45 = arith.constant 0 : index
    %get3A_46 = vector.load %arg10[%get3A_44, %get3A_45] : memref<128x128xf32, #tpu.memory_space<vmem>>, vector<128x128xf32>
    %dot_general3A_47 = arith.constant dense<0.000000e+00> : vector<1000x128xf32>
    %dot_general3A_48 = tpu.matmul %div3A_18, %get3A_46, %dot_general3A_47 {dimension_numbers = #tpu.dot_dimension_numbers<[1], [0], [0], [1], [0, 0, 1, 1], [], []>, transpose_lhs_hint = false} : vector<1000x128xf32>, vector<128x128xf32>, vector<1000x128xf32> -> vector<1000x128xf32>
    %add3A_49 = arith.addf %dot_general3A_43, %dot_general3A_48 : vector<1000x128xf32>
    %max3A_50 = arith.constant 0.000000e+00 : f32
    %max3A_51 = vector.broadcast %max3A_50 : f32 to vector<1000x128xf32>
    %max3A_52 = arith.maximumf %add3A_49, %max3A_51 : vector<1000x128xf32>
    %swap3A_53 = arith.constant 0 : index
    %swap3A_54 = arith.constant 0 : index
    %swap3A_55 = vector.load %arg12[%swap3A_53, %swap3A_54] : memref<1000x128xf32, #tpu.memory_space<vmem>>, vector<1000x128xf32>
    tpu.vector_store %arg12[%swap3A_53, %swap3A_54], %max3A_52 {strides = array<i32>} : memref<1000x128xf32, #tpu.memory_space<vmem>>, vector<1000x128xf32>,
    return
  }
  func.func @transform_0(%arg0: i32) -> (i32, i32) {
    %c0_i32 = arith.constant 0 : i32
    %c0_i32_0 = arith.constant 0 : i32
    return %arg0, %c0_i32 : i32, i32
  }
  func.func @transform_1(%arg0: i32) -> (i32, i32) {
    %c0_i32 = arith.constant 0 : i32
    %c0_i32_0 = arith.constant 0 : i32
    return %arg0, %c0_i32 : i32, i32
  }
  func.func @transform_2(%arg0: i32) -> (i32, i32) {
    %c0_i32 = arith.constant 0 : i32
    %c0_i32_0 = arith.constant 0 : i32
    return %arg0, %c0_i32 : i32, i32
  }
  func.func @transform_3(%arg0: i32) -> (i32, i32) {
    %c0_i32 = arith.constant 0 : i32
    %c0_i32_0 = arith.constant 0 : i32
    return %arg0, %c0_i32 : i32, i32
  }
  func.func @transform_4(%arg0: i32) -> (i32, i32) {
    %c0_i32 = arith.constant 0 : i32
    %c0_i32_0 = arith.constant 0 : i32
    return %arg0, %c0_i32 : i32, i32
  }
  func.func @transform_5(%arg0: i32) -> (i32, i32) {
    %c0_i32 = arith.constant 0 : i32
    %c0_i32_0 = arith.constant 0 : i32
    return %arg0, %c0_i32 : i32, i32
  }
  func.func @transform_6(%arg0: i32) -> (i32, i32) {
    %c0_i32 = arith.constant 0 : i32
    %c0_i32_0 = arith.constant 0 : i32
    %c0_i32_1 = arith.constant 0 : i32
    return %c0_i32, %c0_i32_0 : i32, i32
  }
  func.func @transform_7(%arg0: i32) -> (i32, i32) {
    %c0_i32 = arith.constant 0 : i32
    %c0_i32_0 = arith.constant 0 : i32
    %c0_i32_1 = arith.constant 0 : i32
    return %c0_i32, %c0_i32_0 : i32, i32
  }
  func.func @transform_8(%arg0: i32) -> (i32, i32) {
    %c0_i32 = arith.constant 0 : i32
    %c0_i32_0 = arith.constant 0 : i32
    %c0_i32_1 = arith.constant 0 : i32
    return %c0_i32, %c0_i32_0 : i32, i32
  }
  func.func @transform_9(%arg0: i32) -> (i32, i32) {
    %c0_i32 = arith.constant 0 : i32
    %c0_i32_0 = arith.constant 0 : i32
    %c0_i32_1 = arith.constant 0 : i32
    return %c0_i32, %c0_i32_0 : i32, i32
  }
  func.func @transform_10(%arg0: i32) -> (i32, i32) {
    %c0_i32 = arith.constant 0 : i32
    %c0_i32_0 = arith.constant 0 : i32
    return %arg0, %c0_i32 : i32, i32
  }
  func.func @transform_11(%arg0: i32) -> (i32, i32) {
    %c0_i32 = arith.constant 0 : i32
    %c0_i32_0 = arith.constant 0 : i32
    return %arg0, %c0_i32 : i32, i32
  }
}

module attributes {stable_mosaic.version = 14 : i64} {
  func.func @_l2_body(%arg0: i32, %arg1: memref<1000x128xf32, #tpu.memory_space<vmem>>, %arg2: memref<1x1000x128xf32, #tpu.memory_space<vmem>>, %arg3: memref<1x1000x128xf32, #tpu.memory_space<vmem>>, %arg4: memref<1000x1xf32, #tpu.memory_space<vmem>>, %arg5: memref<128x128xf32, #tpu.memory_space<vmem>>, %arg6: memref<128x128xf32, #tpu.memory_space<vmem>>, %arg7: memref<128x1xf32, #tpu.memory_space<vmem>>, %arg8: memref<1x1xf32, #tpu.memory_space<vmem>>, %arg9: memref<1000x1xf32, #tpu.memory_space<vmem>>) attributes {dimension_semantics = [#tpu.dimension_semantics<arbitrary>], iteration_bounds = array<i64: 10>, scalar_prefetch = 0 : i64, scratch_operands = 0 : i64, tpu.core_type = #tpu.core_type<tc>, window_params = [{transform_indices = @transform_0, window_bounds = array<i64: 1000, 128>}, {transform_indices = @transform_1, window_bounds = array<i64: 1, 1000, 128>}, {transform_indices = @transform_2, window_bounds = array<i64: 1, 1000, 128>}, {transform_indices = @transform_3, window_bounds = array<i64: 1000, 1>}, {pipeline_mode = #tpu.pipeline_mode<synchronous>, transform_indices = @transform_4, window_bounds = array<i64: 128, 128>}, {pipeline_mode = #tpu.pipeline_mode<synchronous>, transform_indices = @transform_5, window_bounds = array<i64: 128, 128>}, {pipeline_mode = #tpu.pipeline_mode<synchronous>, transform_indices = @transform_6, window_bounds = array<i64: 128, 1>}, {pipeline_mode = #tpu.pipeline_mode<synchronous>, transform_indices = @transform_7, window_bounds = array<i64: 1, 1>}, {transform_indices = @transform_8, window_bounds = array<i64: 1000, 1>}]} {
    %get3A = arith.constant 0 : index
    %get3A_0 = arith.constant 0 : index
    %get3A_1 = arith.constant 0 : index
    %get3A_2 = vector.load %arg2[%get3A, %get3A_0, %get3A_1] : memref<1x1000x128xf32, #tpu.memory_space<vmem>>, vector<1x1000x128xf32>
    %get3A_3 = vector.shape_cast %get3A_2 : vector<1x1000x128xf32> to vector<1000x128xf32>
    %get3A_4 = arith.constant 0 : index
    %get3A_5 = arith.constant 0 : index
    %get3A_6 = arith.constant 0 : index
    %get3A_7 = vector.load %arg3[%get3A_4, %get3A_5, %get3A_6] : memref<1x1000x128xf32, #tpu.memory_space<vmem>>, vector<1x1000x128xf32>
    %get3A_8 = vector.shape_cast %get3A_7 : vector<1x1000x128xf32> to vector<1000x128xf32>
    %add3A = arith.addf %get3A_3, %get3A_8 : vector<1000x128xf32>
    %get3A_9 = arith.constant 0 : index
    %get3A_10 = arith.constant 0 : index
    %get3A_11 = vector.load %arg4[%get3A_9, %get3A_10] : memref<1000x1xf32, #tpu.memory_space<vmem>>, vector<1000x1xf32>
    %max3A = arith.constant 1.000000e+00 : f32
    %max3A_12 = vector.broadcast %max3A : f32 to vector<1000x1xf32>
    %max3A_13 = arith.maximumf %get3A_11, %max3A_12 : vector<1000x1xf32>
    %div3A = vector.broadcast %max3A_13 : vector<1000x1xf32> to vector<1000x128xf32>
    %div3A_14 = arith.divf %add3A, %div3A : vector<1000x128xf32>
    %get3A_15 = arith.constant 0 : index
    %get3A_16 = arith.constant 0 : index
    %get3A_17 = vector.load %arg1[%get3A_15, %get3A_16] : memref<1000x128xf32, #tpu.memory_space<vmem>>, vector<1000x128xf32>
    %get3A_18 = arith.constant 0 : index
    %get3A_19 = arith.constant 0 : index
    %get3A_20 = vector.load %arg5[%get3A_18, %get3A_19] : memref<128x128xf32, #tpu.memory_space<vmem>>, vector<128x128xf32>
    %dot_general3A = arith.constant dense<0.000000e+00> : vector<1000x128xf32>
    %dot_general3A_21 = tpu.matmul %get3A_17, %get3A_20, %dot_general3A {dimension_numbers = #tpu.dot_dimension_numbers<[1], [0], [0], [1], [0, 0, 1, 1], [], []>, transpose_lhs_hint = false} : vector<1000x128xf32>, vector<128x128xf32>, vector<1000x128xf32> -> vector<1000x128xf32>
    %get3A_22 = arith.constant 0 : index
    %get3A_23 = arith.constant 0 : index
    %get3A_24 = vector.load %arg6[%get3A_22, %get3A_23] : memref<128x128xf32, #tpu.memory_space<vmem>>, vector<128x128xf32>
    %dot_general3A_25 = arith.constant dense<0.000000e+00> : vector<1000x128xf32>
    %dot_general3A_26 = tpu.matmul %div3A_14, %get3A_24, %dot_general3A_25 {dimension_numbers = #tpu.dot_dimension_numbers<[1], [0], [0], [1], [0, 0, 1, 1], [], []>, transpose_lhs_hint = false} : vector<1000x128xf32>, vector<128x128xf32>, vector<1000x128xf32> -> vector<1000x128xf32>
    %add3A_27 = arith.addf %dot_general3A_21, %dot_general3A_26 : vector<1000x128xf32>
    %max3A_28 = arith.constant 0.000000e+00 : f32
    %max3A_29 = vector.broadcast %max3A_28 : f32 to vector<1000x128xf32>
    %max3A_30 = arith.maximumf %add3A_27, %max3A_29 : vector<1000x128xf32>
    %get3A_31 = arith.constant 0 : index
    %get3A_32 = arith.constant 0 : index
    %get3A_33 = vector.load %arg7[%get3A_31, %get3A_32] : memref<128x1xf32, #tpu.memory_space<vmem>>, vector<128x1xf32>
    %dot_general3A_34 = arith.constant dense<0.000000e+00> : vector<1000x1xf32>
    %dot_general3A_35 = tpu.matmul %max3A_30, %get3A_33, %dot_general3A_34 {dimension_numbers = #tpu.dot_dimension_numbers<[1], [0], [0], [1], [0, 0, 1, 1], [], []>, transpose_lhs_hint = false} : vector<1000x128xf32>, vector<128x1xf32>, vector<1000x1xf32> -> vector<1000x1xf32>
    %get3A_36 = arith.constant 0 : index
    %get3A_37 = arith.constant 0 : index
    %get3A_38 = vector.load %arg8[%get3A_36, %get3A_37] : memref<1x1xf32, #tpu.memory_space<vmem>>, vector<1x1xf32>
    %add3A_39 = vector.broadcast %get3A_38 : vector<1x1xf32> to vector<1000x1xf32>
    %add3A_40 = arith.addf %dot_general3A_35, %add3A_39 : vector<1000x1xf32>
    %swap3A = arith.constant 0 : index
    %swap3A_41 = arith.constant 0 : index
    %swap3A_42 = vector.load %arg9[%swap3A, %swap3A_41] : memref<1000x1xf32, #tpu.memory_space<vmem>>, vector<1000x1xf32>
    tpu.vector_store %arg9[%swap3A, %swap3A_41], %add3A_40 {strides = array<i32>} : memref<1000x1xf32, #tpu.memory_space<vmem>>, vector<1000x1xf32>,
    return
  }
  func.func @transform_0(%arg0: i32) -> (i32, i32) {
    %c0_i32 = arith.constant 0 : i32
    %c0_i32_0 = arith.constant 0 : i32
    return %arg0, %c0_i32 : i32, i32
  }
  func.func @transform_1(%arg0: i32) -> (i32, i32, i32) {
    %c0_i32 = arith.constant 0 : i32
    %c0_i32_0 = arith.constant 0 : i32
    %c0_i32_1 = arith.constant 0 : i32
    return %c0_i32, %arg0, %c0_i32_0 : i32, i32, i32
  }
  func.func @transform_2(%arg0: i32) -> (i32, i32, i32) {
    %c1_i32 = arith.constant 1 : i32
    %c0_i32 = arith.constant 0 : i32
    %c0_i32_0 = arith.constant 0 : i32
    return %c1_i32, %arg0, %c0_i32 : i32, i32, i32
  }
  func.func @transform_3(%arg0: i32) -> (i32, i32) {
    %c0_i32 = arith.constant 0 : i32
    %c0_i32_0 = arith.constant 0 : i32
    return %arg0, %c0_i32 : i32, i32
  }
  func.func @transform_4(%arg0: i32) -> (i32, i32) {
    %c0_i32 = arith.constant 0 : i32
    %c0_i32_0 = arith.constant 0 : i32
    %c0_i32_1 = arith.constant 0 : i32
    return %c0_i32, %c0_i32_0 : i32, i32
  }
  func.func @transform_5(%arg0: i32) -> (i32, i32) {
    %c0_i32 = arith.constant 0 : i32
    %c0_i32_0 = arith.constant 0 : i32
    %c0_i32_1 = arith.constant 0 : i32
    return %c0_i32, %c0_i32_0 : i32, i32
  }
  func.func @transform_6(%arg0: i32) -> (i32, i32) {
    %c0_i32 = arith.constant 0 : i32
    %c0_i32_0 = arith.constant 0 : i32
    %c0_i32_1 = arith.constant 0 : i32
    return %c0_i32, %c0_i32_0 : i32, i32
  }
  func.func @transform_7(%arg0: i32) -> (i32, i32) {
    %c0_i32 = arith.constant 0 : i32
    %c0_i32_0 = arith.constant 0 : i32
    %c0_i32_1 = arith.constant 0 : i32
    return %c0_i32, %c0_i32_0 : i32, i32
  }
  func.func @transform_8(%arg0: i32) -> (i32, i32) {
    %c0_i32 = arith.constant 0 : i32
    %c0_i32_0 = arith.constant 0 : i32
    return %arg0, %c0_i32 : i32, i32
  }
}

</mosaic_0001>

<sc_bundles>
// kernel: kernel.10.cloned.1.call-start
scs
__scs_entry_jumppad:
0x0: {  	(pc) =	sbr.rel $0x88, $3  }
0x1: {  	(tag) =	ssettag $0x0;
	lr =	simm.s32 $0x1  }
0x2: {  	[smem:$0x3F91] =	sst lr;
	_ =	strace $0xD0000000  }
0x3: {  	_ = 	snop  }
0x4: {  	_ = 	snop  }
0x5: {  	_ = 	snop  }
0x6: {  	_ = 	snop  }
0x7: {  	_ = 	snop  }
__scs_overlays_trampoline_lowered:
0x8: {  	[smem:$0x3FA0] =	sst s0  }
0x9: {  	[smem:$0x3FA1] =	sst s1  }
0xa: {  	[smem:$0x3FA2] =	sst s2  }
0xb: {  	[smem:$0x3FA3] =	sst s3  }
0xc: {  	[smem:$0x3FA4] =	sst s4  }
0xd: {  	[smem:$0x3FA5] =	sst s5  }
0xe: {  	[smem:$0x3FA6] =	sst s6  }
0xf: {  	[smem:$0x3FA7] =	sst s7  }
0x10: {  	[smem:$0x3FA8] =	sst s8  }
0x11: {  	[smem:$0x3FA9] =	sst s9;
	s0 =	simm.s32 @!p0 $0x0  }
0x12: {  	s1 =	sld [smem:$0x3F8F];
	s0 =	simm.s32 @p0 $0x1  }
0x13: {  	[smem:$0x3FAA] =	sst s0;
	s0 =	simm.s32 @!p1 $0x0  }
0x14: {  	s2 =	sld [smem:$0x3F8E];
	s0 =	simm.s32 @p1 $0x1  }
0x15: {  	[smem:$0x3FAB] =	sst s0;
	s0 =	simm.s32 @!p2 $0x0  }
0x16: {  	s3 =	sld [smem:$0x3FDB];
	s0 =	simm.s32 @p2 $0x1  }
0x17: {  	s4 =	simm.s32 $0x1BF5;
	[smem:$0x3FAD] =	sst s0  }
0x18: {  	s0 =	sld [smem:$0x3F90];
	_ =	swait.ge [sflag:s4], $0x0  }
0x19: {  	s7 =	sld [smem:$0x3F91]  }
0x1a: {  	s8 =	sadd.s32 $0xFFFFE003, lr  }
0x1b: {  	s9 =	sadd.s32 $0xFFFFFEF7, lr;
	s5 =	simm.s32 $0xFFFFFFFF;
	p2 =	slt.u32 s8, $0xFFFFF086  }
0x1c: {  	p1 =	slt.u32 s9, $0xF7A;
	s5 =	simm.s32 @!p2 $0x0  }
0x1d: {  	s5 =	simm.s32 @p1 $0x1;
	p0 =	seq.s32 s7, s2  }
0x1e: {  	s7 =	smul.u32 @!p0 $0xF7A, s2;
	p2 =	seq.s32 @!p0 s5, $0x0  }
0x1f: {  	s9 =	smul.u32 $0xF7A, s1;
	s8 =	simm.s32 @!p0 $0x1BF5;
	p2 =	por !p2, p0  }
0x20: {  	[sflag:s8] =	ssyncset.s32 @!p0 $0xFFFFF086;
	s6 =	sadd.s32 @!p0 s3, s7;
	s7 =	simm.s32 @!p0 $0x108  }
0x21: {  	s3 =	sadd.s32 s3, s9;
	s6 =	sadd.s32 @!p0 $0x88, s6;
	s7 =	simm.s32 @p2 $0x1082  }
0x22: {  	[simem:s7], [sflag:s8] =	dma.local @!p0 [hbm:s6], $0xF7A  }
0x23: {  	s9 =	sor.u32 $0xD0000000, s2;
	s6 =	simm.s32 $0x108;
	_ =	swait.ge @!p0 [sflag:s8], $0x0  }
0x24: {  	s3 =	sadd.s32 $0x88, s3;
	s6 =	simm.s32 @!p1 $0x1082;
	[sflag:s4] =	ssyncset.s32 $0xFFFFF086  }
0x25: {  	[simem:s6], [sflag:s4] =	dma.local [hbm:s3], $0xF7A  }
0x26: {  	[smem:$0x3F91] =	sst s1;
	(tag) =	ssettag s2;
	_ =	strace s9  }
0x27: {  	s1 =	sld [smem:$0x3FA1]  }
0x28: {  	s2 =	sld [smem:$0x3FA2]  }
0x29: {  	s4 =	sld [smem:$0x3FA4]  }
0x2a: {  	p0 =	seq.s32 s5, $0x0;
	s5 =	sld [smem:$0x3FA5]  }
0x2b: {  	s6 =	sld [smem:$0x3FA6]  }
0x2c: {  	s7 =	sld [smem:$0x3FA7]  }
0x2d: {  	s3 =	simm.s32 $0x108;
	s8 =	sld [smem:$0x3FA8]  }
0x2e: {  	s3 =	simm.s32 @!p0 $0x1082;
	s9 =	sld [smem:$0x3FA9]  }
0x2f: {  	lr =	sadd.s32 s0, s3;
	s0 =	sld [smem:$0x3FA0]  }
0x30: {  	s3 =	sld [smem:$0x3FA3]  }
0x31: {  	[smem:$0x3FAC] =	sst s10  }
0x32: {  	s10 =	sld [smem:$0x3FAA];
	_ =	sdelay $0x3  }
0x33: {  	p0 =	seq.s32 s10, $0x1;
	s10 =	sld [smem:$0x3FAC];
	_ =	sdelay $0x3  }
0x34: {  	[smem:$0x3FAC] =	sst s10  }
0x35: {  	s10 =	sld [smem:$0x3FAB];
	_ =	sdelay $0x3  }
0x36: {  	p1 =	seq.s32 s10, $0x1;
	s10 =	sld [smem:$0x3FAC];
	_ =	sdelay $0x3  }
0x37: {  	[smem:$0x3FAC] =	sst s10  }
0x38: {  	s10 =	sld [smem:$0x3FAD]  }
0x39: {  	_ = 	snop;
	(pc) =	sbr.ind lr, $3  }
0x3a: {  	_ = 	snop  }
0x3b: {  	_ = 	snop  }
0x3c: {  	p2 =	seq.s32 s10, $0x1;
	s10 =	sld [smem:$0x3FAC]  }
0x3d: {  	_ =	shalt  }
0x3e: {  	_ =	shalt  }
0x3f: {  	_ =	shalt  }
0x40: {  	_ =	shalt  }
0x41: {  	_ =	shalt  }
0x42: {  	_ =	shalt  }
0x43: {  	_ =	shalt  }
0x44: {  	_ =	shalt  }
0x45: {  	_ =	shalt  }
0x46: {  	_ =	shalt  }
0x47: {  	_ =	shalt  }
0x48: {  	_ =	shalt  }
0x49: {  	_ =	shalt  }
0x4a: {  	_ =	shalt  }
0x4b: {  	_ =	shalt  }
0x4c: {  	_ =	shalt  }
0x4d: {  	_ =	shalt  }
0x4e: {  	_ =	shalt  }
0x4f: {  	_ =	shalt  }
0x50: {  	_ =	shalt  }
0x51: {  	_ =	shalt  }
0x52: {  	_ =	shalt  }
0x53: {  	_ =	shalt  }
0x54: {  	_ =	shalt  }
0x55: {  	_ =	shalt  }
0x56: {  	_ =	shalt  }
0x57: {  	_ =	shalt  }
0x58: {  	_ =	shalt  }
0x59: {  	_ =	shalt  }
0x5a: {  	_ =	shalt  }
0x5b: {  	_ =	shalt  }
0x5c: {  	_ =	shalt  }
0x5d: {  	_ =	shalt  }
0x5e: {  	_ =	shalt  }
0x5f: {  	_ =	shalt  }
0x60: {  	_ =	shalt  }
0x61: {  	_ =	shalt  }
0x62: {  	_ =	shalt  }
0x63: {  	_ =	shalt  }
0x64: {  	_ =	shalt  }
0x65: {  	_ =	shalt  }
0x66: {  	_ =	shalt  }
0x67: {  	_ =	shalt  }
0x68: {  	_ =	shalt  }
0x69: {  	_ =	shalt  }
0x6a: {  	_ =	shalt  }
0x6b: {  	_ =	shalt  }
0x6c: {  	_ =	shalt  }
0x6d: {  	_ =	shalt  }
0x6e: {  	_ =	shalt  }
0x6f: {  	_ =	shalt  }
0x70: {  	_ =	shalt  }
0x71: {  	_ =	shalt  }
0x72: {  	_ =	shalt  }
0x73: {  	_ =	shalt  }
0x74: {  	_ =	shalt  }
0x75: {  	_ =	shalt  }
0x76: {  	_ =	shalt  }
0x77: {  	_ =	shalt  }
0x78: {  	_ =	shalt  }
0x79: {  	_ =	shalt  }
0x7a: {  	_ =	shalt  }
0x7b: {  	_ =	shalt  }
0x7c: {  	_ =	shalt  }
0x7d: {  	_ =	shalt  }
0x7e: {  	_ =	shalt  }
0x7f: {  	_ =	shalt  }
0x80: {  	_ =	shalt  }
0x81: {  	_ =	shalt  }
0x82: {  	_ =	shalt  }
0x83: {  	_ =	shalt  }
0x84: {  	_ =	shalt  }
0x85: {  	_ =	shalt  }
0x86: {  	_ =	shalt  }
0x87: {  	_ =	shalt  }
.Lfunc_end0:
.L_simem_size_0:
called_computation.1_lowered:
.L_overlay_start_0:
0x88: {  	s2 =	sld [smem:$0x3FD9]  }
0x89: {  	s3 =	sld [smem:$0x3FFE];
	_ =	sdelay $0x1  }
0x8a: {  	s1 =	srdreg.scid  }
0x8b: {  	s0 =	sand.u32 $0x1, s1  }
0x8c: {  	s17 =	sshll.u32 s0, $0xA;
	s2 =	sadd.s32 s3, s2  }
0x8d: {  	s2 =	sadd.s32 s2, s17  }
0x8e: {  	[smem:$0x3FB8] =	sst s2  }
0x8f: {  	_ = 	snop  }
0x90: {  	s2 =	sld [smem:$0x3FC6];
	(tm) =	ssettm $0x1  }
0x91: {  	s18 =	sld [smem:$0x3FFB];
	_ =	sdelay $0x3  }
0x92: {  	_ =	strace s18  }
0x93: {  	s3 =	sld [smem:$0x3FFC];
	_ =	sdelay $0x3  }
0x94: {  	_ =	strace s3  }
0x95: {  	s3 =	sld [smem:$0x3FFD];
	_ =	sdelay $0x3  }
0x96: {  	_ =	strace s3  }
0x97: {  	_ =	strace $0x8FFFFFFF  }
0x98: {  	s19 =	sld [smem:$0x3FDB];
	_ =	sdelay $0x1  }
0x99: {  	s4 =	simm.s32 $_scs_section_size  }
0x9a: {  	s5 =	simm.s32 $_size__tile_overlayer_lowered;
	s6 =	simm.s32 $_tile_overlayer_lowered  }
0x9b: {  	s22 =	simm.s32 $0x1BFF;
	s21 =	sshll.u32 s6, $0x1;
	s3 =	sadd.s32 s4, s19  }
0x9c: {  	s7 =	simm.s32 $0x0;
	s20 =	sshll.u32 s5, $0x1;
	s5 =	sadd.s32 s21, s3  }
0x9d: {  	[timem:s7], [sflag:s22] =	dma.local [hbm:s5], s20  }
0x9e: {  	_ =	swait.ge [sflag:s22], s20  }
0x9f: {  	s4 =	ssub.s32 $0x0, s20;
	[sflag:s22] =	ssyncset.done $0x0  }
0xa0: {  	[sflag:s22] =	ssyncadd.s32 s4;
	_ =	sdelay $0x1  }
0xa1: {  	s23 =	simm.s32 $0x1B8B  }
0xa2: {  	_ =	swait.ge [sflag:s23], $0x1  }
0xa3: {  	[sflag:s23] =	ssyncset.done $0x0  }
0xa4: {  	s25 =	simm.s32 $0x1B8E;
	s24 =	sld [smem:$0x3FFE];
	[sflag:s23] =	ssyncadd.s32 $0xFFFFFFFF  }
0xa5: {  	s26 =	simm.s32 $execute0_lowered;
	[smem:$0x3FD2] =	sst s25  }
0xa6: {  	s5 =	sshll.u32 s26, $0x1;
	_ =	strace $0x80000049;
	[dreg:$0x1] =	wrdreg $0xFFFFFFFF  }
0xa7: {  	s28 =	simm.s32 $_size_execute0_lowered;
	s3 =	sadd.s32 s3, s5;
	[dreg:$0x0] =	wrdreg $0x0  }
0xa8: {  	s5 =	sshll.u32 s28, $0x1;
	[dreg:$0x2] =	wrdreg s3  }
0xa9: {  	[dreg:$0x3] =	wrdreg s5  }
0xaa: {  	[dreg:$0x4] =	wrdreg $0xC0  }
0xab: {  	_ =	task [dreg:s7], $0x5FFFF  }
0xac: {  	[dreg:$0x1] =	wrdreg $0xFFFFFFFF  }
0xad: {  	[dreg:$0x0] =	wrdreg $0x60  }
0xae: {  	[dreg:$0x2] =	wrdreg s24  }
0xaf: {  	[dreg:$0x3] =	wrdreg s2  }
0xb0: {  	[dreg:$0x4] =	wrdreg $0x0  }
0xb1: {  	[dreg:$0x5] =	wrdreg $0x9  }
0xb2: {  	_ =	task.clear_ibuf [dreg:s7], $0x6FFFF;
	_ =	strace $0x90000049  }
0xb3: {  	s29 =	simm.s32 $0x9;
	_ =	strace $0x8000004B  }
0xb4: {  	_ =	swait.ge [sflag:s29], $0x1  }
0xb5: {  	[sflag:s29] =	ssyncadd.s32 $0xFFFFFFFF  }
0xb6: {  	_ =	strace $0x9000004B  }
0xb7: {  	_ =	sfence  }
0xb8: {  	s30 =	sld [smem:$0x0];
	_ =	sdelay $0x2  }
0xb9: {  	s31 =	sshll.u32 s1, $0xD;
	s1 =	sshrl.u32 s1, $0x2  }
0xba: {  	s3 =	sand.u32 $0x4000, s31;
	s1 =	sadd.s32 s1, s30  }
0xbb: {  	s0 =	sor.u32 s3, s0;
	s1 =	sshll.u32 s1, $0x11  }
0xbc: {  	s0 =	sor.u32 s1, s0  }
0xbd: {  	s0 =	sadd.s32 $0x8F2B, s0  }
0xbe: {  	[sflag:s0] =	ssyncadd.remote.s32 $0x1  }
0xbf: {  	_ =	sfence.sel $0xFFFF  }
0xc0: {  	[dreg:$0x0] =	wrdreg $0xFFFFFFFF;
	(pc) =	sbr.abs _section_cstart, $3  }
0xc1: {  	[dreg:$0x1] =	wrdreg $0xFFFFFFFF  }
0xc2: {  	_ =	task.clear_ibuf [dreg:s7], $0x2FFFF;
	_ =	strace $0x9FFFFFFF  }
0xc3: {  	(tm) =	ssettm $0x7FFFFFFF  }
tec
execute0_lowered:
.L_overlay_start_1:
0x0: {  	(tag) =	ssettag $0x1  }
0x1: {  	s6 =	rddreg [dreg:$0x0]  }
0x2: {  	s8 =	rddreg [dreg:$0x1]  }
0x3: {  	s2 =	rddreg [dreg:$0x2];
	s3 =	simm.s32 $0x0;
	s1 =	stileid.u32  }
0x4: {  	s7 =	srdreg.scid;
	s17 =	simm.s32 $0x80;
	s18 =	simm.s32 $0x16080  }
0x5: {  	s19 =	simm.s32 $0x13980;
	s20 =	simm.s32 $0x1A080;
	s21 =	simm.s32 $0x1  }
0x6: {  	s22 =	simm.s32 $0x13900;
	s23 =	simm.s32 $0x3;
	s24 =	simm.s32 $0x2  }
0x7: {  	s28 =	simm.s32 $0x0;
	[smem:$0x7FF] =	sst s3;
	s5 =	smul.u32 $0x2780, s1  }
0x8: {  	s4 =	sadd.s32 $0x4400, s6;
	s7 =	sand.u32 $0x1, s7;
	s9 =	smul.u32 $0x4F000, s1  }
0x9: {  	s11 =	sadd.s32 $0x79A00, s6;
	s16 =	smul.u32 $0x13C00, s1;
	p0 =	seq.s32 s1, $0xF  }
0xa: {  	_ =	strace $0x8000004A;
	s10 =	sshll.u32 s7, $0x4;
	s12 =	ssub.s32 $0x2, s7  }
0xb: {  	s15 =	smul.u32 $0x138800, s7;
	s5 =	sadd.s32 s5, s6;
	s10 =	sor.u32 s1, s10  }
0xc: {  	s13 =	sshrl.u32 s12, $0x1;
	s9 =	sshrl.u32 s9, $0x2;
	s6 =	sadd.s32 $0x77880, s6  }
0xd: {  	s10 =	smul.u32 $0x4E2, s10;
	s12 =	ssub.s32 s12, s13;
	s14 =	sadd.s32 s9, s2  }
0xe: {  	s13 =	sadd.s32 $0x128400, s2;
	s5 =	sadd.s32 $0x52800, s5;
	s30 =	sadd.s32 s16, s15  }
0xf: {  	s31 =	sshrl.u32 s15, $0x3;
	s15 =	sshll.u32 @!p0 s1, $0x6;
	s16 =	simm.s32 $0x5  }
0x10: {  	s14 =	sshrl.u32 @!p0 s14, $0x3;
	s25 =	sadd.s32 $0x4E2, s10;
	s26 =	sshrl.u32 s10, $0x5  }
0x11: {  	s29 =	sand.u32 $0xFFE0, s10;
	s10 =	sadd.s32 s11, s31;
	s9 =	sshrl.u32 s25, $0x5  }
0x12: {  	s8 =	sadd.s32 s8, s29;
	s10 =	sadd.s32 $0x25080, s10;
	s25 =	simm.s32 $0x13A00  }
0x13: {  	s7 =	ssub.s32 s9, s26;
	s9 =	sshrl.u32 s30, $0x3;
	s26 =	simm.s32 $0x4  }
0x14: {  	s9 =	sadd.s32 s11, s9;
	s11 =	smax.u32 s12, $0x1;
	p2 =	slt.s32 s7, $0x27  }
0x15: {  	s12 =	sshrl.u32 @p0 s13, $0x3;
	s13 =	sor.u32 @!p0 $0x1C05, s15;
	p3 =	seq.s32 @!p2 s7, $0x27  }
0x16: {  	p1 =	slt.s32 s7, $0x3;
	s15 =	simm.s32 $0x13880;
	p3 =	por p3, p2  }
.LBB2_1:
0x17: {  	s29 =	simm.s32 @p0 $0x1FC5  }
0x18: {  	[spmem:s12], [sflag:s29] =	dma.local @p0 [hbm:s6], $0x2080  }
0x19: {  	s29 =	simm.s32 @p0 $0x5  }
0x1a: {  	_ =	swait.ge @p0 [sflag:s29], $0x2080  }
0x1b: {  	[sflag:s29] =	ssyncset.done @p0 $0x0  }
0x1c: {  	[sflag:s29] =	ssyncadd.s32 @p0 $0xFFFFDF80;
	s29 =	simm.s32 @!p0 $0x5  }
0x1d: {  	[spmem:s14], [sflag:s13] =	dma.local @!p0 [hbm:s5], $0x2780  }
0x1e: {  	_ =	swait.ge @!p0 [sflag:s29], $0x2780  }
0x1f: {  	[sflag:s29] =	ssyncset.done @!p0 $0x0  }
0x20: {  	[sflag:s29] =	ssyncadd.s32 @!p0 $0xFFFFD880  }
0x21: {  	[bflag:$0x0] =	sbarrier.arrive $0xFFFF  }
0x22: {  	[tilespmem:s15], [sflag:$0x5] =	stream.linear.gather [hbm4b:s8+s3], $0x2800, $0x38;
	[tilespmem:$0x1E080] =	vst v63  }
0x23: {  	_ =	swait.ge [sflag:s16], $0x2800  }
0x24: {  	[sflag:s16] =	ssyncset.done $0x0  }
0x25: {  	[sflag:s16] =	ssyncadd.s32 $0xFFFFD800  }
0x26: {  	[tilespmem:s18], [sflag:$0x1] =	stream.indirect.gather [hbm4b:s4+s17], $0x80, s15, s17, $0xb8;
	[tilespmem:$0x1E080] =	vst v63  }
0x27: {  	_ = 	snop  }
0x28: {  	[tilespmem:s20], [sflag:$0x2] =	stream.indirect.gather [hbm4b:s4+s17], $0x80, s19, s17, $0xb8;
	[tilespmem:$0x1E080] =	vst v63  }
0x29: {  	_ =	swait.ge [sflag:s21], $0x4000  }
0x2a: {  	[sflag:s21] =	ssyncset.done $0x0  }
0x2b: {  	[sflag:s21] =	ssyncadd.s32 $0xFFFFC000  }
0x2c: {  	[spmem:s2] =	stream.indirect.scatter.add.f32 [tilespmem:s18], [sflag:$0x3], $0x80, s22, s17, $0xb8;
	[tilespmem:$0x1E080] =	vst v63  }
0x2d: {  	_ =	swait.ge [sflag:s23], $0x4000  }
0x2e: {  	s30 =	simm.s32 @!p1 $0x13A80;
	[sflag:s23] =	ssyncset.done $0x0  }
0x2f: {  	s31 =	simm.s32 @!p1 $0x16080;
	s29 =	simm.s32 @!p1 $0x80;
	[sflag:s23] =	ssyncadd.s32 $0xFFFFC000  }
0x30: {  	[tilespmem:s31], [sflag:$0x1] =	stream.indirect.gather @!p1 [hbm4b:s4+s29], $0x80, s30, s29, $0xb8;
	[tilespmem:$0x1E080] =	vst v63  }
0x31: {  	_ =	swait.ge [sflag:s24], $0x4000  }
0x32: {  	[sflag:s24] =	ssyncset.done $0x0  }
0x33: {  	[sflag:s24] =	ssyncadd.s32 $0xFFFFC000  }
0x34: {  	[spmem:s2] =	stream.indirect.scatter.add.f32 [tilespmem:s20], [sflag:$0x4], $0x80, s25, s17, $0xb8;
	[tilespmem:$0x1E080] =	vst v63  }
0x35: {  	_ =	swait.ge [sflag:s26], $0x4000  }
0x36: {  	[sflag:s26] =	ssyncset.done $0x0  }
0x37: {  	s29 =	simm.s32 $0x13B80;
	[sflag:s26] =	ssyncadd.s32 $0xFFFFC000  }
0x38: {  	[tilespmem:s20], [sflag:$0x2] =	stream.indirect.gather [hbm4b:s4+s17], $0x80, s29, s17, $0xb8;
	[tilespmem:$0x1E080] =	vst v63  }
0x39: {  	_ =	swait.ge [sflag:s21], $0x4000  }
0x3a: {  	[sflag:s21] =	ssyncset.done $0x0  }
0x3b: {  	s29 =	simm.s32 $0x13B00;
	[sflag:s21] =	ssyncadd.s32 $0xFFFFC000  }
0x3c: {  	[spmem:s2] =	stream.indirect.scatter.add.f32 [tilespmem:s18], [sflag:$0x3], $0x80, s29, s17, $0xb8;
	[tilespmem:$0x1E080] =	vst v63  }
0x3d: {  	p4 =	sle.s32 s7, $0x4;
	_ =	swait.ge [sflag:s23], $0x4000  }
0x3e: {  	s30 =	simm.s32 @!p4 $0x80;
	[sflag:s23] =	ssyncset.done $0x0  }
0x3f: {  	s31 =	simm.s32 @!p4 $0x16080;
	s29 =	simm.s32 $0x13C80;
	[sflag:s23] =	ssyncadd.s32 $0xFFFFC000  }
0x40: {  	[tilespmem:s31], [sflag:$0x1] =	stream.indirect.gather @!p4 [hbm4b:s4+s30], $0x80, s29, s30, $0xb8;
	[tilespmem:$0x1E080] =	vst v63  }
0x41: {  	_ =	swait.ge [sflag:s24], $0x4000  }
0x42: {  	s29 =	simm.s32 $0x6;
	[sflag:s24] =	ssyncset.done $0x0  }
0x43: {  	s31 =	simm.s32 $0x13C00;
	s30 =	simm.s32 $0x13E80;
	[sflag:s24] =	ssyncadd.s32 $0xFFFFC000  }
.LBB2_2:
0x44: {  	[spmem:s2] =	stream.indirect.scatter.add.f32 [tilespmem:s20], [sflag:$0x4], $0x80, s31, s17, $0xb8;
	[tilespmem:$0x1E080] =	vst v63  }
0x45: {  	s31 =	smov.u32 s29;
	s29 =	sadd.s32 $0x2, s29  }
0x46: {  	p4 =	sne.s32 s29, $0x28;
	_ =	swait.ge [sflag:s26], $0x4000  }
0x47: {  	[sflag:s26] =	ssyncset.done $0x0  }
0x48: {  	s0 =	sadd.s32 $0xFFFFFF00, s30;
	[sflag:s26] =	ssyncadd.s32 $0xFFFFC000  }
0x49: {  	[tilespmem:s20], [sflag:$0x2] =	stream.indirect.gather [hbm4b:s4+s17], $0x80, s0, s17, $0xb8;
	[tilespmem:$0x1E080] =	vst v63  }
0x4a: {  	_ =	swait.ge [sflag:s21], $0x4000  }
0x4b: {  	[sflag:s21] =	ssyncset.done $0x0  }
0x4c: {  	s0 =	sadd.s32 $0xFFFFFE80, s30;
	[sflag:s21] =	ssyncadd.s32 $0xFFFFC000  }
0x4d: {  	[spmem:s2] =	stream.indirect.scatter.add.f32 [tilespmem:s18], [sflag:$0x3], $0x80, s0, s17, $0xb8;
	[tilespmem:$0x1E080] =	vst v63  }
0x4e: {  	p5 =	sge.s32 s31, s7;
	_ =	swait.ge [sflag:s23], $0x4000  }
0x4f: {  	s31 =	simm.s32 @!p5 $0x16080;
	[sflag:s23] =	ssyncset.done $0x0  }
.Ltmp0:
0x50: {  	s0 =	simm.s32 @!p5 $0x80;
	[sflag:s23] =	ssyncadd.s32 $0xFFFFC000;
	(pc) =	sbr.rel @p4 .LBB2_2-.Ltmp0, $4  }
0x51: {  	[tilespmem:s31], [sflag:$0x1] =	stream.indirect.gather @!p5 [hbm4b:s4+s0], $0x80, s30, s0, $0xb8;
	[tilespmem:$0x1E080] =	vst v63  }
0x52: {  	_ =	swait.ge [sflag:s24], $0x4000  }
0x53: {  	[sflag:s24] =	ssyncset.done $0x0  }
0x54: {  	s31 =	sadd.s32 $0xFFFFFF80, s30;
	s30 =	sadd.s32 $0x200, s30;
	[sflag:s24] =	ssyncadd.s32 $0xFFFFC000  }
0x55: {  	[spmem:s2] =	stream.indirect.scatter.add.f32 [tilespmem:s20], [sflag:$0x4], $0x80, s31, s17, $0xb8;
	[tilespmem:$0x1E080] =	vst v63  }
0x56: {  	_ =	swait.ge [sflag:s26], $0x4000  }
0x57: {  	[sflag:s26] =	ssyncset.done $0x0  }
0x58: {  	s0 =	simm.s32 @!p2 $0x1;
	[sflag:s26] =	ssyncadd.s32 $0xFFFFC000  }
0x59: {  	_ =	swait.ge @!p2 [sflag:s0], $0x4000  }
0x5a: {  	s29 =	simm.s32 @!p2 $0x15F00;
	[sflag:s0] =	ssyncset.done @!p2 $0x0  }
0x5b: {  	s30 =	simm.s32 @!p2 $0x16080;
	[sflag:s0] =	ssyncadd.s32 @!p2 $0xFFFFC000;
	s0 =	simm.s32 @!p2 $0x80  }
0x5c: {  	[spmem:s2] =	stream.indirect.scatter.add.f32 @!p2 [tilespmem:s30], [sflag:$0x3], $0x80, s29, s0, $0xb8;
	[tilespmem:$0x1E080] =	vst v63  }
0x5d: {  	s0 =	simm.s32 @!p2 $0x3  }
0x5e: {  	_ =	swait.ge @!p2 [sflag:s0], $0x4000  }
0x5f: {  	s29 =	simm.s32 @!p3 $0x15F80;
	[sflag:s0] =	ssyncset.done @!p2 $0x0  }
0x60: {  	s30 =	simm.s32 @!p3 $0x1A080;
	[sflag:s0] =	ssyncadd.s32 @!p2 $0xFFFFC000;
	s0 =	simm.s32 @!p3 $0x80  }
0x61: {  	[tilespmem:s30], [sflag:$0x2] =	stream.indirect.gather @!p3 [hbm4b:s4+s0], $0x80, s29, s0, $0xb8;
	[tilespmem:$0x1E080] =	vst v63  }
0x62: {  	s29 =	simm.s32 @!p3 $0x2  }
0x63: {  	_ =	swait.ge @!p3 [sflag:s29], $0x4000  }
0x64: {  	[sflag:s29] =	ssyncset.done @!p3 $0x0  }
0x65: {  	[sflag:s29] =	ssyncadd.s32 @!p3 $0xFFFFC000;
	s29 =	simm.s32 @!p3 $0x16000  }
0x66: {  	[spmem:s2] =	stream.indirect.scatter.add.f32 @!p3 [tilespmem:s30], [sflag:$0x4], $0x80, s29, s0, $0xb8;
	[tilespmem:$0x1E080] =	vst v63  }
0x67: {  	s0 =	simm.s32 @!p3 $0x4  }
0x68: {  	_ =	swait.ge @!p3 [sflag:s0], $0x4000  }
0x69: {  	[sflag:s0] =	ssyncset.done @!p3 $0x0  }
0x6a: {  	[sflag:s0] =	ssyncadd.s32 @!p3 $0xFFFFC000  }
0x6b: {  	s0 =	simm.s32 @p0 $0x1FC5;
	[bflag:$0x0] =	sbarrier.arrive $0xFFFF  }
0x6c: {  	[hbm:s10], [sflag:s0] =	dma.local @p0 [spmem:s12], $0x2080  }
0x6d: {  	s0 =	simm.s32 @p0 $0x5  }
0x6e: {  	s28 =	sadd.s32 $0x1, s28;
	_ =	swait.ge @p0 [sflag:s0], $0x2080  }
0x6f: {  	p4 =	sne.s32 s28, s11;
	[sflag:s0] =	ssyncset.done @p0 $0x0  }
.Ltmp1:
0x70: {  	[sflag:s0] =	ssyncadd.s32 @p0 $0xFFFFDF80;
	s0 =	simm.s32 @!p0 $0x5;
	(pc) =	sbr.rel @p4 .LBB2_1-.Ltmp1, $4  }
0x71: {  	[hbm:s9], [sflag:s13] =	dma.local @!p0 [spmem:s14], $0x2780  }
0x72: {  	_ =	swait.ge @!p0 [sflag:s0], $0x2780  }
0x73: {  	[sflag:s0] =	ssyncset.done @!p0 $0x0  }
0x74: {  	[sflag:s0] =	ssyncadd.s32 @!p0 $0xFFFFD880  }
0x75: {  	_ =	sfence.sel $0x180000  }
0x76: {  	[bflag:$0x0] =	sbarrier.arrive $0xFFFF  }
0x77: {  	_ =	strace $0x9000004A  }
0x78: {  	[bflag:$0x2] =	sbarrier.arrive $0xFFFF  }
0x79: {  	p0 =	sne.s32 s1, $0x0;
	s0 =	rddreg [dreg:$0x3]  }
0x7a: {  	s0 =	sadd.s32 @!p0 $0x100000, s0  }
0x7b: {  	[sflag:s0] =	ssyncadd.tile.s32 @!p0 $0x1;
	_ =	shalt  }
.Lfunc_end2:
_tile_overlayer_lowered:
.L_overlay_start_2:
0x7c: {  	(tag) =	ssettag $0x2  }
0x7d: {  	s0 =	rddreg [dreg:$0x0];
	s2 =	stileid.u32  }
0x7e: {  	s1 =	rddreg [dreg:$0x1];
	p0 =	sne.s32 s2, $0x0  }
0x7f: {  	s3 =	rddreg [dreg:$0x2];
	[bflag:$0x3] =	sbarrier.arrive $0xFFFF;
	s2 =	simm.s32 @!p0 $0x1C05  }
0x80: {  	[timem:s3], [sflag:s2] =	dma.local @!p0 [hbm:s0], s1  }
0x81: {  	s0 =	simm.s32 @!p0 $0x5  }
0x82: {  	_ =	swait.ge @!p0 [sflag:s0], s1  }
0x83: {  	s1 =	ssub.s32 @!p0 $0x0, s1;
	[sflag:s0] =	ssyncset.done @!p0 $0x0  }
0x84: {  	[sflag:s0] =	ssyncadd.s32 @!p0 s1  }
0x85: {  	[bflag:$0x3] =	sbarrier.arrive $0xFFFF  }
0x86: {  	_ =	shalt  }

// kernel: kernel.7.cloned.1.call-start
scs
__scs_entry_jumppad:
0x0: {  	(pc) =	sbr.rel $0x88, $3  }
0x1: {  	(tag) =	ssettag $0x0;
	lr =	simm.s32 $0x1  }
0x2: {  	[smem:$0x3F91] =	sst lr;
	_ =	strace $0xD0000000  }
0x3: {  	_ = 	snop  }
0x4: {  	_ = 	snop  }
0x5: {  	_ = 	snop  }
0x6: {  	_ = 	snop  }
0x7: {  	_ = 	snop  }
__scs_overlays_trampoline_lowered:
0x8: {  	[smem:$0x3FA0] =	sst s0  }
0x9: {  	[smem:$0x3FA1] =	sst s1  }
0xa: {  	[smem:$0x3FA2] =	sst s2  }
0xb: {  	[smem:$0x3FA3] =	sst s3  }
0xc: {  	[smem:$0x3FA4] =	sst s4  }
0xd: {  	[smem:$0x3FA5] =	sst s5  }
0xe: {  	[smem:$0x3FA6] =	sst s6  }
0xf: {  	[smem:$0x3FA7] =	sst s7  }
0x10: {  	[smem:$0x3FA8] =	sst s8  }
0x11: {  	[smem:$0x3FA9] =	sst s9;
	s0 =	simm.s32 @!p0 $0x0  }
0x12: {  	s1 =	sld [smem:$0x3F8F];
	s0 =	simm.s32 @p0 $0x1  }
0x13: {  	[smem:$0x3FAA] =	sst s0;
	s0 =	simm.s32 @!p1 $0x0  }
0x14: {  	s2 =	sld [smem:$0x3F8E];
	s0 =	simm.s32 @p1 $0x1  }
0x15: {  	[smem:$0x3FAB] =	sst s0;
	s0 =	simm.s32 @!p2 $0x0  }
0x16: {  	s3 =	sld [smem:$0x3FDB];
	s0 =	simm.s32 @p2 $0x1  }
0x17: {  	s4 =	simm.s32 $0x1BF5;
	[smem:$0x3FAD] =	sst s0  }
0x18: {  	s0 =	sld [smem:$0x3F90];
	_ =	swait.ge [sflag:s4], $0x0  }
0x19: {  	s7 =	sld [smem:$0x3F91]  }
0x1a: {  	s8 =	sadd.s32 $0xFFFFE003, lr  }
0x1b: {  	s9 =	sadd.s32 $0xFFFFFEF7, lr;
	s5 =	simm.s32 $0xFFFFFFFF;
	p2 =	slt.u32 s8, $0xFFFFF086  }
0x1c: {  	p1 =	slt.u32 s9, $0xF7A;
	s5 =	simm.s32 @!p2 $0x0  }
0x1d: {  	s5 =	simm.s32 @p1 $0x1;
	p0 =	seq.s32 s7, s2  }
0x1e: {  	s7 =	smul.u32 @!p0 $0xF7A, s2;
	p2 =	seq.s32 @!p0 s5, $0x0  }
0x1f: {  	s9 =	smul.u32 $0xF7A, s1;
	s8 =	simm.s32 @!p0 $0x1BF5;
	p2 =	por !p2, p0  }
0x20: {  	[sflag:s8] =	ssyncset.s32 @!p0 $0xFFFFF086;
	s6 =	sadd.s32 @!p0 s3, s7;
	s7 =	simm.s32 @!p0 $0x108  }
0x21: {  	s3 =	sadd.s32 s3, s9;
	s6 =	sadd.s32 @!p0 $0x88, s6;
	s7 =	simm.s32 @p2 $0x1082  }
0x22: {  	[simem:s7], [sflag:s8] =	dma.local @!p0 [hbm:s6], $0xF7A  }
0x23: {  	s9 =	sor.u32 $0xD0000000, s2;
	s6 =	simm.s32 $0x108;
	_ =	swait.ge @!p0 [sflag:s8], $0x0  }
0x24: {  	s3 =	sadd.s32 $0x88, s3;
	s6 =	simm.s32 @!p1 $0x1082;
	[sflag:s4] =	ssyncset.s32 $0xFFFFF086  }
0x25: {  	[simem:s6], [sflag:s4] =	dma.local [hbm:s3], $0xF7A  }
0x26: {  	[smem:$0x3F91] =	sst s1;
	(tag) =	ssettag s2;
	_ =	strace s9  }
0x27: {  	s1 =	sld [smem:$0x3FA1]  }
0x28: {  	s2 =	sld [smem:$0x3FA2]  }
0x29: {  	s4 =	sld [smem:$0x3FA4]  }
0x2a: {  	p0 =	seq.s32 s5, $0x0;
	s5 =	sld [smem:$0x3FA5]  }
0x2b: {  	s6 =	sld [smem:$0x3FA6]  }
0x2c: {  	s7 =	sld [smem:$0x3FA7]  }
0x2d: {  	s3 =	simm.s32 $0x108;
	s8 =	sld [smem:$0x3FA8]  }
0x2e: {  	s3 =	simm.s32 @!p0 $0x1082;
	s9 =	sld [smem:$0x3FA9]  }
0x2f: {  	lr =	sadd.s32 s0, s3;
	s0 =	sld [smem:$0x3FA0]  }
0x30: {  	s3 =	sld [smem:$0x3FA3]  }
0x31: {  	[smem:$0x3FAC] =	sst s10  }
0x32: {  	s10 =	sld [smem:$0x3FAA];
	_ =	sdelay $0x3  }
0x33: {  	p0 =	seq.s32 s10, $0x1;
	s10 =	sld [smem:$0x3FAC];
	_ =	sdelay $0x3  }
0x34: {  	[smem:$0x3FAC] =	sst s10  }
0x35: {  	s10 =	sld [smem:$0x3FAB];
	_ =	sdelay $0x3  }
0x36: {  	p1 =	seq.s32 s10, $0x1;
	s10 =	sld [smem:$0x3FAC];
	_ =	sdelay $0x3  }
0x37: {  	[smem:$0x3FAC] =	sst s10  }
0x38: {  	s10 =	sld [smem:$0x3FAD]  }
0x39: {  	_ = 	snop;
	(pc) =	sbr.ind lr, $3  }
0x3a: {  	_ = 	snop  }
0x3b: {  	_ = 	snop  }
0x3c: {  	p2 =	seq.s32 s10, $0x1;
	s10 =	sld [smem:$0x3FAC]  }
0x3d: {  	_ =	shalt  }
0x3e: {  	_ =	shalt  }
0x3f: {  	_ =	shalt  }
0x40: {  	_ =	shalt  }
0x41: {  	_ =	shalt  }
0x42: {  	_ =	shalt  }
0x43: {  	_ =	shalt  }
0x44: {  	_ =	shalt  }
0x45: {  	_ =	shalt  }
0x46: {  	_ =	shalt  }
0x47: {  	_ =	shalt  }
0x48: {  	_ =	shalt  }
0x49: {  	_ =	shalt  }
0x4a: {  	_ =	shalt  }
0x4b: {  	_ =	shalt  }
0x4c: {  	_ =	shalt  }
0x4d: {  	_ =	shalt  }
0x4e: {  	_ =	shalt  }
0x4f: {  	_ =	shalt  }
0x50: {  	_ =	shalt  }
0x51: {  	_ =	shalt  }
0x52: {  	_ =	shalt  }
0x53: {  	_ =	shalt  }
0x54: {  	_ =	shalt  }
0x55: {  	_ =	shalt  }
0x56: {  	_ =	shalt  }
0x57: {  	_ =	shalt  }
0x58: {  	_ =	shalt  }
0x59: {  	_ =	shalt  }
0x5a: {  	_ =	shalt  }
0x5b: {  	_ =	shalt  }
0x5c: {  	_ =	shalt  }
0x5d: {  	_ =	shalt  }
0x5e: {  	_ =	shalt  }
0x5f: {  	_ =	shalt  }
0x60: {  	_ =	shalt  }
0x61: {  	_ =	shalt  }
0x62: {  	_ =	shalt  }
0x63: {  	_ =	shalt  }
0x64: {  	_ =	shalt  }
0x65: {  	_ =	shalt  }
0x66: {  	_ =	shalt  }
0x67: {  	_ =	shalt  }
0x68: {  	_ =	shalt  }
0x69: {  	_ =	shalt  }
0x6a: {  	_ =	shalt  }
0x6b: {  	_ =	shalt  }
0x6c: {  	_ =	shalt  }
0x6d: {  	_ =	shalt  }
0x6e: {  	_ =	shalt  }
0x6f: {  	_ =	shalt  }
0x70: {  	_ =	shalt  }
0x71: {  	_ =	shalt  }
0x72: {  	_ =	shalt  }
0x73: {  	_ =	shalt  }
0x74: {  	_ =	shalt  }
0x75: {  	_ =	shalt  }
0x76: {  	_ =	shalt  }
0x77: {  	_ =	shalt  }
0x78: {  	_ =	shalt  }
0x79: {  	_ =	shalt  }
0x7a: {  	_ =	shalt  }
0x7b: {  	_ =	shalt  }
0x7c: {  	_ =	shalt  }
0x7d: {  	_ =	shalt  }
0x7e: {  	_ =	shalt  }
0x7f: {  	_ =	shalt  }
0x80: {  	_ =	shalt  }
0x81: {  	_ =	shalt  }
0x82: {  	_ =	shalt  }
0x83: {  	_ =	shalt  }
0x84: {  	_ =	shalt  }
0x85: {  	_ =	shalt  }
0x86: {  	_ =	shalt  }
0x87: {  	_ =	shalt  }
.Lfunc_end0:
.L_simem_size_0:
called_computation_lowered:
.L_overlay_start_0:
0x88: {  	s2 =	sld [smem:$0x3FD9]  }
0x89: {  	s3 =	sld [smem:$0x3FFE];
	_ =	sdelay $0x1  }
0x8a: {  	s1 =	srdreg.scid  }
0x8b: {  	s0 =	sand.u32 $0x1, s1  }
0x8c: {  	s17 =	sshll.u32 s0, $0xA;
	s2 =	sadd.s32 s3, s2  }
0x8d: {  	s2 =	sadd.s32 s2, s17  }
0x8e: {  	[smem:$0x3FB8] =	sst s2  }
0x8f: {  	_ = 	snop  }
0x90: {  	s2 =	sld [smem:$0x3FC7]  }
0x91: {  	s18 =	sld [smem:$0x3FC6];
	(tm) =	ssettm $0x1  }
0x92: {  	s4 =	sld [smem:$0x3FFB];
	_ =	sdelay $0x3  }
0x93: {  	_ =	strace s4  }
0x94: {  	s4 =	sld [smem:$0x3FFC];
	_ =	sdelay $0x3  }
0x95: {  	_ =	strace s4  }
0x96: {  	s4 =	sld [smem:$0x3FFD];
	_ =	sdelay $0x3  }
0x97: {  	_ =	strace s4  }
0x98: {  	_ =	strace $0x8FFFFFFF  }
0x99: {  	s19 =	sld [smem:$0x3FDB];
	_ =	sdelay $0x1  }
0x9a: {  	s5 =	simm.s32 $_scs_section_size  }
0x9b: {  	s6 =	simm.s32 $_size__tile_overlayer_lowered;
	s7 =	simm.s32 $_tile_overlayer_lowered  }
0x9c: {  	s22 =	simm.s32 $0x1BFF;
	s21 =	sshll.u32 s7, $0x1;
	s4 =	sadd.s32 s5, s19  }
0x9d: {  	s8 =	simm.s32 $0x0;
	s20 =	sshll.u32 s6, $0x1;
	s6 =	sadd.s32 s21, s4  }
0x9e: {  	[timem:s8], [sflag:s22] =	dma.local [hbm:s6], s20  }
0x9f: {  	_ =	swait.ge [sflag:s22], s20  }
0xa0: {  	s5 =	ssub.s32 $0x0, s20;
	[sflag:s22] =	ssyncset.done $0x0  }
0xa1: {  	[sflag:s22] =	ssyncadd.s32 s5;
	_ =	sdelay $0x1  }
0xa2: {  	s23 =	simm.s32 $0x1B8B  }
0xa3: {  	_ =	swait.ge [sflag:s23], $0x1  }
0xa4: {  	[sflag:s23] =	ssyncset.done $0x0  }
0xa5: {  	s25 =	simm.s32 $0x1B8E;
	s24 =	sld [smem:$0x3FFE];
	[sflag:s23] =	ssyncadd.s32 $0xFFFFFFFF  }
0xa6: {  	s26 =	simm.s32 $execute0_lowered;
	[smem:$0x3FD2] =	sst s25  }
0xa7: {  	s6 =	sshll.u32 s26, $0x1;
	_ =	strace $0x80000046;
	[dreg:$0x1] =	wrdreg $0xFFFFFFFF  }
0xa8: {  	s28 =	simm.s32 $_size_execute0_lowered;
	s4 =	sadd.s32 s4, s6;
	[dreg:$0x0] =	wrdreg $0x0  }
0xa9: {  	s6 =	sshll.u32 s28, $0x1;
	[dreg:$0x2] =	wrdreg s4  }
0xaa: {  	[dreg:$0x3] =	wrdreg s6  }
0xab: {  	[dreg:$0x4] =	wrdreg $0xC0  }
0xac: {  	_ =	task [dreg:s8], $0x5FFFF  }
0xad: {  	[dreg:$0x1] =	wrdreg $0xFFFFFFFF  }
0xae: {  	[dreg:$0x0] =	wrdreg $0x60  }
0xaf: {  	[dreg:$0x2] =	wrdreg s24  }
0xb0: {  	[dreg:$0x3] =	wrdreg s2  }
0xb1: {  	[dreg:$0x4] =	wrdreg s18  }
0xb2: {  	[dreg:$0x5] =	wrdreg $0x0  }
0xb3: {  	[dreg:$0x6] =	wrdreg $0x138800  }
0xb4: {  	[dreg:$0x7] =	wrdreg $0x9  }
0xb5: {  	_ =	task.clear_ibuf [dreg:s8], $0x8FFFF;
	_ =	strace $0x90000046  }
0xb6: {  	s29 =	simm.s32 $0x9;
	_ =	strace $0x80000048  }
0xb7: {  	_ =	swait.ge [sflag:s29], $0x1  }
0xb8: {  	[sflag:s29] =	ssyncadd.s32 $0xFFFFFFFF  }
0xb9: {  	_ =	strace $0x90000048  }
0xba: {  	_ =	sfence  }
0xbb: {  	s30 =	sld [smem:$0x0];
	_ =	sdelay $0x2  }
0xbc: {  	s31 =	sshll.u32 s1, $0xD;
	s1 =	sshrl.u32 s1, $0x2  }
0xbd: {  	s3 =	sand.u32 $0x4000, s31;
	s1 =	sadd.s32 s1, s30  }
0xbe: {  	s0 =	sor.u32 s3, s0;
	s1 =	sshll.u32 s1, $0x11  }
0xbf: {  	s0 =	sor.u32 s1, s0  }
0xc0: {  	s0 =	sadd.s32 $0x8F2B, s0  }
0xc1: {  	[sflag:s0] =	ssyncadd.remote.s32 $0x1  }
0xc2: {  	_ =	sfence.sel $0xFFFF  }
0xc3: {  	[dreg:$0x0] =	wrdreg $0xFFFFFFFF;
	(pc) =	sbr.abs _section_cstart, $3  }
0xc4: {  	[dreg:$0x1] =	wrdreg $0xFFFFFFFF  }
0xc5: {  	_ =	task.clear_ibuf [dreg:s8], $0x2FFFF;
	_ =	strace $0x9FFFFFFF  }
0xc6: {  	(tm) =	ssettm $0x7FFFFFFF  }
0xc7: {  	_ =	shalt  }
tec
execute0_lowered:
.L_overlay_start_1:
0x0: {  	(tag) =	ssettag $0x1  }
0x1: {  	s0 =	rddreg [dreg:$0x0]  }
0x2: {  	s2 =	rddreg [dreg:$0x1]  }
0x3: {  	s4 =	rddreg [dreg:$0x2]  }
0x4: {  	s1 =	rddreg [dreg:$0x3]  }
0x5: {  	s3 =	rddreg [dreg:$0x4];
	s31 =	simm.s32 $0x0;
	s16 =	stileid.u32  }
0x6: {  	s9 =	srdreg.scid;
	s28 =	simm.s32 $0x7;
	s29 =	simm.s32 $0x80  }
0x7: {  	s30 =	simm.s32 $0x162F8;
	[smem:$0x7FF] =	sst s31;
	s7 =	smul.u32 $0x278, s16  }
0x8: {  	s5 =	sadd.s32 $0x2B600, s0;
	s6 =	sadd.s32 $0x4400, s0;
	s8 =	smul.u32 $0x2780, s16  }
0x9: {  	s9 =	sand.u32 $0x1, s9;
	s11 =	smul.u32 $0x4F000, s16;
	s25 =	sadd.s32 $0x128400, s1  }
0xa: {  	s18 =	sadd.s32 $0x77880, s0;
	_ =	strace $0x80000047;
	[dreg:$0x8] =	wrdreg s25  }
0xb: {  	s14 =	smul.u32 $0x4E2, s16;
	s22 =	sadd.s32 $0xC6880, s0;
	[dreg:$0x9] =	wrdreg s18  }
0xc: {  	s23 =	sadd.s32 $0x79EA1, s0;
	p3 =	seq.s32 s16, $0xF;
	[dreg:$0xe] =	wrdreg s22  }
0xd: {  	s16 =	simm.s32 $0x1E2F8;
	s12 =	ssub.s32 $0x2, s9;
	[dreg:$0x10] =	wrdreg s23  }
0xe: {  	p0 =	sne.s32 s9, $0x0;
	s22 =	simm.s32 $0x4;
	s23 =	simm.s32 $0x6  }
0xf: {  	s18 =	simm.s32 $0x0;
	s10 =	sshrl.u32 s7, $0x3;
	s8 =	sadd.s32 s8, s0  }
0x10: {  	s13 =	sshrl.u32 s12, $0x1;
	s11 =	sshrl.u32 s11, $0x2;
	s26 =	sshrl.u32 s14, $0x4  }
0x11: {  	s17 =	sadd.s32 $0x4E2, s14;
	s14 =	simm.s32 $0x1;
	s10 =	sadd.s32 s10, s0  }
0x12: {  	s12 =	ssub.s32 s12, s13;
	s11 =	sadd.s32 s11, s1;
	s24 =	sadd.s32 $0x52800, s8  }
0x13: {  	s19 =	sshrl.u32 s17, $0x4;
	s15 =	sshll.u32 s26, $0x5;
	[dreg:$0x6] =	wrdreg s11  }
0x14: {  	s20 =	sadd.s32 $0xA1800, s8;
	s17 =	simm.s32 $0x3;
	[dreg:$0x7] =	wrdreg s24  }
0x15: {  	s11 =	sadd.s32 s7, s3;
	s7 =	ssub.s32 s19, s26;
	s4 =	sadd.s32 s4, s15  }
0x16: {  	[dreg:$0xc] =	wrdreg s20;
	s21 =	sadd.s32 $0x79A00, s10;
	s2 =	sadd.s32 s2, s15  }
0x17: {  	s24 =	sadd.s32 $0x7A600, s8;
	s25 =	sadd.s32 $0x7A000, s10;
	[dreg:$0xa] =	wrdreg s4  }
0x18: {  	s26 =	sadd.s32 $0x9F680, s0;
	s0 =	sadd.s32 $0x7A4A1, s0;
	[dreg:$0xd] =	wrdreg s21  }
0x19: {  	s15 =	simm.s32 $0x13B78;
	s19 =	simm.s32 $0x5;
	[dreg:$0xf] =	wrdreg s2  }
0x1a: {  	s20 =	simm.s32 $0x2;
	s13 =	sadd.s32 $0xFFFFFFD8, s7;
	[dreg:$0x12] =	wrdreg s24  }
0x1b: {  	s4 =	sadd.s32 $0x500, s4;
	s2 =	sadd.s32 $0x500, s2;
	[dreg:$0x13] =	wrdreg s25  }
.Ltmp0:
0x1c: {  	p1 =	slt.s32 s7, $0x4F;
	[dreg:$0x14] =	wrdreg s26;
	(pc) =	sbr.rel .LBB2_1-.Ltmp0, $4  }
0x1d: {  	p2 =	slt.s32 s7, $0x2B;
	[dreg:$0x15] =	wrdreg s0;
	s25 =	smax.u32 s12, $0x1  }
0x1e: {  	s26 =	simm.s32 $0x13AF8;
	s0 =	simm.s32 $0x1A2F8;
	s21 =	simm.s32 $0x13C78  }
0x1f: {  	s24 =	simm.s32 $0x16178;
	[dreg:$0xb] =	wrdreg s4;
	p4 =	seq.s32 @!p1 s7, $0x4F  }
0x20: {  	v0 =	vimm.f32 $0.0e+00;
	v1 =	vimm.f32 $1.000000000e+00;
	s12 =	simm.s32 $0x16278;
	[dreg:$0x11] =	wrdreg s2;
	p4 =	por p4, p1  }
.LBB2_11:
0x21: {  	[spmem:s3] =	stream.indirect.scatter.add.f32 [tilespmem:s16], [sflag:$0x6], $0x1, s10, s29, $0xb8;
	[tilespmem:$0x1E5F8] =	vst v63  }
0x22: {  	_ =	swait.ge [sflag:s22], $0x4000  }
0x23: {  	[sflag:s22] =	ssyncset.done $0x0  }
0x24: {  	[sflag:s22] =	ssyncadd.s32 $0xFFFFC000  }
0x25: {  	_ =	swait.ge [sflag:s23], $0x80  }
0x26: {  	[sflag:s23] =	ssyncset.done $0x0  }
0x27: {  	s8 =	simm.s32 @!p1 $0x1;
	[sflag:s23] =	ssyncadd.s32 $0xFFFFFF80  }
0x28: {  	_ =	swait.ge @!p1 [sflag:s8], $0x4000  }
0x29: {  	s9 =	simm.s32 @!p1 $0x16178;
	[sflag:s8] =	ssyncset.done @!p1 $0x0  }
0x2a: {  	s10 =	simm.s32 @!p1 $0x162F8;
	[sflag:s8] =	ssyncadd.s32 @!p1 $0xFFFFC000;
	s8 =	simm.s32 @!p1 $0x80  }
0x2b: {  	[spmem:s1] =	stream.indirect.scatter.add.f32 @!p1 [tilespmem:s10], [sflag:$0x3], $0x80, s9, s8, $0xb8;
	[tilespmem:$0x1E5F8] =	vst v63  }
0x2c: {  	s10 =	simm.s32 @!p1 $0x1E2F8  }
0x2d: {  	[spmem:s3] =	stream.indirect.scatter.add.f32 @!p1 [tilespmem:s10], [sflag:$0x5], $0x1, s9, s8, $0xb8;
	[tilespmem:$0x1E5F8] =	vst v63  }
0x2e: {  	s8 =	simm.s32 @!p1 $0x3  }
0x2f: {  	_ =	swait.ge @!p1 [sflag:s8], $0x4000  }
0x30: {  	[sflag:s8] =	ssyncset.done @!p1 $0x0  }
0x31: {  	[sflag:s8] =	ssyncadd.s32 @!p1 $0xFFFFC000;
	s8 =	simm.s32 @!p1 $0x5  }
0x32: {  	_ =	swait.ge @!p1 [sflag:s8], $0x80  }
0x33: {  	s9 =	simm.s32 @!p4 $0x161F8;
	[sflag:s8] =	ssyncset.done @!p1 $0x0  }
0x34: {  	s10 =	simm.s32 @!p4 $0x1A2F8;
	[sflag:s8] =	ssyncadd.s32 @!p1 $0xFFFFFF80;
	s8 =	simm.s32 @!p4 $0x80  }
0x35: {  	[tilespmem:s10], [sflag:$0x2] =	stream.indirect.gather @!p4 [hbm4b:s6+s8], $0x80, s9, s8, $0xb8;
	[tilespmem:$0x1E5F8] =	vst v63  }
0x36: {  	s9 =	simm.s32 @!p4 $0x2  }
0x37: {  	_ =	swait.ge @!p4 [sflag:s9], $0x4000  }
0x38: {  	[sflag:s9] =	ssyncset.done @!p4 $0x0  }
0x39: {  	[sflag:s9] =	ssyncadd.s32 @!p4 $0xFFFFC000;
	s9 =	simm.s32 @!p4 $0x16278  }
0x3a: {  	[spmem:s1] =	stream.indirect.scatter.add.f32 @!p4 [tilespmem:s10], [sflag:$0x4], $0x80, s9, s8, $0xb8;
	[tilespmem:$0x1E5F8] =	vst v63  }
0x3b: {  	s10 =	simm.s32 @!p4 $0x1E2F8  }
0x3c: {  	[spmem:s3] =	stream.indirect.scatter.add.f32 @!p4 [tilespmem:s10], [sflag:$0x6], $0x1, s9, s8, $0xb8;
	[tilespmem:$0x1E5F8] =	vst v63  }
0x3d: {  	s8 =	simm.s32 @!p4 $0x4  }
0x3e: {  	_ =	swait.ge @!p4 [sflag:s8], $0x4000  }
0x3f: {  	[sflag:s8] =	ssyncset.done @!p4 $0x0  }
0x40: {  	[sflag:s8] =	ssyncadd.s32 @!p4 $0xFFFFC000;
	s8 =	simm.s32 @!p4 $0x6  }
0x41: {  	_ =	swait.ge @!p4 [sflag:s8], $0x80  }
0x42: {  	[sflag:s8] =	ssyncset.done @!p4 $0x0  }
0x43: {  	[sflag:s8] =	ssyncadd.s32 @!p4 $0xFFFFFF80  }
0x44: {  	[bflag:$0x0] =	sbarrier.arrive $0xFFFF  }
0x45: {  	s8 =	simm.s32 @p3 $0x1FC7;
	s9 =	rddreg [dreg:$0xe]  }
0x46: {  	[hbm:s9], [sflag:s8] =	dma.local @p3 [spmem:s7], $0x2080  }
0x47: {  	s7 =	simm.s32 @p3 $0x7  }
0x48: {  	_ =	swait.ge @p3 [sflag:s7], $0x2080  }
0x49: {  	[sflag:s7] =	ssyncset.done @p3 $0x0  }
0x4a: {  	s8 =	simm.s32 @p3 $0x1E378;
	[sflag:s7] =	ssyncadd.s32 @p3 $0xFFFFDF80  }
0x4b: {  	[tilespmem:s8], [sflag:$0x7] =	stream.linear.gather @p3 [spmem:s11], $0x208, $0x38;
	[tilespmem:$0x1E5F8] =	vst v63  }
0x4c: {  	_ =	swait.ge @p3 [sflag:s7], $0x208  }
0x4d: {  	[sflag:s7] =	ssyncset.done @p3 $0x0  }
0x4e: {  	s9 =	simm.s32 @p3 $0x0;
	s10 =	rddreg [dreg:$0x10];
	[sflag:s7] =	ssyncadd.s32 @p3 $0xFFFFFDF8  }
0x4f: {  	[hbm4b:s10+s9] =	stream.linear.scatter @p3 [tilespmem:s8], [sflag:$0x7], $0x208, $0x38;
	[tilespmem:$0x1E5F8] =	vst v63  }
0x50: {  	_ =	swait.ge @p3 [sflag:s7], $0x208  }
0x51: {  	[sflag:s7] =	ssyncset.done @p3 $0x0  }
0x52: {  	[sflag:s7] =	ssyncadd.s32 @p3 $0xFFFFFDF8;
	s7 =	rddreg [dreg:$0xc]  }
0x53: {  	[hbm:s7], [sflag:s2] =	dma.local @!p3 [spmem:s4], $0x2780  }
0x54: {  	s2 =	simm.s32 @!p3 $0x7  }
0x55: {  	_ =	swait.ge @!p3 [sflag:s2], $0x2780  }
0x56: {  	[sflag:s2] =	ssyncset.done @!p3 $0x0  }
0x57: {  	s4 =	simm.s32 @!p3 $0x1E378;
	[sflag:s2] =	ssyncadd.s32 @!p3 $0xFFFFD880  }
0x58: {  	[tilespmem:s4], [sflag:$0x7] =	stream.linear.gather @!p3 [spmem:s11], $0x278, $0x38;
	[tilespmem:$0x1E5F8] =	vst v63  }
0x59: {  	_ =	swait.ge @!p3 [sflag:s2], $0x278  }
0x5a: {  	[sflag:s2] =	ssyncset.done @!p3 $0x0  }
0x5b: {  	s7 =	simm.s32 @!p3 $0x0;
	s8 =	rddreg [dreg:$0xd];
	[sflag:s2] =	ssyncadd.s32 @!p3 $0xFFFFFD88  }
0x5c: {  	[hbm4b:s8+s7] =	stream.linear.scatter @!p3 [tilespmem:s4], [sflag:$0x7], $0x278, $0x38;
	[tilespmem:$0x1E5F8] =	vst v63  }
0x5d: {  	_ =	swait.ge @!p3 [sflag:s2], $0x278  }
0x5e: {  	[sflag:s2] =	ssyncset.done @!p3 $0x0  }
0x5f: {  	[sflag:s2] =	ssyncadd.s32 @!p3 $0xFFFFFD88  }
.LBB2_12:
0x60: {  	s18 =	sadd.s32 $0x1, s18  }
0x61: {  	p5 =	sne.s32 s18, s25  }
.Ltmp1:
0x62: {  	_ = 	snop;
	(pc) =	sbr.rel @!p5 .LBB2_13-.Ltmp1, $2  }
0x63: {  	_ =	sdelay $0x2  }
0x64: {  	s31 =	simm.s32 $0x0  }
.LBB2_1:
0x65: {  	s2 =	rddreg [dreg:$0x8]  }
0x66: {  	s4 =	rddreg [dreg:$0x9];
	s7 =	sshrl.u32 @p3 s2, $0x3;
	s2 =	simm.s32 @p3 $0x1FC7  }
0x67: {  	[spmem:s7], [sflag:s2] =	dma.local @p3 [hbm:s4], $0x2080  }
0x68: {  	s8 =	simm.s32 @p3 $0x7;
	s2 =	stileid.u32  }
0x69: {  	_ =	swait.ge @p3 [sflag:s8], $0x2080;
	s2 =	sshll.u32 @!p3 s2, $0x6  }
0x6a: {  	[sflag:s8] =	ssyncset.done @p3 $0x0;
	s2 =	sor.u32 @!p3 $0x1C07, s2;
	s4 =	rddreg [dreg:$0x6]  }
0x6b: {  	s9 =	rddreg [dreg:$0x7];
	[sflag:s8] =	ssyncadd.s32 @p3 $0xFFFFDF80;
	s4 =	sshrl.u32 @!p3 s4, $0x3  }
0x6c: {  	[spmem:s4], [sflag:s2] =	dma.local @!p3 [hbm:s9], $0x2780  }
0x6d: {  	s9 =	simm.s32 @!p3 $0x7  }
0x6e: {  	_ =	swait.ge @!p3 [sflag:s9], $0x2780  }
0x6f: {  	[sflag:s9] =	ssyncset.done @!p3 $0x0  }
0x70: {  	[sflag:s9] =	ssyncadd.s32 @!p3 $0xFFFFD880  }
0x71: {  	[tilespmem:$0x1E378] =	vst v0  }
0x72: {  	[tilespmem:$0x1E388] =	vst v0  }
0x73: {  	[tilespmem:$0x1E398] =	vst v0  }
0x74: {  	[tilespmem:$0x1E3A8] =	vst v0  }
0x75: {  	[tilespmem:$0x1E3B8] =	vst v0  }
0x76: {  	[tilespmem:$0x1E3C8] =	vst v0  }
0x77: {  	[tilespmem:$0x1E3D8] =	vst v0  }
0x78: {  	[tilespmem:$0x1E3E8] =	vst v0  }
0x79: {  	[tilespmem:$0x1E3F8] =	vst v0  }
0x7a: {  	[tilespmem:$0x1E408] =	vst v0  }
0x7b: {  	[tilespmem:$0x1E418] =	vst v0  }
0x7c: {  	[tilespmem:$0x1E428] =	vst v0  }
0x7d: {  	[tilespmem:$0x1E438] =	vst v0  }
0x7e: {  	[tilespmem:$0x1E448] =	vst v0  }
0x7f: {  	[tilespmem:$0x1E458] =	vst v0  }
0x80: {  	[tilespmem:$0x1E468] =	vst v0  }
0x81: {  	[tilespmem:$0x1E478] =	vst v0  }
0x82: {  	[tilespmem:$0x1E488] =	vst v0  }
0x83: {  	[tilespmem:$0x1E498] =	vst v0  }
0x84: {  	[tilespmem:$0x1E4A8] =	vst v0  }
0x85: {  	[tilespmem:$0x1E4B8] =	vst v0  }
0x86: {  	[tilespmem:$0x1E4C8] =	vst v0  }
0x87: {  	[tilespmem:$0x1E4D8] =	vst v0  }
0x88: {  	[tilespmem:$0x1E4E8] =	vst v0  }
0x89: {  	[tilespmem:$0x1E4F8] =	vst v0  }
0x8a: {  	[tilespmem:$0x1E508] =	vst v0  }
0x8b: {  	[tilespmem:$0x1E518] =	vst v0  }
0x8c: {  	[tilespmem:$0x1E528] =	vst v0  }
0x8d: {  	[tilespmem:$0x1E538] =	vst v0  }
0x8e: {  	[tilespmem:$0x1E548] =	vst v0  }
0x8f: {  	[tilespmem:$0x1E558] =	vst v0  }
0x90: {  	[tilespmem:$0x1E568] =	vst v0  }
0x91: {  	[tilespmem:$0x1E578] =	vst v0  }
0x92: {  	[tilespmem:$0x1E588] =	vst v0  }
0x93: {  	[tilespmem:$0x1E598] =	vst v0  }
0x94: {  	[tilespmem:$0x1E5A8] =	vst v0  }
0x95: {  	[tilespmem:$0x1E5B8] =	vst v0  }
0x96: {  	[tilespmem:$0x1E5C8] =	vst v0  }
0x97: {  	[tilespmem:$0x1E5D8] =	vst v0  }
0x98: {  	[tilespmem:$0x1E5E8] =	vst v0  }
0x99: {  	[tilespmem:$0x1E2F8] =	vst v1  }
0x9a: {  	[tilespmem:$0x1E308] =	vst v1  }
0x9b: {  	[tilespmem:$0x1E318] =	vst v1  }
0x9c: {  	[tilespmem:$0x1E328] =	vst v1  }
0x9d: {  	[tilespmem:$0x1E338] =	vst v1  }
0x9e: {  	[tilespmem:$0x1E348] =	vst v1  }
0x9f: {  	[tilespmem:$0x1E358] =	vst v1  }
0xa0: {  	s10 =	simm.s32 @p3 $0x1E378;
	[tilespmem:$0x1E368] =	vst v1  }
0xa1: {  	[spmem:s11] =	stream.linear.scatter @p3 [tilespmem:s10], [sflag:$0x7], $0x208, $0x38;
	[tilespmem:$0x1E5F8] =	vst v63  }
0xa2: {  	_ =	swait.ge @p3 [sflag:s8], $0x208  }
0xa3: {  	[sflag:s8] =	ssyncset.done @p3 $0x0  }
0xa4: {  	[sflag:s8] =	ssyncadd.s32 @p3 $0xFFFFFDF8;
	s8 =	simm.s32 @!p3 $0x1E378  }
0xa5: {  	[spmem:s11] =	stream.linear.scatter @!p3 [tilespmem:s8], [sflag:$0x7], $0x278, $0x38;
	[tilespmem:$0x1E5F8] =	vst v63  }
.Ltmp2:
0xa6: {  	_ =	swait.ge @!p3 [sflag:s9], $0x278;
	(pc) =	sbr.rel @p0 .LBB2_7-.Ltmp2, $3  }
0xa7: {  	[sflag:s9] =	ssyncset.done @!p3 $0x0  }
0xa8: {  	[sflag:s9] =	ssyncadd.s32 @!p3 $0xFFFFFD88  }
0xa9: {  	[bflag:$0x0] =	sbarrier.arrive $0xFFFF;
	_ =	sdelay $0x1  }
0xaa: {  	s8 =	rddreg [dreg:$0xf]  }
0xab: {  	[tilespmem:s26], [sflag:$0x7] =	stream.linear.gather [hbm4b:s8+s31], $0x2800, $0x38;
	[tilespmem:$0x1E5F8] =	vst v63  }
0xac: {  	_ =	swait.ge [sflag:s28], $0x2800  }
0xad: {  	[sflag:s28] =	ssyncset.done $0x0  }
0xae: {  	[sflag:s28] =	ssyncadd.s32 $0xFFFFD800  }
0xaf: {  	[tilespmem:s30], [sflag:$0x1] =	stream.indirect.gather [hbm4b:s5+s29], $0x80, s26, s29, $0xb8;
	[tilespmem:$0x1E5F8] =	vst v63  }
0xb0: {  	s10 =	simm.s32 $0x13BF8  }
0xb1: {  	[tilespmem:s0], [sflag:$0x2] =	stream.indirect.gather [hbm4b:s5+s29], $0x80, s10, s29, $0xb8;
	[tilespmem:$0x1E5F8] =	vst v63  }
0xb2: {  	_ =	swait.ge [sflag:s14], $0x4000  }
0xb3: {  	[sflag:s14] =	ssyncset.done $0x0  }
0xb4: {  	[sflag:s14] =	ssyncadd.s32 $0xFFFFC000  }
0xb5: {  	[spmem:s1] =	stream.indirect.scatter.add.f32 [tilespmem:s30], [sflag:$0x3], $0x80, s15, s29, $0xb8;
	[tilespmem:$0x1E5F8] =	vst v63  }
0xb6: {  	_ = 	snop  }
0xb7: {  	[spmem:s3] =	stream.indirect.scatter.add.f32 [tilespmem:s16], [sflag:$0x5], $0x1, s15, s29, $0xb8;
	[tilespmem:$0x1E5F8] =	vst v63  }
0xb8: {  	_ =	swait.ge [sflag:s17], $0x4000  }
0xb9: {  	[sflag:s17] =	ssyncset.done $0x0  }
0xba: {  	[sflag:s17] =	ssyncadd.s32 $0xFFFFC000  }
0xbb: {  	_ =	swait.ge [sflag:s19], $0x80  }
0xbc: {  	[sflag:s19] =	ssyncset.done $0x0  }
0xbd: {  	s9 =	simm.s32 $0x13CF8;
	[sflag:s19] =	ssyncadd.s32 $0xFFFFFF80  }
0xbe: {  	[tilespmem:s30], [sflag:$0x1] =	stream.indirect.gather [hbm4b:s5+s29], $0x80, s9, s29, $0xb8;
	[tilespmem:$0x1E5F8] =	vst v63  }
0xbf: {  	_ =	swait.ge [sflag:s20], $0x4000  }
0xc0: {  	[sflag:s20] =	ssyncset.done $0x0  }
0xc1: {  	[sflag:s20] =	ssyncadd.s32 $0xFFFFC000  }
0xc2: {  	[spmem:s1] =	stream.indirect.scatter.add.f32 [tilespmem:s0], [sflag:$0x4], $0x80, s21, s29, $0xb8;
	[tilespmem:$0x1E5F8] =	vst v63  }
0xc3: {  	_ = 	snop  }
0xc4: {  	[spmem:s3] =	stream.indirect.scatter.add.f32 [tilespmem:s16], [sflag:$0x6], $0x1, s21, s29, $0xb8;
	[tilespmem:$0x1E5F8] =	vst v63  }
0xc5: {  	_ =	swait.ge [sflag:s22], $0x4000  }
0xc6: {  	[sflag:s22] =	ssyncset.done $0x0  }
0xc7: {  	[sflag:s22] =	ssyncadd.s32 $0xFFFFC000  }
0xc8: {  	_ =	swait.ge [sflag:s23], $0x80  }
0xc9: {  	[sflag:s23] =	ssyncset.done $0x0  }
0xca: {  	s10 =	simm.s32 $0x13DF8;
	[sflag:s23] =	ssyncadd.s32 $0xFFFFFF80  }
0xcb: {  	[tilespmem:s0], [sflag:$0x2] =	stream.indirect.gather [hbm4b:s5+s29], $0x80, s10, s29, $0xb8;
	[tilespmem:$0x1E5F8] =	vst v63  }
0xcc: {  	_ =	swait.ge [sflag:s14], $0x4000  }
0xcd: {  	[sflag:s14] =	ssyncset.done $0x0  }
0xce: {  	s9 =	simm.s32 $0x13D78;
	[sflag:s14] =	ssyncadd.s32 $0xFFFFC000  }
0xcf: {  	[spmem:s1] =	stream.indirect.scatter.add.f32 [tilespmem:s30], [sflag:$0x3], $0x80, s9, s29, $0xb8;
	[tilespmem:$0x1E5F8] =	vst v63  }
0xd0: {  	_ = 	snop  }
0xd1: {  	[spmem:s3] =	stream.indirect.scatter.add.f32 [tilespmem:s16], [sflag:$0x5], $0x1, s9, s29, $0xb8;
	[tilespmem:$0x1E5F8] =	vst v63  }
0xd2: {  	_ =	swait.ge [sflag:s17], $0x4000  }
0xd3: {  	[sflag:s17] =	ssyncset.done $0x0  }
0xd4: {  	[sflag:s17] =	ssyncadd.s32 $0xFFFFC000  }
0xd5: {  	_ =	swait.ge [sflag:s19], $0x80  }
0xd6: {  	[sflag:s19] =	ssyncset.done $0x0  }
0xd7: {  	s10 =	simm.s32 $0x13EF8;
	[sflag:s19] =	ssyncadd.s32 $0xFFFFFF80  }
0xd8: {  	[tilespmem:s30], [sflag:$0x1] =	stream.indirect.gather [hbm4b:s5+s29], $0x80, s10, s29, $0xb8;
	[tilespmem:$0x1E5F8] =	vst v63  }
0xd9: {  	_ =	swait.ge [sflag:s20], $0x4000  }
0xda: {  	[sflag:s20] =	ssyncset.done $0x0  }
0xdb: {  	s8 =	simm.s32 $0xFFFF7800;
	s9 =	simm.s32 $0x13E78;
	[sflag:s20] =	ssyncadd.s32 $0xFFFFC000  }
0xdc: {  	[spmem:s1] =	stream.indirect.scatter.add.f32 [tilespmem:s0], [sflag:$0x4], $0x80, s9, s29, $0xb8;
	[tilespmem:$0x1E5F8] =	vst v63  }
.LBB2_3:
0xdd: {  	[spmem:s3] =	stream.indirect.scatter.add.f32 [tilespmem:s16], [sflag:$0x6], $0x1, s9, s29, $0xb8;
	[tilespmem:$0x1E5F8] =	vst v63  }
0xde: {  	s9 =	smov.u32 s8  }
0xdf: {  	p5 =	sne.s32 s8, $0xFFFFF800;
	s8 =	sadd.s32 $0x800, s8;
	_ =	swait.ge [sflag:s22], $0x4000  }
0xe0: {  	[sflag:s22] =	ssyncset.done $0x0  }
0xe1: {  	[sflag:s22] =	ssyncadd.s32 $0xFFFFC000  }
0xe2: {  	_ =	swait.ge [sflag:s23], $0x80  }
0xe3: {  	s9 =	sshra.s32 s9, $0x2;
	[sflag:s23] =	ssyncset.done $0x0  }
0xe4: {  	s10 =	sadd.s32 $0x161F8, s9;
	[sflag:s23] =	ssyncadd.s32 $0xFFFFFF80  }
0xe5: {  	[tilespmem:s0], [sflag:$0x2] =	stream.indirect.gather [hbm4b:s5+s29], $0x80, s10, s29, $0xb8;
	[tilespmem:$0x1E5F8] =	vst v63  }
0xe6: {  	_ =	swait.ge [sflag:s14], $0x4000  }
0xe7: {  	[sflag:s14] =	ssyncset.done $0x0  }
0xe8: {  	s10 =	sadd.s32 $0x16178, s9;
	[sflag:s14] =	ssyncadd.s32 $0xFFFFC000  }
0xe9: {  	[spmem:s1] =	stream.indirect.scatter.add.f32 [tilespmem:s30], [sflag:$0x3], $0x80, s10, s29, $0xb8;
	[tilespmem:$0x1E5F8] =	vst v63  }
0xea: {  	_ = 	snop  }
0xeb: {  	[spmem:s3] =	stream.indirect.scatter.add.f32 [tilespmem:s16], [sflag:$0x5], $0x1, s10, s29, $0xb8;
	[tilespmem:$0x1E5F8] =	vst v63  }
0xec: {  	_ =	swait.ge [sflag:s17], $0x4000  }
0xed: {  	[sflag:s17] =	ssyncset.done $0x0  }
0xee: {  	[sflag:s17] =	ssyncadd.s32 $0xFFFFC000  }
0xef: {  	_ =	swait.ge [sflag:s19], $0x80  }
0xf0: {  	[sflag:s19] =	ssyncset.done $0x0  }
0xf1: {  	s10 =	sadd.s32 $0x162F8, s9;
	[sflag:s19] =	ssyncadd.s32 $0xFFFFFF80  }
0xf2: {  	[tilespmem:s30], [sflag:$0x1] =	stream.indirect.gather [hbm4b:s5+s29], $0x80, s10, s29, $0xb8;
	[tilespmem:$0x1E5F8] =	vst v63  }
.Ltmp3:
0xf3: {  	_ = 	snop;
	(pc) =	sbr.rel @p5 .LBB2_3-.Ltmp3, $4  }
0xf4: {  	_ =	swait.ge [sflag:s20], $0x4000  }
0xf5: {  	[sflag:s20] =	ssyncset.done $0x0  }
0xf6: {  	s9 =	sadd.s32 $0x16278, s9;
	[sflag:s20] =	ssyncadd.s32 $0xFFFFC000  }
0xf7: {  	[spmem:s1] =	stream.indirect.scatter.add.f32 [tilespmem:s0], [sflag:$0x4], $0x80, s9, s29, $0xb8;
	[tilespmem:$0x1E5F8] =	vst v63  }
0xf8: {  	[spmem:s3] =	stream.indirect.scatter.add.f32 [tilespmem:s16], [sflag:$0x6], $0x1, s9, s29, $0xb8;
	[tilespmem:$0x1E5F8] =	vst v63  }
0xf9: {  	_ =	swait.ge [sflag:s22], $0x4000  }
0xfa: {  	[sflag:s22] =	ssyncset.done $0x0  }
0xfb: {  	[sflag:s22] =	ssyncadd.s32 $0xFFFFC000  }
0xfc: {  	_ =	swait.ge [sflag:s23], $0x80  }
0xfd: {  	[sflag:s23] =	ssyncset.done $0x0  }
0xfe: {  	s8 =	simm.s32 $0x161F8;
	[sflag:s23] =	ssyncadd.s32 $0xFFFFFF80  }
0xff: {  	[tilespmem:s0], [sflag:$0x2] =	stream.indirect.gather [hbm4b:s5+s29], $0x80, s8, s29, $0xb8;
	[tilespmem:$0x1E5F8] =	vst v63  }
0x100: {  	_ =	swait.ge [sflag:s14], $0x4000  }
0x101: {  	[sflag:s14] =	ssyncset.done $0x0  }
0x102: {  	[sflag:s14] =	ssyncadd.s32 $0xFFFFC000  }
0x103: {  	[spmem:s1] =	stream.indirect.scatter.add.f32 [tilespmem:s30], [sflag:$0x3], $0x80, s24, s29, $0xb8;
	[tilespmem:$0x1E5F8] =	vst v63  }
0x104: {  	_ = 	snop  }
0x105: {  	[spmem:s3] =	stream.indirect.scatter.add.f32 [tilespmem:s16], [sflag:$0x5], $0x1, s24, s29, $0xb8;
	[tilespmem:$0x1E5F8] =	vst v63  }
0x106: {  	_ =	swait.ge [sflag:s17], $0x4000  }
0x107: {  	[sflag:s17] =	ssyncset.done $0x0  }
0x108: {  	[sflag:s17] =	ssyncadd.s32 $0xFFFFC000  }
0x109: {  	_ =	swait.ge [sflag:s19], $0x80  }
0x10a: {  	[sflag:s19] =	ssyncset.done $0x0  }
0x10b: {  	[sflag:s19] =	ssyncadd.s32 $0xFFFFFF80  }
0x10c: {  	_ =	swait.ge [sflag:s20], $0x4000  }
0x10d: {  	[sflag:s20] =	ssyncset.done $0x0  }
0x10e: {  	[sflag:s20] =	ssyncadd.s32 $0xFFFFC000  }
0x10f: {  	[spmem:s1] =	stream.indirect.scatter.add.f32 [tilespmem:s0], [sflag:$0x4], $0x80, s12, s29, $0xb8;
	[tilespmem:$0x1E5F8] =	vst v63  }
0x110: {  	_ = 	snop  }
0x111: {  	[spmem:s3] =	stream.indirect.scatter.add.f32 [tilespmem:s16], [sflag:$0x6], $0x1, s12, s29, $0xb8;
	[tilespmem:$0x1E5F8] =	vst v63  }
0x112: {  	_ =	swait.ge [sflag:s22], $0x4000  }
0x113: {  	[sflag:s22] =	ssyncset.done $0x0  }
0x114: {  	[sflag:s22] =	ssyncadd.s32 $0xFFFFC000  }
0x115: {  	_ =	swait.ge [sflag:s23], $0x80  }
0x116: {  	[sflag:s23] =	ssyncset.done $0x0  }
0x117: {  	s10 =	rddreg [dreg:$0x11];
	[sflag:s23] =	ssyncadd.s32 $0xFFFFFF80  }
0x118: {  	[tilespmem:s26], [sflag:$0x7] =	stream.linear.gather [hbm4b:s10+s31], $0x2700, $0x38;
	[tilespmem:$0x1E5F8] =	vst v63  }
0x119: {  	_ =	swait.ge [sflag:s28], $0x2700  }
0x11a: {  	[sflag:s28] =	ssyncset.done $0x0  }
0x11b: {  	[sflag:s28] =	ssyncadd.s32 $0xFFFFD900  }
0x11c: {  	[tilespmem:s30], [sflag:$0x1] =	stream.indirect.gather [hbm4b:s5+s29], $0x80, s26, s29, $0xb8;
	[tilespmem:$0x1E5F8] =	vst v63  }
0x11d: {  	s9 =	simm.s32 $0x13BF8  }
0x11e: {  	[tilespmem:s0], [sflag:$0x2] =	stream.indirect.gather [hbm4b:s5+s29], $0x80, s9, s29, $0xb8;
	[tilespmem:$0x1E5F8] =	vst v63  }
0x11f: {  	_ =	swait.ge [sflag:s14], $0x4000  }
0x120: {  	[sflag:s14] =	ssyncset.done $0x0  }
0x121: {  	[sflag:s14] =	ssyncadd.s32 $0xFFFFC000  }
0x122: {  	[spmem:s1] =	stream.indirect.scatter.add.f32 [tilespmem:s30], [sflag:$0x3], $0x80, s15, s29, $0xb8;
	[tilespmem:$0x1E5F8] =	vst v63  }
0x123: {  	_ = 	snop  }
0x124: {  	[spmem:s3] =	stream.indirect.scatter.add.f32 [tilespmem:s16], [sflag:$0x5], $0x1, s15, s29, $0xb8;
	[tilespmem:$0x1E5F8] =	vst v63  }
0x125: {  	_ =	swait.ge [sflag:s17], $0x4000  }
0x126: {  	[sflag:s17] =	ssyncset.done $0x0  }
0x127: {  	[sflag:s17] =	ssyncadd.s32 $0xFFFFC000  }
0x128: {  	_ =	swait.ge [sflag:s19], $0x80  }
0x129: {  	s8 =	simm.s32 @!p2 $0x80;
	[sflag:s19] =	ssyncset.done $0x0  }
0x12a: {  	s10 =	simm.s32 @!p2 $0x162F8;
	s9 =	simm.s32 @!p2 $0x13CF8;
	[sflag:s19] =	ssyncadd.s32 $0xFFFFFF80  }
0x12b: {  	[tilespmem:s10], [sflag:$0x1] =	stream.indirect.gather @!p2 [hbm4b:s5+s8], $0x80, s9, s8, $0xb8;
	[tilespmem:$0x1E5F8] =	vst v63  }
0x12c: {  	_ =	swait.ge [sflag:s20], $0x4000  }
0x12d: {  	[sflag:s20] =	ssyncset.done $0x0  }
0x12e: {  	[sflag:s20] =	ssyncadd.s32 $0xFFFFC000  }
0x12f: {  	[spmem:s1] =	stream.indirect.scatter.add.f32 [tilespmem:s0], [sflag:$0x4], $0x80, s21, s29, $0xb8;
	[tilespmem:$0x1E5F8] =	vst v63  }
0x130: {  	_ = 	snop  }
0x131: {  	[spmem:s3] =	stream.indirect.scatter.add.f32 [tilespmem:s16], [sflag:$0x6], $0x1, s21, s29, $0xb8;
	[tilespmem:$0x1E5F8] =	vst v63  }
0x132: {  	_ =	swait.ge [sflag:s22], $0x4000  }
0x133: {  	[sflag:s22] =	ssyncset.done $0x0  }
0x134: {  	[sflag:s22] =	ssyncadd.s32 $0xFFFFC000  }
0x135: {  	_ =	swait.ge [sflag:s23], $0x80  }
0x136: {  	[sflag:s23] =	ssyncset.done $0x0  }
0x137: {  	s10 =	simm.s32 $0x13DF8;
	[sflag:s23] =	ssyncadd.s32 $0xFFFFFF80  }
0x138: {  	[tilespmem:s0], [sflag:$0x2] =	stream.indirect.gather [hbm4b:s5+s29], $0x80, s10, s29, $0xb8;
	[tilespmem:$0x1E5F8] =	vst v63  }
0x139: {  	_ =	swait.ge [sflag:s14], $0x4000  }
0x13a: {  	[sflag:s14] =	ssyncset.done $0x0  }
0x13b: {  	s31 =	simm.s32 $0x13D78;
	[sflag:s14] =	ssyncadd.s32 $0xFFFFC000  }
0x13c: {  	[spmem:s1] =	stream.indirect.scatter.add.f32 [tilespmem:s30], [sflag:$0x3], $0x80, s31, s29, $0xb8;
	[tilespmem:$0x1E5F8] =	vst v63  }
0x13d: {  	_ = 	snop  }
0x13e: {  	[spmem:s3] =	stream.indirect.scatter.add.f32 [tilespmem:s16], [sflag:$0x5], $0x1, s31, s29, $0xb8;
	[tilespmem:$0x1E5F8] =	vst v63  }
0x13f: {  	_ =	swait.ge [sflag:s17], $0x4000  }
0x140: {  	[sflag:s17] =	ssyncset.done $0x0  }
0x141: {  	[sflag:s17] =	ssyncadd.s32 $0xFFFFC000  }
0x142: {  	_ =	swait.ge [sflag:s19], $0x80  }
0x143: {  	p5 =	sle.s32 s13, $0x4;
	s8 =	simm.s32 $0x13EF8;
	[sflag:s19] =	ssyncset.done $0x0  }
0x144: {  	s9 =	simm.s32 @!p5 $0x80;
	s10 =	simm.s32 @!p5 $0x162F8;
	[sflag:s19] =	ssyncadd.s32 $0xFFFFFF80  }
0x145: {  	[tilespmem:s10], [sflag:$0x1] =	stream.indirect.gather @!p5 [hbm4b:s5+s9], $0x80, s8, s9, $0xb8;
	[tilespmem:$0x1E5F8] =	vst v63  }
0x146: {  	_ =	swait.ge [sflag:s20], $0x4000  }
0x147: {  	s10 =	simm.s32 $0x13E78;
	[sflag:s20] =	ssyncset.done $0x0  }
0x148: {  	s8 =	simm.s32 $0x6;
	s9 =	simm.s32 $0x140F8;
	[sflag:s20] =	ssyncadd.s32 $0xFFFFC000  }
0x149: {  	[spmem:s1] =	stream.indirect.scatter.add.f32 [tilespmem:s0], [sflag:$0x4], $0x80, s10, s29, $0xb8;
	[tilespmem:$0x1E5F8] =	vst v63  }
.LBB2_5:
0x14a: {  	[spmem:s3] =	stream.indirect.scatter.add.f32 [tilespmem:s16], [sflag:$0x6], $0x1, s10, s29, $0xb8;
	[tilespmem:$0x1E5F8] =	vst v63  }
0x14b: {  	s10 =	smov.u32 s8;
	s8 =	sadd.s32 $0x2, s8;
	_ =	swait.ge [sflag:s22], $0x4000  }
0x14c: {  	p5 =	sne.s32 s8, $0x28;
	[sflag:s22] =	ssyncset.done $0x0  }
0x14d: {  	[sflag:s22] =	ssyncadd.s32 $0xFFFFC000  }
0x14e: {  	_ =	swait.ge [sflag:s23], $0x80  }
0x14f: {  	[sflag:s23] =	ssyncset.done $0x0  }
0x150: {  	s31 =	sadd.s32 $0xFFFFFF00, s9;
	[sflag:s23] =	ssyncadd.s32 $0xFFFFFF80  }
0x151: {  	[tilespmem:s0], [sflag:$0x2] =	stream.indirect.gather [hbm4b:s5+s29], $0x80, s31, s29, $0xb8;
	[tilespmem:$0x1E5F8] =	vst v63  }
0x152: {  	_ =	swait.ge [sflag:s14], $0x4000  }
0x153: {  	[sflag:s14] =	ssyncset.done $0x0  }
0x154: {  	s31 =	sadd.s32 $0xFFFFFE80, s9;
	[sflag:s14] =	ssyncadd.s32 $0xFFFFC000  }
0x155: {  	[spmem:s1] =	stream.indirect.scatter.add.f32 [tilespmem:s30], [sflag:$0x3], $0x80, s31, s29, $0xb8;
	[tilespmem:$0x1E5F8] =	vst v63  }
0x156: {  	_ = 	snop  }
0x157: {  	[spmem:s3] =	stream.indirect.scatter.add.f32 [tilespmem:s16], [sflag:$0x5], $0x1, s31, s29, $0xb8;
	[tilespmem:$0x1E5F8] =	vst v63  }
0x158: {  	_ =	swait.ge [sflag:s17], $0x4000  }
0x159: {  	[sflag:s17] =	ssyncset.done $0x0  }
0x15a: {  	[sflag:s17] =	ssyncadd.s32 $0xFFFFC000  }
0x15b: {  	_ =	swait.ge [sflag:s19], $0x80  }
0x15c: {  	p6 =	sge.s32 s10, s13;
	[sflag:s19] =	ssyncset.done $0x0  }
0x15d: {  	s10 =	simm.s32 @!p6 $0x80;
	s31 =	simm.s32 @!p6 $0x162F8;
	[sflag:s19] =	ssyncadd.s32 $0xFFFFFF80  }
0x15e: {  	[tilespmem:s31], [sflag:$0x1] =	stream.indirect.gather @!p6 [hbm4b:s5+s10], $0x80, s9, s10, $0xb8;
	[tilespmem:$0x1E5F8] =	vst v63  }
.Ltmp4:
0x15f: {  	_ =	swait.ge [sflag:s20], $0x4000;
	(pc) =	sbr.rel @p5 .LBB2_5-.Ltmp4, $4  }
0x160: {  	[sflag:s20] =	ssyncset.done $0x0  }
0x161: {  	s10 =	sadd.s32 $0xFFFFFF80, s9;
	[sflag:s20] =	ssyncadd.s32 $0xFFFFC000  }
0x162: {  	[spmem:s1] =	stream.indirect.scatter.add.f32 [tilespmem:s0], [sflag:$0x4], $0x80, s10, s29, $0xb8;
	[tilespmem:$0x1E5F8] =	vst v63  }
0x163: {  	s9 =	sadd.s32 $0x200, s9  }
0x164: {  	[spmem:s3] =	stream.indirect.scatter.add.f32 [tilespmem:s16], [sflag:$0x6], $0x1, s10, s29, $0xb8;
	[tilespmem:$0x1E5F8] =	vst v63  }
0x165: {  	_ =	swait.ge [sflag:s22], $0x4000  }
0x166: {  	[sflag:s22] =	ssyncset.done $0x0  }
0x167: {  	[sflag:s22] =	ssyncadd.s32 $0xFFFFC000  }
0x168: {  	_ =	swait.ge [sflag:s23], $0x80  }
0x169: {  	[sflag:s23] =	ssyncset.done $0x0  }
0x16a: {  	s8 =	simm.s32 @!p1 $0x1;
	[sflag:s23] =	ssyncadd.s32 $0xFFFFFF80  }
0x16b: {  	_ =	swait.ge @!p1 [sflag:s8], $0x4000  }
0x16c: {  	s9 =	simm.s32 @!p1 $0x16178;
	[sflag:s8] =	ssyncset.done @!p1 $0x0  }
0x16d: {  	s10 =	simm.s32 @!p1 $0x162F8;
	[sflag:s8] =	ssyncadd.s32 @!p1 $0xFFFFC000;
	s8 =	simm.s32 @!p1 $0x80  }
0x16e: {  	[spmem:s1] =	stream.indirect.scatter.add.f32 @!p1 [tilespmem:s10], [sflag:$0x3], $0x80, s9, s8, $0xb8;
	[tilespmem:$0x1E5F8] =	vst v63  }
0x16f: {  	s10 =	simm.s32 @!p1 $0x1E2F8  }
0x170: {  	[spmem:s3] =	stream.indirect.scatter.add.f32 @!p1 [tilespmem:s10], [sflag:$0x5], $0x1, s9, s8, $0xb8;
	[tilespmem:$0x1E5F8] =	vst v63  }
0x171: {  	s8 =	simm.s32 @!p1 $0x3  }
0x172: {  	_ =	swait.ge @!p1 [sflag:s8], $0x4000  }
0x173: {  	[sflag:s8] =	ssyncset.done @!p1 $0x0  }
0x174: {  	[sflag:s8] =	ssyncadd.s32 @!p1 $0xFFFFC000;
	s8 =	simm.s32 @!p1 $0x5  }
0x175: {  	_ =	swait.ge @!p1 [sflag:s8], $0x80  }
0x176: {  	s9 =	simm.s32 @!p4 $0x161F8;
	[sflag:s8] =	ssyncset.done @!p1 $0x0  }
0x177: {  	s10 =	simm.s32 @!p4 $0x1A2F8;
	[sflag:s8] =	ssyncadd.s32 @!p1 $0xFFFFFF80;
	s8 =	simm.s32 @!p4 $0x80  }
0x178: {  	[tilespmem:s10], [sflag:$0x2] =	stream.indirect.gather @!p4 [hbm4b:s5+s8], $0x80, s9, s8, $0xb8;
	[tilespmem:$0x1E5F8] =	vst v63  }
0x179: {  	s9 =	simm.s32 @!p4 $0x2  }
0x17a: {  	_ =	swait.ge @!p4 [sflag:s9], $0x4000  }
0x17b: {  	[sflag:s9] =	ssyncset.done @!p4 $0x0  }
0x17c: {  	[sflag:s9] =	ssyncadd.s32 @!p4 $0xFFFFC000;
	s9 =	simm.s32 @!p4 $0x16278  }
0x17d: {  	[spmem:s1] =	stream.indirect.scatter.add.f32 @!p4 [tilespmem:s10], [sflag:$0x4], $0x80, s9, s8, $0xb8;
	[tilespmem:$0x1E5F8] =	vst v63  }
0x17e: {  	s10 =	simm.s32 @!p4 $0x1E2F8  }
0x17f: {  	[spmem:s3] =	stream.indirect.scatter.add.f32 @!p4 [tilespmem:s10], [sflag:$0x6], $0x1, s9, s8, $0xb8;
	[tilespmem:$0x1E5F8] =	vst v63  }
0x180: {  	s8 =	simm.s32 @!p4 $0x4  }
0x181: {  	_ =	swait.ge @!p4 [sflag:s8], $0x4000  }
0x182: {  	[sflag:s8] =	ssyncset.done @!p4 $0x0  }
0x183: {  	[sflag:s8] =	ssyncadd.s32 @!p4 $0xFFFFC000;
	s8 =	simm.s32 @!p4 $0x6  }
0x184: {  	_ =	swait.ge @!p4 [sflag:s8], $0x80  }
0x185: {  	[sflag:s8] =	ssyncset.done @!p4 $0x0  }
0x186: {  	[sflag:s8] =	ssyncadd.s32 @!p4 $0xFFFFFF80  }
0x187: {  	[bflag:$0x0] =	sbarrier.arrive $0xFFFF  }
0x188: {  	s8 =	simm.s32 @p3 $0x1FC7;
	s9 =	rddreg [dreg:$0x14]  }
0x189: {  	[hbm:s9], [sflag:s8] =	dma.local @p3 [spmem:s7], $0x2080  }
0x18a: {  	s7 =	simm.s32 @p3 $0x7  }
0x18b: {  	_ =	swait.ge @p3 [sflag:s7], $0x2080  }
0x18c: {  	[sflag:s7] =	ssyncset.done @p3 $0x0  }
0x18d: {  	s8 =	simm.s32 @p3 $0x1E378;
	[sflag:s7] =	ssyncadd.s32 @p3 $0xFFFFDF80  }
0x18e: {  	[tilespmem:s8], [sflag:$0x7] =	stream.linear.gather @p3 [spmem:s11], $0x208, $0x38;
	[tilespmem:$0x1E5F8] =	vst v63  }
0x18f: {  	_ =	swait.ge @p3 [sflag:s7], $0x208  }
0x190: {  	[sflag:s7] =	ssyncset.done @p3 $0x0  }
0x191: {  	s9 =	simm.s32 @p3 $0x0;
	s10 =	rddreg [dreg:$0x15];
	[sflag:s7] =	ssyncadd.s32 @p3 $0xFFFFFDF8  }
0x192: {  	[hbm4b:s10+s9] =	stream.linear.scatter @p3 [tilespmem:s8], [sflag:$0x7], $0x208, $0x38;
	[tilespmem:$0x1E5F8] =	vst v63  }
0x193: {  	_ =	swait.ge @p3 [sflag:s7], $0x208  }
0x194: {  	[sflag:s7] =	ssyncset.done @p3 $0x0  }
0x195: {  	[sflag:s7] =	ssyncadd.s32 @p3 $0xFFFFFDF8;
	s7 =	rddreg [dreg:$0x12]  }
0x196: {  	[hbm:s7], [sflag:s2] =	dma.local @!p3 [spmem:s4], $0x2780  }
0x197: {  	s2 =	simm.s32 @!p3 $0x7  }
0x198: {  	_ =	swait.ge @!p3 [sflag:s2], $0x2780  }
0x199: {  	[sflag:s2] =	ssyncset.done @!p3 $0x0  }
0x19a: {  	s4 =	simm.s32 @!p3 $0x1E378;
	[sflag:s2] =	ssyncadd.s32 @!p3 $0xFFFFD880  }
0x19b: {  	[tilespmem:s4], [sflag:$0x7] =	stream.linear.gather @!p3 [spmem:s11], $0x278, $0x38;
	[tilespmem:$0x1E5F8] =	vst v63  }
0x19c: {  	_ =	swait.ge @!p3 [sflag:s2], $0x278  }
0x19d: {  	s7 =	simm.s32 @!p3 $0x0;
	[sflag:s2] =	ssyncset.done @!p3 $0x0  }
.Ltmp5:
0x19e: {  	s8 =	rddreg [dreg:$0x13];
	[sflag:s2] =	ssyncadd.s32 @!p3 $0xFFFFFD88;
	(pc) =	sbr.rel .LBB2_12-.Ltmp5, $4  }
0x19f: {  	[hbm4b:s8+s7] =	stream.linear.scatter @!p3 [tilespmem:s4], [sflag:$0x7], $0x278, $0x38;
	[tilespmem:$0x1E5F8] =	vst v63  }
0x1a0: {  	_ =	swait.ge @!p3 [sflag:s2], $0x278  }
0x1a1: {  	[sflag:s2] =	ssyncset.done @!p3 $0x0  }
0x1a2: {  	[sflag:s2] =	ssyncadd.s32 @!p3 $0xFFFFFD88  }
.LBB2_7:
0x1a3: {  	s8 =	rddreg [dreg:$0xa]  }
0x1a4: {  	[tilespmem:s26], [sflag:$0x7] =	stream.linear.gather [hbm4b:s8+s31], $0x2800, $0x38;
	[tilespmem:$0x1E5F8] =	vst v63  }
0x1a5: {  	_ =	swait.ge [sflag:s28], $0x2800  }
0x1a6: {  	[sflag:s28] =	ssyncset.done $0x0  }
0x1a7: {  	[sflag:s28] =	ssyncadd.s32 $0xFFFFD800  }
0x1a8: {  	[tilespmem:s30], [sflag:$0x1] =	stream.indirect.gather [hbm4b:s6+s29], $0x80, s26, s29, $0xb8;
	[tilespmem:$0x1E5F8] =	vst v63  }
0x1a9: {  	s10 =	simm.s32 $0x13BF8  }
0x1aa: {  	[tilespmem:s0], [sflag:$0x2] =	stream.indirect.gather [hbm4b:s6+s29], $0x80, s10, s29, $0xb8;
	[tilespmem:$0x1E5F8] =	vst v63  }
0x1ab: {  	_ =	swait.ge [sflag:s14], $0x4000  }
0x1ac: {  	[sflag:s14] =	ssyncset.done $0x0  }
0x1ad: {  	[sflag:s14] =	ssyncadd.s32 $0xFFFFC000  }
0x1ae: {  	[spmem:s1] =	stream.indirect.scatter.add.f32 [tilespmem:s30], [sflag:$0x3], $0x80, s15, s29, $0xb8;
	[tilespmem:$0x1E5F8] =	vst v63  }
0x1af: {  	_ = 	snop  }
0x1b0: {  	[spmem:s3] =	stream.indirect.scatter.add.f32 [tilespmem:s16], [sflag:$0x5], $0x1, s15, s29, $0xb8;
	[tilespmem:$0x1E5F8] =	vst v63  }
0x1b1: {  	_ =	swait.ge [sflag:s17], $0x4000  }
0x1b2: {  	[sflag:s17] =	ssyncset.done $0x0  }
0x1b3: {  	[sflag:s17] =	ssyncadd.s32 $0xFFFFC000  }
0x1b4: {  	_ =	swait.ge [sflag:s19], $0x80  }
0x1b5: {  	[sflag:s19] =	ssyncset.done $0x0  }
0x1b6: {  	s9 =	simm.s32 $0x13CF8;
	[sflag:s19] =	ssyncadd.s32 $0xFFFFFF80  }
0x1b7: {  	[tilespmem:s30], [sflag:$0x1] =	stream.indirect.gather [hbm4b:s6+s29], $0x80, s9, s29, $0xb8;
	[tilespmem:$0x1E5F8] =	vst v63  }
0x1b8: {  	_ =	swait.ge [sflag:s20], $0x4000  }
0x1b9: {  	[sflag:s20] =	ssyncset.done $0x0  }
0x1ba: {  	[sflag:s20] =	ssyncadd.s32 $0xFFFFC000  }
0x1bb: {  	[spmem:s1] =	stream.indirect.scatter.add.f32 [tilespmem:s0], [sflag:$0x4], $0x80, s21, s29, $0xb8;
	[tilespmem:$0x1E5F8] =	vst v63  }
0x1bc: {  	_ = 	snop  }
0x1bd: {  	[spmem:s3] =	stream.indirect.scatter.add.f32 [tilespmem:s16], [sflag:$0x6], $0x1, s21, s29, $0xb8;
	[tilespmem:$0x1E5F8] =	vst v63  }
0x1be: {  	_ =	swait.ge [sflag:s22], $0x4000  }
0x1bf: {  	[sflag:s22] =	ssyncset.done $0x0  }
0x1c0: {  	[sflag:s22] =	ssyncadd.s32 $0xFFFFC000  }
0x1c1: {  	_ =	swait.ge [sflag:s23], $0x80  }
0x1c2: {  	[sflag:s23] =	ssyncset.done $0x0  }
0x1c3: {  	s10 =	simm.s32 $0x13DF8;
	[sflag:s23] =	ssyncadd.s32 $0xFFFFFF80  }
0x1c4: {  	[tilespmem:s0], [sflag:$0x2] =	stream.indirect.gather [hbm4b:s6+s29], $0x80, s10, s29, $0xb8;
	[tilespmem:$0x1E5F8] =	vst v63  }
0x1c5: {  	_ =	swait.ge [sflag:s14], $0x4000  }
0x1c6: {  	[sflag:s14] =	ssyncset.done $0x0  }
0x1c7: {  	s9 =	simm.s32 $0x13D78;
	[sflag:s14] =	ssyncadd.s32 $0xFFFFC000  }
0x1c8: {  	[spmem:s1] =	stream.indirect.scatter.add.f32 [tilespmem:s30], [sflag:$0x3], $0x80, s9, s29, $0xb8;
	[tilespmem:$0x1E5F8] =	vst v63  }
0x1c9: {  	_ = 	snop  }
0x1ca: {  	[spmem:s3] =	stream.indirect.scatter.add.f32 [tilespmem:s16], [sflag:$0x5], $0x1, s9, s29, $0xb8;
	[tilespmem:$0x1E5F8] =	vst v63  }
0x1cb: {  	_ =	swait.ge [sflag:s17], $0x4000  }
0x1cc: {  	[sflag:s17] =	ssyncset.done $0x0  }
0x1cd: {  	[sflag:s17] =	ssyncadd.s32 $0xFFFFC000  }
0x1ce: {  	_ =	swait.ge [sflag:s19], $0x80  }
0x1cf: {  	[sflag:s19] =	ssyncset.done $0x0  }
0x1d0: {  	s10 =	simm.s32 $0x13EF8;
	[sflag:s19] =	ssyncadd.s32 $0xFFFFFF80  }
0x1d1: {  	[tilespmem:s30], [sflag:$0x1] =	stream.indirect.gather [hbm4b:s6+s29], $0x80, s10, s29, $0xb8;
	[tilespmem:$0x1E5F8] =	vst v63  }
0x1d2: {  	_ =	swait.ge [sflag:s20], $0x4000  }
0x1d3: {  	[sflag:s20] =	ssyncset.done $0x0  }
0x1d4: {  	s8 =	simm.s32 $0xFFFF7800;
	s9 =	simm.s32 $0x13E78;
	[sflag:s20] =	ssyncadd.s32 $0xFFFFC000  }
0x1d5: {  	[spmem:s1] =	stream.indirect.scatter.add.f32 [tilespmem:s0], [sflag:$0x4], $0x80, s9, s29, $0xb8;
	[tilespmem:$0x1E5F8] =	vst v63  }
.LBB2_8:
0x1d6: {  	[spmem:s3] =	stream.indirect.scatter.add.f32 [tilespmem:s16], [sflag:$0x6], $0x1, s9, s29, $0xb8;
	[tilespmem:$0x1E5F8] =	vst v63  }
0x1d7: {  	s9 =	smov.u32 s8  }
0x1d8: {  	p5 =	sne.s32 s8, $0xFFFFF800;
	s8 =	sadd.s32 $0x800, s8;
	_ =	swait.ge [sflag:s22], $0x4000  }
0x1d9: {  	[sflag:s22] =	ssyncset.done $0x0  }
0x1da: {  	[sflag:s22] =	ssyncadd.s32 $0xFFFFC000  }
0x1db: {  	_ =	swait.ge [sflag:s23], $0x80  }
0x1dc: {  	s9 =	sshra.s32 s9, $0x2;
	[sflag:s23] =	ssyncset.done $0x0  }
0x1dd: {  	s10 =	sadd.s32 $0x161F8, s9;
	[sflag:s23] =	ssyncadd.s32 $0xFFFFFF80  }
0x1de: {  	[tilespmem:s0], [sflag:$0x2] =	stream.indirect.gather [hbm4b:s6+s29], $0x80, s10, s29, $0xb8;
	[tilespmem:$0x1E5F8] =	vst v63  }
0x1df: {  	_ =	swait.ge [sflag:s14], $0x4000  }
0x1e0: {  	[sflag:s14] =	ssyncset.done $0x0  }
0x1e1: {  	s10 =	sadd.s32 $0x16178, s9;
	[sflag:s14] =	ssyncadd.s32 $0xFFFFC000  }
0x1e2: {  	[spmem:s1] =	stream.indirect.scatter.add.f32 [tilespmem:s30], [sflag:$0x3], $0x80, s10, s29, $0xb8;
	[tilespmem:$0x1E5F8] =	vst v63  }
0x1e3: {  	_ = 	snop  }
0x1e4: {  	[spmem:s3] =	stream.indirect.scatter.add.f32 [tilespmem:s16], [sflag:$0x5], $0x1, s10, s29, $0xb8;
	[tilespmem:$0x1E5F8] =	vst v63  }
0x1e5: {  	_ =	swait.ge [sflag:s17], $0x4000  }
0x1e6: {  	[sflag:s17] =	ssyncset.done $0x0  }
0x1e7: {  	[sflag:s17] =	ssyncadd.s32 $0xFFFFC000  }
0x1e8: {  	_ =	swait.ge [sflag:s19], $0x80  }
0x1e9: {  	[sflag:s19] =	ssyncset.done $0x0  }
0x1ea: {  	s10 =	sadd.s32 $0x162F8, s9;
	[sflag:s19] =	ssyncadd.s32 $0xFFFFFF80  }
0x1eb: {  	[tilespmem:s30], [sflag:$0x1] =	stream.indirect.gather [hbm4b:s6+s29], $0x80, s10, s29, $0xb8;
	[tilespmem:$0x1E5F8] =	vst v63  }
.Ltmp6:
0x1ec: {  	_ = 	snop;
	(pc) =	sbr.rel @p5 .LBB2_8-.Ltmp6, $4  }
0x1ed: {  	_ =	swait.ge [sflag:s20], $0x4000  }
0x1ee: {  	[sflag:s20] =	ssyncset.done $0x0  }
0x1ef: {  	s9 =	sadd.s32 $0x16278, s9;
	[sflag:s20] =	ssyncadd.s32 $0xFFFFC000  }
0x1f0: {  	[spmem:s1] =	stream.indirect.scatter.add.f32 [tilespmem:s0], [sflag:$0x4], $0x80, s9, s29, $0xb8;
	[tilespmem:$0x1E5F8] =	vst v63  }
0x1f1: {  	[spmem:s3] =	stream.indirect.scatter.add.f32 [tilespmem:s16], [sflag:$0x6], $0x1, s9, s29, $0xb8;
	[tilespmem:$0x1E5F8] =	vst v63  }
0x1f2: {  	_ =	swait.ge [sflag:s22], $0x4000  }
0x1f3: {  	[sflag:s22] =	ssyncset.done $0x0  }
0x1f4: {  	[sflag:s22] =	ssyncadd.s32 $0xFFFFC000  }
0x1f5: {  	_ =	swait.ge [sflag:s23], $0x80  }
0x1f6: {  	[sflag:s23] =	ssyncset.done $0x0  }
0x1f7: {  	s8 =	simm.s32 $0x161F8;
	[sflag:s23] =	ssyncadd.s32 $0xFFFFFF80  }
0x1f8: {  	[tilespmem:s0], [sflag:$0x2] =	stream.indirect.gather [hbm4b:s6+s29], $0x80, s8, s29, $0xb8;
	[tilespmem:$0x1E5F8] =	vst v63  }
0x1f9: {  	_ =	swait.ge [sflag:s14], $0x4000  }
0x1fa: {  	[sflag:s14] =	ssyncset.done $0x0  }
0x1fb: {  	[sflag:s14] =	ssyncadd.s32 $0xFFFFC000  }
0x1fc: {  	[spmem:s1] =	stream.indirect.scatter.add.f32 [tilespmem:s30], [sflag:$0x3], $0x80, s24, s29, $0xb8;
	[tilespmem:$0x1E5F8] =	vst v63  }
0x1fd: {  	_ = 	snop  }
0x1fe: {  	[spmem:s3] =	stream.indirect.scatter.add.f32 [tilespmem:s16], [sflag:$0x5], $0x1, s24, s29, $0xb8;
	[tilespmem:$0x1E5F8] =	vst v63  }
0x1ff: {  	_ =	swait.ge [sflag:s17], $0x4000  }
0x200: {  	[sflag:s17] =	ssyncset.done $0x0  }
0x201: {  	[sflag:s17] =	ssyncadd.s32 $0xFFFFC000  }
0x202: {  	_ =	swait.ge [sflag:s19], $0x80  }
0x203: {  	[sflag:s19] =	ssyncset.done $0x0  }
0x204: {  	[sflag:s19] =	ssyncadd.s32 $0xFFFFFF80  }
0x205: {  	_ =	swait.ge [sflag:s20], $0x4000  }
0x206: {  	[sflag:s20] =	ssyncset.done $0x0  }
0x207: {  	[sflag:s20] =	ssyncadd.s32 $0xFFFFC000  }
0x208: {  	[spmem:s1] =	stream.indirect.scatter.add.f32 [tilespmem:s0], [sflag:$0x4], $0x80, s12, s29, $0xb8;
	[tilespmem:$0x1E5F8] =	vst v63  }
0x209: {  	_ = 	snop  }
0x20a: {  	[spmem:s3] =	stream.indirect.scatter.add.f32 [tilespmem:s16], [sflag:$0x6], $0x1, s12, s29, $0xb8;
	[tilespmem:$0x1E5F8] =	vst v63  }
0x20b: {  	_ =	swait.ge [sflag:s22], $0x4000  }
0x20c: {  	[sflag:s22] =	ssyncset.done $0x0  }
0x20d: {  	[sflag:s22] =	ssyncadd.s32 $0xFFFFC000  }
0x20e: {  	_ =	swait.ge [sflag:s23], $0x80  }
0x20f: {  	[sflag:s23] =	ssyncset.done $0x0  }
0x210: {  	s10 =	rddreg [dreg:$0xb];
	[sflag:s23] =	ssyncadd.s32 $0xFFFFFF80  }
0x211: {  	[tilespmem:s26], [sflag:$0x7] =	stream.linear.gather [hbm4b:s10+s31], $0x2700, $0x38;
	[tilespmem:$0x1E5F8] =	vst v63  }
0x212: {  	_ =	swait.ge [sflag:s28], $0x2700  }
0x213: {  	[sflag:s28] =	ssyncset.done $0x0  }
0x214: {  	[sflag:s28] =	ssyncadd.s32 $0xFFFFD900  }
0x215: {  	[tilespmem:s30], [sflag:$0x1] =	stream.indirect.gather [hbm4b:s6+s29], $0x80, s26, s29, $0xb8;
	[tilespmem:$0x1E5F8] =	vst v63  }
0x216: {  	s9 =	simm.s32 $0x13BF8  }
0x217: {  	[tilespmem:s0], [sflag:$0x2] =	stream.indirect.gather [hbm4b:s6+s29], $0x80, s9, s29, $0xb8;
	[tilespmem:$0x1E5F8] =	vst v63  }
0x218: {  	_ =	swait.ge [sflag:s14], $0x4000  }
0x219: {  	[sflag:s14] =	ssyncset.done $0x0  }
0x21a: {  	[sflag:s14] =	ssyncadd.s32 $0xFFFFC000  }
0x21b: {  	[spmem:s1] =	stream.indirect.scatter.add.f32 [tilespmem:s30], [sflag:$0x3], $0x80, s15, s29, $0xb8;
	[tilespmem:$0x1E5F8] =	vst v63  }
0x21c: {  	_ = 	snop  }
0x21d: {  	[spmem:s3] =	stream.indirect.scatter.add.f32 [tilespmem:s16], [sflag:$0x5], $0x1, s15, s29, $0xb8;
	[tilespmem:$0x1E5F8] =	vst v63  }
0x21e: {  	_ =	swait.ge [sflag:s17], $0x4000  }
0x21f: {  	[sflag:s17] =	ssyncset.done $0x0  }
0x220: {  	[sflag:s17] =	ssyncadd.s32 $0xFFFFC000  }
0x221: {  	_ =	swait.ge [sflag:s19], $0x80  }
0x222: {  	s8 =	simm.s32 @!p2 $0x80;
	[sflag:s19] =	ssyncset.done $0x0  }
0x223: {  	s10 =	simm.s32 @!p2 $0x162F8;
	s9 =	simm.s32 @!p2 $0x13CF8;
	[sflag:s19] =	ssyncadd.s32 $0xFFFFFF80  }
0x224: {  	[tilespmem:s10], [sflag:$0x1] =	stream.indirect.gather @!p2 [hbm4b:s6+s8], $0x80, s9, s8, $0xb8;
	[tilespmem:$0x1E5F8] =	vst v63  }
0x225: {  	_ =	swait.ge [sflag:s20], $0x4000  }
0x226: {  	[sflag:s20] =	ssyncset.done $0x0  }
0x227: {  	[sflag:s20] =	ssyncadd.s32 $0xFFFFC000  }
0x228: {  	[spmem:s1] =	stream.indirect.scatter.add.f32 [tilespmem:s0], [sflag:$0x4], $0x80, s21, s29, $0xb8;
	[tilespmem:$0x1E5F8] =	vst v63  }
0x229: {  	_ = 	snop  }
0x22a: {  	[spmem:s3] =	stream.indirect.scatter.add.f32 [tilespmem:s16], [sflag:$0x6], $0x1, s21, s29, $0xb8;
	[tilespmem:$0x1E5F8] =	vst v63  }
0x22b: {  	_ =	swait.ge [sflag:s22], $0x4000  }
0x22c: {  	[sflag:s22] =	ssyncset.done $0x0  }
0x22d: {  	[sflag:s22] =	ssyncadd.s32 $0xFFFFC000  }
0x22e: {  	_ =	swait.ge [sflag:s23], $0x80  }
0x22f: {  	[sflag:s23] =	ssyncset.done $0x0  }
0x230: {  	s10 =	simm.s32 $0x13DF8;
	[sflag:s23] =	ssyncadd.s32 $0xFFFFFF80  }
0x231: {  	[tilespmem:s0], [sflag:$0x2] =	stream.indirect.gather [hbm4b:s6+s29], $0x80, s10, s29, $0xb8;
	[tilespmem:$0x1E5F8] =	vst v63  }
0x232: {  	_ =	swait.ge [sflag:s14], $0x4000  }
0x233: {  	[sflag:s14] =	ssyncset.done $0x0  }
0x234: {  	s31 =	simm.s32 $0x13D78;
	[sflag:s14] =	ssyncadd.s32 $0xFFFFC000  }
0x235: {  	[spmem:s1] =	stream.indirect.scatter.add.f32 [tilespmem:s30], [sflag:$0x3], $0x80, s31, s29, $0xb8;
	[tilespmem:$0x1E5F8] =	vst v63  }
0x236: {  	_ = 	snop  }
0x237: {  	[spmem:s3] =	stream.indirect.scatter.add.f32 [tilespmem:s16], [sflag:$0x5], $0x1, s31, s29, $0xb8;
	[tilespmem:$0x1E5F8] =	vst v63  }
0x238: {  	_ =	swait.ge [sflag:s17], $0x4000  }
0x239: {  	[sflag:s17] =	ssyncset.done $0x0  }
0x23a: {  	[sflag:s17] =	ssyncadd.s32 $0xFFFFC000  }
0x23b: {  	_ =	swait.ge [sflag:s19], $0x80  }
0x23c: {  	p5 =	sle.s32 s13, $0x4;
	s8 =	simm.s32 $0x13EF8;
	[sflag:s19] =	ssyncset.done $0x0  }
0x23d: {  	s9 =	simm.s32 @!p5 $0x80;
	s10 =	simm.s32 @!p5 $0x162F8;
	[sflag:s19] =	ssyncadd.s32 $0xFFFFFF80  }
0x23e: {  	[tilespmem:s10], [sflag:$0x1] =	stream.indirect.gather @!p5 [hbm4b:s6+s9], $0x80, s8, s9, $0xb8;
	[tilespmem:$0x1E5F8] =	vst v63  }
0x23f: {  	_ =	swait.ge [sflag:s20], $0x4000  }
0x240: {  	s10 =	simm.s32 $0x13E78;
	[sflag:s20] =	ssyncset.done $0x0  }
0x241: {  	s8 =	simm.s32 $0x6;
	s9 =	simm.s32 $0x140F8;
	[sflag:s20] =	ssyncadd.s32 $0xFFFFC000  }
0x242: {  	[spmem:s1] =	stream.indirect.scatter.add.f32 [tilespmem:s0], [sflag:$0x4], $0x80, s10, s29, $0xb8;
	[tilespmem:$0x1E5F8] =	vst v63  }
.LBB2_10:
0x243: {  	[spmem:s3] =	stream.indirect.scatter.add.f32 [tilespmem:s16], [sflag:$0x6], $0x1, s10, s29, $0xb8;
	[tilespmem:$0x1E5F8] =	vst v63  }
0x244: {  	s10 =	smov.u32 s8;
	s8 =	sadd.s32 $0x2, s8;
	_ =	swait.ge [sflag:s22], $0x4000  }
0x245: {  	p5 =	sne.s32 s8, $0x28;
	[sflag:s22] =	ssyncset.done $0x0  }
0x246: {  	[sflag:s22] =	ssyncadd.s32 $0xFFFFC000  }
0x247: {  	_ =	swait.ge [sflag:s23], $0x80  }
0x248: {  	[sflag:s23] =	ssyncset.done $0x0  }
0x249: {  	s31 =	sadd.s32 $0xFFFFFF00, s9;
	[sflag:s23] =	ssyncadd.s32 $0xFFFFFF80  }
0x24a: {  	[tilespmem:s0], [sflag:$0x2] =	stream.indirect.gather [hbm4b:s6+s29], $0x80, s31, s29, $0xb8;
	[tilespmem:$0x1E5F8] =	vst v63  }
0x24b: {  	_ =	swait.ge [sflag:s14], $0x4000  }
0x24c: {  	[sflag:s14] =	ssyncset.done $0x0  }
0x24d: {  	s31 =	sadd.s32 $0xFFFFFE80, s9;
	[sflag:s14] =	ssyncadd.s32 $0xFFFFC000  }
0x24e: {  	[spmem:s1] =	stream.indirect.scatter.add.f32 [tilespmem:s30], [sflag:$0x3], $0x80, s31, s29, $0xb8;
	[tilespmem:$0x1E5F8] =	vst v63  }
0x24f: {  	_ = 	snop  }
0x250: {  	[spmem:s3] =	stream.indirect.scatter.add.f32 [tilespmem:s16], [sflag:$0x5], $0x1, s31, s29, $0xb8;
	[tilespmem:$0x1E5F8] =	vst v63  }
0x251: {  	_ =	swait.ge [sflag:s17], $0x4000  }
0x252: {  	[sflag:s17] =	ssyncset.done $0x0  }
0x253: {  	[sflag:s17] =	ssyncadd.s32 $0xFFFFC000  }
0x254: {  	_ =	swait.ge [sflag:s19], $0x80  }
0x255: {  	p6 =	sge.s32 s10, s13;
	[sflag:s19] =	ssyncset.done $0x0  }
0x256: {  	s10 =	simm.s32 @!p6 $0x80;
	s31 =	simm.s32 @!p6 $0x162F8;
	[sflag:s19] =	ssyncadd.s32 $0xFFFFFF80  }
0x257: {  	[tilespmem:s31], [sflag:$0x1] =	stream.indirect.gather @!p6 [hbm4b:s6+s10], $0x80, s9, s10, $0xb8;
	[tilespmem:$0x1E5F8] =	vst v63  }
.Ltmp7:
0x258: {  	_ =	swait.ge [sflag:s20], $0x4000;
	(pc) =	sbr.rel @p5 .LBB2_10-.Ltmp7, $4  }
0x259: {  	[sflag:s20] =	ssyncset.done $0x0  }
0x25a: {  	s10 =	sadd.s32 $0xFFFFFF80, s9;
	[sflag:s20] =	ssyncadd.s32 $0xFFFFC000  }
0x25b: {  	[spmem:s1] =	stream.indirect.scatter.add.f32 [tilespmem:s0], [sflag:$0x4], $0x80, s10, s29, $0xb8;
	[tilespmem:$0x1E5F8] =	vst v63  }
0x25c: {  	s9 =	sadd.s32 $0x200, s9  }
.Ltmp8:
0x25d: {  	_ = 	snop;
	(pc) =	sbr.rel .LBB2_11-.Ltmp8, $1  }
0x25e: {  	_ =	sdelay $0x3  }
.LBB2_13:
0x25f: {  	_ =	sfence.sel $0x180000  }
0x260: {  	[bflag:$0x0] =	sbarrier.arrive $0xFFFF  }
0x261: {  	_ =	strace $0x90000047  }
0x262: {  	s0 =	stileid.u32;
	[bflag:$0x2] =	sbarrier.arrive $0xFFFF  }
0x263: {  	p0 =	sne.s32 s0, $0x0;
	s0 =	rddreg [dreg:$0x5]  }
0x264: {  	s0 =	sadd.s32 @!p0 $0x100000, s0  }
0x265: {  	[sflag:s0] =	ssyncadd.tile.s32 @!p0 $0x1;
	_ =	shalt  }
.Lfunc_end2:
_tile_overlayer_lowered:
.L_overlay_start_2:
0x266: {  	(tag) =	ssettag $0x2  }
0x267: {  	s0 =	rddreg [dreg:$0x0];
	s2 =	stileid.u32  }
0x268: {  	s1 =	rddreg [dreg:$0x1];
	p0 =	sne.s32 s2, $0x0  }
0x269: {  	s3 =	rddreg [dreg:$0x2];
	[bflag:$0x3] =	sbarrier.arrive $0xFFFF;
	s2 =	simm.s32 @!p0 $0x1C07  }
0x26a: {  	[timem:s3], [sflag:s2] =	dma.local @!p0 [hbm:s0], s1  }
0x26b: {  	s0 =	simm.s32 @!p0 $0x7  }
0x26c: {  	_ =	swait.ge @!p0 [sflag:s0], s1  }
0x26d: {  	s1 =	ssub.s32 @!p0 $0x0, s1;
	[sflag:s0] =	ssyncset.done @!p0 $0x0  }
0x26e: {  	[sflag:s0] =	ssyncadd.s32 @!p0 s1  }
0x26f: {  	[bflag:$0x3] =	sbarrier.arrive $0xFFFF  }
0x270: {  	_ =	shalt  }

</sc_bundles>
